<compile_context>
chip_gen: v7x
topology: tpu7x:2x2x1
jax: 0.10.2.dev20260603
libtpu: 0.0.44.dev20260713+nightly
codegen_flags: <defaults>
</compile_context>

<pallas_src>
import functools

import jax
import jax.numpy as jnp
from jax import lax
from jax.experimental import pallas as pl
from jax.experimental.pallas import tpu as pltpu
from jax.experimental.pallas import tpu_sc as plsc

N = 10000
E = 320000
D = 128

NC = 2
NS = 16
NW = NC * NS
EPW = E // NW
CHUNK = 80
NCHUNK = EPW // CHUNK
TROWS = 624
ZROWS = 16
BN = 1000


def _mesh():
    return plsc.VectorSubcoreMesh(core_axis_name="c", subcore_axis_name="s")


@functools.partial(
    pl.kernel,
    mesh=_mesh(),
    out_type=jax.ShapeDtypeStruct((NW, N), jnp.float32),
    compiler_params=pltpu.CompilerParams(needs_layout_passes=False),
    scratch_types=[
        pltpu.VMEM((EPW,), jnp.int32),
        pltpu.VMEM((EPW,), jnp.float32),
        pltpu.VMEM((N,), jnp.float32),
    ],
)
def _deg_kernel(dst_hbm, ew_hbm, deg_out, dstv, eww, degv):
    cid = lax.axis_index("c")
    sid = lax.axis_index("s")
    wid = cid * NS + sid
    base = wid * EPW

    z16 = jnp.zeros((16,), jnp.float32)

    def zero_body(i, carry):
        degv[pl.ds(i * 16, 16)] = z16
        return carry

    lax.fori_loop(0, N // 16, zero_body, 0)

    pltpu.sync_copy(dst_hbm.at[pl.ds(base, EPW)], dstv)
    pltpu.sync_copy(ew_hbm.at[pl.ds(base, EPW)], eww)

    def grp_body(g, carry):
        d16 = dstv[pl.ds(g * 16, 16)]
        w16 = eww[pl.ds(g * 16, 16)]
        plsc.addupdate_scatter(degv, [d16], w16)
        return carry

    lax.fori_loop(0, EPW // 16, grp_body, 0)

    pltpu.sync_copy(degv, deg_out.at[wid])


@functools.partial(
    pl.kernel,
    mesh=_mesh(),
    out_type=jax.ShapeDtypeStruct((NC, N, D), jnp.float32),
    compiler_params=pltpu.CompilerParams(needs_layout_passes=False),
    scratch_types=[
        pltpu.VMEM((EPW,), jnp.int32),
        pltpu.VMEM((3 * CHUNK, D), jnp.float32),
        pltpu.VMEM((3, CHUNK), jnp.int32),
        pltpu.VMEM((3 * CHUNK,), jnp.float32),
        pltpu.VMEM_SHARED((N, D), jnp.float32),
        pltpu.SemaphoreType.DMA,
        pltpu.SemaphoreType.DMA,
        pltpu.SemaphoreType.DMA,
        pltpu.SemaphoreType.DMA,
        pltpu.SemaphoreType.DMA,
        pltpu.SemaphoreType.DMA,
        pltpu.SemaphoreType.DMA,
        pltpu.SemaphoreType.DMA,
        pltpu.SemaphoreType.DMA,
        pltpu.SemaphoreType.DMA,
    ],
)
def _agg_kernel(h_hbm, src_hbm, dst_hbm, ew_hbm, zeros_hbm, agg_out,
                srcv, rowsv, dstv, eww, agg_s,
                g0, g1, g2, s0, s1, s2, e0, e1, e2, zsem):
    cid = lax.axis_index("c")
    sid = lax.axis_index("s")
    wid = cid * NS + sid
    base = wid * EPW
    gsem = (g0, g1, g2)
    ssem = (s0, s1, s2)
    esem = (e0, e1, e2)

    pltpu.async_copy(zeros_hbm.at[pl.ds(sid * TROWS, TROWS)],
                     agg_s.at[pl.ds(sid * TROWS, TROWS)], zsem)

    @pl.when(sid == NS - 1)
    def _():
        pltpu.async_copy(zeros_hbm.at[pl.ds(NS * TROWS, ZROWS)],
                         agg_s.at[pl.ds(NS * TROWS, ZROWS)], zsem)

    pltpu.sync_copy(src_hbm.at[pl.ds(base, EPW)], srcv)

    def _rows(b):
        return rowsv.at[pl.ds(b * CHUNK, CHUNK)]

    def _gather_start(c, b):
        pltpu.async_copy(h_hbm.at[srcv.at[pl.ds(c * CHUNK, CHUNK)]],
                         _rows(b), gsem[b])

    def _gather_wait(c, b):
        pltpu.make_async_copy(h_hbm.at[srcv.at[pl.ds(c * CHUNK, CHUNK)]],
                              _rows(b), gsem[b]).wait()

    def _dstew_start(c, b):
        pltpu.async_copy(dst_hbm.at[pl.ds(base + c * CHUNK, CHUNK)],
                         dstv.at[b], esem[b])
        pltpu.async_copy(ew_hbm.at[pl.ds(base + c * CHUNK, CHUNK)],
                         eww.at[pl.ds(b * CHUNK, CHUNK)], esem[b])

    def _dstew_wait(c, b):
        pltpu.make_async_copy(dst_hbm.at[pl.ds(base + c * CHUNK, CHUNK)],
                              dstv.at[b], esem[b]).wait()
        pltpu.make_async_copy(ew_hbm.at[pl.ds(base + c * CHUNK, CHUNK)],
                              eww.at[pl.ds(b * CHUNK, CHUNK)], esem[b]).wait()

    def _scatter_start(c, b):
        pltpu.async_copy(_rows(b), agg_s.at[dstv.at[b]], ssem[b], add=True)

    def _scatter_wait(c, b):
        pltpu.make_async_copy(_rows(b), agg_s.at[dstv.at[b]], ssem[b]).wait()

    _gather_start(0, 0)
    _dstew_start(0, 0)
    _gather_start(1, 1)
    _dstew_start(1, 1)

    pltpu.make_async_copy(zeros_hbm.at[pl.ds(sid * TROWS, TROWS)],
                          agg_s.at[pl.ds(sid * TROWS, TROWS)], zsem).wait()

    @pl.when(sid == NS - 1)
    def _():
        pltpu.make_async_copy(zeros_hbm.at[pl.ds(NS * TROWS, ZROWS)],
                              agg_s.at[pl.ds(NS * TROWS, ZROWS)], zsem).wait()

    plsc.subcore_barrier()

    def chunk_body(c, carry):
        par = lax.rem(c, 3)
        for b in range(3):
            @pl.when(par == b)
            def _():
                _gather_wait(c, b)
                _dstew_wait(c, b)

        rbase = par * CHUNK

        def grp_body(g, carry2):
            ew16 = eww[pl.ds(rbase + g * 16, 16)]
            for r in range(16):
                w = ew16.at[jnp.full((16,), r, jnp.int32)].get(
                    mode="promise_in_bounds")
                row = rbase + g * 16 + r
                for j in range(D // 16):
                    sl = pl.ds(j * 16, 16)
                    rowsv[row, sl] = rowsv[row, sl] * w
            return carry2

        lax.fori_loop(0, CHUNK // 16, grp_body, 0)

        for b in range(3):
            @pl.when(par == b)
            def _():
                _scatter_start(c, b)
                nb = (b + 2) % 3

                @pl.when(c + 2 < NCHUNK)
                def _():
                    @pl.when(c >= 1)
                    def _():
                        _scatter_wait(c - 1, nb)

                    _gather_start(c + 2, nb)
                    _dstew_start(c + 2, nb)
        return carry

    lax.fori_loop(0, NCHUNK, chunk_body, 0)

    for k in range(3):
        c = NCHUNK - 3 + k
        _scatter_wait(c, c % 3)

    plsc.subcore_barrier()

    pltpu.sync_copy(agg_s.at[pl.ds(sid * TROWS, TROWS)],
                    agg_out.at[cid, pl.ds(sid * TROWS, TROWS)])

    @pl.when(sid == NS - 1)
    def _():
        pltpu.sync_copy(agg_s.at[pl.ds(NS * TROWS, ZROWS)],
                        agg_out.at[cid, pl.ds(NS * TROWS, ZROWS)])


def _dis_from_partials(pt_blk):
    deg = 1.0 + jnp.sum(pt_blk, axis=1, keepdims=True)
    return lax.rsqrt(deg)


def _hprime_body(x_ref, w_ref, pt_ref, o_ref):
    dis = _dis_from_partials(pt_ref[...])
    h = jnp.dot(x_ref[...], w_ref[...], preferred_element_type=jnp.float32)
    o_ref[...] = h * dis


def _mid_body(agg_ref, hp_ref, pt_ref, b_ref, w_ref, o_ref):
    dis = _dis_from_partials(pt_ref[...])
    tot = agg_ref[0] + agg_ref[1] + hp_ref[...]
    h1 = jnp.maximum(tot * dis + b_ref[...], 0.0)
    o_ref[...] = jnp.dot(h1, w_ref[...], preferred_element_type=jnp.float32) * dis


def _final_body(agg_ref, hp_ref, pt_ref, b_ref, o_ref):
    dis = _dis_from_partials(pt_ref[...])
    tot = agg_ref[0] + agg_ref[1] + hp_ref[...]
    o_ref[...] = tot * dis + b_ref[...]


_row_spec = pl.BlockSpec((BN, D), lambda i: (i, 0))
_pt_spec = pl.BlockSpec((BN, NW), lambda i: (i, 0))
_w_spec = pl.BlockSpec((D, D), lambda i: (0, 0))
_b_spec = pl.BlockSpec((1, D), lambda i: (0, 0))
_agg_spec = pl.BlockSpec((NC, BN, D), lambda i: (0, i, 0))
_out_struct = jax.ShapeDtypeStruct((N, D), jnp.float32)
_GRID = (N // BN,)

_hprime_call = pl.pallas_call(
    _hprime_body, grid=_GRID,
    in_specs=[_row_spec, _w_spec, _pt_spec],
    out_specs=_row_spec, out_shape=_out_struct)

_mid_call = pl.pallas_call(
    _mid_body, grid=_GRID,
    in_specs=[_agg_spec, _row_spec, _pt_spec, _b_spec, _w_spec],
    out_specs=_row_spec, out_shape=_out_struct)

_final_call = pl.pallas_call(
    _final_body, grid=_GRID,
    in_specs=[_agg_spec, _row_spec, _pt_spec, _b_spec],
    out_specs=_row_spec, out_shape=_out_struct)


def kernel(x, edge_index, edge_weight, W1, b1, W2, b2):
    src = edge_index[0]
    dst = edge_index[1]
    b1r = b1.reshape(1, D)
    b2r = b2.reshape(1, D)

    zeros = jnp.zeros((N, D), jnp.float32)

    deg_partials = _deg_kernel(dst, edge_weight)
    pt = deg_partials.T

    h1p = _hprime_call(x, W1, pt)
    agg1 = _agg_kernel(h1p, src, dst, edge_weight, zeros)
    h2p = _mid_call(agg1, h1p, pt, b1r, W2)
    agg2 = _agg_kernel(h2p, src, dst, edge_weight, zeros)
    return _final_call(agg2, h2p, pt, b2r)

# --- scband reference (transcript-rebuilt; emitter-appended) ---
"""Pipeline reference for scband-gnn-34883724378711 (READ-ONLY COPY).

The authoritative reference and input builder live on the scoring server;
editing this copy changes nothing except your own understanding.
"""

import jax, jax.numpy as jnp
import numpy as np

N = 10000
E = 320000
D_IN = 128
D_HID = 128
D_OUT = 128


def setup_inputs(seed: int = 0) -> dict:
    key = jax.random.key(seed)
    k1, k2, k3, k4, k5, k6, k7 = jax.random.split(key, 7)
    x = jax.random.normal(k1, (N, D_IN), dtype=jnp.float32)
    edge_index = jax.random.randint(k2, (2, E), 0, N, dtype=jnp.int32)
    edge_weight = jax.random.uniform(k3, (E,), dtype=jnp.float32)
    # learned parameters (glorot-like init)
    W1 = jax.random.normal(k4, (D_IN, D_HID), dtype=jnp.float32) * (1.0 / np.sqrt(D_IN))
    b1 = jnp.zeros((D_HID,), dtype=jnp.float32)
    W2 = jax.random.normal(k5, (D_HID, D_OUT), dtype=jnp.float32) * (1.0 / np.sqrt(D_HID))
    b2 = jnp.zeros((D_OUT,), dtype=jnp.float32)
    return {"x": x, "edge_index": edge_index, "edge_weight": edge_weight,
            "W1": W1, "b1": b1, "W2": W2, "b2": b2}


def _gcn_conv(x, edge_index, edge_weight, W, b):
    # Faithful PyG GCNConv: add self-loops (weight 1.0), symmetric normalization,
    # linear transform, scatter-add aggregation at target nodes, then bias.
    n = x.shape[0]
    src = edge_index[0]
    dst = edge_index[1]
    loop = jnp.arange(n, dtype=src.dtype)
    src_f = jnp.concatenate([src, loop])
    dst_f = jnp.concatenate([dst, loop])
    ew_f = jnp.concatenate([edge_weight, jnp.ones((n,), dtype=edge_weight.dtype)])
    deg = jnp.zeros((n,), dtype=edge_weight.dtype).at[dst_f].add(ew_f)
    deg_inv_sqrt = jnp.where(deg > 0, jax.lax.rsqrt(deg), 0.0)
    norm = deg_inv_sqrt[src_f] * ew_f * deg_inv_sqrt[dst_f]
    h = x @ W
    msg = h[src_f] * norm[:, None]
    out = jnp.zeros((n, W.shape[1]), dtype=h.dtype).at[dst_f].add(msg)
    return out + b


def reference(x, edge_index, edge_weight, W1, b1, W2, b2):
    h = _gcn_conv(x, edge_index, edge_weight, W1, b1)
    h = jax.nn.relu(h)
    # dropout is identity in eval mode
    out = _gcn_conv(h, edge_index, edge_weight, W2, b2)
    return out

if __name__ == "__main__":
    import jax
    _d = setup_inputs()
    print(jax.jit(kernel)(*tuple(_d.values())))

</pallas_src>

<mosaic_0001>
#map = affine_map<(d0, d1) -> (0, 0)>
#map1 = affine_map<(d0, d1) -> (0)>
#map2 = affine_map<(d0, d1) -> (0, 0, 0)>
module attributes {stable_mosaic.version = 14 : i64} {
  func.func @_agg_kernel(%arg0: i32, %arg1: i32, %arg2: memref<10000x128xf32, #tpu.memory_space<hbm>>, %arg3: memref<320000xi32, #tpu.memory_space<hbm>>, %arg4: memref<320000xi32, #tpu.memory_space<hbm>>, %arg5: memref<320000xf32, #tpu.memory_space<hbm>>, %arg6: memref<10000x128xf32, #tpu.memory_space<hbm>>, %arg7: memref<2x10000x128xf32, #tpu.memory_space<hbm>>, %arg8: memref<10000xi32, #tpu.memory_space<vmem>>, %arg9: memref<240x128xf32, #tpu.memory_space<vmem>>, %arg10: memref<3x80xi32, #tpu.memory_space<vmem>>, %arg11: memref<240xf32, #tpu.memory_space<vmem>>, %arg12: memref<10000x128xf32, #tpu.memory_space<vmem_shared>>, %arg13: memref<!tpu.dma_semaphore, #tpu.memory_space<semaphore_mem>>, %arg14: memref<!tpu.dma_semaphore, #tpu.memory_space<semaphore_mem>>, %arg15: memref<!tpu.dma_semaphore, #tpu.memory_space<semaphore_mem>>, %arg16: memref<!tpu.dma_semaphore, #tpu.memory_space<semaphore_mem>>, %arg17: memref<!tpu.dma_semaphore, #tpu.memory_space<semaphore_mem>>, %arg18: memref<!tpu.dma_semaphore, #tpu.memory_space<semaphore_mem>>, %arg19: memref<!tpu.dma_semaphore, #tpu.memory_space<semaphore_mem>>, %arg20: memref<!tpu.dma_semaphore, #tpu.memory_space<semaphore_mem>>, %arg21: memref<!tpu.dma_semaphore, #tpu.memory_space<semaphore_mem>>, %arg22: memref<!tpu.dma_semaphore, #tpu.memory_space<semaphore_mem>>) attributes {dimension_semantics = [#tpu.dimension_semantics<core_parallel>, #tpu.dimension_semantics<subcore_parallel>], iteration_bounds = array<i64: 2, 16>, scalar_prefetch = 0 : i64, scratch_operands = 15 : i64, tpu.core_type = #tpu.core_type<sc_vector_subcore>, window_params = [{transform_indices = #map}, {transform_indices = #map1}, {transform_indices = #map1}, {transform_indices = #map1}, {transform_indices = #map}, {transform_indices = #map2}]} {
    %mul3A = arith.constant 16 : i32
    %mul3A_0 = arith.muli %arg0, %mul3A : i32
    %add3A = arith.addi %mul3A_0, %arg1 : i32
    %mul3A_1 = arith.constant 10000 : i32
    %mul3A_2 = arith.muli %add3A, %mul3A_1 : i32
    %mul3A_3 = arith.constant 624 : i32
    %mul3A_4 = arith.muli %arg1, %mul3A_3 : i32
    %mul3A_5 = arith.constant 624 : i32
    %mul3A_6 = arith.muli %arg1, %mul3A_5 : i32
    %dma_start3A = arith.constant 0 : i32
    %dma_start3A_7 = tpu.memref_slice %arg12[%mul3A_6, %dma_start3A] : memref<10000x128xf32, #tpu.memory_space<vmem_shared>> -> memref<624x128xf32, #tpu.memory_space<vmem_shared>>
    %dma_start3A_8 = arith.constant 0 : i32
    %dma_start3A_9 = tpu.memref_slice %arg6[%mul3A_4, %dma_start3A_8] : memref<10000x128xf32, #tpu.memory_space<hbm>> -> memref<624x128xf32, #tpu.memory_space<hbm>>
    tpu.enqueue_dma source(%dma_start3A_9 : memref<624x128xf32, #tpu.memory_space<hbm>>) target(%dma_start3A_7 : memref<624x128xf32, #tpu.memory_space<vmem_shared>>) target_semaphore(%arg22 : memref<!tpu.dma_semaphore, #tpu.memory_space<semaphore_mem>>)
    %eq3A = arith.constant 15 : i32
    %eq3A_10 = arith.cmpi eq, %arg1, %eq3A : i32
    %convert_element_type3A = arith.extui %eq3A_10 : i1 to i32
    %cond3A = arith.constant 0 : i32
    %cond3A_11 = arith.cmpi ne, %convert_element_type3A, %cond3A : i32
    scf.if %cond3A_11 {
      %dma_start3A_123 = arith.constant 9984 : i32
      %dma_start3A_124 = arith.constant 0 : i32
      %dma_start3A_125 = tpu.memref_slice %arg12[%dma_start3A_123, %dma_start3A_124] : memref<10000x128xf32, #tpu.memory_space<vmem_shared>> -> memref<16x128xf32, #tpu.memory_space<vmem_shared>>
      %dma_start3A_126 = arith.constant 9984 : i32
      %dma_start3A_127 = arith.constant 0 : i32
      %dma_start3A_128 = tpu.memref_slice %arg6[%dma_start3A_126, %dma_start3A_127] : memref<10000x128xf32, #tpu.memory_space<hbm>> -> memref<16x128xf32, #tpu.memory_space<hbm>>
      tpu.enqueue_dma source(%dma_start3A_128 : memref<16x128xf32, #tpu.memory_space<hbm>>) target(%dma_start3A_125 : memref<16x128xf32, #tpu.memory_space<vmem_shared>>) target_semaphore(%arg22 : memref<!tpu.dma_semaphore, #tpu.memory_space<semaphore_mem>>)
    } else {
    }
    "tpu.region"() ({
      %run_scoped3A = tpu.sem_alloc : memref<!tpu.dma_semaphore, #tpu.memory_space<semaphore_mem>>
      %dma_start3A_123 = tpu.memref_slice %arg3[%mul3A_2] : memref<320000xi32, #tpu.memory_space<hbm>> -> memref<10000xi32, #tpu.memory_space<hbm>>
      %dma_start3A_124 = tpu.memref_slice %arg3[%mul3A_2] : memref<320000xi32, #tpu.memory_space<hbm>> -> memref<10000xi32, #tpu.memory_space<hbm>>
      tpu.enqueue_dma source(%dma_start3A_124 : memref<10000xi32, #tpu.memory_space<hbm>>) target(%arg8 : memref<10000xi32, #tpu.memory_space<vmem>>) target_semaphore(%run_scoped3A : memref<!tpu.dma_semaphore, #tpu.memory_space<semaphore_mem>>)
      %dma_wait3A_125 = tpu.memref_slice %arg3[%mul3A_2] : memref<320000xi32, #tpu.memory_space<hbm>> -> memref<10000xi32, #tpu.memory_space<hbm>>
      %dma_wait3A_126 = tpu.memref_slice %arg3[%mul3A_2] : memref<320000xi32, #tpu.memory_space<hbm>> -> memref<10000xi32, #tpu.memory_space<hbm>>
      tpu.wait_dma2 semaphore(%run_scoped3A : memref<!tpu.dma_semaphore, #tpu.memory_space<semaphore_mem>>) src(%dma_wait3A_126 : memref<10000xi32, #tpu.memory_space<hbm>>) dst(%arg8 : memref<10000xi32, #tpu.memory_space<vmem>>)
      tpu.yield
    }) : () -> ()
    %dma_start3A_12 = arith.constant 0 : i32
    %dma_start3A_13 = arith.constant 0 : i32
    %dma_start3A_14 = tpu.memref_slice %arg9[%dma_start3A_12, %dma_start3A_13] : memref<240x128xf32, #tpu.memory_space<vmem>> -> memref<80x128xf32, #tpu.memory_space<vmem>>
    %dma_start3A_15 = arith.constant 0 : i32
    %dma_start3A_16 = tpu.memref_slice %arg8[%dma_start3A_15] : memref<10000xi32, #tpu.memory_space<vmem>> -> memref<80xi32, #tpu.memory_space<vmem>>
    %dma_start3A_17 = arith.constant 0 : i32
    %dma_start3A_18 = arith.constant 0 : i32
    %dma_start3A_19 = tpu.memref_slice %arg2[%dma_start3A_17, %dma_start3A_18] : memref<10000x128xf32, #tpu.memory_space<hbm>> -> memref<10000x128xf32, #tpu.memory_space<hbm>>
    tpu.enqueue_indirect_dma source(%dma_start3A_19 : memref<10000x128xf32, #tpu.memory_space<hbm>>) target(%dma_start3A_14 : memref<80x128xf32, #tpu.memory_space<vmem>>) offsets(%dma_start3A_16 : memref<80xi32, #tpu.memory_space<vmem>>) semaphore(%arg13 : memref<!tpu.dma_semaphore, #tpu.memory_space<semaphore_mem>>)
    %add3A_20 = arith.constant 0 : i32
    %add3A_21 = arith.addi %mul3A_2, %add3A_20 : i32
    %dma_start3A_22 = arith.constant 0 : i32
    %dma_start3A_23 = arith.constant 0 : i32
    %dma_start3A_24 = tpu.memref_slice %arg10[%dma_start3A_22, %dma_start3A_23] : memref<3x80xi32, #tpu.memory_space<vmem>> -> memref<1x80xi32, #tpu.memory_space<vmem>>
    %dma_start3A_25 = tpu.memref_squeeze %dma_start3A_24 : memref<1x80xi32, #tpu.memory_space<vmem>> -> memref<80xi32, #tpu.memory_space<vmem>>
    %dma_start3A_26 = tpu.memref_slice %arg4[%add3A_21] : memref<320000xi32, #tpu.memory_space<hbm>> -> memref<80xi32, #tpu.memory_space<hbm>>
    %dma_start3A_27 = arith.constant 0 : i32
    %dma_start3A_28 = tpu.memref_slice %arg10[%dma_start3A_22, %dma_start3A_27] : memref<3x80xi32, #tpu.memory_space<vmem>> -> memref<1x80xi32, #tpu.memory_space<vmem>>
    %dma_start3A_29 = tpu.memref_squeeze %dma_start3A_28 : memref<1x80xi32, #tpu.memory_space<vmem>> -> memref<80xi32, #tpu.memory_space<vmem>>
    %dma_start3A_30 = tpu.memref_slice %arg4[%add3A_21] : memref<320000xi32, #tpu.memory_space<hbm>> -> memref<80xi32, #tpu.memory_space<hbm>>
    tpu.enqueue_dma source(%dma_start3A_30 : memref<80xi32, #tpu.memory_space<hbm>>) target(%dma_start3A_29 : memref<80xi32, #tpu.memory_space<vmem>>) target_semaphore(%arg19 : memref<!tpu.dma_semaphore, #tpu.memory_space<semaphore_mem>>)
    %add3A_31 = arith.constant 0 : i32
    %add3A_32 = arith.addi %mul3A_2, %add3A_31 : i32
    %dma_start3A_33 = arith.constant 0 : i32
    %dma_start3A_34 = tpu.memref_slice %arg11[%dma_start3A_33] : memref<240xf32, #tpu.memory_space<vmem>> -> memref<80xf32, #tpu.memory_space<vmem>>
    %dma_start3A_35 = tpu.memref_slice %arg5[%add3A_32] : memref<320000xf32, #tpu.memory_space<hbm>> -> memref<80xf32, #tpu.memory_space<hbm>>
    %dma_start3A_36 = arith.constant 0 : i32
    %dma_start3A_37 = tpu.memref_slice %arg11[%dma_start3A_36] : memref<240xf32, #tpu.memory_space<vmem>> -> memref<80xf32, #tpu.memory_space<vmem>>
    %dma_start3A_38 = tpu.memref_slice %arg5[%add3A_32] : memref<320000xf32, #tpu.memory_space<hbm>> -> memref<80xf32, #tpu.memory_space<hbm>>
    tpu.enqueue_dma source(%dma_start3A_38 : memref<80xf32, #tpu.memory_space<hbm>>) target(%dma_start3A_37 : memref<80xf32, #tpu.memory_space<vmem>>) target_semaphore(%arg19 : memref<!tpu.dma_semaphore, #tpu.memory_space<semaphore_mem>>)
    %dma_start3A_39 = arith.constant 80 : i32
    %dma_start3A_40 = arith.constant 0 : i32
    %dma_start3A_41 = tpu.memref_slice %arg9[%dma_start3A_39, %dma_start3A_40] : memref<240x128xf32, #tpu.memory_space<vmem>> -> memref<80x128xf32, #tpu.memory_space<vmem>>
    %dma_start3A_42 = arith.constant 80 : i32
    %dma_start3A_43 = tpu.memref_slice %arg8[%dma_start3A_42] : memref<10000xi32, #tpu.memory_space<vmem>> -> memref<80xi32, #tpu.memory_space<vmem>>
    %dma_start3A_44 = arith.constant 0 : i32
    %dma_start3A_45 = arith.constant 0 : i32
    %dma_start3A_46 = tpu.memref_slice %arg2[%dma_start3A_44, %dma_start3A_45] : memref<10000x128xf32, #tpu.memory_space<hbm>> -> memref<10000x128xf32, #tpu.memory_space<hbm>>
    tpu.enqueue_indirect_dma source(%dma_start3A_46 : memref<10000x128xf32, #tpu.memory_space<hbm>>) target(%dma_start3A_41 : memref<80x128xf32, #tpu.memory_space<vmem>>) offsets(%dma_start3A_43 : memref<80xi32, #tpu.memory_space<vmem>>) semaphore(%arg14 : memref<!tpu.dma_semaphore, #tpu.memory_space<semaphore_mem>>)
    %add3A_47 = arith.constant 80 : i32
    %add3A_48 = arith.addi %mul3A_2, %add3A_47 : i32
    %dma_start3A_49 = arith.constant 1 : i32
    %dma_start3A_50 = arith.constant 0 : i32
    %dma_start3A_51 = tpu.memref_slice %arg10[%dma_start3A_49, %dma_start3A_50] : memref<3x80xi32, #tpu.memory_space<vmem>> -> memref<1x80xi32, #tpu.memory_space<vmem>>
    %dma_start3A_52 = tpu.memref_squeeze %dma_start3A_51 : memref<1x80xi32, #tpu.memory_space<vmem>> -> memref<80xi32, #tpu.memory_space<vmem>>
    %dma_start3A_53 = tpu.memref_slice %arg4[%add3A_48] : memref<320000xi32, #tpu.memory_space<hbm>> -> memref<80xi32, #tpu.memory_space<hbm>>
    %dma_start3A_54 = arith.constant 0 : i32
    %dma_start3A_55 = tpu.memref_slice %arg10[%dma_start3A_49, %dma_start3A_54] : memref<3x80xi32, #tpu.memory_space<vmem>> -> memref<1x80xi32, #tpu.memory_space<vmem>>
    %dma_start3A_56 = tpu.memref_squeeze %dma_start3A_55 : memref<1x80xi32, #tpu.memory_space<vmem>> -> memref<80xi32, #tpu.memory_space<vmem>>
    %dma_start3A_57 = tpu.memref_slice %arg4[%add3A_48] : memref<320000xi32, #tpu.memory_space<hbm>> -> memref<80xi32, #tpu.memory_space<hbm>>
    tpu.enqueue_dma source(%dma_start3A_57 : memref<80xi32, #tpu.memory_space<hbm>>) target(%dma_start3A_56 : memref<80xi32, #tpu.memory_space<vmem>>) target_semaphore(%arg20 : memref<!tpu.dma_semaphore, #tpu.memory_space<semaphore_mem>>)
    %add3A_58 = arith.constant 80 : i32
    %add3A_59 = arith.addi %mul3A_2, %add3A_58 : i32
    %dma_start3A_60 = arith.constant 80 : i32
    %dma_start3A_61 = tpu.memref_slice %arg11[%dma_start3A_60] : memref<240xf32, #tpu.memory_space<vmem>> -> memref<80xf32, #tpu.memory_space<vmem>>
    %dma_start3A_62 = tpu.memref_slice %arg5[%add3A_59] : memref<320000xf32, #tpu.memory_space<hbm>> -> memref<80xf32, #tpu.memory_space<hbm>>
    %dma_start3A_63 = arith.constant 80 : i32
    %dma_start3A_64 = tpu.memref_slice %arg11[%dma_start3A_63] : memref<240xf32, #tpu.memory_space<vmem>> -> memref<80xf32, #tpu.memory_space<vmem>>
    %dma_start3A_65 = tpu.memref_slice %arg5[%add3A_59] : memref<320000xf32, #tpu.memory_space<hbm>> -> memref<80xf32, #tpu.memory_space<hbm>>
    tpu.enqueue_dma source(%dma_start3A_65 : memref<80xf32, #tpu.memory_space<hbm>>) target(%dma_start3A_64 : memref<80xf32, #tpu.memory_space<vmem>>) target_semaphore(%arg20 : memref<!tpu.dma_semaphore, #tpu.memory_space<semaphore_mem>>)
    %mul3A_66 = arith.constant 624 : i32
    %mul3A_67 = arith.muli %arg1, %mul3A_66 : i32
    %mul3A_68 = arith.constant 624 : i32
    %mul3A_69 = arith.muli %arg1, %mul3A_68 : i32
    %dma_wait3A = arith.constant 0 : i32
    %dma_wait3A_70 = tpu.memref_slice %arg12[%mul3A_69, %dma_wait3A] : memref<10000x128xf32, #tpu.memory_space<vmem_shared>> -> memref<624x128xf32, #tpu.memory_space<vmem_shared>>
    %dma_wait3A_71 = arith.constant 0 : i32
    %dma_wait3A_72 = tpu.memref_slice %arg6[%mul3A_67, %dma_wait3A_71] : memref<10000x128xf32, #tpu.memory_space<hbm>> -> memref<624x128xf32, #tpu.memory_space<hbm>>
    tpu.wait_dma2 semaphore(%arg22 : memref<!tpu.dma_semaphore, #tpu.memory_space<semaphore_mem>>) src(%dma_wait3A_72 : memref<624x128xf32, #tpu.memory_space<hbm>>) dst(%dma_wait3A_70 : memref<624x128xf32, #tpu.memory_space<vmem_shared>>)
    %eq3A_73 = arith.constant 15 : i32
    %eq3A_74 = arith.cmpi eq, %arg1, %eq3A_73 : i32
    %convert_element_type3A_75 = arith.extui %eq3A_74 : i1 to i32
    %cond3A_76 = arith.constant 0 : i32
    %cond3A_77 = arith.cmpi ne, %convert_element_type3A_75, %cond3A_76 : i32
    scf.if %cond3A_77 {
      %dma_wait3A_123 = arith.constant 9984 : i32
      %dma_wait3A_124 = arith.constant 0 : i32
      %dma_wait3A_125 = tpu.memref_slice %arg12[%dma_wait3A_123, %dma_wait3A_124] : memref<10000x128xf32, #tpu.memory_space<vmem_shared>> -> memref<16x128xf32, #tpu.memory_space<vmem_shared>>
      %dma_wait3A_126 = arith.constant 9984 : i32
      %dma_wait3A_127 = arith.constant 0 : i32
      %dma_wait3A_128 = tpu.memref_slice %arg6[%dma_wait3A_126, %dma_wait3A_127] : memref<10000x128xf32, #tpu.memory_space<hbm>> -> memref<16x128xf32, #tpu.memory_space<hbm>>
      tpu.wait_dma2 semaphore(%arg22 : memref<!tpu.dma_semaphore, #tpu.memory_space<semaphore_mem>>) src(%dma_wait3A_128 : memref<16x128xf32, #tpu.memory_space<hbm>>) dst(%dma_wait3A_125 : memref<16x128xf32, #tpu.memory_space<vmem_shared>>)
    } else {
    }
    %barrier3A = arith.constant 0 : index
    tpu.barrier barrier_id(%barrier3A)
    %scan3A = arith.constant 0 : i32
    %scan3A_78 = arith.constant 0 : i32
    %scan3A_79 = arith.constant 125 : i32
    %scan3A_80 = arith.addi %scan3A_78, %scan3A_79 : i32
    %scan3A_81 = arith.constant 1 : i32
    scf.for %scan3A_123 = %scan3A_78 to %scan3A_80 step %scan3A_81  : i32 {
      %rem3A = arith.constant 3 : i32
      %rem3A_124 = arith.remsi %scan3A_123, %rem3A : i32
      %eq3A_125 = arith.constant 0 : i32
      %eq3A_126 = arith.cmpi eq, %rem3A_124, %eq3A_125 : i32
      %convert_element_type3A_127 = arith.extui %eq3A_126 : i1 to i32
      %cond3A_128 = arith.constant 0 : i32
      %cond3A_129 = arith.cmpi ne, %convert_element_type3A_127, %cond3A_128 : i32
      scf.if %cond3A_129 {
        %mul3A_163 = arith.constant 80 : i32
        %mul3A_164 = arith.muli %scan3A_123, %mul3A_163 : i32
        %dma_wait3A_165 = arith.constant 0 : i32
        %dma_wait3A_166 = arith.constant 0 : i32
        %dma_wait3A_167 = tpu.memref_slice %arg9[%dma_wait3A_165, %dma_wait3A_166] : memref<240x128xf32, #tpu.memory_space<vmem>> -> memref<80x128xf32, #tpu.memory_space<vmem>>
        %dma_wait3A_168 = tpu.memref_slice %arg8[%mul3A_164] : memref<10000xi32, #tpu.memory_space<vmem>> -> memref<80xi32, #tpu.memory_space<vmem>>
        %dma_wait3A_169 = arith.constant 0 : i32
        %dma_wait3A_170 = arith.constant 0 : i32
        %dma_wait3A_171 = tpu.memref_slice %arg2[%dma_wait3A_169, %dma_wait3A_170] : memref<10000x128xf32, #tpu.memory_space<hbm>> -> memref<10000x128xf32, #tpu.memory_space<hbm>>
        tpu.wait_indirect_dma semaphore(%arg13 : memref<!tpu.dma_semaphore, #tpu.memory_space<semaphore_mem>>) src(%dma_wait3A_171 : memref<10000x128xf32, #tpu.memory_space<hbm>>) dst(%dma_wait3A_167 : memref<80x128xf32, #tpu.memory_space<vmem>>)
        %mul3A_172 = arith.constant 80 : i32
        %mul3A_173 = arith.muli %scan3A_123, %mul3A_172 : i32
        %add3A_174 = arith.addi %mul3A_2, %mul3A_173 : i32
        %dma_wait3A_175 = arith.constant 0 : i32
        %dma_wait3A_176 = arith.constant 0 : i32
        %dma_wait3A_177 = tpu.memref_slice %arg10[%dma_wait3A_175, %dma_wait3A_176] : memref<3x80xi32, #tpu.memory_space<vmem>> -> memref<1x80xi32, #tpu.memory_space<vmem>>
        %dma_wait3A_178 = tpu.memref_squeeze %dma_wait3A_177 : memref<1x80xi32, #tpu.memory_space<vmem>> -> memref<80xi32, #tpu.memory_space<vmem>>
        %dma_wait3A_179 = tpu.memref_slice %arg4[%add3A_174] : memref<320000xi32, #tpu.memory_space<hbm>> -> memref<80xi32, #tpu.memory_space<hbm>>
        %dma_wait3A_180 = arith.constant 0 : i32
        %dma_wait3A_181 = tpu.memref_slice %arg10[%dma_wait3A_175, %dma_wait3A_180] : memref<3x80xi32, #tpu.memory_space<vmem>> -> memref<1x80xi32, #tpu.memory_space<vmem>>
        %dma_wait3A_182 = tpu.memref_squeeze %dma_wait3A_181 : memref<1x80xi32, #tpu.memory_space<vmem>> -> memref<80xi32, #tpu.memory_space<vmem>>
        %dma_wait3A_183 = tpu.memref_slice %arg4[%add3A_174] : memref<320000xi32, #tpu.memory_space<hbm>> -> memref<80xi32, #tpu.memory_space<hbm>>
        tpu.wait_dma2 semaphore(%arg19 : memref<!tpu.dma_semaphore, #tpu.memory_space<semaphore_mem>>) src(%dma_wait3A_183 : memref<80xi32, #tpu.memory_space<hbm>>) dst(%dma_wait3A_182 : memref<80xi32, #tpu.memory_space<vmem>>)
        %mul3A_184 = arith.constant 80 : i32
        %mul3A_185 = arith.muli %scan3A_123, %mul3A_184 : i32
        %add3A_186 = arith.addi %mul3A_2, %mul3A_185 : i32
        %dma_wait3A_187 = arith.constant 0 : i32
        %dma_wait3A_188 = tpu.memref_slice %arg11[%dma_wait3A_187] : memref<240xf32, #tpu.memory_space<vmem>> -> memref<80xf32, #tpu.memory_space<vmem>>
        %dma_wait3A_189 = tpu.memref_slice %arg5[%add3A_186] : memref<320000xf32, #tpu.memory_space<hbm>> -> memref<80xf32, #tpu.memory_space<hbm>>
        %dma_wait3A_190 = arith.constant 0 : i32
        %dma_wait3A_191 = tpu.memref_slice %arg11[%dma_wait3A_190] : memref<240xf32, #tpu.memory_space<vmem>> -> memref<80xf32, #tpu.memory_space<vmem>>
        %dma_wait3A_192 = tpu.memref_slice %arg5[%add3A_186] : memref<320000xf32, #tpu.memory_space<hbm>> -> memref<80xf32, #tpu.memory_space<hbm>>
        tpu.wait_dma2 semaphore(%arg19 : memref<!tpu.dma_semaphore, #tpu.memory_space<semaphore_mem>>) src(%dma_wait3A_192 : memref<80xf32, #tpu.memory_space<hbm>>) dst(%dma_wait3A_191 : memref<80xf32, #tpu.memory_space<vmem>>)
      } else {
      }
      %eq3A_130 = arith.constant 1 : i32
      %eq3A_131 = arith.cmpi eq, %rem3A_124, %eq3A_130 : i32
      %convert_element_type3A_132 = arith.extui %eq3A_131 : i1 to i32
      %cond3A_133 = arith.constant 0 : i32
      %cond3A_134 = arith.cmpi ne, %convert_element_type3A_132, %cond3A_133 : i32
      scf.if %cond3A_134 {
        %mul3A_163 = arith.constant 80 : i32
        %mul3A_164 = arith.muli %scan3A_123, %mul3A_163 : i32
        %dma_wait3A_165 = arith.constant 80 : i32
        %dma_wait3A_166 = arith.constant 0 : i32
        %dma_wait3A_167 = tpu.memref_slice %arg9[%dma_wait3A_165, %dma_wait3A_166] : memref<240x128xf32, #tpu.memory_space<vmem>> -> memref<80x128xf32, #tpu.memory_space<vmem>>
        %dma_wait3A_168 = tpu.memref_slice %arg8[%mul3A_164] : memref<10000xi32, #tpu.memory_space<vmem>> -> memref<80xi32, #tpu.memory_space<vmem>>
        %dma_wait3A_169 = arith.constant 0 : i32
        %dma_wait3A_170 = arith.constant 0 : i32
        %dma_wait3A_171 = tpu.memref_slice %arg2[%dma_wait3A_169, %dma_wait3A_170] : memref<10000x128xf32, #tpu.memory_space<hbm>> -> memref<10000x128xf32, #tpu.memory_space<hbm>>
        tpu.wait_indirect_dma semaphore(%arg14 : memref<!tpu.dma_semaphore, #tpu.memory_space<semaphore_mem>>) src(%dma_wait3A_171 : memref<10000x128xf32, #tpu.memory_space<hbm>>) dst(%dma_wait3A_167 : memref<80x128xf32, #tpu.memory_space<vmem>>)
        %mul3A_172 = arith.constant 80 : i32
        %mul3A_173 = arith.muli %scan3A_123, %mul3A_172 : i32
        %add3A_174 = arith.addi %mul3A_2, %mul3A_173 : i32
        %dma_wait3A_175 = arith.constant 1 : i32
        %dma_wait3A_176 = arith.constant 0 : i32
        %dma_wait3A_177 = tpu.memref_slice %arg10[%dma_wait3A_175, %dma_wait3A_176] : memref<3x80xi32, #tpu.memory_space<vmem>> -> memref<1x80xi32, #tpu.memory_space<vmem>>
        %dma_wait3A_178 = tpu.memref_squeeze %dma_wait3A_177 : memref<1x80xi32, #tpu.memory_space<vmem>> -> memref<80xi32, #tpu.memory_space<vmem>>
        %dma_wait3A_179 = tpu.memref_slice %arg4[%add3A_174] : memref<320000xi32, #tpu.memory_space<hbm>> -> memref<80xi32, #tpu.memory_space<hbm>>
        %dma_wait3A_180 = arith.constant 0 : i32
        %dma_wait3A_181 = tpu.memref_slice %arg10[%dma_wait3A_175, %dma_wait3A_180] : memref<3x80xi32, #tpu.memory_space<vmem>> -> memref<1x80xi32, #tpu.memory_space<vmem>>
        %dma_wait3A_182 = tpu.memref_squeeze %dma_wait3A_181 : memref<1x80xi32, #tpu.memory_space<vmem>> -> memref<80xi32, #tpu.memory_space<vmem>>
        %dma_wait3A_183 = tpu.memref_slice %arg4[%add3A_174] : memref<320000xi32, #tpu.memory_space<hbm>> -> memref<80xi32, #tpu.memory_space<hbm>>
        tpu.wait_dma2 semaphore(%arg20 : memref<!tpu.dma_semaphore, #tpu.memory_space<semaphore_mem>>) src(%dma_wait3A_183 : memref<80xi32, #tpu.memory_space<hbm>>) dst(%dma_wait3A_182 : memref<80xi32, #tpu.memory_space<vmem>>)
        %mul3A_184 = arith.constant 80 : i32
        %mul3A_185 = arith.muli %scan3A_123, %mul3A_184 : i32
        %add3A_186 = arith.addi %mul3A_2, %mul3A_185 : i32
        %dma_wait3A_187 = arith.constant 80 : i32
        %dma_wait3A_188 = tpu.memref_slice %arg11[%dma_wait3A_187] : memref<240xf32, #tpu.memory_space<vmem>> -> memref<80xf32, #tpu.memory_space<vmem>>
        %dma_wait3A_189 = tpu.memref_slice %arg5[%add3A_186] : memref<320000xf32, #tpu.memory_space<hbm>> -> memref<80xf32, #tpu.memory_space<hbm>>
        %dma_wait3A_190 = arith.constant 80 : i32
        %dma_wait3A_191 = tpu.memref_slice %arg11[%dma_wait3A_190] : memref<240xf32, #tpu.memory_space<vmem>> -> memref<80xf32, #tpu.memory_space<vmem>>
        %dma_wait3A_192 = tpu.memref_slice %arg5[%add3A_186] : memref<320000xf32, #tpu.memory_space<hbm>> -> memref<80xf32, #tpu.memory_space<hbm>>
        tpu.wait_dma2 semaphore(%arg20 : memref<!tpu.dma_semaphore, #tpu.memory_space<semaphore_mem>>) src(%dma_wait3A_192 : memref<80xf32, #tpu.memory_space<hbm>>) dst(%dma_wait3A_191 : memref<80xf32, #tpu.memory_space<vmem>>)
      } else {
      }
      %eq3A_135 = arith.constant 2 : i32
      %eq3A_136 = arith.cmpi eq, %rem3A_124, %eq3A_135 : i32
      %convert_element_type3A_137 = arith.extui %eq3A_136 : i1 to i32
      %cond3A_138 = arith.constant 0 : i32
      %cond3A_139 = arith.cmpi ne, %convert_element_type3A_137, %cond3A_138 : i32
      scf.if %cond3A_139 {
        %mul3A_163 = arith.constant 80 : i32
        %mul3A_164 = arith.muli %scan3A_123, %mul3A_163 : i32
        %dma_wait3A_165 = arith.constant 160 : i32
        %dma_wait3A_166 = arith.constant 0 : i32
        %dma_wait3A_167 = tpu.memref_slice %arg9[%dma_wait3A_165, %dma_wait3A_166] : memref<240x128xf32, #tpu.memory_space<vmem>> -> memref<80x128xf32, #tpu.memory_space<vmem>>
        %dma_wait3A_168 = tpu.memref_slice %arg8[%mul3A_164] : memref<10000xi32, #tpu.memory_space<vmem>> -> memref<80xi32, #tpu.memory_space<vmem>>
        %dma_wait3A_169 = arith.constant 0 : i32
        %dma_wait3A_170 = arith.constant 0 : i32
        %dma_wait3A_171 = tpu.memref_slice %arg2[%dma_wait3A_169, %dma_wait3A_170] : memref<10000x128xf32, #tpu.memory_space<hbm>> -> memref<10000x128xf32, #tpu.memory_space<hbm>>
        tpu.wait_indirect_dma semaphore(%arg15 : memref<!tpu.dma_semaphore, #tpu.memory_space<semaphore_mem>>) src(%dma_wait3A_171 : memref<10000x128xf32, #tpu.memory_space<hbm>>) dst(%dma_wait3A_167 : memref<80x128xf32, #tpu.memory_space<vmem>>)
        %mul3A_172 = arith.constant 80 : i32
        %mul3A_173 = arith.muli %scan3A_123, %mul3A_172 : i32
        %add3A_174 = arith.addi %mul3A_2, %mul3A_173 : i32
        %dma_wait3A_175 = arith.constant 2 : i32
        %dma_wait3A_176 = arith.constant 0 : i32
        %dma_wait3A_177 = tpu.memref_slice %arg10[%dma_wait3A_175, %dma_wait3A_176] : memref<3x80xi32, #tpu.memory_space<vmem>> -> memref<1x80xi32, #tpu.memory_space<vmem>>
        %dma_wait3A_178 = tpu.memref_squeeze %dma_wait3A_177 : memref<1x80xi32, #tpu.memory_space<vmem>> -> memref<80xi32, #tpu.memory_space<vmem>>
        %dma_wait3A_179 = tpu.memref_slice %arg4[%add3A_174] : memref<320000xi32, #tpu.memory_space<hbm>> -> memref<80xi32, #tpu.memory_space<hbm>>
        %dma_wait3A_180 = arith.constant 0 : i32
        %dma_wait3A_181 = tpu.memref_slice %arg10[%dma_wait3A_175, %dma_wait3A_180] : memref<3x80xi32, #tpu.memory_space<vmem>> -> memref<1x80xi32, #tpu.memory_space<vmem>>
        %dma_wait3A_182 = tpu.memref_squeeze %dma_wait3A_181 : memref<1x80xi32, #tpu.memory_space<vmem>> -> memref<80xi32, #tpu.memory_space<vmem>>
        %dma_wait3A_183 = tpu.memref_slice %arg4[%add3A_174] : memref<320000xi32, #tpu.memory_space<hbm>> -> memref<80xi32, #tpu.memory_space<hbm>>
        tpu.wait_dma2 semaphore(%arg21 : memref<!tpu.dma_semaphore, #tpu.memory_space<semaphore_mem>>) src(%dma_wait3A_183 : memref<80xi32, #tpu.memory_space<hbm>>) dst(%dma_wait3A_182 : memref<80xi32, #tpu.memory_space<vmem>>)
        %mul3A_184 = arith.constant 80 : i32
        %mul3A_185 = arith.muli %scan3A_123, %mul3A_184 : i32
        %add3A_186 = arith.addi %mul3A_2, %mul3A_185 : i32
        %dma_wait3A_187 = arith.constant 160 : i32
        %dma_wait3A_188 = tpu.memref_slice %arg11[%dma_wait3A_187] : memref<240xf32, #tpu.memory_space<vmem>> -> memref<80xf32, #tpu.memory_space<vmem>>
        %dma_wait3A_189 = tpu.memref_slice %arg5[%add3A_186] : memref<320000xf32, #tpu.memory_space<hbm>> -> memref<80xf32, #tpu.memory_space<hbm>>
        %dma_wait3A_190 = arith.constant 160 : i32
        %dma_wait3A_191 = tpu.memref_slice %arg11[%dma_wait3A_190] : memref<240xf32, #tpu.memory_space<vmem>> -> memref<80xf32, #tpu.memory_space<vmem>>
        %dma_wait3A_192 = tpu.memref_slice %arg5[%add3A_186] : memref<320000xf32, #tpu.memory_space<hbm>> -> memref<80xf32, #tpu.memory_space<hbm>>
        tpu.wait_dma2 semaphore(%arg21 : memref<!tpu.dma_semaphore, #tpu.memory_space<semaphore_mem>>) src(%dma_wait3A_192 : memref<80xf32, #tpu.memory_space<hbm>>) dst(%dma_wait3A_191 : memref<80xf32, #tpu.memory_space<vmem>>)
      } else {
      }
      %mul3A_140 = arith.constant 80 : i32
      %mul3A_141 = arith.muli %rem3A_124, %mul3A_140 : i32
      %scan3A_142 = arith.constant 0 : i32
      %scan3A_143 = arith.constant 0 : i32
      %scan3A_144 = arith.constant 5 : i32
      %scan3A_145 = arith.addi %scan3A_143, %scan3A_144 : i32
      %scan3A_146 = arith.constant 1 : i32
      scf.for %scan3A_163 = %scan3A_143 to %scan3A_145 step %scan3A_146  : i32 {
        %mul3A_164 = arith.constant 16 : i32
        %mul3A_165 = arith.muli %scan3A_163, %mul3A_164 : i32
        %add3A_166 = arith.addi %mul3A_141, %mul3A_165 : i32
        %get3A = arith.index_cast %add3A_166 : i32 to index
        %get3A_167 = tpu.vector_load %arg11[%get3A] {strides = array<i32>} : memref<240xf32, #tpu.memory_space<vmem>>, vector<16xf32>,
        %broadcast_in_dim3A = arith.constant 0 : i32
        %broadcast_in_dim3A_168 = vector.broadcast %broadcast_in_dim3A : i32 to vector<16xi32>
        %lt3A = arith.constant 0 : i32
        %lt3A_169 = vector.broadcast %lt3A : i32 to vector<16xi32>
        %lt3A_170 = arith.cmpi slt, %broadcast_in_dim3A_168, %lt3A_169 : vector<16xi32>
        %add3A_171 = arith.constant 16 : i32
        %add3A_172 = vector.broadcast %add3A_171 : i32 to vector<16xi32>
        %add3A_173 = arith.addi %broadcast_in_dim3A_168, %add3A_172 : vector<16xi32>
        %select_n3A = arith.select %lt3A_170, %add3A_173, %broadcast_in_dim3A_168 : vector<16xi1>, vector<16xi32>
        %broadcast_in_dim3A_174 = vector.shape_cast %select_n3A : vector<16xi32> to vector<16x1xi32>
        %gather3A = vector.shape_cast %broadcast_in_dim3A_174 : vector<16x1xi32> to vector<16xi32>
        %gather3A_175 = tpu.dynamic_gather %get3A_167[%gather3A] in [0] : vector<16xf32>, vector<16xi32> -> vector<16xf32>
        %mul3A_176 = arith.constant 16 : i32
        %mul3A_177 = arith.muli %scan3A_163, %mul3A_176 : i32
        %add3A_178 = arith.addi %mul3A_141, %mul3A_177 : i32
        %add3A_179 = arith.constant 0 : i32
        %add3A_180 = arith.addi %add3A_178, %add3A_179 : i32
        %get3A_181 = arith.index_cast %add3A_180 : i32 to index
        %get3A_182 = arith.constant 0 : index
        %get3A_183 = tpu.vector_load %arg9[%get3A_181, %get3A_182] {strides = array<i32>} : memref<240x128xf32, #tpu.memory_space<vmem>>, vector<16xf32>,
        %mul3A_184 = arith.mulf %get3A_183, %gather3A_175 : vector<16xf32>
        %swap3A = arith.index_cast %add3A_180 : i32 to index
        %swap3A_185 = arith.constant 0 : index
        %swap3A_186 = tpu.vector_load %arg9[%swap3A, %swap3A_185] {strides = array<i32>} : memref<240x128xf32, #tpu.memory_space<vmem>>, vector<16xf32>,
        tpu.vector_store %arg9[%swap3A, %swap3A_185], %mul3A_184 {strides = array<i32>} : memref<240x128xf32, #tpu.memory_space<vmem>>, vector<16xf32>,
        %get3A_187 = arith.index_cast %add3A_180 : i32 to index
        %get3A_188 = arith.constant 16 : index
        %get3A_189 = tpu.vector_load %arg9[%get3A_187, %get3A_188] {strides = array<i32>} : memref<240x128xf32, #tpu.memory_space<vmem>>, vector<16xf32>,
        %mul3A_190 = arith.mulf %get3A_189, %gather3A_175 : vector<16xf32>
        %swap3A_191 = arith.index_cast %add3A_180 : i32 to index
        %swap3A_192 = arith.constant 16 : index
        %swap3A_193 = tpu.vector_load %arg9[%swap3A_191, %swap3A_192] {strides = array<i32>} : memref<240x128xf32, #tpu.memory_space<vmem>>, vector<16xf32>,
        tpu.vector_store %arg9[%swap3A_191, %swap3A_192], %mul3A_190 {strides = array<i32>} : memref<240x128xf32, #tpu.memory_space<vmem>>, vector<16xf32>,
        %get3A_194 = arith.index_cast %add3A_180 : i32 to index
        %get3A_195 = arith.constant 32 : index
        %get3A_196 = tpu.vector_load %arg9[%get3A_194, %get3A_195] {strides = array<i32>} : memref<240x128xf32, #tpu.memory_space<vmem>>, vector<16xf32>,
        %mul3A_197 = arith.mulf %get3A_196, %gather3A_175 : vector<16xf32>
        %swap3A_198 = arith.index_cast %add3A_180 : i32 to index
        %swap3A_199 = arith.constant 32 : index
        %swap3A_200 = tpu.vector_load %arg9[%swap3A_198, %swap3A_199] {strides = array<i32>} : memref<240x128xf32, #tpu.memory_space<vmem>>, vector<16xf32>,
        tpu.vector_store %arg9[%swap3A_198, %swap3A_199], %mul3A_197 {strides = array<i32>} : memref<240x128xf32, #tpu.memory_space<vmem>>, vector<16xf32>,
        %get3A_201 = arith.index_cast %add3A_180 : i32 to index
        %get3A_202 = arith.constant 48 : index
        %get3A_203 = tpu.vector_load %arg9[%get3A_201, %get3A_202] {strides = array<i32>} : memref<240x128xf32, #tpu.memory_space<vmem>>, vector<16xf32>,
        %mul3A_204 = arith.mulf %get3A_203, %gather3A_175 : vector<16xf32>
        %swap3A_205 = arith.index_cast %add3A_180 : i32 to index
        %swap3A_206 = arith.constant 48 : index
        %swap3A_207 = tpu.vector_load %arg9[%swap3A_205, %swap3A_206] {strides = array<i32>} : memref<240x128xf32, #tpu.memory_space<vmem>>, vector<16xf32>,
        tpu.vector_store %arg9[%swap3A_205, %swap3A_206], %mul3A_204 {strides = array<i32>} : memref<240x128xf32, #tpu.memory_space<vmem>>, vector<16xf32>,
        %get3A_208 = arith.index_cast %add3A_180 : i32 to index
        %get3A_209 = arith.constant 64 : index
        %get3A_210 = tpu.vector_load %arg9[%get3A_208, %get3A_209] {strides = array<i32>} : memref<240x128xf32, #tpu.memory_space<vmem>>, vector<16xf32>,
        %mul3A_211 = arith.mulf %get3A_210, %gather3A_175 : vector<16xf32>
        %swap3A_212 = arith.index_cast %add3A_180 : i32 to index
        %swap3A_213 = arith.constant 64 : index
        %swap3A_214 = tpu.vector_load %arg9[%swap3A_212, %swap3A_213] {strides = array<i32>} : memref<240x128xf32, #tpu.memory_space<vmem>>, vector<16xf32>,
        tpu.vector_store %arg9[%swap3A_212, %swap3A_213], %mul3A_211 {strides = array<i32>} : memref<240x128xf32, #tpu.memory_space<vmem>>, vector<16xf32>,
        %get3A_215 = arith.index_cast %add3A_180 : i32 to index
        %get3A_216 = arith.constant 80 : index
        %get3A_217 = tpu.vector_load %arg9[%get3A_215, %get3A_216] {strides = array<i32>} : memref<240x128xf32, #tpu.memory_space<vmem>>, vector<16xf32>,
        %mul3A_218 = arith.mulf %get3A_217, %gather3A_175 : vector<16xf32>
        %swap3A_219 = arith.index_cast %add3A_180 : i32 to index
        %swap3A_220 = arith.constant 80 : index
        %swap3A_221 = tpu.vector_load %arg9[%swap3A_219, %swap3A_220] {strides = array<i32>} : memref<240x128xf32, #tpu.memory_space<vmem>>, vector<16xf32>,
        tpu.vector_store %arg9[%swap3A_219, %swap3A_220], %mul3A_218 {strides = array<i32>} : memref<240x128xf32, #tpu.memory_space<vmem>>, vector<16xf32>,
        %get3A_222 = arith.index_cast %add3A_180 : i32 to index
        %get3A_223 = arith.constant 96 : index
        %get3A_224 = tpu.vector_load %arg9[%get3A_222, %get3A_223] {strides = array<i32>} : memref<240x128xf32, #tpu.memory_space<vmem>>, vector<16xf32>,
        %mul3A_225 = arith.mulf %get3A_224, %gather3A_175 : vector<16xf32>
        %swap3A_226 = arith.index_cast %add3A_180 : i32 to index
        %swap3A_227 = arith.constant 96 : index
        %swap3A_228 = tpu.vector_load %arg9[%swap3A_226, %swap3A_227] {strides = array<i32>} : memref<240x128xf32, #tpu.memory_space<vmem>>, vector<16xf32>,
        tpu.vector_store %arg9[%swap3A_226, %swap3A_227], %mul3A_225 {strides = array<i32>} : memref<240x128xf32, #tpu.memory_space<vmem>>, vector<16xf32>,
        %get3A_229 = arith.index_cast %add3A_180 : i32 to index
        %get3A_230 = arith.constant 112 : index
        %get3A_231 = tpu.vector_load %arg9[%get3A_229, %get3A_230] {strides = array<i32>} : memref<240x128xf32, #tpu.memory_space<vmem>>, vector<16xf32>,
        %mul3A_232 = arith.mulf %get3A_231, %gather3A_175 : vector<16xf32>
        %swap3A_233 = arith.index_cast %add3A_180 : i32 to index
        %swap3A_234 = arith.constant 112 : index
        %swap3A_235 = tpu.vector_load %arg9[%swap3A_233, %swap3A_234] {strides = array<i32>} : memref<240x128xf32, #tpu.memory_space<vmem>>, vector<16xf32>,
        tpu.vector_store %arg9[%swap3A_233, %swap3A_234], %mul3A_232 {strides = array<i32>} : memref<240x128xf32, #tpu.memory_space<vmem>>, vector<16xf32>,
        %broadcast_in_dim3A_236 = arith.constant 1 : i32
        %broadcast_in_dim3A_237 = vector.broadcast %broadcast_in_dim3A_236 : i32 to vector<16xi32>
        %lt3A_238 = arith.constant 0 : i32
        %lt3A_239 = vector.broadcast %lt3A_238 : i32 to vector<16xi32>
        %lt3A_240 = arith.cmpi slt, %broadcast_in_dim3A_237, %lt3A_239 : vector<16xi32>
        %add3A_241 = arith.constant 16 : i32
        %add3A_242 = vector.broadcast %add3A_241 : i32 to vector<16xi32>
        %add3A_243 = arith.addi %broadcast_in_dim3A_237, %add3A_242 : vector<16xi32>
        %select_n3A_244 = arith.select %lt3A_240, %add3A_243, %broadcast_in_dim3A_237 : vector<16xi1>, vector<16xi32>
        %broadcast_in_dim3A_245 = vector.shape_cast %select_n3A_244 : vector<16xi32> to vector<16x1xi32>
        %gather3A_246 = vector.shape_cast %broadcast_in_dim3A_245 : vector<16x1xi32> to vector<16xi32>
        %gather3A_247 = tpu.dynamic_gather %get3A_167[%gather3A_246] in [0] : vector<16xf32>, vector<16xi32> -> vector<16xf32>
        %mul3A_248 = arith.constant 16 : i32
        %mul3A_249 = arith.muli %scan3A_163, %mul3A_248 : i32
        %add3A_250 = arith.addi %mul3A_141, %mul3A_249 : i32
        %add3A_251 = arith.constant 1 : i32
        %add3A_252 = arith.addi %add3A_250, %add3A_251 : i32
        %get3A_253 = arith.index_cast %add3A_252 : i32 to index
        %get3A_254 = arith.constant 0 : index
        %get3A_255 = tpu.vector_load %arg9[%get3A_253, %get3A_254] {strides = array<i32>} : memref<240x128xf32, #tpu.memory_space<vmem>>, vector<16xf32>,
        %mul3A_256 = arith.mulf %get3A_255, %gather3A_247 : vector<16xf32>
        %swap3A_257 = arith.index_cast %add3A_252 : i32 to index
        %swap3A_258 = arith.constant 0 : index
        %swap3A_259 = tpu.vector_load %arg9[%swap3A_257, %swap3A_258] {strides = array<i32>} : memref<240x128xf32, #tpu.memory_space<vmem>>, vector<16xf32>,
        tpu.vector_store %arg9[%swap3A_257, %swap3A_258], %mul3A_256 {strides = array<i32>} : memref<240x128xf32, #tpu.memory_space<vmem>>, vector<16xf32>,
        %get3A_260 = arith.index_cast %add3A_252 : i32 to index
        %get3A_261 = arith.constant 16 : index
        %get3A_262 = tpu.vector_load %arg9[%get3A_260, %get3A_261] {strides = array<i32>} : memref<240x128xf32, #tpu.memory_space<vmem>>, vector<16xf32>,
        %mul3A_263 = arith.mulf %get3A_262, %gather3A_247 : vector<16xf32>
        %swap3A_264 = arith.index_cast %add3A_252 : i32 to index
        %swap3A_265 = arith.constant 16 : index
        %swap3A_266 = tpu.vector_load %arg9[%swap3A_264, %swap3A_265] {strides = array<i32>} : memref<240x128xf32, #tpu.memory_space<vmem>>, vector<16xf32>,
        tpu.vector_store %arg9[%swap3A_264, %swap3A_265], %mul3A_263 {strides = array<i32>} : memref<240x128xf32, #tpu.memory_space<vmem>>, vector<16xf32>,
        %get3A_267 = arith.index_cast %add3A_252 : i32 to index
        %get3A_268 = arith.constant 32 : index
        %get3A_269 = tpu.vector_load %arg9[%get3A_267, %get3A_268] {strides = array<i32>} : memref<240x128xf32, #tpu.memory_space<vmem>>, vector<16xf32>,
        %mul3A_270 = arith.mulf %get3A_269, %gather3A_247 : vector<16xf32>
        %swap3A_271 = arith.index_cast %add3A_252 : i32 to index
        %swap3A_272 = arith.constant 32 : index
        %swap3A_273 = tpu.vector_load %arg9[%swap3A_271, %swap3A_272] {strides = array<i32>} : memref<240x128xf32, #tpu.memory_space<vmem>>, vector<16xf32>,
        tpu.vector_store %arg9[%swap3A_271, %swap3A_272], %mul3A_270 {strides = array<i32>} : memref<240x128xf32, #tpu.memory_space<vmem>>, vector<16xf32>,
        %get3A_274 = arith.index_cast %add3A_252 : i32 to index
        %get3A_275 = arith.constant 48 : index
        %get3A_276 = tpu.vector_load %arg9[%get3A_274, %get3A_275] {strides = array<i32>} : memref<240x128xf32, #tpu.memory_space<vmem>>, vector<16xf32>,
        %mul3A_277 = arith.mulf %get3A_276, %gather3A_247 : vector<16xf32>
        %swap3A_278 = arith.index_cast %add3A_252 : i32 to index
        %swap3A_279 = arith.constant 48 : index
        %swap3A_280 = tpu.vector_load %arg9[%swap3A_278, %swap3A_279] {strides = array<i32>} : memref<240x128xf32, #tpu.memory_space<vmem>>, vector<16xf32>,
        tpu.vector_store %arg9[%swap3A_278, %swap3A_279], %mul3A_277 {strides = array<i32>} : memref<240x128xf32, #tpu.memory_space<vmem>>, vector<16xf32>,
        %get3A_281 = arith.index_cast %add3A_252 : i32 to index
        %get3A_282 = arith.constant 64 : index
        %get3A_283 = tpu.vector_load %arg9[%get3A_281, %get3A_282] {strides = array<i32>} : memref<240x128xf32, #tpu.memory_space<vmem>>, vector<16xf32>,
        %mul3A_284 = arith.mulf %get3A_283, %gather3A_247 : vector<16xf32>
        %swap3A_285 = arith.index_cast %add3A_252 : i32 to index
        %swap3A_286 = arith.constant 64 : index
        %swap3A_287 = tpu.vector_load %arg9[%swap3A_285, %swap3A_286] {strides = array<i32>} : memref<240x128xf32, #tpu.memory_space<vmem>>, vector<16xf32>,
        tpu.vector_store %arg9[%swap3A_285, %swap3A_286], %mul3A_284 {strides = array<i32>} : memref<240x128xf32, #tpu.memory_space<vmem>>, vector<16xf32>,
        %get3A_288 = arith.index_cast %add3A_252 : i32 to index
        %get3A_289 = arith.constant 80 : index
        %get3A_290 = tpu.vector_load %arg9[%get3A_288, %get3A_289] {strides = array<i32>} : memref<240x128xf32, #tpu.memory_space<vmem>>, vector<16xf32>,
        %mul3A_291 = arith.mulf %get3A_290, %gather3A_247 : vector<16xf32>
        %swap3A_292 = arith.index_cast %add3A_252 : i32 to index
        %swap3A_293 = arith.constant 80 : index
        %swap3A_294 = tpu.vector_load %arg9[%swap3A_292, %swap3A_293] {strides = array<i32>} : memref<240x128xf32, #tpu.memory_space<vmem>>, vector<16xf32>,
        tpu.vector_store %arg9[%swap3A_292, %swap3A_293], %mul3A_291 {strides = array<i32>} : memref<240x128xf32, #tpu.memory_space<vmem>>, vector<16xf32>,
        %get3A_295 = arith.index_cast %add3A_252 : i32 to index
        %get3A_296 = arith.constant 96 : index
        %get3A_297 = tpu.vector_load %arg9[%get3A_295, %get3A_296] {strides = array<i32>} : memref<240x128xf32, #tpu.memory_space<vmem>>, vector<16xf32>,
        %mul3A_298 = arith.mulf %get3A_297, %gather3A_247 : vector<16xf32>
        %swap3A_299 = arith.index_cast %add3A_252 : i32 to index
        %swap3A_300 = arith.constant 96 : index
        %swap3A_301 = tpu.vector_load %arg9[%swap3A_299, %swap3A_300] {strides = array<i32>} : memref<240x128xf32, #tpu.memory_space<vmem>>, vector<16xf32>,
        tpu.vector_store %arg9[%swap3A_299, %swap3A_300], %mul3A_298 {strides = array<i32>} : memref<240x128xf32, #tpu.memory_space<vmem>>, vector<16xf32>,
        %get3A_302 = arith.index_cast %add3A_252 : i32 to index
        %get3A_303 = arith.constant 112 : index
        %get3A_304 = tpu.vector_load %arg9[%get3A_302, %get3A_303] {strides = array<i32>} : memref<240x128xf32, #tpu.memory_space<vmem>>, vector<16xf32>,
        %mul3A_305 = arith.mulf %get3A_304, %gather3A_247 : vector<16xf32>
        %swap3A_306 = arith.index_cast %add3A_252 : i32 to index
        %swap3A_307 = arith.constant 112 : index
        %swap3A_308 = tpu.vector_load %arg9[%swap3A_306, %swap3A_307] {strides = array<i32>} : memref<240x128xf32, #tpu.memory_space<vmem>>, vector<16xf32>,
        tpu.vector_store %arg9[%swap3A_306, %swap3A_307], %mul3A_305 {strides = array<i32>} : memref<240x128xf32, #tpu.memory_space<vmem>>, vector<16xf32>,
        %broadcast_in_dim3A_309 = arith.constant 2 : i32
        %broadcast_in_dim3A_310 = vector.broadcast %broadcast_in_dim3A_309 : i32 to vector<16xi32>
        %lt3A_311 = arith.constant 0 : i32
        %lt3A_312 = vector.broadcast %lt3A_311 : i32 to vector<16xi32>
        %lt3A_313 = arith.cmpi slt, %broadcast_in_dim3A_310, %lt3A_312 : vector<16xi32>
        %add3A_314 = arith.constant 16 : i32
        %add3A_315 = vector.broadcast %add3A_314 : i32 to vector<16xi32>
        %add3A_316 = arith.addi %broadcast_in_dim3A_310, %add3A_315 : vector<16xi32>
        %select_n3A_317 = arith.select %lt3A_313, %add3A_316, %broadcast_in_dim3A_310 : vector<16xi1>, vector<16xi32>
        %broadcast_in_dim3A_318 = vector.shape_cast %select_n3A_317 : vector<16xi32> to vector<16x1xi32>
        %gather3A_319 = vector.shape_cast %broadcast_in_dim3A_318 : vector<16x1xi32> to vector<16xi32>
        %gather3A_320 = tpu.dynamic_gather %get3A_167[%gather3A_319] in [0] : vector<16xf32>, vector<16xi32> -> vector<16xf32>
        %mul3A_321 = arith.constant 16 : i32
        %mul3A_322 = arith.muli %scan3A_163, %mul3A_321 : i32
        %add3A_323 = arith.addi %mul3A_141, %mul3A_322 : i32
        %add3A_324 = arith.constant 2 : i32
        %add3A_325 = arith.addi %add3A_323, %add3A_324 : i32
        %get3A_326 = arith.index_cast %add3A_325 : i32 to index
        %get3A_327 = arith.constant 0 : index
        %get3A_328 = tpu.vector_load %arg9[%get3A_326, %get3A_327] {strides = array<i32>} : memref<240x128xf32, #tpu.memory_space<vmem>>, vector<16xf32>,
        %mul3A_329 = arith.mulf %get3A_328, %gather3A_320 : vector<16xf32>
        %swap3A_330 = arith.index_cast %add3A_325 : i32 to index
        %swap3A_331 = arith.constant 0 : index
        %swap3A_332 = tpu.vector_load %arg9[%swap3A_330, %swap3A_331] {strides = array<i32>} : memref<240x128xf32, #tpu.memory_space<vmem>>, vector<16xf32>,
        tpu.vector_store %arg9[%swap3A_330, %swap3A_331], %mul3A_329 {strides = array<i32>} : memref<240x128xf32, #tpu.memory_space<vmem>>, vector<16xf32>,
        %get3A_333 = arith.index_cast %add3A_325 : i32 to index
        %get3A_334 = arith.constant 16 : index
        %get3A_335 = tpu.vector_load %arg9[%get3A_333, %get3A_334] {strides = array<i32>} : memref<240x128xf32, #tpu.memory_space<vmem>>, vector<16xf32>,
        %mul3A_336 = arith.mulf %get3A_335, %gather3A_320 : vector<16xf32>
        %swap3A_337 = arith.index_cast %add3A_325 : i32 to index
        %swap3A_338 = arith.constant 16 : index
        %swap3A_339 = tpu.vector_load %arg9[%swap3A_337, %swap3A_338] {strides = array<i32>} : memref<240x128xf32, #tpu.memory_space<vmem>>, vector<16xf32>,
        tpu.vector_store %arg9[%swap3A_337, %swap3A_338], %mul3A_336 {strides = array<i32>} : memref<240x128xf32, #tpu.memory_space<vmem>>, vector<16xf32>,
        %get3A_340 = arith.index_cast %add3A_325 : i32 to index
        %get3A_341 = arith.constant 32 : index
        %get3A_342 = tpu.vector_load %arg9[%get3A_340, %get3A_341] {strides = array<i32>} : memref<240x128xf32, #tpu.memory_space<vmem>>, vector<16xf32>,
        %mul3A_343 = arith.mulf %get3A_342, %gather3A_320 : vector<16xf32>
        %swap3A_344 = arith.index_cast %add3A_325 : i32 to index
        %swap3A_345 = arith.constant 32 : index
        %swap3A_346 = tpu.vector_load %arg9[%swap3A_344, %swap3A_345] {strides = array<i32>} : memref<240x128xf32, #tpu.memory_space<vmem>>, vector<16xf32>,
        tpu.vector_store %arg9[%swap3A_344, %swap3A_345], %mul3A_343 {strides = array<i32>} : memref<240x128xf32, #tpu.memory_space<vmem>>, vector<16xf32>,
        %get3A_347 = arith.index_cast %add3A_325 : i32 to index
        %get3A_348 = arith.constant 48 : index
        %get3A_349 = tpu.vector_load %arg9[%get3A_347, %get3A_348] {strides = array<i32>} : memref<240x128xf32, #tpu.memory_space<vmem>>, vector<16xf32>,
        %mul3A_350 = arith.mulf %get3A_349, %gather3A_320 : vector<16xf32>
        %swap3A_351 = arith.index_cast %add3A_325 : i32 to index
        %swap3A_352 = arith.constant 48 : index
        %swap3A_353 = tpu.vector_load %arg9[%swap3A_351, %swap3A_352] {strides = array<i32>} : memref<240x128xf32, #tpu.memory_space<vmem>>, vector<16xf32>,
        tpu.vector_store %arg9[%swap3A_351, %swap3A_352], %mul3A_350 {strides = array<i32>} : memref<240x128xf32, #tpu.memory_space<vmem>>, vector<16xf32>,
        %get3A_354 = arith.index_cast %add3A_325 : i32 to index
        %get3A_355 = arith.constant 64 : index
        %get3A_356 = tpu.vector_load %arg9[%get3A_354, %get3A_355] {strides = array<i32>} : memref<240x128xf32, #tpu.memory_space<vmem>>, vector<16xf32>,
        %mul3A_357 = arith.mulf %get3A_356, %gather3A_320 : vector<16xf32>
        %swap3A_358 = arith.index_cast %add3A_325 : i32 to index
        %swap3A_359 = arith.constant 64 : index
        %swap3A_360 = tpu.vector_load %arg9[%swap3A_358, %swap3A_359] {strides = array<i32>} : memref<240x128xf32, #tpu.memory_space<vmem>>, vector<16xf32>,
        tpu.vector_store %arg9[%swap3A_358, %swap3A_359], %mul3A_357 {strides = array<i32>} : memref<240x128xf32, #tpu.memory_space<vmem>>, vector<16xf32>,
        %get3A_361 = arith.index_cast %add3A_325 : i32 to index
        %get3A_362 = arith.constant 80 : index
        %get3A_363 = tpu.vector_load %arg9[%get3A_361, %get3A_362] {strides = array<i32>} : memref<240x128xf32, #tpu.memory_space<vmem>>, vector<16xf32>,
        %mul3A_364 = arith.mulf %get3A_363, %gather3A_320 : vector<16xf32>
        %swap3A_365 = arith.index_cast %add3A_325 : i32 to index
        %swap3A_366 = arith.constant 80 : index
        %swap3A_367 = tpu.vector_load %arg9[%swap3A_365, %swap3A_366] {strides = array<i32>} : memref<240x128xf32, #tpu.memory_space<vmem>>, vector<16xf32>,
        tpu.vector_store %arg9[%swap3A_365, %swap3A_366], %mul3A_364 {strides = array<i32>} : memref<240x128xf32, #tpu.memory_space<vmem>>, vector<16xf32>,
        %get3A_368 = arith.index_cast %add3A_325 : i32 to index
        %get3A_369 = arith.constant 96 : index
        %get3A_370 = tpu.vector_load %arg9[%get3A_368, %get3A_369] {strides = array<i32>} : memref<240x128xf32, #tpu.memory_space<vmem>>, vector<16xf32>,
        %mul3A_371 = arith.mulf %get3A_370, %gather3A_320 : vector<16xf32>
        %swap3A_372 = arith.index_cast %add3A_325 : i32 to index
        %swap3A_373 = arith.constant 96 : index
        %swap3A_374 = tpu.vector_load %arg9[%swap3A_372, %swap3A_373] {strides = array<i32>} : memref<240x128xf32, #tpu.memory_space<vmem>>, vector<16xf32>,
        tpu.vector_store %arg9[%swap3A_372, %swap3A_373], %mul3A_371 {strides = array<i32>} : memref<240x128xf32, #tpu.memory_space<vmem>>, vector<16xf32>,
        %get3A_375 = arith.index_cast %add3A_325 : i32 to index
        %get3A_376 = arith.constant 112 : index
        %get3A_377 = tpu.vector_load %arg9[%get3A_375, %get3A_376] {strides = array<i32>} : memref<240x128xf32, #tpu.memory_space<vmem>>, vector<16xf32>,
        %mul3A_378 = arith.mulf %get3A_377, %gather3A_320 : vector<16xf32>
        %swap3A_379 = arith.index_cast %add3A_325 : i32 to index
        %swap3A_380 = arith.constant 112 : index
        %swap3A_381 = tpu.vector_load %arg9[%swap3A_379, %swap3A_380] {strides = array<i32>} : memref<240x128xf32, #tpu.memory_space<vmem>>, vector<16xf32>,
        tpu.vector_store %arg9[%swap3A_379, %swap3A_380], %mul3A_378 {strides = array<i32>} : memref<240x128xf32, #tpu.memory_space<vmem>>, vector<16xf32>,
        %broadcast_in_dim3A_382 = arith.constant 3 : i32
        %broadcast_in_dim3A_383 = vector.broadcast %broadcast_in_dim3A_382 : i32 to vector<16xi32>
        %lt3A_384 = arith.constant 0 : i32
        %lt3A_385 = vector.broadcast %lt3A_384 : i32 to vector<16xi32>
        %lt3A_386 = arith.cmpi slt, %broadcast_in_dim3A_383, %lt3A_385 : vector<16xi32>
        %add3A_387 = arith.constant 16 : i32
        %add3A_388 = vector.broadcast %add3A_387 : i32 to vector<16xi32>
        %add3A_389 = arith.addi %broadcast_in_dim3A_383, %add3A_388 : vector<16xi32>
        %select_n3A_390 = arith.select %lt3A_386, %add3A_389, %broadcast_in_dim3A_383 : vector<16xi1>, vector<16xi32>
        %broadcast_in_dim3A_391 = vector.shape_cast %select_n3A_390 : vector<16xi32> to vector<16x1xi32>
        %gather3A_392 = vector.shape_cast %broadcast_in_dim3A_391 : vector<16x1xi32> to vector<16xi32>
        %gather3A_393 = tpu.dynamic_gather %get3A_167[%gather3A_392] in [0] : vector<16xf32>, vector<16xi32> -> vector<16xf32>
        %mul3A_394 = arith.constant 16 : i32
        %mul3A_395 = arith.muli %scan3A_163, %mul3A_394 : i32
        %add3A_396 = arith.addi %mul3A_141, %mul3A_395 : i32
        %add3A_397 = arith.constant 3 : i32
        %add3A_398 = arith.addi %add3A_396, %add3A_397 : i32
        %get3A_399 = arith.index_cast %add3A_398 : i32 to index
        %get3A_400 = arith.constant 0 : index
        %get3A_401 = tpu.vector_load %arg9[%get3A_399, %get3A_400] {strides = array<i32>} : memref<240x128xf32, #tpu.memory_space<vmem>>, vector<16xf32>,
        %mul3A_402 = arith.mulf %get3A_401, %gather3A_393 : vector<16xf32>
        %swap3A_403 = arith.index_cast %add3A_398 : i32 to index
        %swap3A_404 = arith.constant 0 : index
        %swap3A_405 = tpu.vector_load %arg9[%swap3A_403, %swap3A_404] {strides = array<i32>} : memref<240x128xf32, #tpu.memory_space<vmem>>, vector<16xf32>,
        tpu.vector_store %arg9[%swap3A_403, %swap3A_404], %mul3A_402 {strides = array<i32>} : memref<240x128xf32, #tpu.memory_space<vmem>>, vector<16xf32>,
        %get3A_406 = arith.index_cast %add3A_398 : i32 to index
        %get3A_407 = arith.constant 16 : index
        %get3A_408 = tpu.vector_load %arg9[%get3A_406, %get3A_407] {strides = array<i32>} : memref<240x128xf32, #tpu.memory_space<vmem>>, vector<16xf32>,
        %mul3A_409 = arith.mulf %get3A_408, %gather3A_393 : vector<16xf32>
        %swap3A_410 = arith.index_cast %add3A_398 : i32 to index
        %swap3A_411 = arith.constant 16 : index
        %swap3A_412 = tpu.vector_load %arg9[%swap3A_410, %swap3A_411] {strides = array<i32>} : memref<240x128xf32, #tpu.memory_space<vmem>>, vector<16xf32>,
        tpu.vector_store %arg9[%swap3A_410, %swap3A_411], %mul3A_409 {strides = array<i32>} : memref<240x128xf32, #tpu.memory_space<vmem>>, vector<16xf32>,
        %get3A_413 = arith.index_cast %add3A_398 : i32 to index
        %get3A_414 = arith.constant 32 : index
        %get3A_415 = tpu.vector_load %arg9[%get3A_413, %get3A_414] {strides = array<i32>} : memref<240x128xf32, #tpu.memory_space<vmem>>, vector<16xf32>,
        %mul3A_416 = arith.mulf %get3A_415, %gather3A_393 : vector<16xf32>
        %swap3A_417 = arith.index_cast %add3A_398 : i32 to index
        %swap3A_418 = arith.constant 32 : index
        %swap3A_419 = tpu.vector_load %arg9[%swap3A_417, %swap3A_418] {strides = array<i32>} : memref<240x128xf32, #tpu.memory_space<vmem>>, vector<16xf32>,
        tpu.vector_store %arg9[%swap3A_417, %swap3A_418], %mul3A_416 {strides = array<i32>} : memref<240x128xf32, #tpu.memory_space<vmem>>, vector<16xf32>,
        %get3A_420 = arith.index_cast %add3A_398 : i32 to index
        %get3A_421 = arith.constant 48 : index
        %get3A_422 = tpu.vector_load %arg9[%get3A_420, %get3A_421] {strides = array<i32>} : memref<240x128xf32, #tpu.memory_space<vmem>>, vector<16xf32>,
        %mul3A_423 = arith.mulf %get3A_422, %gather3A_393 : vector<16xf32>
        %swap3A_424 = arith.index_cast %add3A_398 : i32 to index
        %swap3A_425 = arith.constant 48 : index
        %swap3A_426 = tpu.vector_load %arg9[%swap3A_424, %swap3A_425] {strides = array<i32>} : memref<240x128xf32, #tpu.memory_space<vmem>>, vector<16xf32>,
        tpu.vector_store %arg9[%swap3A_424, %swap3A_425], %mul3A_423 {strides = array<i32>} : memref<240x128xf32, #tpu.memory_space<vmem>>, vector<16xf32>,
        %get3A_427 = arith.index_cast %add3A_398 : i32 to index
        %get3A_428 = arith.constant 64 : index
        %get3A_429 = tpu.vector_load %arg9[%get3A_427, %get3A_428] {strides = array<i32>} : memref<240x128xf32, #tpu.memory_space<vmem>>, vector<16xf32>,
        %mul3A_430 = arith.mulf %get3A_429, %gather3A_393 : vector<16xf32>
        %swap3A_431 = arith.index_cast %add3A_398 : i32 to index
        %swap3A_432 = arith.constant 64 : index
        %swap3A_433 = tpu.vector_load %arg9[%swap3A_431, %swap3A_432] {strides = array<i32>} : memref<240x128xf32, #tpu.memory_space<vmem>>, vector<16xf32>,
        tpu.vector_store %arg9[%swap3A_431, %swap3A_432], %mul3A_430 {strides = array<i32>} : memref<240x128xf32, #tpu.memory_space<vmem>>, vector<16xf32>,
        %get3A_434 = arith.index_cast %add3A_398 : i32 to index
        %get3A_435 = arith.constant 80 : index
        %get3A_436 = tpu.vector_load %arg9[%get3A_434, %get3A_435] {strides = array<i32>} : memref<240x128xf32, #tpu.memory_space<vmem>>, vector<16xf32>,
        %mul3A_437 = arith.mulf %get3A_436, %gather3A_393 : vector<16xf32>
        %swap3A_438 = arith.index_cast %add3A_398 : i32 to index
        %swap3A_439 = arith.constant 80 : index
        %swap3A_440 = tpu.vector_load %arg9[%swap3A_438, %swap3A_439] {strides = array<i32>} : memref<240x128xf32, #tpu.memory_space<vmem>>, vector<16xf32>,
        tpu.vector_store %arg9[%swap3A_438, %swap3A_439], %mul3A_437 {strides = array<i32>} : memref<240x128xf32, #tpu.memory_space<vmem>>, vector<16xf32>,
        %get3A_441 = arith.index_cast %add3A_398 : i32 to index
        %get3A_442 = arith.constant 96 : index
        %get3A_443 = tpu.vector_load %arg9[%get3A_441, %get3A_442] {strides = array<i32>} : memref<240x128xf32, #tpu.memory_space<vmem>>, vector<16xf32>,
        %mul3A_444 = arith.mulf %get3A_443, %gather3A_393 : vector<16xf32>
        %swap3A_445 = arith.index_cast %add3A_398 : i32 to index
        %swap3A_446 = arith.constant 96 : index
        %swap3A_447 = tpu.vector_load %arg9[%swap3A_445, %swap3A_446] {strides = array<i32>} : memref<240x128xf32, #tpu.memory_space<vmem>>, vector<16xf32>,
        tpu.vector_store %arg9[%swap3A_445, %swap3A_446], %mul3A_444 {strides = array<i32>} : memref<240x128xf32, #tpu.memory_space<vmem>>, vector<16xf32>,
        %get3A_448 = arith.index_cast %add3A_398 : i32 to index
        %get3A_449 = arith.constant 112 : index
        %get3A_450 = tpu.vector_load %arg9[%get3A_448, %get3A_449] {strides = array<i32>} : memref<240x128xf32, #tpu.memory_space<vmem>>, vector<16xf32>,
        %mul3A_451 = arith.mulf %get3A_450, %gather3A_393 : vector<16xf32>
        %swap3A_452 = arith.index_cast %add3A_398 : i32 to index
        %swap3A_453 = arith.constant 112 : index
        %swap3A_454 = tpu.vector_load %arg9[%swap3A_452, %swap3A_453] {strides = array<i32>} : memref<240x128xf32, #tpu.memory_space<vmem>>, vector<16xf32>,
        tpu.vector_store %arg9[%swap3A_452, %swap3A_453], %mul3A_451 {strides = array<i32>} : memref<240x128xf32, #tpu.memory_space<vmem>>, vector<16xf32>,
        %broadcast_in_dim3A_455 = arith.constant 4 : i32
        %broadcast_in_dim3A_456 = vector.broadcast %broadcast_in_dim3A_455 : i32 to vector<16xi32>
        %lt3A_457 = arith.constant 0 : i32
        %lt3A_458 = vector.broadcast %lt3A_457 : i32 to vector<16xi32>
        %lt3A_459 = arith.cmpi slt, %broadcast_in_dim3A_456, %lt3A_458 : vector<16xi32>
        %add3A_460 = arith.constant 16 : i32
        %add3A_461 = vector.broadcast %add3A_460 : i32 to vector<16xi32>
        %add3A_462 = arith.addi %broadcast_in_dim3A_456, %add3A_461 : vector<16xi32>
        %select_n3A_463 = arith.select %lt3A_459, %add3A_462, %broadcast_in_dim3A_456 : vector<16xi1>, vector<16xi32>
        %broadcast_in_dim3A_464 = vector.shape_cast %select_n3A_463 : vector<16xi32> to vector<16x1xi32>
        %gather3A_465 = vector.shape_cast %broadcast_in_dim3A_464 : vector<16x1xi32> to vector<16xi32>
        %gather3A_466 = tpu.dynamic_gather %get3A_167[%gather3A_465] in [0] : vector<16xf32>, vector<16xi32> -> vector<16xf32>
        %mul3A_467 = arith.constant 16 : i32
        %mul3A_468 = arith.muli %scan3A_163, %mul3A_467 : i32
        %add3A_469 = arith.addi %mul3A_141, %mul3A_468 : i32
        %add3A_470 = arith.constant 4 : i32
        %add3A_471 = arith.addi %add3A_469, %add3A_470 : i32
        %get3A_472 = arith.index_cast %add3A_471 : i32 to index
        %get3A_473 = arith.constant 0 : index
        %get3A_474 = tpu.vector_load %arg9[%get3A_472, %get3A_473] {strides = array<i32>} : memref<240x128xf32, #tpu.memory_space<vmem>>, vector<16xf32>,
        %mul3A_475 = arith.mulf %get3A_474, %gather3A_466 : vector<16xf32>
        %swap3A_476 = arith.index_cast %add3A_471 : i32 to index
        %swap3A_477 = arith.constant 0 : index
        %swap3A_478 = tpu.vector_load %arg9[%swap3A_476, %swap3A_477] {strides = array<i32>} : memref<240x128xf32, #tpu.memory_space<vmem>>, vector<16xf32>,
        tpu.vector_store %arg9[%swap3A_476, %swap3A_477], %mul3A_475 {strides = array<i32>} : memref<240x128xf32, #tpu.memory_space<vmem>>, vector<16xf32>,
        %get3A_479 = arith.index_cast %add3A_471 : i32 to index
        %get3A_480 = arith.constant 16 : index
        %get3A_481 = tpu.vector_load %arg9[%get3A_479, %get3A_480] {strides = array<i32>} : memref<240x128xf32, #tpu.memory_space<vmem>>, vector<16xf32>,
        %mul3A_482 = arith.mulf %get3A_481, %gather3A_466 : vector<16xf32>
        %swap3A_483 = arith.index_cast %add3A_471 : i32 to index
        %swap3A_484 = arith.constant 16 : index
        %swap3A_485 = tpu.vector_load %arg9[%swap3A_483, %swap3A_484] {strides = array<i32>} : memref<240x128xf32, #tpu.memory_space<vmem>>, vector<16xf32>,
        tpu.vector_store %arg9[%swap3A_483, %swap3A_484], %mul3A_482 {strides = array<i32>} : memref<240x128xf32, #tpu.memory_space<vmem>>, vector<16xf32>,
        %get3A_486 = arith.index_cast %add3A_471 : i32 to index
        %get3A_487 = arith.constant 32 : index
        %get3A_488 = tpu.vector_load %arg9[%get3A_486, %get3A_487] {strides = array<i32>} : memref<240x128xf32, #tpu.memory_space<vmem>>, vector<16xf32>,
        %mul3A_489 = arith.mulf %get3A_488, %gather3A_466 : vector<16xf32>
        %swap3A_490 = arith.index_cast %add3A_471 : i32 to index
        %swap3A_491 = arith.constant 32 : index
        %swap3A_492 = tpu.vector_load %arg9[%swap3A_490, %swap3A_491] {strides = array<i32>} : memref<240x128xf32, #tpu.memory_space<vmem>>, vector<16xf32>,
        tpu.vector_store %arg9[%swap3A_490, %swap3A_491], %mul3A_489 {strides = array<i32>} : memref<240x128xf32, #tpu.memory_space<vmem>>, vector<16xf32>,
        %get3A_493 = arith.index_cast %add3A_471 : i32 to index
        %get3A_494 = arith.constant 48 : index
        %get3A_495 = tpu.vector_load %arg9[%get3A_493, %get3A_494] {strides = array<i32>} : memref<240x128xf32, #tpu.memory_space<vmem>>, vector<16xf32>,
        %mul3A_496 = arith.mulf %get3A_495, %gather3A_466 : vector<16xf32>
        %swap3A_497 = arith.index_cast %add3A_471 : i32 to index
        %swap3A_498 = arith.constant 48 : index
        %swap3A_499 = tpu.vector_load %arg9[%swap3A_497, %swap3A_498] {strides = array<i32>} : memref<240x128xf32, #tpu.memory_space<vmem>>, vector<16xf32>,
        tpu.vector_store %arg9[%swap3A_497, %swap3A_498], %mul3A_496 {strides = array<i32>} : memref<240x128xf32, #tpu.memory_space<vmem>>, vector<16xf32>,
        %get3A_500 = arith.index_cast %add3A_471 : i32 to index
        %get3A_501 = arith.constant 64 : index
        %get3A_502 = tpu.vector_load %arg9[%get3A_500, %get3A_501] {strides = array<i32>} : memref<240x128xf32, #tpu.memory_space<vmem>>, vector<16xf32>,
        %mul3A_503 = arith.mulf %get3A_502, %gather3A_466 : vector<16xf32>
        %swap3A_504 = arith.index_cast %add3A_471 : i32 to index
        %swap3A_505 = arith.constant 64 : index
        %swap3A_506 = tpu.vector_load %arg9[%swap3A_504, %swap3A_505] {strides = array<i32>} : memref<240x128xf32, #tpu.memory_space<vmem>>, vector<16xf32>,
        tpu.vector_store %arg9[%swap3A_504, %swap3A_505], %mul3A_503 {strides = array<i32>} : memref<240x128xf32, #tpu.memory_space<vmem>>, vector<16xf32>,
        %get3A_507 = arith.index_cast %add3A_471 : i32 to index
        %get3A_508 = arith.constant 80 : index
        %get3A_509 = tpu.vector_load %arg9[%get3A_507, %get3A_508] {strides = array<i32>} : memref<240x128xf32, #tpu.memory_space<vmem>>, vector<16xf32>,
        %mul3A_510 = arith.mulf %get3A_509, %gather3A_466 : vector<16xf32>
        %swap3A_511 = arith.index_cast %add3A_471 : i32 to index
        %swap3A_512 = arith.constant 80 : index
        %swap3A_513 = tpu.vector_load %arg9[%swap3A_511, %swap3A_512] {strides = array<i32>} : memref<240x128xf32, #tpu.memory_space<vmem>>, vector<16xf32>,
        tpu.vector_store %arg9[%swap3A_511, %swap3A_512], %mul3A_510 {strides = array<i32>} : memref<240x128xf32, #tpu.memory_space<vmem>>, vector<16xf32>,
        %get3A_514 = arith.index_cast %add3A_471 : i32 to index
        %get3A_515 = arith.constant 96 : index
        %get3A_516 = tpu.vector_load %arg9[%get3A_514, %get3A_515] {strides = array<i32>} : memref<240x128xf32, #tpu.memory_space<vmem>>, vector<16xf32>,
        %mul3A_517 = arith.mulf %get3A_516, %gather3A_466 : vector<16xf32>
        %swap3A_518 = arith.index_cast %add3A_471 : i32 to index
        %swap3A_519 = arith.constant 96 : index
        %swap3A_520 = tpu.vector_load %arg9[%swap3A_518, %swap3A_519] {strides = array<i32>} : memref<240x128xf32, #tpu.memory_space<vmem>>, vector<16xf32>,
        tpu.vector_store %arg9[%swap3A_518, %swap3A_519], %mul3A_517 {strides = array<i32>} : memref<240x128xf32, #tpu.memory_space<vmem>>, vector<16xf32>,
        %get3A_521 = arith.index_cast %add3A_471 : i32 to index
        %get3A_522 = arith.constant 112 : index
        %get3A_523 = tpu.vector_load %arg9[%get3A_521, %get3A_522] {strides = array<i32>} : memref<240x128xf32, #tpu.memory_space<vmem>>, vector<16xf32>,
        %mul3A_524 = arith.mulf %get3A_523, %gather3A_466 : vector<16xf32>
        %swap3A_525 = arith.index_cast %add3A_471 : i32 to index
        %swap3A_526 = arith.constant 112 : index
        %swap3A_527 = tpu.vector_load %arg9[%swap3A_525, %swap3A_526] {strides = array<i32>} : memref<240x128xf32, #tpu.memory_space<vmem>>, vector<16xf32>,
        tpu.vector_store %arg9[%swap3A_525, %swap3A_526], %mul3A_524 {strides = array<i32>} : memref<240x128xf32, #tpu.memory_space<vmem>>, vector<16xf32>,
        %broadcast_in_dim3A_528 = arith.constant 5 : i32
        %broadcast_in_dim3A_529 = vector.broadcast %broadcast_in_dim3A_528 : i32 to vector<16xi32>
        %lt3A_530 = arith.constant 0 : i32
        %lt3A_531 = vector.broadcast %lt3A_530 : i32 to vector<16xi32>
        %lt3A_532 = arith.cmpi slt, %broadcast_in_dim3A_529, %lt3A_531 : vector<16xi32>
        %add3A_533 = arith.constant 16 : i32
        %add3A_534 = vector.broadcast %add3A_533 : i32 to vector<16xi32>
        %add3A_535 = arith.addi %broadcast_in_dim3A_529, %add3A_534 : vector<16xi32>
        %select_n3A_536 = arith.select %lt3A_532, %add3A_535, %broadcast_in_dim3A_529 : vector<16xi1>, vector<16xi32>
        %broadcast_in_dim3A_537 = vector.shape_cast %select_n3A_536 : vector<16xi32> to vector<16x1xi32>
        %gather3A_538 = vector.shape_cast %broadcast_in_dim3A_537 : vector<16x1xi32> to vector<16xi32>
        %gather3A_539 = tpu.dynamic_gather %get3A_167[%gather3A_538] in [0] : vector<16xf32>, vector<16xi32> -> vector<16xf32>
        %mul3A_540 = arith.constant 16 : i32
        %mul3A_541 = arith.muli %scan3A_163, %mul3A_540 : i32
        %add3A_542 = arith.addi %mul3A_141, %mul3A_541 : i32
        %add3A_543 = arith.constant 5 : i32
        %add3A_544 = arith.addi %add3A_542, %add3A_543 : i32
        %get3A_545 = arith.index_cast %add3A_544 : i32 to index
        %get3A_546 = arith.constant 0 : index
        %get3A_547 = tpu.vector_load %arg9[%get3A_545, %get3A_546] {strides = array<i32>} : memref<240x128xf32, #tpu.memory_space<vmem>>, vector<16xf32>,
        %mul3A_548 = arith.mulf %get3A_547, %gather3A_539 : vector<16xf32>
        %swap3A_549 = arith.index_cast %add3A_544 : i32 to index
        %swap3A_550 = arith.constant 0 : index
        %swap3A_551 = tpu.vector_load %arg9[%swap3A_549, %swap3A_550] {strides = array<i32>} : memref<240x128xf32, #tpu.memory_space<vmem>>, vector<16xf32>,
        tpu.vector_store %arg9[%swap3A_549, %swap3A_550], %mul3A_548 {strides = array<i32>} : memref<240x128xf32, #tpu.memory_space<vmem>>, vector<16xf32>,
        %get3A_552 = arith.index_cast %add3A_544 : i32 to index
        %get3A_553 = arith.constant 16 : index
        %get3A_554 = tpu.vector_load %arg9[%get3A_552, %get3A_553] {strides = array<i32>} : memref<240x128xf32, #tpu.memory_space<vmem>>, vector<16xf32>,
        %mul3A_555 = arith.mulf %get3A_554, %gather3A_539 : vector<16xf32>
        %swap3A_556 = arith.index_cast %add3A_544 : i32 to index
        %swap3A_557 = arith.constant 16 : index
        %swap3A_558 = tpu.vector_load %arg9[%swap3A_556, %swap3A_557] {strides = array<i32>} : memref<240x128xf32, #tpu.memory_space<vmem>>, vector<16xf32>,
        tpu.vector_store %arg9[%swap3A_556, %swap3A_557], %mul3A_555 {strides = array<i32>} : memref<240x128xf32, #tpu.memory_space<vmem>>, vector<16xf32>,
        %get3A_559 = arith.index_cast %add3A_544 : i32 to index
        %get3A_560 = arith.constant 32 : index
        %get3A_561 = tpu.vector_load %arg9[%get3A_559, %get3A_560] {strides = array<i32>} : memref<240x128xf32, #tpu.memory_space<vmem>>, vector<16xf32>,
        %mul3A_562 = arith.mulf %get3A_561, %gather3A_539 : vector<16xf32>
        %swap3A_563 = arith.index_cast %add3A_544 : i32 to index
        %swap3A_564 = arith.constant 32 : index
        %swap3A_565 = tpu.vector_load %arg9[%swap3A_563, %swap3A_564] {strides = array<i32>} : memref<240x128xf32, #tpu.memory_space<vmem>>, vector<16xf32>,
        tpu.vector_store %arg9[%swap3A_563, %swap3A_564], %mul3A_562 {strides = array<i32>} : memref<240x128xf32, #tpu.memory_space<vmem>>, vector<16xf32>,
        %get3A_566 = arith.index_cast %add3A_544 : i32 to index
        %get3A_567 = arith.constant 48 : index
        %get3A_568 = tpu.vector_load %arg9[%get3A_566, %get3A_567] {strides = array<i32>} : memref<240x128xf32, #tpu.memory_space<vmem>>, vector<16xf32>,
        %mul3A_569 = arith.mulf %get3A_568, %gather3A_539 : vector<16xf32>
        %swap3A_570 = arith.index_cast %add3A_544 : i32 to index
        %swap3A_571 = arith.constant 48 : index
        %swap3A_572 = tpu.vector_load %arg9[%swap3A_570, %swap3A_571] {strides = array<i32>} : memref<240x128xf32, #tpu.memory_space<vmem>>, vector<16xf32>,
        tpu.vector_store %arg9[%swap3A_570, %swap3A_571], %mul3A_569 {strides = array<i32>} : memref<240x128xf32, #tpu.memory_space<vmem>>, vector<16xf32>,
        %get3A_573 = arith.index_cast %add3A_544 : i32 to index
        %get3A_574 = arith.constant 64 : index
        %get3A_575 = tpu.vector_load %arg9[%get3A_573, %get3A_574] {strides = array<i32>} : memref<240x128xf32, #tpu.memory_space<vmem>>, vector<16xf32>,
        %mul3A_576 = arith.mulf %get3A_575, %gather3A_539 : vector<16xf32>
        %swap3A_577 = arith.index_cast %add3A_544 : i32 to index
        %swap3A_578 = arith.constant 64 : index
        %swap3A_579 = tpu.vector_load %arg9[%swap3A_577, %swap3A_578] {strides = array<i32>} : memref<240x128xf32, #tpu.memory_space<vmem>>, vector<16xf32>,
        tpu.vector_store %arg9[%swap3A_577, %swap3A_578], %mul3A_576 {strides = array<i32>} : memref<240x128xf32, #tpu.memory_space<vmem>>, vector<16xf32>,
        %get3A_580 = arith.index_cast %add3A_544 : i32 to index
        %get3A_581 = arith.constant 80 : index
        %get3A_582 = tpu.vector_load %arg9[%get3A_580, %get3A_581] {strides = array<i32>} : memref<240x128xf32, #tpu.memory_space<vmem>>, vector<16xf32>,
        %mul3A_583 = arith.mulf %get3A_582, %gather3A_539 : vector<16xf32>
        %swap3A_584 = arith.index_cast %add3A_544 : i32 to index
        %swap3A_585 = arith.constant 80 : index
        %swap3A_586 = tpu.vector_load %arg9[%swap3A_584, %swap3A_585] {strides = array<i32>} : memref<240x128xf32, #tpu.memory_space<vmem>>, vector<16xf32>,
        tpu.vector_store %arg9[%swap3A_584, %swap3A_585], %mul3A_583 {strides = array<i32>} : memref<240x128xf32, #tpu.memory_space<vmem>>, vector<16xf32>,
        %get3A_587 = arith.index_cast %add3A_544 : i32 to index
        %get3A_588 = arith.constant 96 : index
        %get3A_589 = tpu.vector_load %arg9[%get3A_587, %get3A_588] {strides = array<i32>} : memref<240x128xf32, #tpu.memory_space<vmem>>, vector<16xf32>,
        %mul3A_590 = arith.mulf %get3A_589, %gather3A_539 : vector<16xf32>
        %swap3A_591 = arith.index_cast %add3A_544 : i32 to index
        %swap3A_592 = arith.constant 96 : index
        %swap3A_593 = tpu.vector_load %arg9[%swap3A_591, %swap3A_592] {strides = array<i32>} : memref<240x128xf32, #tpu.memory_space<vmem>>, vector<16xf32>,
        tpu.vector_store %arg9[%swap3A_591, %swap3A_592], %mul3A_590 {strides = array<i32>} : memref<240x128xf32, #tpu.memory_space<vmem>>, vector<16xf32>,
        %get3A_594 = arith.index_cast %add3A_544 : i32 to index
        %get3A_595 = arith.constant 112 : index
        %get3A_596 = tpu.vector_load %arg9[%get3A_594, %get3A_595] {strides = array<i32>} : memref<240x128xf32, #tpu.memory_space<vmem>>, vector<16xf32>,
        %mul3A_597 = arith.mulf %get3A_596, %gather3A_539 : vector<16xf32>
        %swap3A_598 = arith.index_cast %add3A_544 : i32 to index
        %swap3A_599 = arith.constant 112 : index
        %swap3A_600 = tpu.vector_load %arg9[%swap3A_598, %swap3A_599] {strides = array<i32>} : memref<240x128xf32, #tpu.memory_space<vmem>>, vector<16xf32>,
        tpu.vector_store %arg9[%swap3A_598, %swap3A_599], %mul3A_597 {strides = array<i32>} : memref<240x128xf32, #tpu.memory_space<vmem>>, vector<16xf32>,
        %broadcast_in_dim3A_601 = arith.constant 6 : i32
        %broadcast_in_dim3A_602 = vector.broadcast %broadcast_in_dim3A_601 : i32 to vector<16xi32>
        %lt3A_603 = arith.constant 0 : i32
        %lt3A_604 = vector.broadcast %lt3A_603 : i32 to vector<16xi32>
        %lt3A_605 = arith.cmpi slt, %broadcast_in_dim3A_602, %lt3A_604 : vector<16xi32>
        %add3A_606 = arith.constant 16 : i32
        %add3A_607 = vector.broadcast %add3A_606 : i32 to vector<16xi32>
        %add3A_608 = arith.addi %broadcast_in_dim3A_602, %add3A_607 : vector<16xi32>
        %select_n3A_609 = arith.select %lt3A_605, %add3A_608, %broadcast_in_dim3A_602 : vector<16xi1>, vector<16xi32>
        %broadcast_in_dim3A_610 = vector.shape_cast %select_n3A_609 : vector<16xi32> to vector<16x1xi32>
        %gather3A_611 = vector.shape_cast %broadcast_in_dim3A_610 : vector<16x1xi32> to vector<16xi32>
        %gather3A_612 = tpu.dynamic_gather %get3A_167[%gather3A_611] in [0] : vector<16xf32>, vector<16xi32> -> vector<16xf32>
        %mul3A_613 = arith.constant 16 : i32
        %mul3A_614 = arith.muli %scan3A_163, %mul3A_613 : i32
        %add3A_615 = arith.addi %mul3A_141, %mul3A_614 : i32
        %add3A_616 = arith.constant 6 : i32
        %add3A_617 = arith.addi %add3A_615, %add3A_616 : i32
        %get3A_618 = arith.index_cast %add3A_617 : i32 to index
        %get3A_619 = arith.constant 0 : index
        %get3A_620 = tpu.vector_load %arg9[%get3A_618, %get3A_619] {strides = array<i32>} : memref<240x128xf32, #tpu.memory_space<vmem>>, vector<16xf32>,
        %mul3A_621 = arith.mulf %get3A_620, %gather3A_612 : vector<16xf32>
        %swap3A_622 = arith.index_cast %add3A_617 : i32 to index
        %swap3A_623 = arith.constant 0 : index
        %swap3A_624 = tpu.vector_load %arg9[%swap3A_622, %swap3A_623] {strides = array<i32>} : memref<240x128xf32, #tpu.memory_space<vmem>>, vector<16xf32>,
        tpu.vector_store %arg9[%swap3A_622, %swap3A_623], %mul3A_621 {strides = array<i32>} : memref<240x128xf32, #tpu.memory_space<vmem>>, vector<16xf32>,
        %get3A_625 = arith.index_cast %add3A_617 : i32 to index
        %get3A_626 = arith.constant 16 : index
        %get3A_627 = tpu.vector_load %arg9[%get3A_625, %get3A_626] {strides = array<i32>} : memref<240x128xf32, #tpu.memory_space<vmem>>, vector<16xf32>,
        %mul3A_628 = arith.mulf %get3A_627, %gather3A_612 : vector<16xf32>
        %swap3A_629 = arith.index_cast %add3A_617 : i32 to index
        %swap3A_630 = arith.constant 16 : index
        %swap3A_631 = tpu.vector_load %arg9[%swap3A_629, %swap3A_630] {strides = array<i32>} : memref<240x128xf32, #tpu.memory_space<vmem>>, vector<16xf32>,
        tpu.vector_store %arg9[%swap3A_629, %swap3A_630], %mul3A_628 {strides = array<i32>} : memref<240x128xf32, #tpu.memory_space<vmem>>, vector<16xf32>,
        %get3A_632 = arith.index_cast %add3A_617 : i32 to index
        %get3A_633 = arith.constant 32 : index
        %get3A_634 = tpu.vector_load %arg9[%get3A_632, %get3A_633] {strides = array<i32>} : memref<240x128xf32, #tpu.memory_space<vmem>>, vector<16xf32>,
        %mul3A_635 = arith.mulf %get3A_634, %gather3A_612 : vector<16xf32>
        %swap3A_636 = arith.index_cast %add3A_617 : i32 to index
        %swap3A_637 = arith.constant 32 : index
        %swap3A_638 = tpu.vector_load %arg9[%swap3A_636, %swap3A_637] {strides = array<i32>} : memref<240x128xf32, #tpu.memory_space<vmem>>, vector<16xf32>,
        tpu.vector_store %arg9[%swap3A_636, %swap3A_637], %mul3A_635 {strides = array<i32>} : memref<240x128xf32, #tpu.memory_space<vmem>>, vector<16xf32>,
        %get3A_639 = arith.index_cast %add3A_617 : i32 to index
        %get3A_640 = arith.constant 48 : index
        %get3A_641 = tpu.vector_load %arg9[%get3A_639, %get3A_640] {strides = array<i32>} : memref<240x128xf32, #tpu.memory_space<vmem>>, vector<16xf32>,
        %mul3A_642 = arith.mulf %get3A_641, %gather3A_612 : vector<16xf32>
        %swap3A_643 = arith.index_cast %add3A_617 : i32 to index
        %swap3A_644 = arith.constant 48 : index
        %swap3A_645 = tpu.vector_load %arg9[%swap3A_643, %swap3A_644] {strides = array<i32>} : memref<240x128xf32, #tpu.memory_space<vmem>>, vector<16xf32>,
        tpu.vector_store %arg9[%swap3A_643, %swap3A_644], %mul3A_642 {strides = array<i32>} : memref<240x128xf32, #tpu.memory_space<vmem>>, vector<16xf32>,
        %get3A_646 = arith.index_cast %add3A_617 : i32 to index
        %get3A_647 = arith.constant 64 : index
        %get3A_648 = tpu.vector_load %arg9[%get3A_646, %get3A_647] {strides = array<i32>} : memref<240x128xf32, #tpu.memory_space<vmem>>, vector<16xf32>,
        %mul3A_649 = arith.mulf %get3A_648, %gather3A_612 : vector<16xf32>
        %swap3A_650 = arith.index_cast %add3A_617 : i32 to index
        %swap3A_651 = arith.constant 64 : index
        %swap3A_652 = tpu.vector_load %arg9[%swap3A_650, %swap3A_651] {strides = array<i32>} : memref<240x128xf32, #tpu.memory_space<vmem>>, vector<16xf32>,
        tpu.vector_store %arg9[%swap3A_650, %swap3A_651], %mul3A_649 {strides = array<i32>} : memref<240x128xf32, #tpu.memory_space<vmem>>, vector<16xf32>,
        %get3A_653 = arith.index_cast %add3A_617 : i32 to index
        %get3A_654 = arith.constant 80 : index
        %get3A_655 = tpu.vector_load %arg9[%get3A_653, %get3A_654] {strides = array<i32>} : memref<240x128xf32, #tpu.memory_space<vmem>>, vector<16xf32>,
        %mul3A_656 = arith.mulf %get3A_655, %gather3A_612 : vector<16xf32>
        %swap3A_657 = arith.index_cast %add3A_617 : i32 to index
        %swap3A_658 = arith.constant 80 : index
        %swap3A_659 = tpu.vector_load %arg9[%swap3A_657, %swap3A_658] {strides = array<i32>} : memref<240x128xf32, #tpu.memory_space<vmem>>, vector<16xf32>,
        tpu.vector_store %arg9[%swap3A_657, %swap3A_658], %mul3A_656 {strides = array<i32>} : memref<240x128xf32, #tpu.memory_space<vmem>>, vector<16xf32>,
        %get3A_660 = arith.index_cast %add3A_617 : i32 to index
        %get3A_661 = arith.constant 96 : index
        %get3A_662 = tpu.vector_load %arg9[%get3A_660, %get3A_661] {strides = array<i32>} : memref<240x128xf32, #tpu.memory_space<vmem>>, vector<16xf32>,
        %mul3A_663 = arith.mulf %get3A_662, %gather3A_612 : vector<16xf32>
        %swap3A_664 = arith.index_cast %add3A_617 : i32 to index
        %swap3A_665 = arith.constant 96 : index
        %swap3A_666 = tpu.vector_load %arg9[%swap3A_664, %swap3A_665] {strides = array<i32>} : memref<240x128xf32, #tpu.memory_space<vmem>>, vector<16xf32>,
        tpu.vector_store %arg9[%swap3A_664, %swap3A_665], %mul3A_663 {strides = array<i32>} : memref<240x128xf32, #tpu.memory_space<vmem>>, vector<16xf32>,
        %get3A_667 = arith.index_cast %add3A_617 : i32 to index
        %get3A_668 = arith.constant 112 : index
        %get3A_669 = tpu.vector_load %arg9[%get3A_667, %get3A_668] {strides = array<i32>} : memref<240x128xf32, #tpu.memory_space<vmem>>, vector<16xf32>,
        %mul3A_670 = arith.mulf %get3A_669, %gather3A_612 : vector<16xf32>
        %swap3A_671 = arith.index_cast %add3A_617 : i32 to index
        %swap3A_672 = arith.constant 112 : index
        %swap3A_673 = tpu.vector_load %arg9[%swap3A_671, %swap3A_672] {strides = array<i32>} : memref<240x128xf32, #tpu.memory_space<vmem>>, vector<16xf32>,
        tpu.vector_store %arg9[%swap3A_671, %swap3A_672], %mul3A_670 {strides = array<i32>} : memref<240x128xf32, #tpu.memory_space<vmem>>, vector<16xf32>,
        %broadcast_in_dim3A_674 = arith.constant 7 : i32
        %broadcast_in_dim3A_675 = vector.broadcast %broadcast_in_dim3A_674 : i32 to vector<16xi32>
        %lt3A_676 = arith.constant 0 : i32
        %lt3A_677 = vector.broadcast %lt3A_676 : i32 to vector<16xi32>
        %lt3A_678 = arith.cmpi slt, %broadcast_in_dim3A_675, %lt3A_677 : vector<16xi32>
        %add3A_679 = arith.constant 16 : i32
        %add3A_680 = vector.broadcast %add3A_679 : i32 to vector<16xi32>
        %add3A_681 = arith.addi %broadcast_in_dim3A_675, %add3A_680 : vector<16xi32>
        %select_n3A_682 = arith.select %lt3A_678, %add3A_681, %broadcast_in_dim3A_675 : vector<16xi1>, vector<16xi32>
        %broadcast_in_dim3A_683 = vector.shape_cast %select_n3A_682 : vector<16xi32> to vector<16x1xi32>
        %gather3A_684 = vector.shape_cast %broadcast_in_dim3A_683 : vector<16x1xi32> to vector<16xi32>
        %gather3A_685 = tpu.dynamic_gather %get3A_167[%gather3A_684] in [0] : vector<16xf32>, vector<16xi32> -> vector<16xf32>
        %mul3A_686 = arith.constant 16 : i32
        %mul3A_687 = arith.muli %scan3A_163, %mul3A_686 : i32
        %add3A_688 = arith.addi %mul3A_141, %mul3A_687 : i32
        %add3A_689 = arith.constant 7 : i32
        %add3A_690 = arith.addi %add3A_688, %add3A_689 : i32
        %get3A_691 = arith.index_cast %add3A_690 : i32 to index
        %get3A_692 = arith.constant 0 : index
        %get3A_693 = tpu.vector_load %arg9[%get3A_691, %get3A_692] {strides = array<i32>} : memref<240x128xf32, #tpu.memory_space<vmem>>, vector<16xf32>,
        %mul3A_694 = arith.mulf %get3A_693, %gather3A_685 : vector<16xf32>
        %swap3A_695 = arith.index_cast %add3A_690 : i32 to index
        %swap3A_696 = arith.constant 0 : index
        %swap3A_697 = tpu.vector_load %arg9[%swap3A_695, %swap3A_696] {strides = array<i32>} : memref<240x128xf32, #tpu.memory_space<vmem>>, vector<16xf32>,
        tpu.vector_store %arg9[%swap3A_695, %swap3A_696], %mul3A_694 {strides = array<i32>} : memref<240x128xf32, #tpu.memory_space<vmem>>, vector<16xf32>,
        %get3A_698 = arith.index_cast %add3A_690 : i32 to index
        %get3A_699 = arith.constant 16 : index
        %get3A_700 = tpu.vector_load %arg9[%get3A_698, %get3A_699] {strides = array<i32>} : memref<240x128xf32, #tpu.memory_space<vmem>>, vector<16xf32>,
        %mul3A_701 = arith.mulf %get3A_700, %gather3A_685 : vector<16xf32>
        %swap3A_702 = arith.index_cast %add3A_690 : i32 to index
        %swap3A_703 = arith.constant 16 : index
        %swap3A_704 = tpu.vector_load %arg9[%swap3A_702, %swap3A_703] {strides = array<i32>} : memref<240x128xf32, #tpu.memory_space<vmem>>, vector<16xf32>,
        tpu.vector_store %arg9[%swap3A_702, %swap3A_703], %mul3A_701 {strides = array<i32>} : memref<240x128xf32, #tpu.memory_space<vmem>>, vector<16xf32>,
        %get3A_705 = arith.index_cast %add3A_690 : i32 to index
        %get3A_706 = arith.constant 32 : index
        %get3A_707 = tpu.vector_load %arg9[%get3A_705, %get3A_706] {strides = array<i32>} : memref<240x128xf32, #tpu.memory_space<vmem>>, vector<16xf32>,
        %mul3A_708 = arith.mulf %get3A_707, %gather3A_685 : vector<16xf32>
        %swap3A_709 = arith.index_cast %add3A_690 : i32 to index
        %swap3A_710 = arith.constant 32 : index
        %swap3A_711 = tpu.vector_load %arg9[%swap3A_709, %swap3A_710] {strides = array<i32>} : memref<240x128xf32, #tpu.memory_space<vmem>>, vector<16xf32>,
        tpu.vector_store %arg9[%swap3A_709, %swap3A_710], %mul3A_708 {strides = array<i32>} : memref<240x128xf32, #tpu.memory_space<vmem>>, vector<16xf32>,
        %get3A_712 = arith.index_cast %add3A_690 : i32 to index
        %get3A_713 = arith.constant 48 : index
        %get3A_714 = tpu.vector_load %arg9[%get3A_712, %get3A_713] {strides = array<i32>} : memref<240x128xf32, #tpu.memory_space<vmem>>, vector<16xf32>,
        %mul3A_715 = arith.mulf %get3A_714, %gather3A_685 : vector<16xf32>
        %swap3A_716 = arith.index_cast %add3A_690 : i32 to index
        %swap3A_717 = arith.constant 48 : index
        %swap3A_718 = tpu.vector_load %arg9[%swap3A_716, %swap3A_717] {strides = array<i32>} : memref<240x128xf32, #tpu.memory_space<vmem>>, vector<16xf32>,
        tpu.vector_store %arg9[%swap3A_716, %swap3A_717], %mul3A_715 {strides = array<i32>} : memref<240x128xf32, #tpu.memory_space<vmem>>, vector<16xf32>,
        %get3A_719 = arith.index_cast %add3A_690 : i32 to index
        %get3A_720 = arith.constant 64 : index
        %get3A_721 = tpu.vector_load %arg9[%get3A_719, %get3A_720] {strides = array<i32>} : memref<240x128xf32, #tpu.memory_space<vmem>>, vector<16xf32>,
        %mul3A_722 = arith.mulf %get3A_721, %gather3A_685 : vector<16xf32>
        %swap3A_723 = arith.index_cast %add3A_690 : i32 to index
        %swap3A_724 = arith.constant 64 : index
        %swap3A_725 = tpu.vector_load %arg9[%swap3A_723, %swap3A_724] {strides = array<i32>} : memref<240x128xf32, #tpu.memory_space<vmem>>, vector<16xf32>,
        tpu.vector_store %arg9[%swap3A_723, %swap3A_724], %mul3A_722 {strides = array<i32>} : memref<240x128xf32, #tpu.memory_space<vmem>>, vector<16xf32>,
        %get3A_726 = arith.index_cast %add3A_690 : i32 to index
        %get3A_727 = arith.constant 80 : index
        %get3A_728 = tpu.vector_load %arg9[%get3A_726, %get3A_727] {strides = array<i32>} : memref<240x128xf32, #tpu.memory_space<vmem>>, vector<16xf32>,
        %mul3A_729 = arith.mulf %get3A_728, %gather3A_685 : vector<16xf32>
        %swap3A_730 = arith.index_cast %add3A_690 : i32 to index
        %swap3A_731 = arith.constant 80 : index
        %swap3A_732 = tpu.vector_load %arg9[%swap3A_730, %swap3A_731] {strides = array<i32>} : memref<240x128xf32, #tpu.memory_space<vmem>>, vector<16xf32>,
        tpu.vector_store %arg9[%swap3A_730, %swap3A_731], %mul3A_729 {strides = array<i32>} : memref<240x128xf32, #tpu.memory_space<vmem>>, vector<16xf32>,
        %get3A_733 = arith.index_cast %add3A_690 : i32 to index
        %get3A_734 = arith.constant 96 : index
        %get3A_735 = tpu.vector_load %arg9[%get3A_733, %get3A_734] {strides = array<i32>} : memref<240x128xf32, #tpu.memory_space<vmem>>, vector<16xf32>,
        %mul3A_736 = arith.mulf %get3A_735, %gather3A_685 : vector<16xf32>
        %swap3A_737 = arith.index_cast %add3A_690 : i32 to index
        %swap3A_738 = arith.constant 96 : index
        %swap3A_739 = tpu.vector_load %arg9[%swap3A_737, %swap3A_738] {strides = array<i32>} : memref<240x128xf32, #tpu.memory_space<vmem>>, vector<16xf32>,
        tpu.vector_store %arg9[%swap3A_737, %swap3A_738], %mul3A_736 {strides = array<i32>} : memref<240x128xf32, #tpu.memory_space<vmem>>, vector<16xf32>,
        %get3A_740 = arith.index_cast %add3A_690 : i32 to index
        %get3A_741 = arith.constant 112 : index
        %get3A_742 = tpu.vector_load %arg9[%get3A_740, %get3A_741] {strides = array<i32>} : memref<240x128xf32, #tpu.memory_space<vmem>>, vector<16xf32>,
        %mul3A_743 = arith.mulf %get3A_742, %gather3A_685 : vector<16xf32>
        %swap3A_744 = arith.index_cast %add3A_690 : i32 to index
        %swap3A_745 = arith.constant 112 : index
        %swap3A_746 = tpu.vector_load %arg9[%swap3A_744, %swap3A_745] {strides = array<i32>} : memref<240x128xf32, #tpu.memory_space<vmem>>, vector<16xf32>,
        tpu.vector_store %arg9[%swap3A_744, %swap3A_745], %mul3A_743 {strides = array<i32>} : memref<240x128xf32, #tpu.memory_space<vmem>>, vector<16xf32>,
        %broadcast_in_dim3A_747 = arith.constant 8 : i32
        %broadcast_in_dim3A_748 = vector.broadcast %broadcast_in_dim3A_747 : i32 to vector<16xi32>
        %lt3A_749 = arith.constant 0 : i32
        %lt3A_750 = vector.broadcast %lt3A_749 : i32 to vector<16xi32>
        %lt3A_751 = arith.cmpi slt, %broadcast_in_dim3A_748, %lt3A_750 : vector<16xi32>
        %add3A_752 = arith.constant 16 : i32
        %add3A_753 = vector.broadcast %add3A_752 : i32 to vector<16xi32>
        %add3A_754 = arith.addi %broadcast_in_dim3A_748, %add3A_753 : vector<16xi32>
        %select_n3A_755 = arith.select %lt3A_751, %add3A_754, %broadcast_in_dim3A_748 : vector<16xi1>, vector<16xi32>
        %broadcast_in_dim3A_756 = vector.shape_cast %select_n3A_755 : vector<16xi32> to vector<16x1xi32>
        %gather3A_757 = vector.shape_cast %broadcast_in_dim3A_756 : vector<16x1xi32> to vector<16xi32>
        %gather3A_758 = tpu.dynamic_gather %get3A_167[%gather3A_757] in [0] : vector<16xf32>, vector<16xi32> -> vector<16xf32>
        %mul3A_759 = arith.constant 16 : i32
        %mul3A_760 = arith.muli %scan3A_163, %mul3A_759 : i32
        %add3A_761 = arith.addi %mul3A_141, %mul3A_760 : i32
        %add3A_762 = arith.constant 8 : i32
        %add3A_763 = arith.addi %add3A_761, %add3A_762 : i32
        %get3A_764 = arith.index_cast %add3A_763 : i32 to index
        %get3A_765 = arith.constant 0 : index
        %get3A_766 = tpu.vector_load %arg9[%get3A_764, %get3A_765] {strides = array<i32>} : memref<240x128xf32, #tpu.memory_space<vmem>>, vector<16xf32>,
        %mul3A_767 = arith.mulf %get3A_766, %gather3A_758 : vector<16xf32>
        %swap3A_768 = arith.index_cast %add3A_763 : i32 to index
        %swap3A_769 = arith.constant 0 : index
        %swap3A_770 = tpu.vector_load %arg9[%swap3A_768, %swap3A_769] {strides = array<i32>} : memref<240x128xf32, #tpu.memory_space<vmem>>, vector<16xf32>,
        tpu.vector_store %arg9[%swap3A_768, %swap3A_769], %mul3A_767 {strides = array<i32>} : memref<240x128xf32, #tpu.memory_space<vmem>>, vector<16xf32>,
        %get3A_771 = arith.index_cast %add3A_763 : i32 to index
        %get3A_772 = arith.constant 16 : index
        %get3A_773 = tpu.vector_load %arg9[%get3A_771, %get3A_772] {strides = array<i32>} : memref<240x128xf32, #tpu.memory_space<vmem>>, vector<16xf32>,
        %mul3A_774 = arith.mulf %get3A_773, %gather3A_758 : vector<16xf32>
        %swap3A_775 = arith.index_cast %add3A_763 : i32 to index
        %swap3A_776 = arith.constant 16 : index
        %swap3A_777 = tpu.vector_load %arg9[%swap3A_775, %swap3A_776] {strides = array<i32>} : memref<240x128xf32, #tpu.memory_space<vmem>>, vector<16xf32>,
        tpu.vector_store %arg9[%swap3A_775, %swap3A_776], %mul3A_774 {strides = array<i32>} : memref<240x128xf32, #tpu.memory_space<vmem>>, vector<16xf32>,
        %get3A_778 = arith.index_cast %add3A_763 : i32 to index
        %get3A_779 = arith.constant 32 : index
        %get3A_780 = tpu.vector_load %arg9[%get3A_778, %get3A_779] {strides = array<i32>} : memref<240x128xf32, #tpu.memory_space<vmem>>, vector<16xf32>,
        %mul3A_781 = arith.mulf %get3A_780, %gather3A_758 : vector<16xf32>
        %swap3A_782 = arith.index_cast %add3A_763 : i32 to index
        %swap3A_783 = arith.constant 32 : index
        %swap3A_784 = tpu.vector_load %arg9[%swap3A_782, %swap3A_783] {strides = array<i32>} : memref<240x128xf32, #tpu.memory_space<vmem>>, vector<16xf32>,
        tpu.vector_store %arg9[%swap3A_782, %swap3A_783], %mul3A_781 {strides = array<i32>} : memref<240x128xf32, #tpu.memory_space<vmem>>, vector<16xf32>,
        %get3A_785 = arith.index_cast %add3A_763 : i32 to index
        %get3A_786 = arith.constant 48 : index
        %get3A_787 = tpu.vector_load %arg9[%get3A_785, %get3A_786] {strides = array<i32>} : memref<240x128xf32, #tpu.memory_space<vmem>>, vector<16xf32>,
        %mul3A_788 = arith.mulf %get3A_787, %gather3A_758 : vector<16xf32>
        %swap3A_789 = arith.index_cast %add3A_763 : i32 to index
        %swap3A_790 = arith.constant 48 : index
        %swap3A_791 = tpu.vector_load %arg9[%swap3A_789, %swap3A_790] {strides = array<i32>} : memref<240x128xf32, #tpu.memory_space<vmem>>, vector<16xf32>,
        tpu.vector_store %arg9[%swap3A_789, %swap3A_790], %mul3A_788 {strides = array<i32>} : memref<240x128xf32, #tpu.memory_space<vmem>>, vector<16xf32>,
        %get3A_792 = arith.index_cast %add3A_763 : i32 to index
        %get3A_793 = arith.constant 64 : index
        %get3A_794 = tpu.vector_load %arg9[%get3A_792, %get3A_793] {strides = array<i32>} : memref<240x128xf32, #tpu.memory_space<vmem>>, vector<16xf32>,
        %mul3A_795 = arith.mulf %get3A_794, %gather3A_758 : vector<16xf32>
        %swap3A_796 = arith.index_cast %add3A_763 : i32 to index
        %swap3A_797 = arith.constant 64 : index
        %swap3A_798 = tpu.vector_load %arg9[%swap3A_796, %swap3A_797] {strides = array<i32>} : memref<240x128xf32, #tpu.memory_space<vmem>>, vector<16xf32>,
        tpu.vector_store %arg9[%swap3A_796, %swap3A_797], %mul3A_795 {strides = array<i32>} : memref<240x128xf32, #tpu.memory_space<vmem>>, vector<16xf32>,
        %get3A_799 = arith.index_cast %add3A_763 : i32 to index
        %get3A_800 = arith.constant 80 : index
        %get3A_801 = tpu.vector_load %arg9[%get3A_799, %get3A_800] {strides = array<i32>} : memref<240x128xf32, #tpu.memory_space<vmem>>, vector<16xf32>,
        %mul3A_802 = arith.mulf %get3A_801, %gather3A_758 : vector<16xf32>
        %swap3A_803 = arith.index_cast %add3A_763 : i32 to index
        %swap3A_804 = arith.constant 80 : index
        %swap3A_805 = tpu.vector_load %arg9[%swap3A_803, %swap3A_804] {strides = array<i32>} : memref<240x128xf32, #tpu.memory_space<vmem>>, vector<16xf32>,
        tpu.vector_store %arg9[%swap3A_803, %swap3A_804], %mul3A_802 {strides = array<i32>} : memref<240x128xf32, #tpu.memory_space<vmem>>, vector<16xf32>,
        %get3A_806 = arith.index_cast %add3A_763 : i32 to index
        %get3A_807 = arith.constant 96 : index
        %get3A_808 = tpu.vector_load %arg9[%get3A_806, %get3A_807] {strides = array<i32>} : memref<240x128xf32, #tpu.memory_space<vmem>>, vector<16xf32>,
        %mul3A_809 = arith.mulf %get3A_808, %gather3A_758 : vector<16xf32>
        %swap3A_810 = arith.index_cast %add3A_763 : i32 to index
        %swap3A_811 = arith.constant 96 : index
        %swap3A_812 = tpu.vector_load %arg9[%swap3A_810, %swap3A_811] {strides = array<i32>} : memref<240x128xf32, #tpu.memory_space<vmem>>, vector<16xf32>,
        tpu.vector_store %arg9[%swap3A_810, %swap3A_811], %mul3A_809 {strides = array<i32>} : memref<240x128xf32, #tpu.memory_space<vmem>>, vector<16xf32>,
        %get3A_813 = arith.index_cast %add3A_763 : i32 to index
        %get3A_814 = arith.constant 112 : index
        %get3A_815 = tpu.vector_load %arg9[%get3A_813, %get3A_814] {strides = array<i32>} : memref<240x128xf32, #tpu.memory_space<vmem>>, vector<16xf32>,
        %mul3A_816 = arith.mulf %get3A_815, %gather3A_758 : vector<16xf32>
        %swap3A_817 = arith.index_cast %add3A_763 : i32 to index
        %swap3A_818 = arith.constant 112 : index
        %swap3A_819 = tpu.vector_load %arg9[%swap3A_817, %swap3A_818] {strides = array<i32>} : memref<240x128xf32, #tpu.memory_space<vmem>>, vector<16xf32>,
        tpu.vector_store %arg9[%swap3A_817, %swap3A_818], %mul3A_816 {strides = array<i32>} : memref<240x128xf32, #tpu.memory_space<vmem>>, vector<16xf32>,
        %broadcast_in_dim3A_820 = arith.constant 9 : i32
        %broadcast_in_dim3A_821 = vector.broadcast %broadcast_in_dim3A_820 : i32 to vector<16xi32>
        %lt3A_822 = arith.constant 0 : i32
        %lt3A_823 = vector.broadcast %lt3A_822 : i32 to vector<16xi32>
        %lt3A_824 = arith.cmpi slt, %broadcast_in_dim3A_821, %lt3A_823 : vector<16xi32>
        %add3A_825 = arith.constant 16 : i32
        %add3A_826 = vector.broadcast %add3A_825 : i32 to vector<16xi32>
        %add3A_827 = arith.addi %broadcast_in_dim3A_821, %add3A_826 : vector<16xi32>
        %select_n3A_828 = arith.select %lt3A_824, %add3A_827, %broadcast_in_dim3A_821 : vector<16xi1>, vector<16xi32>
        %broadcast_in_dim3A_829 = vector.shape_cast %select_n3A_828 : vector<16xi32> to vector<16x1xi32>
        %gather3A_830 = vector.shape_cast %broadcast_in_dim3A_829 : vector<16x1xi32> to vector<16xi32>
        %gather3A_831 = tpu.dynamic_gather %get3A_167[%gather3A_830] in [0] : vector<16xf32>, vector<16xi32> -> vector<16xf32>
        %mul3A_832 = arith.constant 16 : i32
        %mul3A_833 = arith.muli %scan3A_163, %mul3A_832 : i32
        %add3A_834 = arith.addi %mul3A_141, %mul3A_833 : i32
        %add3A_835 = arith.constant 9 : i32
        %add3A_836 = arith.addi %add3A_834, %add3A_835 : i32
        %get3A_837 = arith.index_cast %add3A_836 : i32 to index
        %get3A_838 = arith.constant 0 : index
        %get3A_839 = tpu.vector_load %arg9[%get3A_837, %get3A_838] {strides = array<i32>} : memref<240x128xf32, #tpu.memory_space<vmem>>, vector<16xf32>,
        %mul3A_840 = arith.mulf %get3A_839, %gather3A_831 : vector<16xf32>
        %swap3A_841 = arith.index_cast %add3A_836 : i32 to index
        %swap3A_842 = arith.constant 0 : index
        %swap3A_843 = tpu.vector_load %arg9[%swap3A_841, %swap3A_842] {strides = array<i32>} : memref<240x128xf32, #tpu.memory_space<vmem>>, vector<16xf32>,
        tpu.vector_store %arg9[%swap3A_841, %swap3A_842], %mul3A_840 {strides = array<i32>} : memref<240x128xf32, #tpu.memory_space<vmem>>, vector<16xf32>,
        %get3A_844 = arith.index_cast %add3A_836 : i32 to index
        %get3A_845 = arith.constant 16 : index
        %get3A_846 = tpu.vector_load %arg9[%get3A_844, %get3A_845] {strides = array<i32>} : memref<240x128xf32, #tpu.memory_space<vmem>>, vector<16xf32>,
        %mul3A_847 = arith.mulf %get3A_846, %gather3A_831 : vector<16xf32>
        %swap3A_848 = arith.index_cast %add3A_836 : i32 to index
        %swap3A_849 = arith.constant 16 : index
        %swap3A_850 = tpu.vector_load %arg9[%swap3A_848, %swap3A_849] {strides = array<i32>} : memref<240x128xf32, #tpu.memory_space<vmem>>, vector<16xf32>,
        tpu.vector_store %arg9[%swap3A_848, %swap3A_849], %mul3A_847 {strides = array<i32>} : memref<240x128xf32, #tpu.memory_space<vmem>>, vector<16xf32>,
        %get3A_851 = arith.index_cast %add3A_836 : i32 to index
        %get3A_852 = arith.constant 32 : index
        %get3A_853 = tpu.vector_load %arg9[%get3A_851, %get3A_852] {strides = array<i32>} : memref<240x128xf32, #tpu.memory_space<vmem>>, vector<16xf32>,
        %mul3A_854 = arith.mulf %get3A_853, %gather3A_831 : vector<16xf32>
        %swap3A_855 = arith.index_cast %add3A_836 : i32 to index
        %swap3A_856 = arith.constant 32 : index
        %swap3A_857 = tpu.vector_load %arg9[%swap3A_855, %swap3A_856] {strides = array<i32>} : memref<240x128xf32, #tpu.memory_space<vmem>>, vector<16xf32>,
        tpu.vector_store %arg9[%swap3A_855, %swap3A_856], %mul3A_854 {strides = array<i32>} : memref<240x128xf32, #tpu.memory_space<vmem>>, vector<16xf32>,
        %get3A_858 = arith.index_cast %add3A_836 : i32 to index
        %get3A_859 = arith.constant 48 : index
        %get3A_860 = tpu.vector_load %arg9[%get3A_858, %get3A_859] {strides = array<i32>} : memref<240x128xf32, #tpu.memory_space<vmem>>, vector<16xf32>,
        %mul3A_861 = arith.mulf %get3A_860, %gather3A_831 : vector<16xf32>
        %swap3A_862 = arith.index_cast %add3A_836 : i32 to index
        %swap3A_863 = arith.constant 48 : index
        %swap3A_864 = tpu.vector_load %arg9[%swap3A_862, %swap3A_863] {strides = array<i32>} : memref<240x128xf32, #tpu.memory_space<vmem>>, vector<16xf32>,
        tpu.vector_store %arg9[%swap3A_862, %swap3A_863], %mul3A_861 {strides = array<i32>} : memref<240x128xf32, #tpu.memory_space<vmem>>, vector<16xf32>,
        %get3A_865 = arith.index_cast %add3A_836 : i32 to index
        %get3A_866 = arith.constant 64 : index
        %get3A_867 = tpu.vector_load %arg9[%get3A_865, %get3A_866] {strides = array<i32>} : memref<240x128xf32, #tpu.memory_space<vmem>>, vector<16xf32>,
        %mul3A_868 = arith.mulf %get3A_867, %gather3A_831 : vector<16xf32>
        %swap3A_869 = arith.index_cast %add3A_836 : i32 to index
        %swap3A_870 = arith.constant 64 : index
        %swap3A_871 = tpu.vector_load %arg9[%swap3A_869, %swap3A_870] {strides = array<i32>} : memref<240x128xf32, #tpu.memory_space<vmem>>, vector<16xf32>,
        tpu.vector_store %arg9[%swap3A_869, %swap3A_870], %mul3A_868 {strides = array<i32>} : memref<240x128xf32, #tpu.memory_space<vmem>>, vector<16xf32>,
        %get3A_872 = arith.index_cast %add3A_836 : i32 to index
        %get3A_873 = arith.constant 80 : index
        %get3A_874 = tpu.vector_load %arg9[%get3A_872, %get3A_873] {strides = array<i32>} : memref<240x128xf32, #tpu.memory_space<vmem>>, vector<16xf32>,
        %mul3A_875 = arith.mulf %get3A_874, %gather3A_831 : vector<16xf32>
        %swap3A_876 = arith.index_cast %add3A_836 : i32 to index
        %swap3A_877 = arith.constant 80 : index
        %swap3A_878 = tpu.vector_load %arg9[%swap3A_876, %swap3A_877] {strides = array<i32>} : memref<240x128xf32, #tpu.memory_space<vmem>>, vector<16xf32>,
        tpu.vector_store %arg9[%swap3A_876, %swap3A_877], %mul3A_875 {strides = array<i32>} : memref<240x128xf32, #tpu.memory_space<vmem>>, vector<16xf32>,
        %get3A_879 = arith.index_cast %add3A_836 : i32 to index
        %get3A_880 = arith.constant 96 : index
        %get3A_881 = tpu.vector_load %arg9[%get3A_879, %get3A_880] {strides = array<i32>} : memref<240x128xf32, #tpu.memory_space<vmem>>, vector<16xf32>,
        %mul3A_882 = arith.mulf %get3A_881, %gather3A_831 : vector<16xf32>
        %swap3A_883 = arith.index_cast %add3A_836 : i32 to index
        %swap3A_884 = arith.constant 96 : index
        %swap3A_885 = tpu.vector_load %arg9[%swap3A_883, %swap3A_884] {strides = array<i32>} : memref<240x128xf32, #tpu.memory_space<vmem>>, vector<16xf32>,
        tpu.vector_store %arg9[%swap3A_883, %swap3A_884], %mul3A_882 {strides = array<i32>} : memref<240x128xf32, #tpu.memory_space<vmem>>, vector<16xf32>,
        %get3A_886 = arith.index_cast %add3A_836 : i32 to index
        %get3A_887 = arith.constant 112 : index
        %get3A_888 = tpu.vector_load %arg9[%get3A_886, %get3A_887] {strides = array<i32>} : memref<240x128xf32, #tpu.memory_space<vmem>>, vector<16xf32>,
        %mul3A_889 = arith.mulf %get3A_888, %gather3A_831 : vector<16xf32>
        %swap3A_890 = arith.index_cast %add3A_836 : i32 to index
        %swap3A_891 = arith.constant 112 : index
        %swap3A_892 = tpu.vector_load %arg9[%swap3A_890, %swap3A_891] {strides = array<i32>} : memref<240x128xf32, #tpu.memory_space<vmem>>, vector<16xf32>,
        tpu.vector_store %arg9[%swap3A_890, %swap3A_891], %mul3A_889 {strides = array<i32>} : memref<240x128xf32, #tpu.memory_space<vmem>>, vector<16xf32>,
        %broadcast_in_dim3A_893 = arith.constant 10 : i32
        %broadcast_in_dim3A_894 = vector.broadcast %broadcast_in_dim3A_893 : i32 to vector<16xi32>
        %lt3A_895 = arith.constant 0 : i32
        %lt3A_896 = vector.broadcast %lt3A_895 : i32 to vector<16xi32>
        %lt3A_897 = arith.cmpi slt, %broadcast_in_dim3A_894, %lt3A_896 : vector<16xi32>
        %add3A_898 = arith.constant 16 : i32
        %add3A_899 = vector.broadcast %add3A_898 : i32 to vector<16xi32>
        %add3A_900 = arith.addi %broadcast_in_dim3A_894, %add3A_899 : vector<16xi32>
        %select_n3A_901 = arith.select %lt3A_897, %add3A_900, %broadcast_in_dim3A_894 : vector<16xi1>, vector<16xi32>
        %broadcast_in_dim3A_902 = vector.shape_cast %select_n3A_901 : vector<16xi32> to vector<16x1xi32>
        %gather3A_903 = vector.shape_cast %broadcast_in_dim3A_902 : vector<16x1xi32> to vector<16xi32>
        %gather3A_904 = tpu.dynamic_gather %get3A_167[%gather3A_903] in [0] : vector<16xf32>, vector<16xi32> -> vector<16xf32>
        %mul3A_905 = arith.constant 16 : i32
        %mul3A_906 = arith.muli %scan3A_163, %mul3A_905 : i32
        %add3A_907 = arith.addi %mul3A_141, %mul3A_906 : i32
        %add3A_908 = arith.constant 10 : i32
        %add3A_909 = arith.addi %add3A_907, %add3A_908 : i32
        %get3A_910 = arith.index_cast %add3A_909 : i32 to index
        %get3A_911 = arith.constant 0 : index
        %get3A_912 = tpu.vector_load %arg9[%get3A_910, %get3A_911] {strides = array<i32>} : memref<240x128xf32, #tpu.memory_space<vmem>>, vector<16xf32>,
        %mul3A_913 = arith.mulf %get3A_912, %gather3A_904 : vector<16xf32>
        %swap3A_914 = arith.index_cast %add3A_909 : i32 to index
        %swap3A_915 = arith.constant 0 : index
        %swap3A_916 = tpu.vector_load %arg9[%swap3A_914, %swap3A_915] {strides = array<i32>} : memref<240x128xf32, #tpu.memory_space<vmem>>, vector<16xf32>,
        tpu.vector_store %arg9[%swap3A_914, %swap3A_915], %mul3A_913 {strides = array<i32>} : memref<240x128xf32, #tpu.memory_space<vmem>>, vector<16xf32>,
        %get3A_917 = arith.index_cast %add3A_909 : i32 to index
        %get3A_918 = arith.constant 16 : index
        %get3A_919 = tpu.vector_load %arg9[%get3A_917, %get3A_918] {strides = array<i32>} : memref<240x128xf32, #tpu.memory_space<vmem>>, vector<16xf32>,
        %mul3A_920 = arith.mulf %get3A_919, %gather3A_904 : vector<16xf32>
        %swap3A_921 = arith.index_cast %add3A_909 : i32 to index
        %swap3A_922 = arith.constant 16 : index
        %swap3A_923 = tpu.vector_load %arg9[%swap3A_921, %swap3A_922] {strides = array<i32>} : memref<240x128xf32, #tpu.memory_space<vmem>>, vector<16xf32>,
        tpu.vector_store %arg9[%swap3A_921, %swap3A_922], %mul3A_920 {strides = array<i32>} : memref<240x128xf32, #tpu.memory_space<vmem>>, vector<16xf32>,
        %get3A_924 = arith.index_cast %add3A_909 : i32 to index
        %get3A_925 = arith.constant 32 : index
        %get3A_926 = tpu.vector_load %arg9[%get3A_924, %get3A_925] {strides = array<i32>} : memref<240x128xf32, #tpu.memory_space<vmem>>, vector<16xf32>,
        %mul3A_927 = arith.mulf %get3A_926, %gather3A_904 : vector<16xf32>
        %swap3A_928 = arith.index_cast %add3A_909 : i32 to index
        %swap3A_929 = arith.constant 32 : index
        %swap3A_930 = tpu.vector_load %arg9[%swap3A_928, %swap3A_929] {strides = array<i32>} : memref<240x128xf32, #tpu.memory_space<vmem>>, vector<16xf32>,
        tpu.vector_store %arg9[%swap3A_928, %swap3A_929], %mul3A_927 {strides = array<i32>} : memref<240x128xf32, #tpu.memory_space<vmem>>, vector<16xf32>,
        %get3A_931 = arith.index_cast %add3A_909 : i32 to index
        %get3A_932 = arith.constant 48 : index
        %get3A_933 = tpu.vector_load %arg9[%get3A_931, %get3A_932] {strides = array<i32>} : memref<240x128xf32, #tpu.memory_space<vmem>>, vector<16xf32>,
        %mul3A_934 = arith.mulf %get3A_933, %gather3A_904 : vector<16xf32>
        %swap3A_935 = arith.index_cast %add3A_909 : i32 to index
        %swap3A_936 = arith.constant 48 : index
        %swap3A_937 = tpu.vector_load %arg9[%swap3A_935, %swap3A_936] {strides = array<i32>} : memref<240x128xf32, #tpu.memory_space<vmem>>, vector<16xf32>,
        tpu.vector_store %arg9[%swap3A_935, %swap3A_936], %mul3A_934 {strides = array<i32>} : memref<240x128xf32, #tpu.memory_space<vmem>>, vector<16xf32>,
        %get3A_938 = arith.index_cast %add3A_909 : i32 to index
        %get3A_939 = arith.constant 64 : index
        %get3A_940 = tpu.vector_load %arg9[%get3A_938, %get3A_939] {strides = array<i32>} : memref<240x128xf32, #tpu.memory_space<vmem>>, vector<16xf32>,
        %mul3A_941 = arith.mulf %get3A_940, %gather3A_904 : vector<16xf32>
        %swap3A_942 = arith.index_cast %add3A_909 : i32 to index
        %swap3A_943 = arith.constant 64 : index
        %swap3A_944 = tpu.vector_load %arg9[%swap3A_942, %swap3A_943] {strides = array<i32>} : memref<240x128xf32, #tpu.memory_space<vmem>>, vector<16xf32>,
        tpu.vector_store %arg9[%swap3A_942, %swap3A_943], %mul3A_941 {strides = array<i32>} : memref<240x128xf32, #tpu.memory_space<vmem>>, vector<16xf32>,
        %get3A_945 = arith.index_cast %add3A_909 : i32 to index
        %get3A_946 = arith.constant 80 : index
        %get3A_947 = tpu.vector_load %arg9[%get3A_945, %get3A_946] {strides = array<i32>} : memref<240x128xf32, #tpu.memory_space<vmem>>, vector<16xf32>,
        %mul3A_948 = arith.mulf %get3A_947, %gather3A_904 : vector<16xf32>
        %swap3A_949 = arith.index_cast %add3A_909 : i32 to index
        %swap3A_950 = arith.constant 80 : index
        %swap3A_951 = tpu.vector_load %arg9[%swap3A_949, %swap3A_950] {strides = array<i32>} : memref<240x128xf32, #tpu.memory_space<vmem>>, vector<16xf32>,
        tpu.vector_store %arg9[%swap3A_949, %swap3A_950], %mul3A_948 {strides = array<i32>} : memref<240x128xf32, #tpu.memory_space<vmem>>, vector<16xf32>,
        %get3A_952 = arith.index_cast %add3A_909 : i32 to index
        %get3A_953 = arith.constant 96 : index
        %get3A_954 = tpu.vector_load %arg9[%get3A_952, %get3A_953] {strides = array<i32>} : memref<240x128xf32, #tpu.memory_space<vmem>>, vector<16xf32>,
        %mul3A_955 = arith.mulf %get3A_954, %gather3A_904 : vector<16xf32>
        %swap3A_956 = arith.index_cast %add3A_909 : i32 to index
        %swap3A_957 = arith.constant 96 : index
        %swap3A_958 = tpu.vector_load %arg9[%swap3A_956, %swap3A_957] {strides = array<i32>} : memref<240x128xf32, #tpu.memory_space<vmem>>, vector<16xf32>,
        tpu.vector_store %arg9[%swap3A_956, %swap3A_957], %mul3A_955 {strides = array<i32>} : memref<240x128xf32, #tpu.memory_space<vmem>>, vector<16xf32>,
        %get3A_959 = arith.index_cast %add3A_909 : i32 to index
        %get3A_960 = arith.constant 112 : index
        %get3A_961 = tpu.vector_load %arg9[%get3A_959, %get3A_960] {strides = array<i32>} : memref<240x128xf32, #tpu.memory_space<vmem>>, vector<16xf32>,
        %mul3A_962 = arith.mulf %get3A_961, %gather3A_904 : vector<16xf32>
        %swap3A_963 = arith.index_cast %add3A_909 : i32 to index
        %swap3A_964 = arith.constant 112 : index
        %swap3A_965 = tpu.vector_load %arg9[%swap3A_963, %swap3A_964] {strides = array<i32>} : memref<240x128xf32, #tpu.memory_space<vmem>>, vector<16xf32>,
        tpu.vector_store %arg9[%swap3A_963, %swap3A_964], %mul3A_962 {strides = array<i32>} : memref<240x128xf32, #tpu.memory_space<vmem>>, vector<16xf32>,
        %broadcast_in_dim3A_966 = arith.constant 11 : i32
        %broadcast_in_dim3A_967 = vector.broadcast %broadcast_in_dim3A_966 : i32 to vector<16xi32>
        %lt3A_968 = arith.constant 0 : i32
        %lt3A_969 = vector.broadcast %lt3A_968 : i32 to vector<16xi32>
        %lt3A_970 = arith.cmpi slt, %broadcast_in_dim3A_967, %lt3A_969 : vector<16xi32>
        %add3A_971 = arith.constant 16 : i32
        %add3A_972 = vector.broadcast %add3A_971 : i32 to vector<16xi32>
        %add3A_973 = arith.addi %broadcast_in_dim3A_967, %add3A_972 : vector<16xi32>
        %select_n3A_974 = arith.select %lt3A_970, %add3A_973, %broadcast_in_dim3A_967 : vector<16xi1>, vector<16xi32>
        %broadcast_in_dim3A_975 = vector.shape_cast %select_n3A_974 : vector<16xi32> to vector<16x1xi32>
        %gather3A_976 = vector.shape_cast %broadcast_in_dim3A_975 : vector<16x1xi32> to vector<16xi32>
        %gather3A_977 = tpu.dynamic_gather %get3A_167[%gather3A_976] in [0] : vector<16xf32>, vector<16xi32> -> vector<16xf32>
        %mul3A_978 = arith.constant 16 : i32
        %mul3A_979 = arith.muli %scan3A_163, %mul3A_978 : i32
        %add3A_980 = arith.addi %mul3A_141, %mul3A_979 : i32
        %add3A_981 = arith.constant 11 : i32
        %add3A_982 = arith.addi %add3A_980, %add3A_981 : i32
        %get3A_983 = arith.index_cast %add3A_982 : i32 to index
        %get3A_984 = arith.constant 0 : index
        %get3A_985 = tpu.vector_load %arg9[%get3A_983, %get3A_984] {strides = array<i32>} : memref<240x128xf32, #tpu.memory_space<vmem>>, vector<16xf32>,
        %mul3A_986 = arith.mulf %get3A_985, %gather3A_977 : vector<16xf32>
        %swap3A_987 = arith.index_cast %add3A_982 : i32 to index
        %swap3A_988 = arith.constant 0 : index
        %swap3A_989 = tpu.vector_load %arg9[%swap3A_987, %swap3A_988] {strides = array<i32>} : memref<240x128xf32, #tpu.memory_space<vmem>>, vector<16xf32>,
        tpu.vector_store %arg9[%swap3A_987, %swap3A_988], %mul3A_986 {strides = array<i32>} : memref<240x128xf32, #tpu.memory_space<vmem>>, vector<16xf32>,
        %get3A_990 = arith.index_cast %add3A_982 : i32 to index
        %get3A_991 = arith.constant 16 : index
        %get3A_992 = tpu.vector_load %arg9[%get3A_990, %get3A_991] {strides = array<i32>} : memref<240x128xf32, #tpu.memory_space<vmem>>, vector<16xf32>,
        %mul3A_993 = arith.mulf %get3A_992, %gather3A_977 : vector<16xf32>
        %swap3A_994 = arith.index_cast %add3A_982 : i32 to index
        %swap3A_995 = arith.constant 16 : index
        %swap3A_996 = tpu.vector_load %arg9[%swap3A_994, %swap3A_995] {strides = array<i32>} : memref<240x128xf32, #tpu.memory_space<vmem>>, vector<16xf32>,
        tpu.vector_store %arg9[%swap3A_994, %swap3A_995], %mul3A_993 {strides = array<i32>} : memref<240x128xf32, #tpu.memory_space<vmem>>, vector<16xf32>,
        %get3A_997 = arith.index_cast %add3A_982 : i32 to index
        %get3A_998 = arith.constant 32 : index
        %get3A_999 = tpu.vector_load %arg9[%get3A_997, %get3A_998] {strides = array<i32>} : memref<240x128xf32, #tpu.memory_space<vmem>>, vector<16xf32>,
        %mul3A_1000 = arith.mulf %get3A_999, %gather3A_977 : vector<16xf32>
        %swap3A_1001 = arith.index_cast %add3A_982 : i32 to index
        %swap3A_1002 = arith.constant 32 : index
        %swap3A_1003 = tpu.vector_load %arg9[%swap3A_1001, %swap3A_1002] {strides = array<i32>} : memref<240x128xf32, #tpu.memory_space<vmem>>, vector<16xf32>,
        tpu.vector_store %arg9[%swap3A_1001, %swap3A_1002], %mul3A_1000 {strides = array<i32>} : memref<240x128xf32, #tpu.memory_space<vmem>>, vector<16xf32>,
        %get3A_1004 = arith.index_cast %add3A_982 : i32 to index
        %get3A_1005 = arith.constant 48 : index
        %get3A_1006 = tpu.vector_load %arg9[%get3A_1004, %get3A_1005] {strides = array<i32>} : memref<240x128xf32, #tpu.memory_space<vmem>>, vector<16xf32>,
        %mul3A_1007 = arith.mulf %get3A_1006, %gather3A_977 : vector<16xf32>
        %swap3A_1008 = arith.index_cast %add3A_982 : i32 to index
        %swap3A_1009 = arith.constant 48 : index
        %swap3A_1010 = tpu.vector_load %arg9[%swap3A_1008, %swap3A_1009] {strides = array<i32>} : memref<240x128xf32, #tpu.memory_space<vmem>>, vector<16xf32>,
        tpu.vector_store %arg9[%swap3A_1008, %swap3A_1009], %mul3A_1007 {strides = array<i32>} : memref<240x128xf32, #tpu.memory_space<vmem>>, vector<16xf32>,
        %get3A_1011 = arith.index_cast %add3A_982 : i32 to index
        %get3A_1012 = arith.constant 64 : index
        %get3A_1013 = tpu.vector_load %arg9[%get3A_1011, %get3A_1012] {strides = array<i32>} : memref<240x128xf32, #tpu.memory_space<vmem>>, vector<16xf32>,
        %mul3A_1014 = arith.mulf %get3A_1013, %gather3A_977 : vector<16xf32>
        %swap3A_1015 = arith.index_cast %add3A_982 : i32 to index
        %swap3A_1016 = arith.constant 64 : index
        %swap3A_1017 = tpu.vector_load %arg9[%swap3A_1015, %swap3A_1016] {strides = array<i32>} : memref<240x128xf32, #tpu.memory_space<vmem>>, vector<16xf32>,
        tpu.vector_store %arg9[%swap3A_1015, %swap3A_1016], %mul3A_1014 {strides = array<i32>} : memref<240x128xf32, #tpu.memory_space<vmem>>, vector<16xf32>,
        %get3A_1018 = arith.index_cast %add3A_982 : i32 to index
        %get3A_1019 = arith.constant 80 : index
        %get3A_1020 = tpu.vector_load %arg9[%get3A_1018, %get3A_1019] {strides = array<i32>} : memref<240x128xf32, #tpu.memory_space<vmem>>, vector<16xf32>,
        %mul3A_1021 = arith.mulf %get3A_1020, %gather3A_977 : vector<16xf32>
        %swap3A_1022 = arith.index_cast %add3A_982 : i32 to index
        %swap3A_1023 = arith.constant 80 : index
        %swap3A_1024 = tpu.vector_load %arg9[%swap3A_1022, %swap3A_1023] {strides = array<i32>} : memref<240x128xf32, #tpu.memory_space<vmem>>, vector<16xf32>,
        tpu.vector_store %arg9[%swap3A_1022, %swap3A_1023], %mul3A_1021 {strides = array<i32>} : memref<240x128xf32, #tpu.memory_space<vmem>>, vector<16xf32>,
        %get3A_1025 = arith.index_cast %add3A_982 : i32 to index
        %get3A_1026 = arith.constant 96 : index
        %get3A_1027 = tpu.vector_load %arg9[%get3A_1025, %get3A_1026] {strides = array<i32>} : memref<240x128xf32, #tpu.memory_space<vmem>>, vector<16xf32>,
        %mul3A_1028 = arith.mulf %get3A_1027, %gather3A_977 : vector<16xf32>
        %swap3A_1029 = arith.index_cast %add3A_982 : i32 to index
        %swap3A_1030 = arith.constant 96 : index
        %swap3A_1031 = tpu.vector_load %arg9[%swap3A_1029, %swap3A_1030] {strides = array<i32>} : memref<240x128xf32, #tpu.memory_space<vmem>>, vector<16xf32>,
        tpu.vector_store %arg9[%swap3A_1029, %swap3A_1030], %mul3A_1028 {strides = array<i32>} : memref<240x128xf32, #tpu.memory_space<vmem>>, vector<16xf32>,
        %get3A_1032 = arith.index_cast %add3A_982 : i32 to index
        %get3A_1033 = arith.constant 112 : index
        %get3A_1034 = tpu.vector_load %arg9[%get3A_1032, %get3A_1033] {strides = array<i32>} : memref<240x128xf32, #tpu.memory_space<vmem>>, vector<16xf32>,
        %mul3A_1035 = arith.mulf %get3A_1034, %gather3A_977 : vector<16xf32>
        %swap3A_1036 = arith.index_cast %add3A_982 : i32 to index
        %swap3A_1037 = arith.constant 112 : index
        %swap3A_1038 = tpu.vector_load %arg9[%swap3A_1036, %swap3A_1037] {strides = array<i32>} : memref<240x128xf32, #tpu.memory_space<vmem>>, vector<16xf32>,
        tpu.vector_store %arg9[%swap3A_1036, %swap3A_1037], %mul3A_1035 {strides = array<i32>} : memref<240x128xf32, #tpu.memory_space<vmem>>, vector<16xf32>,
        %broadcast_in_dim3A_1039 = arith.constant 12 : i32
        %broadcast_in_dim3A_1040 = vector.broadcast %broadcast_in_dim3A_1039 : i32 to vector<16xi32>
        %lt3A_1041 = arith.constant 0 : i32
        %lt3A_1042 = vector.broadcast %lt3A_1041 : i32 to vector<16xi32>
        %lt3A_1043 = arith.cmpi slt, %broadcast_in_dim3A_1040, %lt3A_1042 : vector<16xi32>
        %add3A_1044 = arith.constant 16 : i32
        %add3A_1045 = vector.broadcast %add3A_1044 : i32 to vector<16xi32>
        %add3A_1046 = arith.addi %broadcast_in_dim3A_1040, %add3A_1045 : vector<16xi32>
        %select_n3A_1047 = arith.select %lt3A_1043, %add3A_1046, %broadcast_in_dim3A_1040 : vector<16xi1>, vector<16xi32>
        %broadcast_in_dim3A_1048 = vector.shape_cast %select_n3A_1047 : vector<16xi32> to vector<16x1xi32>
        %gather3A_1049 = vector.shape_cast %broadcast_in_dim3A_1048 : vector<16x1xi32> to vector<16xi32>
        %gather3A_1050 = tpu.dynamic_gather %get3A_167[%gather3A_1049] in [0] : vector<16xf32>, vector<16xi32> -> vector<16xf32>
        %mul3A_1051 = arith.constant 16 : i32
        %mul3A_1052 = arith.muli %scan3A_163, %mul3A_1051 : i32
        %add3A_1053 = arith.addi %mul3A_141, %mul3A_1052 : i32
        %add3A_1054 = arith.constant 12 : i32
        %add3A_1055 = arith.addi %add3A_1053, %add3A_1054 : i32
        %get3A_1056 = arith.index_cast %add3A_1055 : i32 to index
        %get3A_1057 = arith.constant 0 : index
        %get3A_1058 = tpu.vector_load %arg9[%get3A_1056, %get3A_1057] {strides = array<i32>} : memref<240x128xf32, #tpu.memory_space<vmem>>, vector<16xf32>,
        %mul3A_1059 = arith.mulf %get3A_1058, %gather3A_1050 : vector<16xf32>
        %swap3A_1060 = arith.index_cast %add3A_1055 : i32 to index
        %swap3A_1061 = arith.constant 0 : index
        %swap3A_1062 = tpu.vector_load %arg9[%swap3A_1060, %swap3A_1061] {strides = array<i32>} : memref<240x128xf32, #tpu.memory_space<vmem>>, vector<16xf32>,
        tpu.vector_store %arg9[%swap3A_1060, %swap3A_1061], %mul3A_1059 {strides = array<i32>} : memref<240x128xf32, #tpu.memory_space<vmem>>, vector<16xf32>,
        %get3A_1063 = arith.index_cast %add3A_1055 : i32 to index
        %get3A_1064 = arith.constant 16 : index
        %get3A_1065 = tpu.vector_load %arg9[%get3A_1063, %get3A_1064] {strides = array<i32>} : memref<240x128xf32, #tpu.memory_space<vmem>>, vector<16xf32>,
        %mul3A_1066 = arith.mulf %get3A_1065, %gather3A_1050 : vector<16xf32>
        %swap3A_1067 = arith.index_cast %add3A_1055 : i32 to index
        %swap3A_1068 = arith.constant 16 : index
        %swap3A_1069 = tpu.vector_load %arg9[%swap3A_1067, %swap3A_1068] {strides = array<i32>} : memref<240x128xf32, #tpu.memory_space<vmem>>, vector<16xf32>,
        tpu.vector_store %arg9[%swap3A_1067, %swap3A_1068], %mul3A_1066 {strides = array<i32>} : memref<240x128xf32, #tpu.memory_space<vmem>>, vector<16xf32>,
        %get3A_1070 = arith.index_cast %add3A_1055 : i32 to index
        %get3A_1071 = arith.constant 32 : index
        %get3A_1072 = tpu.vector_load %arg9[%get3A_1070, %get3A_1071] {strides = array<i32>} : memref<240x128xf32, #tpu.memory_space<vmem>>, vector<16xf32>,
        %mul3A_1073 = arith.mulf %get3A_1072, %gather3A_1050 : vector<16xf32>
        %swap3A_1074 = arith.index_cast %add3A_1055 : i32 to index
        %swap3A_1075 = arith.constant 32 : index
        %swap3A_1076 = tpu.vector_load %arg9[%swap3A_1074, %swap3A_1075] {strides = array<i32>} : memref<240x128xf32, #tpu.memory_space<vmem>>, vector<16xf32>,
        tpu.vector_store %arg9[%swap3A_1074, %swap3A_1075], %mul3A_1073 {strides = array<i32>} : memref<240x128xf32, #tpu.memory_space<vmem>>, vector<16xf32>,
        %get3A_1077 = arith.index_cast %add3A_1055 : i32 to index
        %get3A_1078 = arith.constant 48 : index
        %get3A_1079 = tpu.vector_load %arg9[%get3A_1077, %get3A_1078] {strides = array<i32>} : memref<240x128xf32, #tpu.memory_space<vmem>>, vector<16xf32>,
        %mul3A_1080 = arith.mulf %get3A_1079, %gather3A_1050 : vector<16xf32>
        %swap3A_1081 = arith.index_cast %add3A_1055 : i32 to index
        %swap3A_1082 = arith.constant 48 : index
        %swap3A_1083 = tpu.vector_load %arg9[%swap3A_1081, %swap3A_1082] {strides = array<i32>} : memref<240x128xf32, #tpu.memory_space<vmem>>, vector<16xf32>,
        tpu.vector_store %arg9[%swap3A_1081, %swap3A_1082], %mul3A_1080 {strides = array<i32>} : memref<240x128xf32, #tpu.memory_space<vmem>>, vector<16xf32>,
        %get3A_1084 = arith.index_cast %add3A_1055 : i32 to index
        %get3A_1085 = arith.constant 64 : index
        %get3A_1086 = tpu.vector_load %arg9[%get3A_1084, %get3A_1085] {strides = array<i32>} : memref<240x128xf32, #tpu.memory_space<vmem>>, vector<16xf32>,
        %mul3A_1087 = arith.mulf %get3A_1086, %gather3A_1050 : vector<16xf32>
        %swap3A_1088 = arith.index_cast %add3A_1055 : i32 to index
        %swap3A_1089 = arith.constant 64 : index
        %swap3A_1090 = tpu.vector_load %arg9[%swap3A_1088, %swap3A_1089] {strides = array<i32>} : memref<240x128xf32, #tpu.memory_space<vmem>>, vector<16xf32>,
        tpu.vector_store %arg9[%swap3A_1088, %swap3A_1089], %mul3A_1087 {strides = array<i32>} : memref<240x128xf32, #tpu.memory_space<vmem>>, vector<16xf32>,
        %get3A_1091 = arith.index_cast %add3A_1055 : i32 to index
        %get3A_1092 = arith.constant 80 : index
        %get3A_1093 = tpu.vector_load %arg9[%get3A_1091, %get3A_1092] {strides = array<i32>} : memref<240x128xf32, #tpu.memory_space<vmem>>, vector<16xf32>,
        %mul3A_1094 = arith.mulf %get3A_1093, %gather3A_1050 : vector<16xf32>
        %swap3A_1095 = arith.index_cast %add3A_1055 : i32 to index
        %swap3A_1096 = arith.constant 80 : index
        %swap3A_1097 = tpu.vector_load %arg9[%swap3A_1095, %swap3A_1096] {strides = array<i32>} : memref<240x128xf32, #tpu.memory_space<vmem>>, vector<16xf32>,
        tpu.vector_store %arg9[%swap3A_1095, %swap3A_1096], %mul3A_1094 {strides = array<i32>} : memref<240x128xf32, #tpu.memory_space<vmem>>, vector<16xf32>,
        %get3A_1098 = arith.index_cast %add3A_1055 : i32 to index
        %get3A_1099 = arith.constant 96 : index
        %get3A_1100 = tpu.vector_load %arg9[%get3A_1098, %get3A_1099] {strides = array<i32>} : memref<240x128xf32, #tpu.memory_space<vmem>>, vector<16xf32>,
        %mul3A_1101 = arith.mulf %get3A_1100, %gather3A_1050 : vector<16xf32>
        %swap3A_1102 = arith.index_cast %add3A_1055 : i32 to index
        %swap3A_1103 = arith.constant 96 : index
        %swap3A_1104 = tpu.vector_load %arg9[%swap3A_1102, %swap3A_1103] {strides = array<i32>} : memref<240x128xf32, #tpu.memory_space<vmem>>, vector<16xf32>,
        tpu.vector_store %arg9[%swap3A_1102, %swap3A_1103], %mul3A_1101 {strides = array<i32>} : memref<240x128xf32, #tpu.memory_space<vmem>>, vector<16xf32>,
        %get3A_1105 = arith.index_cast %add3A_1055 : i32 to index
        %get3A_1106 = arith.constant 112 : index
        %get3A_1107 = tpu.vector_load %arg9[%get3A_1105, %get3A_1106] {strides = array<i32>} : memref<240x128xf32, #tpu.memory_space<vmem>>, vector<16xf32>,
        %mul3A_1108 = arith.mulf %get3A_1107, %gather3A_1050 : vector<16xf32>
        %swap3A_1109 = arith.index_cast %add3A_1055 : i32 to index
        %swap3A_1110 = arith.constant 112 : index
        %swap3A_1111 = tpu.vector_load %arg9[%swap3A_1109, %swap3A_1110] {strides = array<i32>} : memref<240x128xf32, #tpu.memory_space<vmem>>, vector<16xf32>,
        tpu.vector_store %arg9[%swap3A_1109, %swap3A_1110], %mul3A_1108 {strides = array<i32>} : memref<240x128xf32, #tpu.memory_space<vmem>>, vector<16xf32>,
        %broadcast_in_dim3A_1112 = arith.constant 13 : i32
        %broadcast_in_dim3A_1113 = vector.broadcast %broadcast_in_dim3A_1112 : i32 to vector<16xi32>
        %lt3A_1114 = arith.constant 0 : i32
        %lt3A_1115 = vector.broadcast %lt3A_1114 : i32 to vector<16xi32>
        %lt3A_1116 = arith.cmpi slt, %broadcast_in_dim3A_1113, %lt3A_1115 : vector<16xi32>
        %add3A_1117 = arith.constant 16 : i32
        %add3A_1118 = vector.broadcast %add3A_1117 : i32 to vector<16xi32>
        %add3A_1119 = arith.addi %broadcast_in_dim3A_1113, %add3A_1118 : vector<16xi32>
        %select_n3A_1120 = arith.select %lt3A_1116, %add3A_1119, %broadcast_in_dim3A_1113 : vector<16xi1>, vector<16xi32>
        %broadcast_in_dim3A_1121 = vector.shape_cast %select_n3A_1120 : vector<16xi32> to vector<16x1xi32>
        %gather3A_1122 = vector.shape_cast %broadcast_in_dim3A_1121 : vector<16x1xi32> to vector<16xi32>
        %gather3A_1123 = tpu.dynamic_gather %get3A_167[%gather3A_1122] in [0] : vector<16xf32>, vector<16xi32> -> vector<16xf32>
        %mul3A_1124 = arith.constant 16 : i32
        %mul3A_1125 = arith.muli %scan3A_163, %mul3A_1124 : i32
        %add3A_1126 = arith.addi %mul3A_141, %mul3A_1125 : i32
        %add3A_1127 = arith.constant 13 : i32
        %add3A_1128 = arith.addi %add3A_1126, %add3A_1127 : i32
        %get3A_1129 = arith.index_cast %add3A_1128 : i32 to index
        %get3A_1130 = arith.constant 0 : index
        %get3A_1131 = tpu.vector_load %arg9[%get3A_1129, %get3A_1130] {strides = array<i32>} : memref<240x128xf32, #tpu.memory_space<vmem>>, vector<16xf32>,
        %mul3A_1132 = arith.mulf %get3A_1131, %gather3A_1123 : vector<16xf32>
        %swap3A_1133 = arith.index_cast %add3A_1128 : i32 to index
        %swap3A_1134 = arith.constant 0 : index
        %swap3A_1135 = tpu.vector_load %arg9[%swap3A_1133, %swap3A_1134] {strides = array<i32>} : memref<240x128xf32, #tpu.memory_space<vmem>>, vector<16xf32>,
        tpu.vector_store %arg9[%swap3A_1133, %swap3A_1134], %mul3A_1132 {strides = array<i32>} : memref<240x128xf32, #tpu.memory_space<vmem>>, vector<16xf32>,
        %get3A_1136 = arith.index_cast %add3A_1128 : i32 to index
        %get3A_1137 = arith.constant 16 : index
        %get3A_1138 = tpu.vector_load %arg9[%get3A_1136, %get3A_1137] {strides = array<i32>} : memref<240x128xf32, #tpu.memory_space<vmem>>, vector<16xf32>,
        %mul3A_1139 = arith.mulf %get3A_1138, %gather3A_1123 : vector<16xf32>
        %swap3A_1140 = arith.index_cast %add3A_1128 : i32 to index
        %swap3A_1141 = arith.constant 16 : index
        %swap3A_1142 = tpu.vector_load %arg9[%swap3A_1140, %swap3A_1141] {strides = array<i32>} : memref<240x128xf32, #tpu.memory_space<vmem>>, vector<16xf32>,
        tpu.vector_store %arg9[%swap3A_1140, %swap3A_1141], %mul3A_1139 {strides = array<i32>} : memref<240x128xf32, #tpu.memory_space<vmem>>, vector<16xf32>,
        %get3A_1143 = arith.index_cast %add3A_1128 : i32 to index
        %get3A_1144 = arith.constant 32 : index
        %get3A_1145 = tpu.vector_load %arg9[%get3A_1143, %get3A_1144] {strides = array<i32>} : memref<240x128xf32, #tpu.memory_space<vmem>>, vector<16xf32>,
        %mul3A_1146 = arith.mulf %get3A_1145, %gather3A_1123 : vector<16xf32>
        %swap3A_1147 = arith.index_cast %add3A_1128 : i32 to index
        %swap3A_1148 = arith.constant 32 : index
        %swap3A_1149 = tpu.vector_load %arg9[%swap3A_1147, %swap3A_1148] {strides = array<i32>} : memref<240x128xf32, #tpu.memory_space<vmem>>, vector<16xf32>,
        tpu.vector_store %arg9[%swap3A_1147, %swap3A_1148], %mul3A_1146 {strides = array<i32>} : memref<240x128xf32, #tpu.memory_space<vmem>>, vector<16xf32>,
        %get3A_1150 = arith.index_cast %add3A_1128 : i32 to index
        %get3A_1151 = arith.constant 48 : index
        %get3A_1152 = tpu.vector_load %arg9[%get3A_1150, %get3A_1151] {strides = array<i32>} : memref<240x128xf32, #tpu.memory_space<vmem>>, vector<16xf32>,
        %mul3A_1153 = arith.mulf %get3A_1152, %gather3A_1123 : vector<16xf32>
        %swap3A_1154 = arith.index_cast %add3A_1128 : i32 to index
        %swap3A_1155 = arith.constant 48 : index
        %swap3A_1156 = tpu.vector_load %arg9[%swap3A_1154, %swap3A_1155] {strides = array<i32>} : memref<240x128xf32, #tpu.memory_space<vmem>>, vector<16xf32>,
        tpu.vector_store %arg9[%swap3A_1154, %swap3A_1155], %mul3A_1153 {strides = array<i32>} : memref<240x128xf32, #tpu.memory_space<vmem>>, vector<16xf32>,
        %get3A_1157 = arith.index_cast %add3A_1128 : i32 to index
        %get3A_1158 = arith.constant 64 : index
        %get3A_1159 = tpu.vector_load %arg9[%get3A_1157, %get3A_1158] {strides = array<i32>} : memref<240x128xf32, #tpu.memory_space<vmem>>, vector<16xf32>,
        %mul3A_1160 = arith.mulf %get3A_1159, %gather3A_1123 : vector<16xf32>
        %swap3A_1161 = arith.index_cast %add3A_1128 : i32 to index
        %swap3A_1162 = arith.constant 64 : index
        %swap3A_1163 = tpu.vector_load %arg9[%swap3A_1161, %swap3A_1162] {strides = array<i32>} : memref<240x128xf32, #tpu.memory_space<vmem>>, vector<16xf32>,
        tpu.vector_store %arg9[%swap3A_1161, %swap3A_1162], %mul3A_1160 {strides = array<i32>} : memref<240x128xf32, #tpu.memory_space<vmem>>, vector<16xf32>,
        %get3A_1164 = arith.index_cast %add3A_1128 : i32 to index
        %get3A_1165 = arith.constant 80 : index
        %get3A_1166 = tpu.vector_load %arg9[%get3A_1164, %get3A_1165] {strides = array<i32>} : memref<240x128xf32, #tpu.memory_space<vmem>>, vector<16xf32>,
        %mul3A_1167 = arith.mulf %get3A_1166, %gather3A_1123 : vector<16xf32>
        %swap3A_1168 = arith.index_cast %add3A_1128 : i32 to index
        %swap3A_1169 = arith.constant 80 : index
        %swap3A_1170 = tpu.vector_load %arg9[%swap3A_1168, %swap3A_1169] {strides = array<i32>} : memref<240x128xf32, #tpu.memory_space<vmem>>, vector<16xf32>,
        tpu.vector_store %arg9[%swap3A_1168, %swap3A_1169], %mul3A_1167 {strides = array<i32>} : memref<240x128xf32, #tpu.memory_space<vmem>>, vector<16xf32>,
        %get3A_1171 = arith.index_cast %add3A_1128 : i32 to index
        %get3A_1172 = arith.constant 96 : index
        %get3A_1173 = tpu.vector_load %arg9[%get3A_1171, %get3A_1172] {strides = array<i32>} : memref<240x128xf32, #tpu.memory_space<vmem>>, vector<16xf32>,
        %mul3A_1174 = arith.mulf %get3A_1173, %gather3A_1123 : vector<16xf32>
        %swap3A_1175 = arith.index_cast %add3A_1128 : i32 to index
        %swap3A_1176 = arith.constant 96 : index
        %swap3A_1177 = tpu.vector_load %arg9[%swap3A_1175, %swap3A_1176] {strides = array<i32>} : memref<240x128xf32, #tpu.memory_space<vmem>>, vector<16xf32>,
        tpu.vector_store %arg9[%swap3A_1175, %swap3A_1176], %mul3A_1174 {strides = array<i32>} : memref<240x128xf32, #tpu.memory_space<vmem>>, vector<16xf32>,
        %get3A_1178 = arith.index_cast %add3A_1128 : i32 to index
        %get3A_1179 = arith.constant 112 : index
        %get3A_1180 = tpu.vector_load %arg9[%get3A_1178, %get3A_1179] {strides = array<i32>} : memref<240x128xf32, #tpu.memory_space<vmem>>, vector<16xf32>,
        %mul3A_1181 = arith.mulf %get3A_1180, %gather3A_1123 : vector<16xf32>
        %swap3A_1182 = arith.index_cast %add3A_1128 : i32 to index
        %swap3A_1183 = arith.constant 112 : index
        %swap3A_1184 = tpu.vector_load %arg9[%swap3A_1182, %swap3A_1183] {strides = array<i32>} : memref<240x128xf32, #tpu.memory_space<vmem>>, vector<16xf32>,
        tpu.vector_store %arg9[%swap3A_1182, %swap3A_1183], %mul3A_1181 {strides = array<i32>} : memref<240x128xf32, #tpu.memory_space<vmem>>, vector<16xf32>,
        %broadcast_in_dim3A_1185 = arith.constant 14 : i32
        %broadcast_in_dim3A_1186 = vector.broadcast %broadcast_in_dim3A_1185 : i32 to vector<16xi32>
        %lt3A_1187 = arith.constant 0 : i32
        %lt3A_1188 = vector.broadcast %lt3A_1187 : i32 to vector<16xi32>
        %lt3A_1189 = arith.cmpi slt, %broadcast_in_dim3A_1186, %lt3A_1188 : vector<16xi32>
        %add3A_1190 = arith.constant 16 : i32
        %add3A_1191 = vector.broadcast %add3A_1190 : i32 to vector<16xi32>
        %add3A_1192 = arith.addi %broadcast_in_dim3A_1186, %add3A_1191 : vector<16xi32>
        %select_n3A_1193 = arith.select %lt3A_1189, %add3A_1192, %broadcast_in_dim3A_1186 : vector<16xi1>, vector<16xi32>
        %broadcast_in_dim3A_1194 = vector.shape_cast %select_n3A_1193 : vector<16xi32> to vector<16x1xi32>
        %gather3A_1195 = vector.shape_cast %broadcast_in_dim3A_1194 : vector<16x1xi32> to vector<16xi32>
        %gather3A_1196 = tpu.dynamic_gather %get3A_167[%gather3A_1195] in [0] : vector<16xf32>, vector<16xi32> -> vector<16xf32>
        %mul3A_1197 = arith.constant 16 : i32
        %mul3A_1198 = arith.muli %scan3A_163, %mul3A_1197 : i32
        %add3A_1199 = arith.addi %mul3A_141, %mul3A_1198 : i32
        %add3A_1200 = arith.constant 14 : i32
        %add3A_1201 = arith.addi %add3A_1199, %add3A_1200 : i32
        %get3A_1202 = arith.index_cast %add3A_1201 : i32 to index
        %get3A_1203 = arith.constant 0 : index
        %get3A_1204 = tpu.vector_load %arg9[%get3A_1202, %get3A_1203] {strides = array<i32>} : memref<240x128xf32, #tpu.memory_space<vmem>>, vector<16xf32>,
        %mul3A_1205 = arith.mulf %get3A_1204, %gather3A_1196 : vector<16xf32>
        %swap3A_1206 = arith.index_cast %add3A_1201 : i32 to index
        %swap3A_1207 = arith.constant 0 : index
        %swap3A_1208 = tpu.vector_load %arg9[%swap3A_1206, %swap3A_1207] {strides = array<i32>} : memref<240x128xf32, #tpu.memory_space<vmem>>, vector<16xf32>,
        tpu.vector_store %arg9[%swap3A_1206, %swap3A_1207], %mul3A_1205 {strides = array<i32>} : memref<240x128xf32, #tpu.memory_space<vmem>>, vector<16xf32>,
        %get3A_1209 = arith.index_cast %add3A_1201 : i32 to index
        %get3A_1210 = arith.constant 16 : index
        %get3A_1211 = tpu.vector_load %arg9[%get3A_1209, %get3A_1210] {strides = array<i32>} : memref<240x128xf32, #tpu.memory_space<vmem>>, vector<16xf32>,
        %mul3A_1212 = arith.mulf %get3A_1211, %gather3A_1196 : vector<16xf32>
        %swap3A_1213 = arith.index_cast %add3A_1201 : i32 to index
        %swap3A_1214 = arith.constant 16 : index
        %swap3A_1215 = tpu.vector_load %arg9[%swap3A_1213, %swap3A_1214] {strides = array<i32>} : memref<240x128xf32, #tpu.memory_space<vmem>>, vector<16xf32>,
        tpu.vector_store %arg9[%swap3A_1213, %swap3A_1214], %mul3A_1212 {strides = array<i32>} : memref<240x128xf32, #tpu.memory_space<vmem>>, vector<16xf32>,
        %get3A_1216 = arith.index_cast %add3A_1201 : i32 to index
        %get3A_1217 = arith.constant 32 : index
        %get3A_1218 = tpu.vector_load %arg9[%get3A_1216, %get3A_1217] {strides = array<i32>} : memref<240x128xf32, #tpu.memory_space<vmem>>, vector<16xf32>,
        %mul3A_1219 = arith.mulf %get3A_1218, %gather3A_1196 : vector<16xf32>
        %swap3A_1220 = arith.index_cast %add3A_1201 : i32 to index
        %swap3A_1221 = arith.constant 32 : index
        %swap3A_1222 = tpu.vector_load %arg9[%swap3A_1220, %swap3A_1221] {strides = array<i32>} : memref<240x128xf32, #tpu.memory_space<vmem>>, vector<16xf32>,
        tpu.vector_store %arg9[%swap3A_1220, %swap3A_1221], %mul3A_1219 {strides = array<i32>} : memref<240x128xf32, #tpu.memory_space<vmem>>, vector<16xf32>,
        %get3A_1223 = arith.index_cast %add3A_1201 : i32 to index
        %get3A_1224 = arith.constant 48 : index
        %get3A_1225 = tpu.vector_load %arg9[%get3A_1223, %get3A_1224] {strides = array<i32>} : memref<240x128xf32, #tpu.memory_space<vmem>>, vector<16xf32>,
        %mul3A_1226 = arith.mulf %get3A_1225, %gather3A_1196 : vector<16xf32>
        %swap3A_1227 = arith.index_cast %add3A_1201 : i32 to index
        %swap3A_1228 = arith.constant 48 : index
        %swap3A_1229 = tpu.vector_load %arg9[%swap3A_1227, %swap3A_1228] {strides = array<i32>} : memref<240x128xf32, #tpu.memory_space<vmem>>, vector<16xf32>,
        tpu.vector_store %arg9[%swap3A_1227, %swap3A_1228], %mul3A_1226 {strides = array<i32>} : memref<240x128xf32, #tpu.memory_space<vmem>>, vector<16xf32>,
        %get3A_1230 = arith.index_cast %add3A_1201 : i32 to index
        %get3A_1231 = arith.constant 64 : index
        %get3A_1232 = tpu.vector_load %arg9[%get3A_1230, %get3A_1231] {strides = array<i32>} : memref<240x128xf32, #tpu.memory_space<vmem>>, vector<16xf32>,
        %mul3A_1233 = arith.mulf %get3A_1232, %gather3A_1196 : vector<16xf32>
        %swap3A_1234 = arith.index_cast %add3A_1201 : i32 to index
        %swap3A_1235 = arith.constant 64 : index
        %swap3A_1236 = tpu.vector_load %arg9[%swap3A_1234, %swap3A_1235] {strides = array<i32>} : memref<240x128xf32, #tpu.memory_space<vmem>>, vector<16xf32>,
        tpu.vector_store %arg9[%swap3A_1234, %swap3A_1235], %mul3A_1233 {strides = array<i32>} : memref<240x128xf32, #tpu.memory_space<vmem>>, vector<16xf32>,
        %get3A_1237 = arith.index_cast %add3A_1201 : i32 to index
        %get3A_1238 = arith.constant 80 : index
        %get3A_1239 = tpu.vector_load %arg9[%get3A_1237, %get3A_1238] {strides = array<i32>} : memref<240x128xf32, #tpu.memory_space<vmem>>, vector<16xf32>,
        %mul3A_1240 = arith.mulf %get3A_1239, %gather3A_1196 : vector<16xf32>
        %swap3A_1241 = arith.index_cast %add3A_1201 : i32 to index
        %swap3A_1242 = arith.constant 80 : index
        %swap3A_1243 = tpu.vector_load %arg9[%swap3A_1241, %swap3A_1242] {strides = array<i32>} : memref<240x128xf32, #tpu.memory_space<vmem>>, vector<16xf32>,
        tpu.vector_store %arg9[%swap3A_1241, %swap3A_1242], %mul3A_1240 {strides = array<i32>} : memref<240x128xf32, #tpu.memory_space<vmem>>, vector<16xf32>,
        %get3A_1244 = arith.index_cast %add3A_1201 : i32 to index
        %get3A_1245 = arith.constant 96 : index
        %get3A_1246 = tpu.vector_load %arg9[%get3A_1244, %get3A_1245] {strides = array<i32>} : memref<240x128xf32, #tpu.memory_space<vmem>>, vector<16xf32>,
        %mul3A_1247 = arith.mulf %get3A_1246, %gather3A_1196 : vector<16xf32>
        %swap3A_1248 = arith.index_cast %add3A_1201 : i32 to index
        %swap3A_1249 = arith.constant 96 : index
        %swap3A_1250 = tpu.vector_load %arg9[%swap3A_1248, %swap3A_1249] {strides = array<i32>} : memref<240x128xf32, #tpu.memory_space<vmem>>, vector<16xf32>,
        tpu.vector_store %arg9[%swap3A_1248, %swap3A_1249], %mul3A_1247 {strides = array<i32>} : memref<240x128xf32, #tpu.memory_space<vmem>>, vector<16xf32>,
        %get3A_1251 = arith.index_cast %add3A_1201 : i32 to index
        %get3A_1252 = arith.constant 112 : index
        %get3A_1253 = tpu.vector_load %arg9[%get3A_1251, %get3A_1252] {strides = array<i32>} : memref<240x128xf32, #tpu.memory_space<vmem>>, vector<16xf32>,
        %mul3A_1254 = arith.mulf %get3A_1253, %gather3A_1196 : vector<16xf32>
        %swap3A_1255 = arith.index_cast %add3A_1201 : i32 to index
        %swap3A_1256 = arith.constant 112 : index
        %swap3A_1257 = tpu.vector_load %arg9[%swap3A_1255, %swap3A_1256] {strides = array<i32>} : memref<240x128xf32, #tpu.memory_space<vmem>>, vector<16xf32>,
        tpu.vector_store %arg9[%swap3A_1255, %swap3A_1256], %mul3A_1254 {strides = array<i32>} : memref<240x128xf32, #tpu.memory_space<vmem>>, vector<16xf32>,
        %broadcast_in_dim3A_1258 = arith.constant 15 : i32
        %broadcast_in_dim3A_1259 = vector.broadcast %broadcast_in_dim3A_1258 : i32 to vector<16xi32>
        %lt3A_1260 = arith.constant 0 : i32
        %lt3A_1261 = vector.broadcast %lt3A_1260 : i32 to vector<16xi32>
        %lt3A_1262 = arith.cmpi slt, %broadcast_in_dim3A_1259, %lt3A_1261 : vector<16xi32>
        %add3A_1263 = arith.constant 16 : i32
        %add3A_1264 = vector.broadcast %add3A_1263 : i32 to vector<16xi32>
        %add3A_1265 = arith.addi %broadcast_in_dim3A_1259, %add3A_1264 : vector<16xi32>
        %select_n3A_1266 = arith.select %lt3A_1262, %add3A_1265, %broadcast_in_dim3A_1259 : vector<16xi1>, vector<16xi32>
        %broadcast_in_dim3A_1267 = vector.shape_cast %select_n3A_1266 : vector<16xi32> to vector<16x1xi32>
        %gather3A_1268 = vector.shape_cast %broadcast_in_dim3A_1267 : vector<16x1xi32> to vector<16xi32>
        %gather3A_1269 = tpu.dynamic_gather %get3A_167[%gather3A_1268] in [0] : vector<16xf32>, vector<16xi32> -> vector<16xf32>
        %mul3A_1270 = arith.constant 16 : i32
        %mul3A_1271 = arith.muli %scan3A_163, %mul3A_1270 : i32
        %add3A_1272 = arith.addi %mul3A_141, %mul3A_1271 : i32
        %add3A_1273 = arith.constant 15 : i32
        %add3A_1274 = arith.addi %add3A_1272, %add3A_1273 : i32
        %get3A_1275 = arith.index_cast %add3A_1274 : i32 to index
        %get3A_1276 = arith.constant 0 : index
        %get3A_1277 = tpu.vector_load %arg9[%get3A_1275, %get3A_1276] {strides = array<i32>} : memref<240x128xf32, #tpu.memory_space<vmem>>, vector<16xf32>,
        %mul3A_1278 = arith.mulf %get3A_1277, %gather3A_1269 : vector<16xf32>
        %swap3A_1279 = arith.index_cast %add3A_1274 : i32 to index
        %swap3A_1280 = arith.constant 0 : index
        %swap3A_1281 = tpu.vector_load %arg9[%swap3A_1279, %swap3A_1280] {strides = array<i32>} : memref<240x128xf32, #tpu.memory_space<vmem>>, vector<16xf32>,
        tpu.vector_store %arg9[%swap3A_1279, %swap3A_1280], %mul3A_1278 {strides = array<i32>} : memref<240x128xf32, #tpu.memory_space<vmem>>, vector<16xf32>,
        %get3A_1282 = arith.index_cast %add3A_1274 : i32 to index
        %get3A_1283 = arith.constant 16 : index
        %get3A_1284 = tpu.vector_load %arg9[%get3A_1282, %get3A_1283] {strides = array<i32>} : memref<240x128xf32, #tpu.memory_space<vmem>>, vector<16xf32>,
        %mul3A_1285 = arith.mulf %get3A_1284, %gather3A_1269 : vector<16xf32>
        %swap3A_1286 = arith.index_cast %add3A_1274 : i32 to index
        %swap3A_1287 = arith.constant 16 : index
        %swap3A_1288 = tpu.vector_load %arg9[%swap3A_1286, %swap3A_1287] {strides = array<i32>} : memref<240x128xf32, #tpu.memory_space<vmem>>, vector<16xf32>,
        tpu.vector_store %arg9[%swap3A_1286, %swap3A_1287], %mul3A_1285 {strides = array<i32>} : memref<240x128xf32, #tpu.memory_space<vmem>>, vector<16xf32>,
        %get3A_1289 = arith.index_cast %add3A_1274 : i32 to index
        %get3A_1290 = arith.constant 32 : index
        %get3A_1291 = tpu.vector_load %arg9[%get3A_1289, %get3A_1290] {strides = array<i32>} : memref<240x128xf32, #tpu.memory_space<vmem>>, vector<16xf32>,
        %mul3A_1292 = arith.mulf %get3A_1291, %gather3A_1269 : vector<16xf32>
        %swap3A_1293 = arith.index_cast %add3A_1274 : i32 to index
        %swap3A_1294 = arith.constant 32 : index
        %swap3A_1295 = tpu.vector_load %arg9[%swap3A_1293, %swap3A_1294] {strides = array<i32>} : memref<240x128xf32, #tpu.memory_space<vmem>>, vector<16xf32>,
        tpu.vector_store %arg9[%swap3A_1293, %swap3A_1294], %mul3A_1292 {strides = array<i32>} : memref<240x128xf32, #tpu.memory_space<vmem>>, vector<16xf32>,
        %get3A_1296 = arith.index_cast %add3A_1274 : i32 to index
        %get3A_1297 = arith.constant 48 : index
        %get3A_1298 = tpu.vector_load %arg9[%get3A_1296, %get3A_1297] {strides = array<i32>} : memref<240x128xf32, #tpu.memory_space<vmem>>, vector<16xf32>,
        %mul3A_1299 = arith.mulf %get3A_1298, %gather3A_1269 : vector<16xf32>
        %swap3A_1300 = arith.index_cast %add3A_1274 : i32 to index
        %swap3A_1301 = arith.constant 48 : index
        %swap3A_1302 = tpu.vector_load %arg9[%swap3A_1300, %swap3A_1301] {strides = array<i32>} : memref<240x128xf32, #tpu.memory_space<vmem>>, vector<16xf32>,
        tpu.vector_store %arg9[%swap3A_1300, %swap3A_1301], %mul3A_1299 {strides = array<i32>} : memref<240x128xf32, #tpu.memory_space<vmem>>, vector<16xf32>,
        %get3A_1303 = arith.index_cast %add3A_1274 : i32 to index
        %get3A_1304 = arith.constant 64 : index
        %get3A_1305 = tpu.vector_load %arg9[%get3A_1303, %get3A_1304] {strides = array<i32>} : memref<240x128xf32, #tpu.memory_space<vmem>>, vector<16xf32>,
        %mul3A_1306 = arith.mulf %get3A_1305, %gather3A_1269 : vector<16xf32>
        %swap3A_1307 = arith.index_cast %add3A_1274 : i32 to index
        %swap3A_1308 = arith.constant 64 : index
        %swap3A_1309 = tpu.vector_load %arg9[%swap3A_1307, %swap3A_1308] {strides = array<i32>} : memref<240x128xf32, #tpu.memory_space<vmem>>, vector<16xf32>,
        tpu.vector_store %arg9[%swap3A_1307, %swap3A_1308], %mul3A_1306 {strides = array<i32>} : memref<240x128xf32, #tpu.memory_space<vmem>>, vector<16xf32>,
        %get3A_1310 = arith.index_cast %add3A_1274 : i32 to index
        %get3A_1311 = arith.constant 80 : index
        %get3A_1312 = tpu.vector_load %arg9[%get3A_1310, %get3A_1311] {strides = array<i32>} : memref<240x128xf32, #tpu.memory_space<vmem>>, vector<16xf32>,
        %mul3A_1313 = arith.mulf %get3A_1312, %gather3A_1269 : vector<16xf32>
        %swap3A_1314 = arith.index_cast %add3A_1274 : i32 to index
        %swap3A_1315 = arith.constant 80 : index
        %swap3A_1316 = tpu.vector_load %arg9[%swap3A_1314, %swap3A_1315] {strides = array<i32>} : memref<240x128xf32, #tpu.memory_space<vmem>>, vector<16xf32>,
        tpu.vector_store %arg9[%swap3A_1314, %swap3A_1315], %mul3A_1313 {strides = array<i32>} : memref<240x128xf32, #tpu.memory_space<vmem>>, vector<16xf32>,
        %get3A_1317 = arith.index_cast %add3A_1274 : i32 to index
        %get3A_1318 = arith.constant 96 : index
        %get3A_1319 = tpu.vector_load %arg9[%get3A_1317, %get3A_1318] {strides = array<i32>} : memref<240x128xf32, #tpu.memory_space<vmem>>, vector<16xf32>,
        %mul3A_1320 = arith.mulf %get3A_1319, %gather3A_1269 : vector<16xf32>
        %swap3A_1321 = arith.index_cast %add3A_1274 : i32 to index
        %swap3A_1322 = arith.constant 96 : index
        %swap3A_1323 = tpu.vector_load %arg9[%swap3A_1321, %swap3A_1322] {strides = array<i32>} : memref<240x128xf32, #tpu.memory_space<vmem>>, vector<16xf32>,
        tpu.vector_store %arg9[%swap3A_1321, %swap3A_1322], %mul3A_1320 {strides = array<i32>} : memref<240x128xf32, #tpu.memory_space<vmem>>, vector<16xf32>,
        %get3A_1324 = arith.index_cast %add3A_1274 : i32 to index
        %get3A_1325 = arith.constant 112 : index
        %get3A_1326 = tpu.vector_load %arg9[%get3A_1324, %get3A_1325] {strides = array<i32>} : memref<240x128xf32, #tpu.memory_space<vmem>>, vector<16xf32>,
        %mul3A_1327 = arith.mulf %get3A_1326, %gather3A_1269 : vector<16xf32>
        %swap3A_1328 = arith.index_cast %add3A_1274 : i32 to index
        %swap3A_1329 = arith.constant 112 : index
        %swap3A_1330 = tpu.vector_load %arg9[%swap3A_1328, %swap3A_1329] {strides = array<i32>} : memref<240x128xf32, #tpu.memory_space<vmem>>, vector<16xf32>,
        tpu.vector_store %arg9[%swap3A_1328, %swap3A_1329], %mul3A_1327 {strides = array<i32>} : memref<240x128xf32, #tpu.memory_space<vmem>>, vector<16xf32>,
      }
      %scan3A_147 = arith.constant 5 : i32
      %eq3A_148 = arith.constant 0 : i32
      %eq3A_149 = arith.cmpi eq, %rem3A_124, %eq3A_148 : i32
      %convert_element_type3A_150 = arith.extui %eq3A_149 : i1 to i32
      %cond3A_151 = arith.constant 0 : i32
      %cond3A_152 = arith.cmpi ne, %convert_element_type3A_150, %cond3A_151 : i32
      scf.if %cond3A_152 {
        %dma_start3A_163 = arith.constant 0 : i32
        %dma_start3A_164 = arith.constant 0 : i32
        %dma_start3A_165 = arith.constant 0 : i32
        %dma_start3A_166 = tpu.memref_slice %arg9[%dma_start3A_164, %dma_start3A_165] : memref<240x128xf32, #tpu.memory_space<vmem>> -> memref<80x128xf32, #tpu.memory_space<vmem>>
        %dma_start3A_167 = arith.constant 0 : i32
        %dma_start3A_168 = tpu.memref_slice %arg10[%dma_start3A_163, %dma_start3A_167] : memref<3x80xi32, #tpu.memory_space<vmem>> -> memref<1x80xi32, #tpu.memory_space<vmem>>
        %dma_start3A_169 = tpu.memref_squeeze %dma_start3A_168 : memref<1x80xi32, #tpu.memory_space<vmem>> -> memref<80xi32, #tpu.memory_space<vmem>>
        %dma_start3A_170 = arith.constant 0 : i32
        %dma_start3A_171 = arith.constant 0 : i32
        %dma_start3A_172 = tpu.memref_slice %arg12[%dma_start3A_170, %dma_start3A_171] : memref<10000x128xf32, #tpu.memory_space<vmem_shared>> -> memref<10000x128xf32, #tpu.memory_space<vmem_shared>>
        tpu.enqueue_indirect_dma source(%dma_start3A_166 : memref<80x128xf32, #tpu.memory_space<vmem>>) target(%dma_start3A_172 : memref<10000x128xf32, #tpu.memory_space<vmem_shared>>) offsets(%dma_start3A_169 : memref<80xi32, #tpu.memory_space<vmem>>) semaphore(%arg16 : memref<!tpu.dma_semaphore, #tpu.memory_space<semaphore_mem>>) {add = true}
        %add3A_173 = arith.constant 2 : i32
        %add3A_174 = arith.addi %scan3A_123, %add3A_173 : i32
        %lt3A = arith.constant 125 : i32
        %lt3A_175 = arith.cmpi slt, %add3A_174, %lt3A : i32
        %convert_element_type3A_176 = arith.extui %lt3A_175 : i1 to i32
        %cond3A_177 = arith.constant 0 : i32
        %cond3A_178 = arith.cmpi ne, %convert_element_type3A_176, %cond3A_177 : i32
        scf.if %cond3A_178 {
          %ge3A = arith.constant 1 : i32
          %ge3A_179 = arith.cmpi sge, %scan3A_123, %ge3A : i32
          %convert_element_type3A_180 = arith.extui %ge3A_179 : i1 to i32
          %cond3A_181 = arith.constant 0 : i32
          %cond3A_182 = arith.cmpi ne, %convert_element_type3A_180, %cond3A_181 : i32
          scf.if %cond3A_182 {
            %sub3A = arith.constant 1 : i32
            %sub3A_217 = arith.subi %scan3A_123, %sub3A : i32
            %dma_wait3A_218 = arith.constant 2 : i32
            %dma_wait3A_219 = arith.constant 160 : i32
            %dma_wait3A_220 = arith.constant 0 : i32
            %dma_wait3A_221 = tpu.memref_slice %arg9[%dma_wait3A_219, %dma_wait3A_220] : memref<240x128xf32, #tpu.memory_space<vmem>> -> memref<80x128xf32, #tpu.memory_space<vmem>>
            %dma_wait3A_222 = arith.constant 0 : i32
            %dma_wait3A_223 = tpu.memref_slice %arg10[%dma_wait3A_218, %dma_wait3A_222] : memref<3x80xi32, #tpu.memory_space<vmem>> -> memref<1x80xi32, #tpu.memory_space<vmem>>
            %dma_wait3A_224 = tpu.memref_squeeze %dma_wait3A_223 : memref<1x80xi32, #tpu.memory_space<vmem>> -> memref<80xi32, #tpu.memory_space<vmem>>
            %dma_wait3A_225 = arith.constant 0 : i32
            %dma_wait3A_226 = arith.constant 0 : i32
            %dma_wait3A_227 = tpu.memref_slice %arg12[%dma_wait3A_225, %dma_wait3A_226] : memref<10000x128xf32, #tpu.memory_space<vmem_shared>> -> memref<10000x128xf32, #tpu.memory_space<vmem_shared>>
            tpu.wait_indirect_dma semaphore(%arg18 : memref<!tpu.dma_semaphore, #tpu.memory_space<semaphore_mem>>) src(%dma_wait3A_221 : memref<80x128xf32, #tpu.memory_space<vmem>>) dst(%dma_wait3A_227 : memref<10000x128xf32, #tpu.memory_space<vmem_shared>>)
          } else {
          }
          %add3A_183 = arith.constant 2 : i32
          %add3A_184 = arith.addi %scan3A_123, %add3A_183 : i32
          %mul3A_185 = arith.constant 80 : i32
          %mul3A_186 = arith.muli %add3A_184, %mul3A_185 : i32
          %dma_start3A_187 = arith.constant 160 : i32
          %dma_start3A_188 = arith.constant 0 : i32
          %dma_start3A_189 = tpu.memref_slice %arg9[%dma_start3A_187, %dma_start3A_188] : memref<240x128xf32, #tpu.memory_space<vmem>> -> memref<80x128xf32, #tpu.memory_space<vmem>>
          %dma_start3A_190 = tpu.memref_slice %arg8[%mul3A_186] : memref<10000xi32, #tpu.memory_space<vmem>> -> memref<80xi32, #tpu.memory_space<vmem>>
          %dma_start3A_191 = arith.constant 0 : i32
          %dma_start3A_192 = arith.constant 0 : i32
          %dma_start3A_193 = tpu.memref_slice %arg2[%dma_start3A_191, %dma_start3A_192] : memref<10000x128xf32, #tpu.memory_space<hbm>> -> memref<10000x128xf32, #tpu.memory_space<hbm>>
          tpu.enqueue_indirect_dma source(%dma_start3A_193 : memref<10000x128xf32, #tpu.memory_space<hbm>>) target(%dma_start3A_189 : memref<80x128xf32, #tpu.memory_space<vmem>>) offsets(%dma_start3A_190 : memref<80xi32, #tpu.memory_space<vmem>>) semaphore(%arg15 : memref<!tpu.dma_semaphore, #tpu.memory_space<semaphore_mem>>)
          %add3A_194 = arith.constant 2 : i32
          %add3A_195 = arith.addi %scan3A_123, %add3A_194 : i32
          %mul3A_196 = arith.constant 80 : i32
          %mul3A_197 = arith.muli %add3A_195, %mul3A_196 : i32
          %add3A_198 = arith.addi %mul3A_2, %mul3A_197 : i32
          %dma_start3A_199 = arith.constant 2 : i32
          %dma_start3A_200 = arith.constant 0 : i32
          %dma_start3A_201 = tpu.memref_slice %arg10[%dma_start3A_199, %dma_start3A_200] : memref<3x80xi32, #tpu.memory_space<vmem>> -> memref<1x80xi32, #tpu.memory_space<vmem>>
          %dma_start3A_202 = tpu.memref_squeeze %dma_start3A_201 : memref<1x80xi32, #tpu.memory_space<vmem>> -> memref<80xi32, #tpu.memory_space<vmem>>
          %dma_start3A_203 = tpu.memref_slice %arg4[%add3A_198] : memref<320000xi32, #tpu.memory_space<hbm>> -> memref<80xi32, #tpu.memory_space<hbm>>
          %dma_start3A_204 = arith.constant 0 : i32
          %dma_start3A_205 = tpu.memref_slice %arg10[%dma_start3A_199, %dma_start3A_204] : memref<3x80xi32, #tpu.memory_space<vmem>> -> memref<1x80xi32, #tpu.memory_space<vmem>>
          %dma_start3A_206 = tpu.memref_squeeze %dma_start3A_205 : memref<1x80xi32, #tpu.memory_space<vmem>> -> memref<80xi32, #tpu.memory_space<vmem>>
          %dma_start3A_207 = tpu.memref_slice %arg4[%add3A_198] : memref<320000xi32, #tpu.memory_space<hbm>> -> memref<80xi32, #tpu.memory_space<hbm>>
          tpu.enqueue_dma source(%dma_start3A_207 : memref<80xi32, #tpu.memory_space<hbm>>) target(%dma_start3A_206 : memref<80xi32, #tpu.memory_space<vmem>>) target_semaphore(%arg21 : memref<!tpu.dma_semaphore, #tpu.memory_space<semaphore_mem>>)
          %mul3A_208 = arith.constant 80 : i32
          %mul3A_209 = arith.muli %add3A_195, %mul3A_208 : i32
          %add3A_210 = arith.addi %mul3A_2, %mul3A_209 : i32
          %dma_start3A_211 = arith.constant 160 : i32
          %dma_start3A_212 = tpu.memref_slice %arg11[%dma_start3A_211] : memref<240xf32, #tpu.memory_space<vmem>> -> memref<80xf32, #tpu.memory_space<vmem>>
          %dma_start3A_213 = tpu.memref_slice %arg5[%add3A_210] : memref<320000xf32, #tpu.memory_space<hbm>> -> memref<80xf32, #tpu.memory_space<hbm>>
          %dma_start3A_214 = arith.constant 160 : i32
          %dma_start3A_215 = tpu.memref_slice %arg11[%dma_start3A_214] : memref<240xf32, #tpu.memory_space<vmem>> -> memref<80xf32, #tpu.memory_space<vmem>>
          %dma_start3A_216 = tpu.memref_slice %arg5[%add3A_210] : memref<320000xf32, #tpu.memory_space<hbm>> -> memref<80xf32, #tpu.memory_space<hbm>>
          tpu.enqueue_dma source(%dma_start3A_216 : memref<80xf32, #tpu.memory_space<hbm>>) target(%dma_start3A_215 : memref<80xf32, #tpu.memory_space<vmem>>) target_semaphore(%arg21 : memref<!tpu.dma_semaphore, #tpu.memory_space<semaphore_mem>>)
        } else {
        }
      } else {
      }
      %eq3A_153 = arith.constant 1 : i32
      %eq3A_154 = arith.cmpi eq, %rem3A_124, %eq3A_153 : i32
      %convert_element_type3A_155 = arith.extui %eq3A_154 : i1 to i32
      %cond3A_156 = arith.constant 0 : i32
      %cond3A_157 = arith.cmpi ne, %convert_element_type3A_155, %cond3A_156 : i32
      scf.if %cond3A_157 {
        %dma_start3A_163 = arith.constant 1 : i32
        %dma_start3A_164 = arith.constant 80 : i32
        %dma_start3A_165 = arith.constant 0 : i32
        %dma_start3A_166 = tpu.memref_slice %arg9[%dma_start3A_164, %dma_start3A_165] : memref<240x128xf32, #tpu.memory_space<vmem>> -> memref<80x128xf32, #tpu.memory_space<vmem>>
        %dma_start3A_167 = arith.constant 0 : i32
        %dma_start3A_168 = tpu.memref_slice %arg10[%dma_start3A_163, %dma_start3A_167] : memref<3x80xi32, #tpu.memory_space<vmem>> -> memref<1x80xi32, #tpu.memory_space<vmem>>
        %dma_start3A_169 = tpu.memref_squeeze %dma_start3A_168 : memref<1x80xi32, #tpu.memory_space<vmem>> -> memref<80xi32, #tpu.memory_space<vmem>>
        %dma_start3A_170 = arith.constant 0 : i32
        %dma_start3A_171 = arith.constant 0 : i32
        %dma_start3A_172 = tpu.memref_slice %arg12[%dma_start3A_170, %dma_start3A_171] : memref<10000x128xf32, #tpu.memory_space<vmem_shared>> -> memref<10000x128xf32, #tpu.memory_space<vmem_shared>>
        tpu.enqueue_indirect_dma source(%dma_start3A_166 : memref<80x128xf32, #tpu.memory_space<vmem>>) target(%dma_start3A_172 : memref<10000x128xf32, #tpu.memory_space<vmem_shared>>) offsets(%dma_start3A_169 : memref<80xi32, #tpu.memory_space<vmem>>) semaphore(%arg17 : memref<!tpu.dma_semaphore, #tpu.memory_space<semaphore_mem>>) {add = true}
        %add3A_173 = arith.constant 2 : i32
        %add3A_174 = arith.addi %scan3A_123, %add3A_173 : i32
        %lt3A = arith.constant 125 : i32
        %lt3A_175 = arith.cmpi slt, %add3A_174, %lt3A : i32
        %convert_element_type3A_176 = arith.extui %lt3A_175 : i1 to i32
        %cond3A_177 = arith.constant 0 : i32
        %cond3A_178 = arith.cmpi ne, %convert_element_type3A_176, %cond3A_177 : i32
        scf.if %cond3A_178 {
          %ge3A = arith.constant 1 : i32
          %ge3A_179 = arith.cmpi sge, %scan3A_123, %ge3A : i32
          %convert_element_type3A_180 = arith.extui %ge3A_179 : i1 to i32
          %cond3A_181 = arith.constant 0 : i32
          %cond3A_182 = arith.cmpi ne, %convert_element_type3A_180, %cond3A_181 : i32
          scf.if %cond3A_182 {
            %sub3A = arith.constant 1 : i32
            %sub3A_217 = arith.subi %scan3A_123, %sub3A : i32
            %dma_wait3A_218 = arith.constant 0 : i32
            %dma_wait3A_219 = arith.constant 0 : i32
            %dma_wait3A_220 = arith.constant 0 : i32
            %dma_wait3A_221 = tpu.memref_slice %arg9[%dma_wait3A_219, %dma_wait3A_220] : memref<240x128xf32, #tpu.memory_space<vmem>> -> memref<80x128xf32, #tpu.memory_space<vmem>>
            %dma_wait3A_222 = arith.constant 0 : i32
            %dma_wait3A_223 = tpu.memref_slice %arg10[%dma_wait3A_218, %dma_wait3A_222] : memref<3x80xi32, #tpu.memory_space<vmem>> -> memref<1x80xi32, #tpu.memory_space<vmem>>
            %dma_wait3A_224 = tpu.memref_squeeze %dma_wait3A_223 : memref<1x80xi32, #tpu.memory_space<vmem>> -> memref<80xi32, #tpu.memory_space<vmem>>
            %dma_wait3A_225 = arith.constant 0 : i32
            %dma_wait3A_226 = arith.constant 0 : i32
            %dma_wait3A_227 = tpu.memref_slice %arg12[%dma_wait3A_225, %dma_wait3A_226] : memref<10000x128xf32, #tpu.memory_space<vmem_shared>> -> memref<10000x128xf32, #tpu.memory_space<vmem_shared>>
            tpu.wait_indirect_dma semaphore(%arg16 : memref<!tpu.dma_semaphore, #tpu.memory_space<semaphore_mem>>) src(%dma_wait3A_221 : memref<80x128xf32, #tpu.memory_space<vmem>>) dst(%dma_wait3A_227 : memref<10000x128xf32, #tpu.memory_space<vmem_shared>>)
          } else {
          }
          %add3A_183 = arith.constant 2 : i32
          %add3A_184 = arith.addi %scan3A_123, %add3A_183 : i32
          %mul3A_185 = arith.constant 80 : i32
          %mul3A_186 = arith.muli %add3A_184, %mul3A_185 : i32
          %dma_start3A_187 = arith.constant 0 : i32
          %dma_start3A_188 = arith.constant 0 : i32
          %dma_start3A_189 = tpu.memref_slice %arg9[%dma_start3A_187, %dma_start3A_188] : memref<240x128xf32, #tpu.memory_space<vmem>> -> memref<80x128xf32, #tpu.memory_space<vmem>>
          %dma_start3A_190 = tpu.memref_slice %arg8[%mul3A_186] : memref<10000xi32, #tpu.memory_space<vmem>> -> memref<80xi32, #tpu.memory_space<vmem>>
          %dma_start3A_191 = arith.constant 0 : i32
          %dma_start3A_192 = arith.constant 0 : i32
          %dma_start3A_193 = tpu.memref_slice %arg2[%dma_start3A_191, %dma_start3A_192] : memref<10000x128xf32, #tpu.memory_space<hbm>> -> memref<10000x128xf32, #tpu.memory_space<hbm>>
          tpu.enqueue_indirect_dma source(%dma_start3A_193 : memref<10000x128xf32, #tpu.memory_space<hbm>>) target(%dma_start3A_189 : memref<80x128xf32, #tpu.memory_space<vmem>>) offsets(%dma_start3A_190 : memref<80xi32, #tpu.memory_space<vmem>>) semaphore(%arg13 : memref<!tpu.dma_semaphore, #tpu.memory_space<semaphore_mem>>)
          %add3A_194 = arith.constant 2 : i32
          %add3A_195 = arith.addi %scan3A_123, %add3A_194 : i32
          %mul3A_196 = arith.constant 80 : i32
          %mul3A_197 = arith.muli %add3A_195, %mul3A_196 : i32
          %add3A_198 = arith.addi %mul3A_2, %mul3A_197 : i32
          %dma_start3A_199 = arith.constant 0 : i32
          %dma_start3A_200 = arith.constant 0 : i32
          %dma_start3A_201 = tpu.memref_slice %arg10[%dma_start3A_199, %dma_start3A_200] : memref<3x80xi32, #tpu.memory_space<vmem>> -> memref<1x80xi32, #tpu.memory_space<vmem>>
          %dma_start3A_202 = tpu.memref_squeeze %dma_start3A_201 : memref<1x80xi32, #tpu.memory_space<vmem>> -> memref<80xi32, #tpu.memory_space<vmem>>
          %dma_start3A_203 = tpu.memref_slice %arg4[%add3A_198] : memref<320000xi32, #tpu.memory_space<hbm>> -> memref<80xi32, #tpu.memory_space<hbm>>
          %dma_start3A_204 = arith.constant 0 : i32
          %dma_start3A_205 = tpu.memref_slice %arg10[%dma_start3A_199, %dma_start3A_204] : memref<3x80xi32, #tpu.memory_space<vmem>> -> memref<1x80xi32, #tpu.memory_space<vmem>>
          %dma_start3A_206 = tpu.memref_squeeze %dma_start3A_205 : memref<1x80xi32, #tpu.memory_space<vmem>> -> memref<80xi32, #tpu.memory_space<vmem>>
          %dma_start3A_207 = tpu.memref_slice %arg4[%add3A_198] : memref<320000xi32, #tpu.memory_space<hbm>> -> memref<80xi32, #tpu.memory_space<hbm>>
          tpu.enqueue_dma source(%dma_start3A_207 : memref<80xi32, #tpu.memory_space<hbm>>) target(%dma_start3A_206 : memref<80xi32, #tpu.memory_space<vmem>>) target_semaphore(%arg19 : memref<!tpu.dma_semaphore, #tpu.memory_space<semaphore_mem>>)
          %mul3A_208 = arith.constant 80 : i32
          %mul3A_209 = arith.muli %add3A_195, %mul3A_208 : i32
          %add3A_210 = arith.addi %mul3A_2, %mul3A_209 : i32
          %dma_start3A_211 = arith.constant 0 : i32
          %dma_start3A_212 = tpu.memref_slice %arg11[%dma_start3A_211] : memref<240xf32, #tpu.memory_space<vmem>> -> memref<80xf32, #tpu.memory_space<vmem>>
          %dma_start3A_213 = tpu.memref_slice %arg5[%add3A_210] : memref<320000xf32, #tpu.memory_space<hbm>> -> memref<80xf32, #tpu.memory_space<hbm>>
          %dma_start3A_214 = arith.constant 0 : i32
          %dma_start3A_215 = tpu.memref_slice %arg11[%dma_start3A_214] : memref<240xf32, #tpu.memory_space<vmem>> -> memref<80xf32, #tpu.memory_space<vmem>>
          %dma_start3A_216 = tpu.memref_slice %arg5[%add3A_210] : memref<320000xf32, #tpu.memory_space<hbm>> -> memref<80xf32, #tpu.memory_space<hbm>>
          tpu.enqueue_dma source(%dma_start3A_216 : memref<80xf32, #tpu.memory_space<hbm>>) target(%dma_start3A_215 : memref<80xf32, #tpu.memory_space<vmem>>) target_semaphore(%arg19 : memref<!tpu.dma_semaphore, #tpu.memory_space<semaphore_mem>>)
        } else {
        }
      } else {
      }
      %eq3A_158 = arith.constant 2 : i32
      %eq3A_159 = arith.cmpi eq, %rem3A_124, %eq3A_158 : i32
      %convert_element_type3A_160 = arith.extui %eq3A_159 : i1 to i32
      %cond3A_161 = arith.constant 0 : i32
      %cond3A_162 = arith.cmpi ne, %convert_element_type3A_160, %cond3A_161 : i32
      scf.if %cond3A_162 {
        %dma_start3A_163 = arith.constant 2 : i32
        %dma_start3A_164 = arith.constant 160 : i32
        %dma_start3A_165 = arith.constant 0 : i32
        %dma_start3A_166 = tpu.memref_slice %arg9[%dma_start3A_164, %dma_start3A_165] : memref<240x128xf32, #tpu.memory_space<vmem>> -> memref<80x128xf32, #tpu.memory_space<vmem>>
        %dma_start3A_167 = arith.constant 0 : i32
        %dma_start3A_168 = tpu.memref_slice %arg10[%dma_start3A_163, %dma_start3A_167] : memref<3x80xi32, #tpu.memory_space<vmem>> -> memref<1x80xi32, #tpu.memory_space<vmem>>
        %dma_start3A_169 = tpu.memref_squeeze %dma_start3A_168 : memref<1x80xi32, #tpu.memory_space<vmem>> -> memref<80xi32, #tpu.memory_space<vmem>>
        %dma_start3A_170 = arith.constant 0 : i32
        %dma_start3A_171 = arith.constant 0 : i32
        %dma_start3A_172 = tpu.memref_slice %arg12[%dma_start3A_170, %dma_start3A_171] : memref<10000x128xf32, #tpu.memory_space<vmem_shared>> -> memref<10000x128xf32, #tpu.memory_space<vmem_shared>>
        tpu.enqueue_indirect_dma source(%dma_start3A_166 : memref<80x128xf32, #tpu.memory_space<vmem>>) target(%dma_start3A_172 : memref<10000x128xf32, #tpu.memory_space<vmem_shared>>) offsets(%dma_start3A_169 : memref<80xi32, #tpu.memory_space<vmem>>) semaphore(%arg18 : memref<!tpu.dma_semaphore, #tpu.memory_space<semaphore_mem>>) {add = true}
        %add3A_173 = arith.constant 2 : i32
        %add3A_174 = arith.addi %scan3A_123, %add3A_173 : i32
        %lt3A = arith.constant 125 : i32
        %lt3A_175 = arith.cmpi slt, %add3A_174, %lt3A : i32
        %convert_element_type3A_176 = arith.extui %lt3A_175 : i1 to i32
        %cond3A_177 = arith.constant 0 : i32
        %cond3A_178 = arith.cmpi ne, %convert_element_type3A_176, %cond3A_177 : i32
        scf.if %cond3A_178 {
          %ge3A = arith.constant 1 : i32
          %ge3A_179 = arith.cmpi sge, %scan3A_123, %ge3A : i32
          %convert_element_type3A_180 = arith.extui %ge3A_179 : i1 to i32
          %cond3A_181 = arith.constant 0 : i32
          %cond3A_182 = arith.cmpi ne, %convert_element_type3A_180, %cond3A_181 : i32
          scf.if %cond3A_182 {
            %sub3A = arith.constant 1 : i32
            %sub3A_217 = arith.subi %scan3A_123, %sub3A : i32
            %dma_wait3A_218 = arith.constant 1 : i32
            %dma_wait3A_219 = arith.constant 80 : i32
            %dma_wait3A_220 = arith.constant 0 : i32
            %dma_wait3A_221 = tpu.memref_slice %arg9[%dma_wait3A_219, %dma_wait3A_220] : memref<240x128xf32, #tpu.memory_space<vmem>> -> memref<80x128xf32, #tpu.memory_space<vmem>>
            %dma_wait3A_222 = arith.constant 0 : i32
            %dma_wait3A_223 = tpu.memref_slice %arg10[%dma_wait3A_218, %dma_wait3A_222] : memref<3x80xi32, #tpu.memory_space<vmem>> -> memref<1x80xi32, #tpu.memory_space<vmem>>
            %dma_wait3A_224 = tpu.memref_squeeze %dma_wait3A_223 : memref<1x80xi32, #tpu.memory_space<vmem>> -> memref<80xi32, #tpu.memory_space<vmem>>
            %dma_wait3A_225 = arith.constant 0 : i32
            %dma_wait3A_226 = arith.constant 0 : i32
            %dma_wait3A_227 = tpu.memref_slice %arg12[%dma_wait3A_225, %dma_wait3A_226] : memref<10000x128xf32, #tpu.memory_space<vmem_shared>> -> memref<10000x128xf32, #tpu.memory_space<vmem_shared>>
            tpu.wait_indirect_dma semaphore(%arg17 : memref<!tpu.dma_semaphore, #tpu.memory_space<semaphore_mem>>) src(%dma_wait3A_221 : memref<80x128xf32, #tpu.memory_space<vmem>>) dst(%dma_wait3A_227 : memref<10000x128xf32, #tpu.memory_space<vmem_shared>>)
          } else {
          }
          %add3A_183 = arith.constant 2 : i32
          %add3A_184 = arith.addi %scan3A_123, %add3A_183 : i32
          %mul3A_185 = arith.constant 80 : i32
          %mul3A_186 = arith.muli %add3A_184, %mul3A_185 : i32
          %dma_start3A_187 = arith.constant 80 : i32
          %dma_start3A_188 = arith.constant 0 : i32
          %dma_start3A_189 = tpu.memref_slice %arg9[%dma_start3A_187, %dma_start3A_188] : memref<240x128xf32, #tpu.memory_space<vmem>> -> memref<80x128xf32, #tpu.memory_space<vmem>>
          %dma_start3A_190 = tpu.memref_slice %arg8[%mul3A_186] : memref<10000xi32, #tpu.memory_space<vmem>> -> memref<80xi32, #tpu.memory_space<vmem>>
          %dma_start3A_191 = arith.constant 0 : i32
          %dma_start3A_192 = arith.constant 0 : i32
          %dma_start3A_193 = tpu.memref_slice %arg2[%dma_start3A_191, %dma_start3A_192] : memref<10000x128xf32, #tpu.memory_space<hbm>> -> memref<10000x128xf32, #tpu.memory_space<hbm>>
          tpu.enqueue_indirect_dma source(%dma_start3A_193 : memref<10000x128xf32, #tpu.memory_space<hbm>>) target(%dma_start3A_189 : memref<80x128xf32, #tpu.memory_space<vmem>>) offsets(%dma_start3A_190 : memref<80xi32, #tpu.memory_space<vmem>>) semaphore(%arg14 : memref<!tpu.dma_semaphore, #tpu.memory_space<semaphore_mem>>)
          %add3A_194 = arith.constant 2 : i32
          %add3A_195 = arith.addi %scan3A_123, %add3A_194 : i32
          %mul3A_196 = arith.constant 80 : i32
          %mul3A_197 = arith.muli %add3A_195, %mul3A_196 : i32
          %add3A_198 = arith.addi %mul3A_2, %mul3A_197 : i32
          %dma_start3A_199 = arith.constant 1 : i32
          %dma_start3A_200 = arith.constant 0 : i32
          %dma_start3A_201 = tpu.memref_slice %arg10[%dma_start3A_199, %dma_start3A_200] : memref<3x80xi32, #tpu.memory_space<vmem>> -> memref<1x80xi32, #tpu.memory_space<vmem>>
          %dma_start3A_202 = tpu.memref_squeeze %dma_start3A_201 : memref<1x80xi32, #tpu.memory_space<vmem>> -> memref<80xi32, #tpu.memory_space<vmem>>
          %dma_start3A_203 = tpu.memref_slice %arg4[%add3A_198] : memref<320000xi32, #tpu.memory_space<hbm>> -> memref<80xi32, #tpu.memory_space<hbm>>
          %dma_start3A_204 = arith.constant 0 : i32
          %dma_start3A_205 = tpu.memref_slice %arg10[%dma_start3A_199, %dma_start3A_204] : memref<3x80xi32, #tpu.memory_space<vmem>> -> memref<1x80xi32, #tpu.memory_space<vmem>>
          %dma_start3A_206 = tpu.memref_squeeze %dma_start3A_205 : memref<1x80xi32, #tpu.memory_space<vmem>> -> memref<80xi32, #tpu.memory_space<vmem>>
          %dma_start3A_207 = tpu.memref_slice %arg4[%add3A_198] : memref<320000xi32, #tpu.memory_space<hbm>> -> memref<80xi32, #tpu.memory_space<hbm>>
          tpu.enqueue_dma source(%dma_start3A_207 : memref<80xi32, #tpu.memory_space<hbm>>) target(%dma_start3A_206 : memref<80xi32, #tpu.memory_space<vmem>>) target_semaphore(%arg20 : memref<!tpu.dma_semaphore, #tpu.memory_space<semaphore_mem>>)
          %mul3A_208 = arith.constant 80 : i32
          %mul3A_209 = arith.muli %add3A_195, %mul3A_208 : i32
          %add3A_210 = arith.addi %mul3A_2, %mul3A_209 : i32
          %dma_start3A_211 = arith.constant 80 : i32
          %dma_start3A_212 = tpu.memref_slice %arg11[%dma_start3A_211] : memref<240xf32, #tpu.memory_space<vmem>> -> memref<80xf32, #tpu.memory_space<vmem>>
          %dma_start3A_213 = tpu.memref_slice %arg5[%add3A_210] : memref<320000xf32, #tpu.memory_space<hbm>> -> memref<80xf32, #tpu.memory_space<hbm>>
          %dma_start3A_214 = arith.constant 80 : i32
          %dma_start3A_215 = tpu.memref_slice %arg11[%dma_start3A_214] : memref<240xf32, #tpu.memory_space<vmem>> -> memref<80xf32, #tpu.memory_space<vmem>>
          %dma_start3A_216 = tpu.memref_slice %arg5[%add3A_210] : memref<320000xf32, #tpu.memory_space<hbm>> -> memref<80xf32, #tpu.memory_space<hbm>>
          tpu.enqueue_dma source(%dma_start3A_216 : memref<80xf32, #tpu.memory_space<hbm>>) target(%dma_start3A_215 : memref<80xf32, #tpu.memory_space<vmem>>) target_semaphore(%arg20 : memref<!tpu.dma_semaphore, #tpu.memory_space<semaphore_mem>>)
        } else {
        }
      } else {
      }
    }
    %scan3A_82 = arith.constant 125 : i32
    %dma_wait3A_83 = arith.constant 2 : i32
    %dma_wait3A_84 = arith.constant 160 : i32
    %dma_wait3A_85 = arith.constant 0 : i32
    %dma_wait3A_86 = tpu.memref_slice %arg9[%dma_wait3A_84, %dma_wait3A_85] : memref<240x128xf32, #tpu.memory_space<vmem>> -> memref<80x128xf32, #tpu.memory_space<vmem>>
    %dma_wait3A_87 = arith.constant 0 : i32
    %dma_wait3A_88 = tpu.memref_slice %arg10[%dma_wait3A_83, %dma_wait3A_87] : memref<3x80xi32, #tpu.memory_space<vmem>> -> memref<1x80xi32, #tpu.memory_space<vmem>>
    %dma_wait3A_89 = tpu.memref_squeeze %dma_wait3A_88 : memref<1x80xi32, #tpu.memory_space<vmem>> -> memref<80xi32, #tpu.memory_space<vmem>>
    %dma_wait3A_90 = arith.constant 0 : i32
    %dma_wait3A_91 = arith.constant 0 : i32
    %dma_wait3A_92 = tpu.memref_slice %arg12[%dma_wait3A_90, %dma_wait3A_91] : memref<10000x128xf32, #tpu.memory_space<vmem_shared>> -> memref<10000x128xf32, #tpu.memory_space<vmem_shared>>
    tpu.wait_indirect_dma semaphore(%arg18 : memref<!tpu.dma_semaphore, #tpu.memory_space<semaphore_mem>>) src(%dma_wait3A_86 : memref<80x128xf32, #tpu.memory_space<vmem>>) dst(%dma_wait3A_92 : memref<10000x128xf32, #tpu.memory_space<vmem_shared>>)
    %dma_wait3A_93 = arith.constant 0 : i32
    %dma_wait3A_94 = arith.constant 0 : i32
    %dma_wait3A_95 = arith.constant 0 : i32
    %dma_wait3A_96 = tpu.memref_slice %arg9[%dma_wait3A_94, %dma_wait3A_95] : memref<240x128xf32, #tpu.memory_space<vmem>> -> memref<80x128xf32, #tpu.memory_space<vmem>>
    %dma_wait3A_97 = arith.constant 0 : i32
    %dma_wait3A_98 = tpu.memref_slice %arg10[%dma_wait3A_93, %dma_wait3A_97] : memref<3x80xi32, #tpu.memory_space<vmem>> -> memref<1x80xi32, #tpu.memory_space<vmem>>
    %dma_wait3A_99 = tpu.memref_squeeze %dma_wait3A_98 : memref<1x80xi32, #tpu.memory_space<vmem>> -> memref<80xi32, #tpu.memory_space<vmem>>
    %dma_wait3A_100 = arith.constant 0 : i32
    %dma_wait3A_101 = arith.constant 0 : i32
    %dma_wait3A_102 = tpu.memref_slice %arg12[%dma_wait3A_100, %dma_wait3A_101] : memref<10000x128xf32, #tpu.memory_space<vmem_shared>> -> memref<10000x128xf32, #tpu.memory_space<vmem_shared>>
    tpu.wait_indirect_dma semaphore(%arg16 : memref<!tpu.dma_semaphore, #tpu.memory_space<semaphore_mem>>) src(%dma_wait3A_96 : memref<80x128xf32, #tpu.memory_space<vmem>>) dst(%dma_wait3A_102 : memref<10000x128xf32, #tpu.memory_space<vmem_shared>>)
    %dma_wait3A_103 = arith.constant 1 : i32
    %dma_wait3A_104 = arith.constant 80 : i32
    %dma_wait3A_105 = arith.constant 0 : i32
    %dma_wait3A_106 = tpu.memref_slice %arg9[%dma_wait3A_104, %dma_wait3A_105] : memref<240x128xf32, #tpu.memory_space<vmem>> -> memref<80x128xf32, #tpu.memory_space<vmem>>
    %dma_wait3A_107 = arith.constant 0 : i32
    %dma_wait3A_108 = tpu.memref_slice %arg10[%dma_wait3A_103, %dma_wait3A_107] : memref<3x80xi32, #tpu.memory_space<vmem>> -> memref<1x80xi32, #tpu.memory_space<vmem>>
    %dma_wait3A_109 = tpu.memref_squeeze %dma_wait3A_108 : memref<1x80xi32, #tpu.memory_space<vmem>> -> memref<80xi32, #tpu.memory_space<vmem>>
    %dma_wait3A_110 = arith.constant 0 : i32
    %dma_wait3A_111 = arith.constant 0 : i32
    %dma_wait3A_112 = tpu.memref_slice %arg12[%dma_wait3A_110, %dma_wait3A_111] : memref<10000x128xf32, #tpu.memory_space<vmem_shared>> -> memref<10000x128xf32, #tpu.memory_space<vmem_shared>>
    tpu.wait_indirect_dma semaphore(%arg17 : memref<!tpu.dma_semaphore, #tpu.memory_space<semaphore_mem>>) src(%dma_wait3A_106 : memref<80x128xf32, #tpu.memory_space<vmem>>) dst(%dma_wait3A_112 : memref<10000x128xf32, #tpu.memory_space<vmem_shared>>)
    %barrier3A_113 = arith.constant 0 : index
    tpu.barrier barrier_id(%barrier3A_113)
    %mul3A_114 = arith.constant 624 : i32
    %mul3A_115 = arith.muli %arg1, %mul3A_114 : i32
    %mul3A_116 = arith.constant 624 : i32
    %mul3A_117 = arith.muli %arg1, %mul3A_116 : i32
    "tpu.region"() ({
      %run_scoped3A = tpu.sem_alloc : memref<!tpu.dma_semaphore, #tpu.memory_space<semaphore_mem>>
      %dma_start3A_123 = arith.constant 0 : i32
      %dma_start3A_124 = tpu.memref_slice %arg7[%arg0, %mul3A_117, %dma_start3A_123] : memref<2x10000x128xf32, #tpu.memory_space<hbm>> -> memref<1x624x128xf32, #tpu.memory_space<hbm>>
      %dma_start3A_125 = tpu.memref_squeeze %dma_start3A_124 : memref<1x624x128xf32, #tpu.memory_space<hbm>> -> memref<624x128xf32, #tpu.memory_space<hbm>>
      %dma_start3A_126 = arith.constant 0 : i32
      %dma_start3A_127 = tpu.memref_slice %arg12[%mul3A_115, %dma_start3A_126] : memref<10000x128xf32, #tpu.memory_space<vmem_shared>> -> memref<624x128xf32, #tpu.memory_space<vmem_shared>>
      tpu.enqueue_dma source(%dma_start3A_127 : memref<624x128xf32, #tpu.memory_space<vmem_shared>>) target(%dma_start3A_125 : memref<624x128xf32, #tpu.memory_space<hbm>>) target_semaphore(%run_scoped3A : memref<!tpu.dma_semaphore, #tpu.memory_space<semaphore_mem>>)
      %dma_wait3A_128 = arith.constant 0 : i32
      %dma_wait3A_129 = tpu.memref_slice %arg7[%arg0, %mul3A_117, %dma_wait3A_128] : memref<2x10000x128xf32, #tpu.memory_space<hbm>> -> memref<1x624x128xf32, #tpu.memory_space<hbm>>
      %dma_wait3A_130 = tpu.memref_squeeze %dma_wait3A_129 : memref<1x624x128xf32, #tpu.memory_space<hbm>> -> memref<624x128xf32, #tpu.memory_space<hbm>>
      %dma_wait3A_131 = arith.constant 0 : i32
      %dma_wait3A_132 = tpu.memref_slice %arg12[%mul3A_115, %dma_wait3A_131] : memref<10000x128xf32, #tpu.memory_space<vmem_shared>> -> memref<624x128xf32, #tpu.memory_space<vmem_shared>>
      tpu.wait_dma2 semaphore(%run_scoped3A : memref<!tpu.dma_semaphore, #tpu.memory_space<semaphore_mem>>) src(%dma_wait3A_132 : memref<624x128xf32, #tpu.memory_space<vmem_shared>>) dst(%dma_wait3A_130 : memref<624x128xf32, #tpu.memory_space<hbm>>)
      tpu.yield
    }) : () -> ()
    %eq3A_118 = arith.constant 15 : i32
    %eq3A_119 = arith.cmpi eq, %arg1, %eq3A_118 : i32
    %convert_element_type3A_120 = arith.extui %eq3A_119 : i1 to i32
    %cond3A_121 = arith.constant 0 : i32
    %cond3A_122 = arith.cmpi ne, %convert_element_type3A_120, %cond3A_121 : i32
    scf.if %cond3A_122 {
      "tpu.region"() ({
        %run_scoped3A = tpu.sem_alloc : memref<!tpu.dma_semaphore, #tpu.memory_space<semaphore_mem>>
        %dma_start3A_123 = arith.constant 9984 : i32
        %dma_start3A_124 = arith.constant 0 : i32
        %dma_start3A_125 = tpu.memref_slice %arg7[%arg0, %dma_start3A_123, %dma_start3A_124] : memref<2x10000x128xf32, #tpu.memory_space<hbm>> -> memref<1x16x128xf32, #tpu.memory_space<hbm>>
        %dma_start3A_126 = tpu.memref_squeeze %dma_start3A_125 : memref<1x16x128xf32, #tpu.memory_space<hbm>> -> memref<16x128xf32, #tpu.memory_space<hbm>>
        %dma_start3A_127 = arith.constant 9984 : i32
        %dma_start3A_128 = arith.constant 0 : i32
        %dma_start3A_129 = tpu.memref_slice %arg12[%dma_start3A_127, %dma_start3A_128] : memref<10000x128xf32, #tpu.memory_space<vmem_shared>> -> memref<16x128xf32, #tpu.memory_space<vmem_shared>>
        tpu.enqueue_dma source(%dma_start3A_129 : memref<16x128xf32, #tpu.memory_space<vmem_shared>>) target(%dma_start3A_126 : memref<16x128xf32, #tpu.memory_space<hbm>>) target_semaphore(%run_scoped3A : memref<!tpu.dma_semaphore, #tpu.memory_space<semaphore_mem>>)
        %dma_wait3A_130 = arith.constant 9984 : i32
        %dma_wait3A_131 = arith.constant 0 : i32
        %dma_wait3A_132 = tpu.memref_slice %arg7[%arg0, %dma_wait3A_130, %dma_wait3A_131] : memref<2x10000x128xf32, #tpu.memory_space<hbm>> -> memref<1x16x128xf32, #tpu.memory_space<hbm>>
        %dma_wait3A_133 = tpu.memref_squeeze %dma_wait3A_132 : memref<1x16x128xf32, #tpu.memory_space<hbm>> -> memref<16x128xf32, #tpu.memory_space<hbm>>
        %dma_wait3A_134 = arith.constant 9984 : i32
        %dma_wait3A_135 = arith.constant 0 : i32
        %dma_wait3A_136 = tpu.memref_slice %arg12[%dma_wait3A_134, %dma_wait3A_135] : memref<10000x128xf32, #tpu.memory_space<vmem_shared>> -> memref<16x128xf32, #tpu.memory_space<vmem_shared>>
        tpu.wait_dma2 semaphore(%run_scoped3A : memref<!tpu.dma_semaphore, #tpu.memory_space<semaphore_mem>>) src(%dma_wait3A_136 : memref<16x128xf32, #tpu.memory_space<vmem_shared>>) dst(%dma_wait3A_133 : memref<16x128xf32, #tpu.memory_space<hbm>>)
        tpu.yield
      }) : () -> ()
    } else {
    }
    return
  }
}

#map = affine_map<(d0, d1) -> (0, 0)>
#map1 = affine_map<(d0, d1) -> (0)>
#map2 = affine_map<(d0, d1) -> (0, 0, 0)>
module attributes {stable_mosaic.version = 14 : i64} {
  func.func @_agg_kernel(%arg0: i32, %arg1: i32, %arg2: memref<10000x128xf32, #tpu.memory_space<hbm>>, %arg3: memref<320000xi32, #tpu.memory_space<hbm>>, %arg4: memref<320000xi32, #tpu.memory_space<hbm>>, %arg5: memref<320000xf32, #tpu.memory_space<hbm>>, %arg6: memref<10000x128xf32, #tpu.memory_space<hbm>>, %arg7: memref<2x10000x128xf32, #tpu.memory_space<hbm>>, %arg8: memref<10000xi32, #tpu.memory_space<vmem>>, %arg9: memref<240x128xf32, #tpu.memory_space<vmem>>, %arg10: memref<3x80xi32, #tpu.memory_space<vmem>>, %arg11: memref<240xf32, #tpu.memory_space<vmem>>, %arg12: memref<10000x128xf32, #tpu.memory_space<vmem_shared>>, %arg13: memref<!tpu.dma_semaphore, #tpu.memory_space<semaphore_mem>>, %arg14: memref<!tpu.dma_semaphore, #tpu.memory_space<semaphore_mem>>, %arg15: memref<!tpu.dma_semaphore, #tpu.memory_space<semaphore_mem>>, %arg16: memref<!tpu.dma_semaphore, #tpu.memory_space<semaphore_mem>>, %arg17: memref<!tpu.dma_semaphore, #tpu.memory_space<semaphore_mem>>, %arg18: memref<!tpu.dma_semaphore, #tpu.memory_space<semaphore_mem>>, %arg19: memref<!tpu.dma_semaphore, #tpu.memory_space<semaphore_mem>>, %arg20: memref<!tpu.dma_semaphore, #tpu.memory_space<semaphore_mem>>, %arg21: memref<!tpu.dma_semaphore, #tpu.memory_space<semaphore_mem>>, %arg22: memref<!tpu.dma_semaphore, #tpu.memory_space<semaphore_mem>>) attributes {dimension_semantics = [#tpu.dimension_semantics<core_parallel>, #tpu.dimension_semantics<subcore_parallel>], iteration_bounds = array<i64: 2, 16>, scalar_prefetch = 0 : i64, scratch_operands = 15 : i64, tpu.core_type = #tpu.core_type<sc_vector_subcore>, window_params = [{transform_indices = #map}, {transform_indices = #map1}, {transform_indices = #map1}, {transform_indices = #map1}, {transform_indices = #map}, {transform_indices = #map2}]} {
    %mul3A = arith.constant 16 : i32
    %mul3A_0 = arith.muli %arg0, %mul3A : i32
    %add3A = arith.addi %mul3A_0, %arg1 : i32
    %mul3A_1 = arith.constant 10000 : i32
    %mul3A_2 = arith.muli %add3A, %mul3A_1 : i32
    %mul3A_3 = arith.constant 624 : i32
    %mul3A_4 = arith.muli %arg1, %mul3A_3 : i32
    %mul3A_5 = arith.constant 624 : i32
    %mul3A_6 = arith.muli %arg1, %mul3A_5 : i32
    %dma_start3A = arith.constant 0 : i32
    %dma_start3A_7 = tpu.memref_slice %arg12[%mul3A_6, %dma_start3A] : memref<10000x128xf32, #tpu.memory_space<vmem_shared>> -> memref<624x128xf32, #tpu.memory_space<vmem_shared>>
    %dma_start3A_8 = arith.constant 0 : i32
    %dma_start3A_9 = tpu.memref_slice %arg6[%mul3A_4, %dma_start3A_8] : memref<10000x128xf32, #tpu.memory_space<hbm>> -> memref<624x128xf32, #tpu.memory_space<hbm>>
    tpu.enqueue_dma source(%dma_start3A_9 : memref<624x128xf32, #tpu.memory_space<hbm>>) target(%dma_start3A_7 : memref<624x128xf32, #tpu.memory_space<vmem_shared>>) target_semaphore(%arg22 : memref<!tpu.dma_semaphore, #tpu.memory_space<semaphore_mem>>)
    %eq3A = arith.constant 15 : i32
    %eq3A_10 = arith.cmpi eq, %arg1, %eq3A : i32
    %convert_element_type3A = arith.extui %eq3A_10 : i1 to i32
    %cond3A = arith.constant 0 : i32
    %cond3A_11 = arith.cmpi ne, %convert_element_type3A, %cond3A : i32
    scf.if %cond3A_11 {
      %dma_start3A_123 = arith.constant 9984 : i32
      %dma_start3A_124 = arith.constant 0 : i32
      %dma_start3A_125 = tpu.memref_slice %arg12[%dma_start3A_123, %dma_start3A_124] : memref<10000x128xf32, #tpu.memory_space<vmem_shared>> -> memref<16x128xf32, #tpu.memory_space<vmem_shared>>
      %dma_start3A_126 = arith.constant 9984 : i32
      %dma_start3A_127 = arith.constant 0 : i32
      %dma_start3A_128 = tpu.memref_slice %arg6[%dma_start3A_126, %dma_start3A_127] : memref<10000x128xf32, #tpu.memory_space<hbm>> -> memref<16x128xf32, #tpu.memory_space<hbm>>
      tpu.enqueue_dma source(%dma_start3A_128 : memref<16x128xf32, #tpu.memory_space<hbm>>) target(%dma_start3A_125 : memref<16x128xf32, #tpu.memory_space<vmem_shared>>) target_semaphore(%arg22 : memref<!tpu.dma_semaphore, #tpu.memory_space<semaphore_mem>>)
    } else {
    }
    "tpu.region"() ({
      %run_scoped3A = tpu.sem_alloc : memref<!tpu.dma_semaphore, #tpu.memory_space<semaphore_mem>>
      %dma_start3A_123 = tpu.memref_slice %arg3[%mul3A_2] : memref<320000xi32, #tpu.memory_space<hbm>> -> memref<10000xi32, #tpu.memory_space<hbm>>
      %dma_start3A_124 = tpu.memref_slice %arg3[%mul3A_2] : memref<320000xi32, #tpu.memory_space<hbm>> -> memref<10000xi32, #tpu.memory_space<hbm>>
      tpu.enqueue_dma source(%dma_start3A_124 : memref<10000xi32, #tpu.memory_space<hbm>>) target(%arg8 : memref<10000xi32, #tpu.memory_space<vmem>>) target_semaphore(%run_scoped3A : memref<!tpu.dma_semaphore, #tpu.memory_space<semaphore_mem>>)
      %dma_wait3A_125 = tpu.memref_slice %arg3[%mul3A_2] : memref<320000xi32, #tpu.memory_space<hbm>> -> memref<10000xi32, #tpu.memory_space<hbm>>
      %dma_wait3A_126 = tpu.memref_slice %arg3[%mul3A_2] : memref<320000xi32, #tpu.memory_space<hbm>> -> memref<10000xi32, #tpu.memory_space<hbm>>
      tpu.wait_dma2 semaphore(%run_scoped3A : memref<!tpu.dma_semaphore, #tpu.memory_space<semaphore_mem>>) src(%dma_wait3A_126 : memref<10000xi32, #tpu.memory_space<hbm>>) dst(%arg8 : memref<10000xi32, #tpu.memory_space<vmem>>)
      tpu.yield
    }) : () -> ()
    %dma_start3A_12 = arith.constant 0 : i32
    %dma_start3A_13 = arith.constant 0 : i32
    %dma_start3A_14 = tpu.memref_slice %arg9[%dma_start3A_12, %dma_start3A_13] : memref<240x128xf32, #tpu.memory_space<vmem>> -> memref<80x128xf32, #tpu.memory_space<vmem>>
    %dma_start3A_15 = arith.constant 0 : i32
    %dma_start3A_16 = tpu.memref_slice %arg8[%dma_start3A_15] : memref<10000xi32, #tpu.memory_space<vmem>> -> memref<80xi32, #tpu.memory_space<vmem>>
    %dma_start3A_17 = arith.constant 0 : i32
    %dma_start3A_18 = arith.constant 0 : i32
    %dma_start3A_19 = tpu.memref_slice %arg2[%dma_start3A_17, %dma_start3A_18] : memref<10000x128xf32, #tpu.memory_space<hbm>> -> memref<10000x128xf32, #tpu.memory_space<hbm>>
    tpu.enqueue_indirect_dma source(%dma_start3A_19 : memref<10000x128xf32, #tpu.memory_space<hbm>>) target(%dma_start3A_14 : memref<80x128xf32, #tpu.memory_space<vmem>>) offsets(%dma_start3A_16 : memref<80xi32, #tpu.memory_space<vmem>>) semaphore(%arg13 : memref<!tpu.dma_semaphore, #tpu.memory_space<semaphore_mem>>)
    %add3A_20 = arith.constant 0 : i32
    %add3A_21 = arith.addi %mul3A_2, %add3A_20 : i32
    %dma_start3A_22 = arith.constant 0 : i32
    %dma_start3A_23 = arith.constant 0 : i32
    %dma_start3A_24 = tpu.memref_slice %arg10[%dma_start3A_22, %dma_start3A_23] : memref<3x80xi32, #tpu.memory_space<vmem>> -> memref<1x80xi32, #tpu.memory_space<vmem>>
    %dma_start3A_25 = tpu.memref_squeeze %dma_start3A_24 : memref<1x80xi32, #tpu.memory_space<vmem>> -> memref<80xi32, #tpu.memory_space<vmem>>
    %dma_start3A_26 = tpu.memref_slice %arg4[%add3A_21] : memref<320000xi32, #tpu.memory_space<hbm>> -> memref<80xi32, #tpu.memory_space<hbm>>
    %dma_start3A_27 = arith.constant 0 : i32
    %dma_start3A_28 = tpu.memref_slice %arg10[%dma_start3A_22, %dma_start3A_27] : memref<3x80xi32, #tpu.memory_space<vmem>> -> memref<1x80xi32, #tpu.memory_space<vmem>>
    %dma_start3A_29 = tpu.memref_squeeze %dma_start3A_28 : memref<1x80xi32, #tpu.memory_space<vmem>> -> memref<80xi32, #tpu.memory_space<vmem>>
    %dma_start3A_30 = tpu.memref_slice %arg4[%add3A_21] : memref<320000xi32, #tpu.memory_space<hbm>> -> memref<80xi32, #tpu.memory_space<hbm>>
    tpu.enqueue_dma source(%dma_start3A_30 : memref<80xi32, #tpu.memory_space<hbm>>) target(%dma_start3A_29 : memref<80xi32, #tpu.memory_space<vmem>>) target_semaphore(%arg19 : memref<!tpu.dma_semaphore, #tpu.memory_space<semaphore_mem>>)
    %add3A_31 = arith.constant 0 : i32
    %add3A_32 = arith.addi %mul3A_2, %add3A_31 : i32
    %dma_start3A_33 = arith.constant 0 : i32
    %dma_start3A_34 = tpu.memref_slice %arg11[%dma_start3A_33] : memref<240xf32, #tpu.memory_space<vmem>> -> memref<80xf32, #tpu.memory_space<vmem>>
    %dma_start3A_35 = tpu.memref_slice %arg5[%add3A_32] : memref<320000xf32, #tpu.memory_space<hbm>> -> memref<80xf32, #tpu.memory_space<hbm>>
    %dma_start3A_36 = arith.constant 0 : i32
    %dma_start3A_37 = tpu.memref_slice %arg11[%dma_start3A_36] : memref<240xf32, #tpu.memory_space<vmem>> -> memref<80xf32, #tpu.memory_space<vmem>>
    %dma_start3A_38 = tpu.memref_slice %arg5[%add3A_32] : memref<320000xf32, #tpu.memory_space<hbm>> -> memref<80xf32, #tpu.memory_space<hbm>>
    tpu.enqueue_dma source(%dma_start3A_38 : memref<80xf32, #tpu.memory_space<hbm>>) target(%dma_start3A_37 : memref<80xf32, #tpu.memory_space<vmem>>) target_semaphore(%arg19 : memref<!tpu.dma_semaphore, #tpu.memory_space<semaphore_mem>>)
    %dma_start3A_39 = arith.constant 80 : i32
    %dma_start3A_40 = arith.constant 0 : i32
    %dma_start3A_41 = tpu.memref_slice %arg9[%dma_start3A_39, %dma_start3A_40] : memref<240x128xf32, #tpu.memory_space<vmem>> -> memref<80x128xf32, #tpu.memory_space<vmem>>
    %dma_start3A_42 = arith.constant 80 : i32
    %dma_start3A_43 = tpu.memref_slice %arg8[%dma_start3A_42] : memref<10000xi32, #tpu.memory_space<vmem>> -> memref<80xi32, #tpu.memory_space<vmem>>
    %dma_start3A_44 = arith.constant 0 : i32
    %dma_start3A_45 = arith.constant 0 : i32
    %dma_start3A_46 = tpu.memref_slice %arg2[%dma_start3A_44, %dma_start3A_45] : memref<10000x128xf32, #tpu.memory_space<hbm>> -> memref<10000x128xf32, #tpu.memory_space<hbm>>
    tpu.enqueue_indirect_dma source(%dma_start3A_46 : memref<10000x128xf32, #tpu.memory_space<hbm>>) target(%dma_start3A_41 : memref<80x128xf32, #tpu.memory_space<vmem>>) offsets(%dma_start3A_43 : memref<80xi32, #tpu.memory_space<vmem>>) semaphore(%arg14 : memref<!tpu.dma_semaphore, #tpu.memory_space<semaphore_mem>>)
    %add3A_47 = arith.constant 80 : i32
    %add3A_48 = arith.addi %mul3A_2, %add3A_47 : i32
    %dma_start3A_49 = arith.constant 1 : i32
    %dma_start3A_50 = arith.constant 0 : i32
    %dma_start3A_51 = tpu.memref_slice %arg10[%dma_start3A_49, %dma_start3A_50] : memref<3x80xi32, #tpu.memory_space<vmem>> -> memref<1x80xi32, #tpu.memory_space<vmem>>
    %dma_start3A_52 = tpu.memref_squeeze %dma_start3A_51 : memref<1x80xi32, #tpu.memory_space<vmem>> -> memref<80xi32, #tpu.memory_space<vmem>>
    %dma_start3A_53 = tpu.memref_slice %arg4[%add3A_48] : memref<320000xi32, #tpu.memory_space<hbm>> -> memref<80xi32, #tpu.memory_space<hbm>>
    %dma_start3A_54 = arith.constant 0 : i32
    %dma_start3A_55 = tpu.memref_slice %arg10[%dma_start3A_49, %dma_start3A_54] : memref<3x80xi32, #tpu.memory_space<vmem>> -> memref<1x80xi32, #tpu.memory_space<vmem>>
    %dma_start3A_56 = tpu.memref_squeeze %dma_start3A_55 : memref<1x80xi32, #tpu.memory_space<vmem>> -> memref<80xi32, #tpu.memory_space<vmem>>
    %dma_start3A_57 = tpu.memref_slice %arg4[%add3A_48] : memref<320000xi32, #tpu.memory_space<hbm>> -> memref<80xi32, #tpu.memory_space<hbm>>
    tpu.enqueue_dma source(%dma_start3A_57 : memref<80xi32, #tpu.memory_space<hbm>>) target(%dma_start3A_56 : memref<80xi32, #tpu.memory_space<vmem>>) target_semaphore(%arg20 : memref<!tpu.dma_semaphore, #tpu.memory_space<semaphore_mem>>)
    %add3A_58 = arith.constant 80 : i32
    %add3A_59 = arith.addi %mul3A_2, %add3A_58 : i32
    %dma_start3A_60 = arith.constant 80 : i32
    %dma_start3A_61 = tpu.memref_slice %arg11[%dma_start3A_60] : memref<240xf32, #tpu.memory_space<vmem>> -> memref<80xf32, #tpu.memory_space<vmem>>
    %dma_start3A_62 = tpu.memref_slice %arg5[%add3A_59] : memref<320000xf32, #tpu.memory_space<hbm>> -> memref<80xf32, #tpu.memory_space<hbm>>
    %dma_start3A_63 = arith.constant 80 : i32
    %dma_start3A_64 = tpu.memref_slice %arg11[%dma_start3A_63] : memref<240xf32, #tpu.memory_space<vmem>> -> memref<80xf32, #tpu.memory_space<vmem>>
    %dma_start3A_65 = tpu.memref_slice %arg5[%add3A_59] : memref<320000xf32, #tpu.memory_space<hbm>> -> memref<80xf32, #tpu.memory_space<hbm>>
    tpu.enqueue_dma source(%dma_start3A_65 : memref<80xf32, #tpu.memory_space<hbm>>) target(%dma_start3A_64 : memref<80xf32, #tpu.memory_space<vmem>>) target_semaphore(%arg20 : memref<!tpu.dma_semaphore, #tpu.memory_space<semaphore_mem>>)
    %mul3A_66 = arith.constant 624 : i32
    %mul3A_67 = arith.muli %arg1, %mul3A_66 : i32
    %mul3A_68 = arith.constant 624 : i32
    %mul3A_69 = arith.muli %arg1, %mul3A_68 : i32
    %dma_wait3A = arith.constant 0 : i32
    %dma_wait3A_70 = tpu.memref_slice %arg12[%mul3A_69, %dma_wait3A] : memref<10000x128xf32, #tpu.memory_space<vmem_shared>> -> memref<624x128xf32, #tpu.memory_space<vmem_shared>>
    %dma_wait3A_71 = arith.constant 0 : i32
    %dma_wait3A_72 = tpu.memref_slice %arg6[%mul3A_67, %dma_wait3A_71] : memref<10000x128xf32, #tpu.memory_space<hbm>> -> memref<624x128xf32, #tpu.memory_space<hbm>>
    tpu.wait_dma2 semaphore(%arg22 : memref<!tpu.dma_semaphore, #tpu.memory_space<semaphore_mem>>) src(%dma_wait3A_72 : memref<624x128xf32, #tpu.memory_space<hbm>>) dst(%dma_wait3A_70 : memref<624x128xf32, #tpu.memory_space<vmem_shared>>)
    %eq3A_73 = arith.constant 15 : i32
    %eq3A_74 = arith.cmpi eq, %arg1, %eq3A_73 : i32
    %convert_element_type3A_75 = arith.extui %eq3A_74 : i1 to i32
    %cond3A_76 = arith.constant 0 : i32
    %cond3A_77 = arith.cmpi ne, %convert_element_type3A_75, %cond3A_76 : i32
    scf.if %cond3A_77 {
      %dma_wait3A_123 = arith.constant 9984 : i32
      %dma_wait3A_124 = arith.constant 0 : i32
      %dma_wait3A_125 = tpu.memref_slice %arg12[%dma_wait3A_123, %dma_wait3A_124] : memref<10000x128xf32, #tpu.memory_space<vmem_shared>> -> memref<16x128xf32, #tpu.memory_space<vmem_shared>>
      %dma_wait3A_126 = arith.constant 9984 : i32
      %dma_wait3A_127 = arith.constant 0 : i32
      %dma_wait3A_128 = tpu.memref_slice %arg6[%dma_wait3A_126, %dma_wait3A_127] : memref<10000x128xf32, #tpu.memory_space<hbm>> -> memref<16x128xf32, #tpu.memory_space<hbm>>
      tpu.wait_dma2 semaphore(%arg22 : memref<!tpu.dma_semaphore, #tpu.memory_space<semaphore_mem>>) src(%dma_wait3A_128 : memref<16x128xf32, #tpu.memory_space<hbm>>) dst(%dma_wait3A_125 : memref<16x128xf32, #tpu.memory_space<vmem_shared>>)
    } else {
    }
    %barrier3A = arith.constant 0 : index
    tpu.barrier barrier_id(%barrier3A)
    %scan3A = arith.constant 0 : i32
    %scan3A_78 = arith.constant 0 : i32
    %scan3A_79 = arith.constant 125 : i32
    %scan3A_80 = arith.addi %scan3A_78, %scan3A_79 : i32
    %scan3A_81 = arith.constant 1 : i32
    scf.for %scan3A_123 = %scan3A_78 to %scan3A_80 step %scan3A_81  : i32 {
      %rem3A = arith.constant 3 : i32
      %rem3A_124 = arith.remsi %scan3A_123, %rem3A : i32
      %eq3A_125 = arith.constant 0 : i32
      %eq3A_126 = arith.cmpi eq, %rem3A_124, %eq3A_125 : i32
      %convert_element_type3A_127 = arith.extui %eq3A_126 : i1 to i32
      %cond3A_128 = arith.constant 0 : i32
      %cond3A_129 = arith.cmpi ne, %convert_element_type3A_127, %cond3A_128 : i32
      scf.if %cond3A_129 {
        %mul3A_163 = arith.constant 80 : i32
        %mul3A_164 = arith.muli %scan3A_123, %mul3A_163 : i32
        %dma_wait3A_165 = arith.constant 0 : i32
        %dma_wait3A_166 = arith.constant 0 : i32
        %dma_wait3A_167 = tpu.memref_slice %arg9[%dma_wait3A_165, %dma_wait3A_166] : memref<240x128xf32, #tpu.memory_space<vmem>> -> memref<80x128xf32, #tpu.memory_space<vmem>>
        %dma_wait3A_168 = tpu.memref_slice %arg8[%mul3A_164] : memref<10000xi32, #tpu.memory_space<vmem>> -> memref<80xi32, #tpu.memory_space<vmem>>
        %dma_wait3A_169 = arith.constant 0 : i32
        %dma_wait3A_170 = arith.constant 0 : i32
        %dma_wait3A_171 = tpu.memref_slice %arg2[%dma_wait3A_169, %dma_wait3A_170] : memref<10000x128xf32, #tpu.memory_space<hbm>> -> memref<10000x128xf32, #tpu.memory_space<hbm>>
        tpu.wait_indirect_dma semaphore(%arg13 : memref<!tpu.dma_semaphore, #tpu.memory_space<semaphore_mem>>) src(%dma_wait3A_171 : memref<10000x128xf32, #tpu.memory_space<hbm>>) dst(%dma_wait3A_167 : memref<80x128xf32, #tpu.memory_space<vmem>>)
        %mul3A_172 = arith.constant 80 : i32
        %mul3A_173 = arith.muli %scan3A_123, %mul3A_172 : i32
        %add3A_174 = arith.addi %mul3A_2, %mul3A_173 : i32
        %dma_wait3A_175 = arith.constant 0 : i32
        %dma_wait3A_176 = arith.constant 0 : i32
        %dma_wait3A_177 = tpu.memref_slice %arg10[%dma_wait3A_175, %dma_wait3A_176] : memref<3x80xi32, #tpu.memory_space<vmem>> -> memref<1x80xi32, #tpu.memory_space<vmem>>
        %dma_wait3A_178 = tpu.memref_squeeze %dma_wait3A_177 : memref<1x80xi32, #tpu.memory_space<vmem>> -> memref<80xi32, #tpu.memory_space<vmem>>
        %dma_wait3A_179 = tpu.memref_slice %arg4[%add3A_174] : memref<320000xi32, #tpu.memory_space<hbm>> -> memref<80xi32, #tpu.memory_space<hbm>>
        %dma_wait3A_180 = arith.constant 0 : i32
        %dma_wait3A_181 = tpu.memref_slice %arg10[%dma_wait3A_175, %dma_wait3A_180] : memref<3x80xi32, #tpu.memory_space<vmem>> -> memref<1x80xi32, #tpu.memory_space<vmem>>
        %dma_wait3A_182 = tpu.memref_squeeze %dma_wait3A_181 : memref<1x80xi32, #tpu.memory_space<vmem>> -> memref<80xi32, #tpu.memory_space<vmem>>
        %dma_wait3A_183 = tpu.memref_slice %arg4[%add3A_174] : memref<320000xi32, #tpu.memory_space<hbm>> -> memref<80xi32, #tpu.memory_space<hbm>>
        tpu.wait_dma2 semaphore(%arg19 : memref<!tpu.dma_semaphore, #tpu.memory_space<semaphore_mem>>) src(%dma_wait3A_183 : memref<80xi32, #tpu.memory_space<hbm>>) dst(%dma_wait3A_182 : memref<80xi32, #tpu.memory_space<vmem>>)
        %mul3A_184 = arith.constant 80 : i32
        %mul3A_185 = arith.muli %scan3A_123, %mul3A_184 : i32
        %add3A_186 = arith.addi %mul3A_2, %mul3A_185 : i32
        %dma_wait3A_187 = arith.constant 0 : i32
        %dma_wait3A_188 = tpu.memref_slice %arg11[%dma_wait3A_187] : memref<240xf32, #tpu.memory_space<vmem>> -> memref<80xf32, #tpu.memory_space<vmem>>
        %dma_wait3A_189 = tpu.memref_slice %arg5[%add3A_186] : memref<320000xf32, #tpu.memory_space<hbm>> -> memref<80xf32, #tpu.memory_space<hbm>>
        %dma_wait3A_190 = arith.constant 0 : i32
        %dma_wait3A_191 = tpu.memref_slice %arg11[%dma_wait3A_190] : memref<240xf32, #tpu.memory_space<vmem>> -> memref<80xf32, #tpu.memory_space<vmem>>
        %dma_wait3A_192 = tpu.memref_slice %arg5[%add3A_186] : memref<320000xf32, #tpu.memory_space<hbm>> -> memref<80xf32, #tpu.memory_space<hbm>>
        tpu.wait_dma2 semaphore(%arg19 : memref<!tpu.dma_semaphore, #tpu.memory_space<semaphore_mem>>) src(%dma_wait3A_192 : memref<80xf32, #tpu.memory_space<hbm>>) dst(%dma_wait3A_191 : memref<80xf32, #tpu.memory_space<vmem>>)
      } else {
      }
      %eq3A_130 = arith.constant 1 : i32
      %eq3A_131 = arith.cmpi eq, %rem3A_124, %eq3A_130 : i32
      %convert_element_type3A_132 = arith.extui %eq3A_131 : i1 to i32
      %cond3A_133 = arith.constant 0 : i32
      %cond3A_134 = arith.cmpi ne, %convert_element_type3A_132, %cond3A_133 : i32
      scf.if %cond3A_134 {
        %mul3A_163 = arith.constant 80 : i32
        %mul3A_164 = arith.muli %scan3A_123, %mul3A_163 : i32
        %dma_wait3A_165 = arith.constant 80 : i32
        %dma_wait3A_166 = arith.constant 0 : i32
        %dma_wait3A_167 = tpu.memref_slice %arg9[%dma_wait3A_165, %dma_wait3A_166] : memref<240x128xf32, #tpu.memory_space<vmem>> -> memref<80x128xf32, #tpu.memory_space<vmem>>
        %dma_wait3A_168 = tpu.memref_slice %arg8[%mul3A_164] : memref<10000xi32, #tpu.memory_space<vmem>> -> memref<80xi32, #tpu.memory_space<vmem>>
        %dma_wait3A_169 = arith.constant 0 : i32
        %dma_wait3A_170 = arith.constant 0 : i32
        %dma_wait3A_171 = tpu.memref_slice %arg2[%dma_wait3A_169, %dma_wait3A_170] : memref<10000x128xf32, #tpu.memory_space<hbm>> -> memref<10000x128xf32, #tpu.memory_space<hbm>>
        tpu.wait_indirect_dma semaphore(%arg14 : memref<!tpu.dma_semaphore, #tpu.memory_space<semaphore_mem>>) src(%dma_wait3A_171 : memref<10000x128xf32, #tpu.memory_space<hbm>>) dst(%dma_wait3A_167 : memref<80x128xf32, #tpu.memory_space<vmem>>)
        %mul3A_172 = arith.constant 80 : i32
        %mul3A_173 = arith.muli %scan3A_123, %mul3A_172 : i32
        %add3A_174 = arith.addi %mul3A_2, %mul3A_173 : i32
        %dma_wait3A_175 = arith.constant 1 : i32
        %dma_wait3A_176 = arith.constant 0 : i32
        %dma_wait3A_177 = tpu.memref_slice %arg10[%dma_wait3A_175, %dma_wait3A_176] : memref<3x80xi32, #tpu.memory_space<vmem>> -> memref<1x80xi32, #tpu.memory_space<vmem>>
        %dma_wait3A_178 = tpu.memref_squeeze %dma_wait3A_177 : memref<1x80xi32, #tpu.memory_space<vmem>> -> memref<80xi32, #tpu.memory_space<vmem>>
        %dma_wait3A_179 = tpu.memref_slice %arg4[%add3A_174] : memref<320000xi32, #tpu.memory_space<hbm>> -> memref<80xi32, #tpu.memory_space<hbm>>
        %dma_wait3A_180 = arith.constant 0 : i32
        %dma_wait3A_181 = tpu.memref_slice %arg10[%dma_wait3A_175, %dma_wait3A_180] : memref<3x80xi32, #tpu.memory_space<vmem>> -> memref<1x80xi32, #tpu.memory_space<vmem>>
        %dma_wait3A_182 = tpu.memref_squeeze %dma_wait3A_181 : memref<1x80xi32, #tpu.memory_space<vmem>> -> memref<80xi32, #tpu.memory_space<vmem>>
        %dma_wait3A_183 = tpu.memref_slice %arg4[%add3A_174] : memref<320000xi32, #tpu.memory_space<hbm>> -> memref<80xi32, #tpu.memory_space<hbm>>
        tpu.wait_dma2 semaphore(%arg20 : memref<!tpu.dma_semaphore, #tpu.memory_space<semaphore_mem>>) src(%dma_wait3A_183 : memref<80xi32, #tpu.memory_space<hbm>>) dst(%dma_wait3A_182 : memref<80xi32, #tpu.memory_space<vmem>>)
        %mul3A_184 = arith.constant 80 : i32
        %mul3A_185 = arith.muli %scan3A_123, %mul3A_184 : i32
        %add3A_186 = arith.addi %mul3A_2, %mul3A_185 : i32
        %dma_wait3A_187 = arith.constant 80 : i32
        %dma_wait3A_188 = tpu.memref_slice %arg11[%dma_wait3A_187] : memref<240xf32, #tpu.memory_space<vmem>> -> memref<80xf32, #tpu.memory_space<vmem>>
        %dma_wait3A_189 = tpu.memref_slice %arg5[%add3A_186] : memref<320000xf32, #tpu.memory_space<hbm>> -> memref<80xf32, #tpu.memory_space<hbm>>
        %dma_wait3A_190 = arith.constant 80 : i32
        %dma_wait3A_191 = tpu.memref_slice %arg11[%dma_wait3A_190] : memref<240xf32, #tpu.memory_space<vmem>> -> memref<80xf32, #tpu.memory_space<vmem>>
        %dma_wait3A_192 = tpu.memref_slice %arg5[%add3A_186] : memref<320000xf32, #tpu.memory_space<hbm>> -> memref<80xf32, #tpu.memory_space<hbm>>
        tpu.wait_dma2 semaphore(%arg20 : memref<!tpu.dma_semaphore, #tpu.memory_space<semaphore_mem>>) src(%dma_wait3A_192 : memref<80xf32, #tpu.memory_space<hbm>>) dst(%dma_wait3A_191 : memref<80xf32, #tpu.memory_space<vmem>>)
      } else {
      }
      %eq3A_135 = arith.constant 2 : i32
      %eq3A_136 = arith.cmpi eq, %rem3A_124, %eq3A_135 : i32
      %convert_element_type3A_137 = arith.extui %eq3A_136 : i1 to i32
      %cond3A_138 = arith.constant 0 : i32
      %cond3A_139 = arith.cmpi ne, %convert_element_type3A_137, %cond3A_138 : i32
      scf.if %cond3A_139 {
        %mul3A_163 = arith.constant 80 : i32
        %mul3A_164 = arith.muli %scan3A_123, %mul3A_163 : i32
        %dma_wait3A_165 = arith.constant 160 : i32
        %dma_wait3A_166 = arith.constant 0 : i32
        %dma_wait3A_167 = tpu.memref_slice %arg9[%dma_wait3A_165, %dma_wait3A_166] : memref<240x128xf32, #tpu.memory_space<vmem>> -> memref<80x128xf32, #tpu.memory_space<vmem>>
        %dma_wait3A_168 = tpu.memref_slice %arg8[%mul3A_164] : memref<10000xi32, #tpu.memory_space<vmem>> -> memref<80xi32, #tpu.memory_space<vmem>>
        %dma_wait3A_169 = arith.constant 0 : i32
        %dma_wait3A_170 = arith.constant 0 : i32
        %dma_wait3A_171 = tpu.memref_slice %arg2[%dma_wait3A_169, %dma_wait3A_170] : memref<10000x128xf32, #tpu.memory_space<hbm>> -> memref<10000x128xf32, #tpu.memory_space<hbm>>
        tpu.wait_indirect_dma semaphore(%arg15 : memref<!tpu.dma_semaphore, #tpu.memory_space<semaphore_mem>>) src(%dma_wait3A_171 : memref<10000x128xf32, #tpu.memory_space<hbm>>) dst(%dma_wait3A_167 : memref<80x128xf32, #tpu.memory_space<vmem>>)
        %mul3A_172 = arith.constant 80 : i32
        %mul3A_173 = arith.muli %scan3A_123, %mul3A_172 : i32
        %add3A_174 = arith.addi %mul3A_2, %mul3A_173 : i32
        %dma_wait3A_175 = arith.constant 2 : i32
        %dma_wait3A_176 = arith.constant 0 : i32
        %dma_wait3A_177 = tpu.memref_slice %arg10[%dma_wait3A_175, %dma_wait3A_176] : memref<3x80xi32, #tpu.memory_space<vmem>> -> memref<1x80xi32, #tpu.memory_space<vmem>>
        %dma_wait3A_178 = tpu.memref_squeeze %dma_wait3A_177 : memref<1x80xi32, #tpu.memory_space<vmem>> -> memref<80xi32, #tpu.memory_space<vmem>>
        %dma_wait3A_179 = tpu.memref_slice %arg4[%add3A_174] : memref<320000xi32, #tpu.memory_space<hbm>> -> memref<80xi32, #tpu.memory_space<hbm>>
        %dma_wait3A_180 = arith.constant 0 : i32
        %dma_wait3A_181 = tpu.memref_slice %arg10[%dma_wait3A_175, %dma_wait3A_180] : memref<3x80xi32, #tpu.memory_space<vmem>> -> memref<1x80xi32, #tpu.memory_space<vmem>>
        %dma_wait3A_182 = tpu.memref_squeeze %dma_wait3A_181 : memref<1x80xi32, #tpu.memory_space<vmem>> -> memref<80xi32, #tpu.memory_space<vmem>>
        %dma_wait3A_183 = tpu.memref_slice %arg4[%add3A_174] : memref<320000xi32, #tpu.memory_space<hbm>> -> memref<80xi32, #tpu.memory_space<hbm>>
        tpu.wait_dma2 semaphore(%arg21 : memref<!tpu.dma_semaphore, #tpu.memory_space<semaphore_mem>>) src(%dma_wait3A_183 : memref<80xi32, #tpu.memory_space<hbm>>) dst(%dma_wait3A_182 : memref<80xi32, #tpu.memory_space<vmem>>)
        %mul3A_184 = arith.constant 80 : i32
        %mul3A_185 = arith.muli %scan3A_123, %mul3A_184 : i32
        %add3A_186 = arith.addi %mul3A_2, %mul3A_185 : i32
        %dma_wait3A_187 = arith.constant 160 : i32
        %dma_wait3A_188 = tpu.memref_slice %arg11[%dma_wait3A_187] : memref<240xf32, #tpu.memory_space<vmem>> -> memref<80xf32, #tpu.memory_space<vmem>>
        %dma_wait3A_189 = tpu.memref_slice %arg5[%add3A_186] : memref<320000xf32, #tpu.memory_space<hbm>> -> memref<80xf32, #tpu.memory_space<hbm>>
        %dma_wait3A_190 = arith.constant 160 : i32
        %dma_wait3A_191 = tpu.memref_slice %arg11[%dma_wait3A_190] : memref<240xf32, #tpu.memory_space<vmem>> -> memref<80xf32, #tpu.memory_space<vmem>>
        %dma_wait3A_192 = tpu.memref_slice %arg5[%add3A_186] : memref<320000xf32, #tpu.memory_space<hbm>> -> memref<80xf32, #tpu.memory_space<hbm>>
        tpu.wait_dma2 semaphore(%arg21 : memref<!tpu.dma_semaphore, #tpu.memory_space<semaphore_mem>>) src(%dma_wait3A_192 : memref<80xf32, #tpu.memory_space<hbm>>) dst(%dma_wait3A_191 : memref<80xf32, #tpu.memory_space<vmem>>)
      } else {
      }
      %mul3A_140 = arith.constant 80 : i32
      %mul3A_141 = arith.muli %rem3A_124, %mul3A_140 : i32
      %scan3A_142 = arith.constant 0 : i32
      %scan3A_143 = arith.constant 0 : i32
      %scan3A_144 = arith.constant 5 : i32
      %scan3A_145 = arith.addi %scan3A_143, %scan3A_144 : i32
      %scan3A_146 = arith.constant 1 : i32
      scf.for %scan3A_163 = %scan3A_143 to %scan3A_145 step %scan3A_146  : i32 {
        %mul3A_164 = arith.constant 16 : i32
        %mul3A_165 = arith.muli %scan3A_163, %mul3A_164 : i32
        %add3A_166 = arith.addi %mul3A_141, %mul3A_165 : i32
        %get3A = arith.index_cast %add3A_166 : i32 to index
        %get3A_167 = tpu.vector_load %arg11[%get3A] {strides = array<i32>} : memref<240xf32, #tpu.memory_space<vmem>>, vector<16xf32>,
        %broadcast_in_dim3A = arith.constant 0 : i32
        %broadcast_in_dim3A_168 = vector.broadcast %broadcast_in_dim3A : i32 to vector<16xi32>
        %lt3A = arith.constant 0 : i32
        %lt3A_169 = vector.broadcast %lt3A : i32 to vector<16xi32>
        %lt3A_170 = arith.cmpi slt, %broadcast_in_dim3A_168, %lt3A_169 : vector<16xi32>
        %add3A_171 = arith.constant 16 : i32
        %add3A_172 = vector.broadcast %add3A_171 : i32 to vector<16xi32>
        %add3A_173 = arith.addi %broadcast_in_dim3A_168, %add3A_172 : vector<16xi32>
        %select_n3A = arith.select %lt3A_170, %add3A_173, %broadcast_in_dim3A_168 : vector<16xi1>, vector<16xi32>
        %broadcast_in_dim3A_174 = vector.shape_cast %select_n3A : vector<16xi32> to vector<16x1xi32>
        %gather3A = vector.shape_cast %broadcast_in_dim3A_174 : vector<16x1xi32> to vector<16xi32>
        %gather3A_175 = tpu.dynamic_gather %get3A_167[%gather3A] in [0] : vector<16xf32>, vector<16xi32> -> vector<16xf32>
        %mul3A_176 = arith.constant 16 : i32
        %mul3A_177 = arith.muli %scan3A_163, %mul3A_176 : i32
        %add3A_178 = arith.addi %mul3A_141, %mul3A_177 : i32
        %add3A_179 = arith.constant 0 : i32
        %add3A_180 = arith.addi %add3A_178, %add3A_179 : i32
        %get3A_181 = arith.index_cast %add3A_180 : i32 to index
        %get3A_182 = arith.constant 0 : index
        %get3A_183 = tpu.vector_load %arg9[%get3A_181, %get3A_182] {strides = array<i32>} : memref<240x128xf32, #tpu.memory_space<vmem>>, vector<16xf32>,
        %mul3A_184 = arith.mulf %get3A_183, %gather3A_175 : vector<16xf32>
        %swap3A = arith.index_cast %add3A_180 : i32 to index
        %swap3A_185 = arith.constant 0 : index
        %swap3A_186 = tpu.vector_load %arg9[%swap3A, %swap3A_185] {strides = array<i32>} : memref<240x128xf32, #tpu.memory_space<vmem>>, vector<16xf32>,
        tpu.vector_store %arg9[%swap3A, %swap3A_185], %mul3A_184 {strides = array<i32>} : memref<240x128xf32, #tpu.memory_space<vmem>>, vector<16xf32>,
        %get3A_187 = arith.index_cast %add3A_180 : i32 to index
        %get3A_188 = arith.constant 16 : index
        %get3A_189 = tpu.vector_load %arg9[%get3A_187, %get3A_188] {strides = array<i32>} : memref<240x128xf32, #tpu.memory_space<vmem>>, vector<16xf32>,
        %mul3A_190 = arith.mulf %get3A_189, %gather3A_175 : vector<16xf32>
        %swap3A_191 = arith.index_cast %add3A_180 : i32 to index
        %swap3A_192 = arith.constant 16 : index
        %swap3A_193 = tpu.vector_load %arg9[%swap3A_191, %swap3A_192] {strides = array<i32>} : memref<240x128xf32, #tpu.memory_space<vmem>>, vector<16xf32>,
        tpu.vector_store %arg9[%swap3A_191, %swap3A_192], %mul3A_190 {strides = array<i32>} : memref<240x128xf32, #tpu.memory_space<vmem>>, vector<16xf32>,
        %get3A_194 = arith.index_cast %add3A_180 : i32 to index
        %get3A_195 = arith.constant 32 : index
        %get3A_196 = tpu.vector_load %arg9[%get3A_194, %get3A_195] {strides = array<i32>} : memref<240x128xf32, #tpu.memory_space<vmem>>, vector<16xf32>,
        %mul3A_197 = arith.mulf %get3A_196, %gather3A_175 : vector<16xf32>
        %swap3A_198 = arith.index_cast %add3A_180 : i32 to index
        %swap3A_199 = arith.constant 32 : index
        %swap3A_200 = tpu.vector_load %arg9[%swap3A_198, %swap3A_199] {strides = array<i32>} : memref<240x128xf32, #tpu.memory_space<vmem>>, vector<16xf32>,
        tpu.vector_store %arg9[%swap3A_198, %swap3A_199], %mul3A_197 {strides = array<i32>} : memref<240x128xf32, #tpu.memory_space<vmem>>, vector<16xf32>,
        %get3A_201 = arith.index_cast %add3A_180 : i32 to index
        %get3A_202 = arith.constant 48 : index
        %get3A_203 = tpu.vector_load %arg9[%get3A_201, %get3A_202] {strides = array<i32>} : memref<240x128xf32, #tpu.memory_space<vmem>>, vector<16xf32>,
        %mul3A_204 = arith.mulf %get3A_203, %gather3A_175 : vector<16xf32>
        %swap3A_205 = arith.index_cast %add3A_180 : i32 to index
        %swap3A_206 = arith.constant 48 : index
        %swap3A_207 = tpu.vector_load %arg9[%swap3A_205, %swap3A_206] {strides = array<i32>} : memref<240x128xf32, #tpu.memory_space<vmem>>, vector<16xf32>,
        tpu.vector_store %arg9[%swap3A_205, %swap3A_206], %mul3A_204 {strides = array<i32>} : memref<240x128xf32, #tpu.memory_space<vmem>>, vector<16xf32>,
        %get3A_208 = arith.index_cast %add3A_180 : i32 to index
        %get3A_209 = arith.constant 64 : index
        %get3A_210 = tpu.vector_load %arg9[%get3A_208, %get3A_209] {strides = array<i32>} : memref<240x128xf32, #tpu.memory_space<vmem>>, vector<16xf32>,
        %mul3A_211 = arith.mulf %get3A_210, %gather3A_175 : vector<16xf32>
        %swap3A_212 = arith.index_cast %add3A_180 : i32 to index
        %swap3A_213 = arith.constant 64 : index
        %swap3A_214 = tpu.vector_load %arg9[%swap3A_212, %swap3A_213] {strides = array<i32>} : memref<240x128xf32, #tpu.memory_space<vmem>>, vector<16xf32>,
        tpu.vector_store %arg9[%swap3A_212, %swap3A_213], %mul3A_211 {strides = array<i32>} : memref<240x128xf32, #tpu.memory_space<vmem>>, vector<16xf32>,
        %get3A_215 = arith.index_cast %add3A_180 : i32 to index
        %get3A_216 = arith.constant 80 : index
        %get3A_217 = tpu.vector_load %arg9[%get3A_215, %get3A_216] {strides = array<i32>} : memref<240x128xf32, #tpu.memory_space<vmem>>, vector<16xf32>,
        %mul3A_218 = arith.mulf %get3A_217, %gather3A_175 : vector<16xf32>
        %swap3A_219 = arith.index_cast %add3A_180 : i32 to index
        %swap3A_220 = arith.constant 80 : index
        %swap3A_221 = tpu.vector_load %arg9[%swap3A_219, %swap3A_220] {strides = array<i32>} : memref<240x128xf32, #tpu.memory_space<vmem>>, vector<16xf32>,
        tpu.vector_store %arg9[%swap3A_219, %swap3A_220], %mul3A_218 {strides = array<i32>} : memref<240x128xf32, #tpu.memory_space<vmem>>, vector<16xf32>,
        %get3A_222 = arith.index_cast %add3A_180 : i32 to index
        %get3A_223 = arith.constant 96 : index
        %get3A_224 = tpu.vector_load %arg9[%get3A_222, %get3A_223] {strides = array<i32>} : memref<240x128xf32, #tpu.memory_space<vmem>>, vector<16xf32>,
        %mul3A_225 = arith.mulf %get3A_224, %gather3A_175 : vector<16xf32>
        %swap3A_226 = arith.index_cast %add3A_180 : i32 to index
        %swap3A_227 = arith.constant 96 : index
        %swap3A_228 = tpu.vector_load %arg9[%swap3A_226, %swap3A_227] {strides = array<i32>} : memref<240x128xf32, #tpu.memory_space<vmem>>, vector<16xf32>,
        tpu.vector_store %arg9[%swap3A_226, %swap3A_227], %mul3A_225 {strides = array<i32>} : memref<240x128xf32, #tpu.memory_space<vmem>>, vector<16xf32>,
        %get3A_229 = arith.index_cast %add3A_180 : i32 to index
        %get3A_230 = arith.constant 112 : index
        %get3A_231 = tpu.vector_load %arg9[%get3A_229, %get3A_230] {strides = array<i32>} : memref<240x128xf32, #tpu.memory_space<vmem>>, vector<16xf32>,
        %mul3A_232 = arith.mulf %get3A_231, %gather3A_175 : vector<16xf32>
        %swap3A_233 = arith.index_cast %add3A_180 : i32 to index
        %swap3A_234 = arith.constant 112 : index
        %swap3A_235 = tpu.vector_load %arg9[%swap3A_233, %swap3A_234] {strides = array<i32>} : memref<240x128xf32, #tpu.memory_space<vmem>>, vector<16xf32>,
        tpu.vector_store %arg9[%swap3A_233, %swap3A_234], %mul3A_232 {strides = array<i32>} : memref<240x128xf32, #tpu.memory_space<vmem>>, vector<16xf32>,
        %broadcast_in_dim3A_236 = arith.constant 1 : i32
        %broadcast_in_dim3A_237 = vector.broadcast %broadcast_in_dim3A_236 : i32 to vector<16xi32>
        %lt3A_238 = arith.constant 0 : i32
        %lt3A_239 = vector.broadcast %lt3A_238 : i32 to vector<16xi32>
        %lt3A_240 = arith.cmpi slt, %broadcast_in_dim3A_237, %lt3A_239 : vector<16xi32>
        %add3A_241 = arith.constant 16 : i32
        %add3A_242 = vector.broadcast %add3A_241 : i32 to vector<16xi32>
        %add3A_243 = arith.addi %broadcast_in_dim3A_237, %add3A_242 : vector<16xi32>
        %select_n3A_244 = arith.select %lt3A_240, %add3A_243, %broadcast_in_dim3A_237 : vector<16xi1>, vector<16xi32>
        %broadcast_in_dim3A_245 = vector.shape_cast %select_n3A_244 : vector<16xi32> to vector<16x1xi32>
        %gather3A_246 = vector.shape_cast %broadcast_in_dim3A_245 : vector<16x1xi32> to vector<16xi32>
        %gather3A_247 = tpu.dynamic_gather %get3A_167[%gather3A_246] in [0] : vector<16xf32>, vector<16xi32> -> vector<16xf32>
        %mul3A_248 = arith.constant 16 : i32
        %mul3A_249 = arith.muli %scan3A_163, %mul3A_248 : i32
        %add3A_250 = arith.addi %mul3A_141, %mul3A_249 : i32
        %add3A_251 = arith.constant 1 : i32
        %add3A_252 = arith.addi %add3A_250, %add3A_251 : i32
        %get3A_253 = arith.index_cast %add3A_252 : i32 to index
        %get3A_254 = arith.constant 0 : index
        %get3A_255 = tpu.vector_load %arg9[%get3A_253, %get3A_254] {strides = array<i32>} : memref<240x128xf32, #tpu.memory_space<vmem>>, vector<16xf32>,
        %mul3A_256 = arith.mulf %get3A_255, %gather3A_247 : vector<16xf32>
        %swap3A_257 = arith.index_cast %add3A_252 : i32 to index
        %swap3A_258 = arith.constant 0 : index
        %swap3A_259 = tpu.vector_load %arg9[%swap3A_257, %swap3A_258] {strides = array<i32>} : memref<240x128xf32, #tpu.memory_space<vmem>>, vector<16xf32>,
        tpu.vector_store %arg9[%swap3A_257, %swap3A_258], %mul3A_256 {strides = array<i32>} : memref<240x128xf32, #tpu.memory_space<vmem>>, vector<16xf32>,
        %get3A_260 = arith.index_cast %add3A_252 : i32 to index
        %get3A_261 = arith.constant 16 : index
        %get3A_262 = tpu.vector_load %arg9[%get3A_260, %get3A_261] {strides = array<i32>} : memref<240x128xf32, #tpu.memory_space<vmem>>, vector<16xf32>,
        %mul3A_263 = arith.mulf %get3A_262, %gather3A_247 : vector<16xf32>
        %swap3A_264 = arith.index_cast %add3A_252 : i32 to index
        %swap3A_265 = arith.constant 16 : index
        %swap3A_266 = tpu.vector_load %arg9[%swap3A_264, %swap3A_265] {strides = array<i32>} : memref<240x128xf32, #tpu.memory_space<vmem>>, vector<16xf32>,
        tpu.vector_store %arg9[%swap3A_264, %swap3A_265], %mul3A_263 {strides = array<i32>} : memref<240x128xf32, #tpu.memory_space<vmem>>, vector<16xf32>,
        %get3A_267 = arith.index_cast %add3A_252 : i32 to index
        %get3A_268 = arith.constant 32 : index
        %get3A_269 = tpu.vector_load %arg9[%get3A_267, %get3A_268] {strides = array<i32>} : memref<240x128xf32, #tpu.memory_space<vmem>>, vector<16xf32>,
        %mul3A_270 = arith.mulf %get3A_269, %gather3A_247 : vector<16xf32>
        %swap3A_271 = arith.index_cast %add3A_252 : i32 to index
        %swap3A_272 = arith.constant 32 : index
        %swap3A_273 = tpu.vector_load %arg9[%swap3A_271, %swap3A_272] {strides = array<i32>} : memref<240x128xf32, #tpu.memory_space<vmem>>, vector<16xf32>,
        tpu.vector_store %arg9[%swap3A_271, %swap3A_272], %mul3A_270 {strides = array<i32>} : memref<240x128xf32, #tpu.memory_space<vmem>>, vector<16xf32>,
        %get3A_274 = arith.index_cast %add3A_252 : i32 to index
        %get3A_275 = arith.constant 48 : index
        %get3A_276 = tpu.vector_load %arg9[%get3A_274, %get3A_275] {strides = array<i32>} : memref<240x128xf32, #tpu.memory_space<vmem>>, vector<16xf32>,
        %mul3A_277 = arith.mulf %get3A_276, %gather3A_247 : vector<16xf32>
        %swap3A_278 = arith.index_cast %add3A_252 : i32 to index
        %swap3A_279 = arith.constant 48 : index
        %swap3A_280 = tpu.vector_load %arg9[%swap3A_278, %swap3A_279] {strides = array<i32>} : memref<240x128xf32, #tpu.memory_space<vmem>>, vector<16xf32>,
        tpu.vector_store %arg9[%swap3A_278, %swap3A_279], %mul3A_277 {strides = array<i32>} : memref<240x128xf32, #tpu.memory_space<vmem>>, vector<16xf32>,
        %get3A_281 = arith.index_cast %add3A_252 : i32 to index
        %get3A_282 = arith.constant 64 : index
        %get3A_283 = tpu.vector_load %arg9[%get3A_281, %get3A_282] {strides = array<i32>} : memref<240x128xf32, #tpu.memory_space<vmem>>, vector<16xf32>,
        %mul3A_284 = arith.mulf %get3A_283, %gather3A_247 : vector<16xf32>
        %swap3A_285 = arith.index_cast %add3A_252 : i32 to index
        %swap3A_286 = arith.constant 64 : index
        %swap3A_287 = tpu.vector_load %arg9[%swap3A_285, %swap3A_286] {strides = array<i32>} : memref<240x128xf32, #tpu.memory_space<vmem>>, vector<16xf32>,
        tpu.vector_store %arg9[%swap3A_285, %swap3A_286], %mul3A_284 {strides = array<i32>} : memref<240x128xf32, #tpu.memory_space<vmem>>, vector<16xf32>,
        %get3A_288 = arith.index_cast %add3A_252 : i32 to index
        %get3A_289 = arith.constant 80 : index
        %get3A_290 = tpu.vector_load %arg9[%get3A_288, %get3A_289] {strides = array<i32>} : memref<240x128xf32, #tpu.memory_space<vmem>>, vector<16xf32>,
        %mul3A_291 = arith.mulf %get3A_290, %gather3A_247 : vector<16xf32>
        %swap3A_292 = arith.index_cast %add3A_252 : i32 to index
        %swap3A_293 = arith.constant 80 : index
        %swap3A_294 = tpu.vector_load %arg9[%swap3A_292, %swap3A_293] {strides = array<i32>} : memref<240x128xf32, #tpu.memory_space<vmem>>, vector<16xf32>,
        tpu.vector_store %arg9[%swap3A_292, %swap3A_293], %mul3A_291 {strides = array<i32>} : memref<240x128xf32, #tpu.memory_space<vmem>>, vector<16xf32>,
        %get3A_295 = arith.index_cast %add3A_252 : i32 to index
        %get3A_296 = arith.constant 96 : index
        %get3A_297 = tpu.vector_load %arg9[%get3A_295, %get3A_296] {strides = array<i32>} : memref<240x128xf32, #tpu.memory_space<vmem>>, vector<16xf32>,
        %mul3A_298 = arith.mulf %get3A_297, %gather3A_247 : vector<16xf32>
        %swap3A_299 = arith.index_cast %add3A_252 : i32 to index
        %swap3A_300 = arith.constant 96 : index
        %swap3A_301 = tpu.vector_load %arg9[%swap3A_299, %swap3A_300] {strides = array<i32>} : memref<240x128xf32, #tpu.memory_space<vmem>>, vector<16xf32>,
        tpu.vector_store %arg9[%swap3A_299, %swap3A_300], %mul3A_298 {strides = array<i32>} : memref<240x128xf32, #tpu.memory_space<vmem>>, vector<16xf32>,
        %get3A_302 = arith.index_cast %add3A_252 : i32 to index
        %get3A_303 = arith.constant 112 : index
        %get3A_304 = tpu.vector_load %arg9[%get3A_302, %get3A_303] {strides = array<i32>} : memref<240x128xf32, #tpu.memory_space<vmem>>, vector<16xf32>,
        %mul3A_305 = arith.mulf %get3A_304, %gather3A_247 : vector<16xf32>
        %swap3A_306 = arith.index_cast %add3A_252 : i32 to index
        %swap3A_307 = arith.constant 112 : index
        %swap3A_308 = tpu.vector_load %arg9[%swap3A_306, %swap3A_307] {strides = array<i32>} : memref<240x128xf32, #tpu.memory_space<vmem>>, vector<16xf32>,
        tpu.vector_store %arg9[%swap3A_306, %swap3A_307], %mul3A_305 {strides = array<i32>} : memref<240x128xf32, #tpu.memory_space<vmem>>, vector<16xf32>,
        %broadcast_in_dim3A_309 = arith.constant 2 : i32
        %broadcast_in_dim3A_310 = vector.broadcast %broadcast_in_dim3A_309 : i32 to vector<16xi32>
        %lt3A_311 = arith.constant 0 : i32
        %lt3A_312 = vector.broadcast %lt3A_311 : i32 to vector<16xi32>
        %lt3A_313 = arith.cmpi slt, %broadcast_in_dim3A_310, %lt3A_312 : vector<16xi32>
        %add3A_314 = arith.constant 16 : i32
        %add3A_315 = vector.broadcast %add3A_314 : i32 to vector<16xi32>
        %add3A_316 = arith.addi %broadcast_in_dim3A_310, %add3A_315 : vector<16xi32>
        %select_n3A_317 = arith.select %lt3A_313, %add3A_316, %broadcast_in_dim3A_310 : vector<16xi1>, vector<16xi32>
        %broadcast_in_dim3A_318 = vector.shape_cast %select_n3A_317 : vector<16xi32> to vector<16x1xi32>
        %gather3A_319 = vector.shape_cast %broadcast_in_dim3A_318 : vector<16x1xi32> to vector<16xi32>
        %gather3A_320 = tpu.dynamic_gather %get3A_167[%gather3A_319] in [0] : vector<16xf32>, vector<16xi32> -> vector<16xf32>
        %mul3A_321 = arith.constant 16 : i32
        %mul3A_322 = arith.muli %scan3A_163, %mul3A_321 : i32
        %add3A_323 = arith.addi %mul3A_141, %mul3A_322 : i32
        %add3A_324 = arith.constant 2 : i32
        %add3A_325 = arith.addi %add3A_323, %add3A_324 : i32
        %get3A_326 = arith.index_cast %add3A_325 : i32 to index
        %get3A_327 = arith.constant 0 : index
        %get3A_328 = tpu.vector_load %arg9[%get3A_326, %get3A_327] {strides = array<i32>} : memref<240x128xf32, #tpu.memory_space<vmem>>, vector<16xf32>,
        %mul3A_329 = arith.mulf %get3A_328, %gather3A_320 : vector<16xf32>
        %swap3A_330 = arith.index_cast %add3A_325 : i32 to index
        %swap3A_331 = arith.constant 0 : index
        %swap3A_332 = tpu.vector_load %arg9[%swap3A_330, %swap3A_331] {strides = array<i32>} : memref<240x128xf32, #tpu.memory_space<vmem>>, vector<16xf32>,
        tpu.vector_store %arg9[%swap3A_330, %swap3A_331], %mul3A_329 {strides = array<i32>} : memref<240x128xf32, #tpu.memory_space<vmem>>, vector<16xf32>,
        %get3A_333 = arith.index_cast %add3A_325 : i32 to index
        %get3A_334 = arith.constant 16 : index
        %get3A_335 = tpu.vector_load %arg9[%get3A_333, %get3A_334] {strides = array<i32>} : memref<240x128xf32, #tpu.memory_space<vmem>>, vector<16xf32>,
        %mul3A_336 = arith.mulf %get3A_335, %gather3A_320 : vector<16xf32>
        %swap3A_337 = arith.index_cast %add3A_325 : i32 to index
        %swap3A_338 = arith.constant 16 : index
        %swap3A_339 = tpu.vector_load %arg9[%swap3A_337, %swap3A_338] {strides = array<i32>} : memref<240x128xf32, #tpu.memory_space<vmem>>, vector<16xf32>,
        tpu.vector_store %arg9[%swap3A_337, %swap3A_338], %mul3A_336 {strides = array<i32>} : memref<240x128xf32, #tpu.memory_space<vmem>>, vector<16xf32>,
        %get3A_340 = arith.index_cast %add3A_325 : i32 to index
        %get3A_341 = arith.constant 32 : index
        %get3A_342 = tpu.vector_load %arg9[%get3A_340, %get3A_341] {strides = array<i32>} : memref<240x128xf32, #tpu.memory_space<vmem>>, vector<16xf32>,
        %mul3A_343 = arith.mulf %get3A_342, %gather3A_320 : vector<16xf32>
        %swap3A_344 = arith.index_cast %add3A_325 : i32 to index
        %swap3A_345 = arith.constant 32 : index
        %swap3A_346 = tpu.vector_load %arg9[%swap3A_344, %swap3A_345] {strides = array<i32>} : memref<240x128xf32, #tpu.memory_space<vmem>>, vector<16xf32>,
        tpu.vector_store %arg9[%swap3A_344, %swap3A_345], %mul3A_343 {strides = array<i32>} : memref<240x128xf32, #tpu.memory_space<vmem>>, vector<16xf32>,
        %get3A_347 = arith.index_cast %add3A_325 : i32 to index
        %get3A_348 = arith.constant 48 : index
        %get3A_349 = tpu.vector_load %arg9[%get3A_347, %get3A_348] {strides = array<i32>} : memref<240x128xf32, #tpu.memory_space<vmem>>, vector<16xf32>,
        %mul3A_350 = arith.mulf %get3A_349, %gather3A_320 : vector<16xf32>
        %swap3A_351 = arith.index_cast %add3A_325 : i32 to index
        %swap3A_352 = arith.constant 48 : index
        %swap3A_353 = tpu.vector_load %arg9[%swap3A_351, %swap3A_352] {strides = array<i32>} : memref<240x128xf32, #tpu.memory_space<vmem>>, vector<16xf32>,
        tpu.vector_store %arg9[%swap3A_351, %swap3A_352], %mul3A_350 {strides = array<i32>} : memref<240x128xf32, #tpu.memory_space<vmem>>, vector<16xf32>,
        %get3A_354 = arith.index_cast %add3A_325 : i32 to index
        %get3A_355 = arith.constant 64 : index
        %get3A_356 = tpu.vector_load %arg9[%get3A_354, %get3A_355] {strides = array<i32>} : memref<240x128xf32, #tpu.memory_space<vmem>>, vector<16xf32>,
        %mul3A_357 = arith.mulf %get3A_356, %gather3A_320 : vector<16xf32>
        %swap3A_358 = arith.index_cast %add3A_325 : i32 to index
        %swap3A_359 = arith.constant 64 : index
        %swap3A_360 = tpu.vector_load %arg9[%swap3A_358, %swap3A_359] {strides = array<i32>} : memref<240x128xf32, #tpu.memory_space<vmem>>, vector<16xf32>,
        tpu.vector_store %arg9[%swap3A_358, %swap3A_359], %mul3A_357 {strides = array<i32>} : memref<240x128xf32, #tpu.memory_space<vmem>>, vector<16xf32>,
        %get3A_361 = arith.index_cast %add3A_325 : i32 to index
        %get3A_362 = arith.constant 80 : index
        %get3A_363 = tpu.vector_load %arg9[%get3A_361, %get3A_362] {strides = array<i32>} : memref<240x128xf32, #tpu.memory_space<vmem>>, vector<16xf32>,
        %mul3A_364 = arith.mulf %get3A_363, %gather3A_320 : vector<16xf32>
        %swap3A_365 = arith.index_cast %add3A_325 : i32 to index
        %swap3A_366 = arith.constant 80 : index
        %swap3A_367 = tpu.vector_load %arg9[%swap3A_365, %swap3A_366] {strides = array<i32>} : memref<240x128xf32, #tpu.memory_space<vmem>>, vector<16xf32>,
        tpu.vector_store %arg9[%swap3A_365, %swap3A_366], %mul3A_364 {strides = array<i32>} : memref<240x128xf32, #tpu.memory_space<vmem>>, vector<16xf32>,
        %get3A_368 = arith.index_cast %add3A_325 : i32 to index
        %get3A_369 = arith.constant 96 : index
        %get3A_370 = tpu.vector_load %arg9[%get3A_368, %get3A_369] {strides = array<i32>} : memref<240x128xf32, #tpu.memory_space<vmem>>, vector<16xf32>,
        %mul3A_371 = arith.mulf %get3A_370, %gather3A_320 : vector<16xf32>
        %swap3A_372 = arith.index_cast %add3A_325 : i32 to index
        %swap3A_373 = arith.constant 96 : index
        %swap3A_374 = tpu.vector_load %arg9[%swap3A_372, %swap3A_373] {strides = array<i32>} : memref<240x128xf32, #tpu.memory_space<vmem>>, vector<16xf32>,
        tpu.vector_store %arg9[%swap3A_372, %swap3A_373], %mul3A_371 {strides = array<i32>} : memref<240x128xf32, #tpu.memory_space<vmem>>, vector<16xf32>,
        %get3A_375 = arith.index_cast %add3A_325 : i32 to index
        %get3A_376 = arith.constant 112 : index
        %get3A_377 = tpu.vector_load %arg9[%get3A_375, %get3A_376] {strides = array<i32>} : memref<240x128xf32, #tpu.memory_space<vmem>>, vector<16xf32>,
        %mul3A_378 = arith.mulf %get3A_377, %gather3A_320 : vector<16xf32>
        %swap3A_379 = arith.index_cast %add3A_325 : i32 to index
        %swap3A_380 = arith.constant 112 : index
        %swap3A_381 = tpu.vector_load %arg9[%swap3A_379, %swap3A_380] {strides = array<i32>} : memref<240x128xf32, #tpu.memory_space<vmem>>, vector<16xf32>,
        tpu.vector_store %arg9[%swap3A_379, %swap3A_380], %mul3A_378 {strides = array<i32>} : memref<240x128xf32, #tpu.memory_space<vmem>>, vector<16xf32>,
        %broadcast_in_dim3A_382 = arith.constant 3 : i32
        %broadcast_in_dim3A_383 = vector.broadcast %broadcast_in_dim3A_382 : i32 to vector<16xi32>
        %lt3A_384 = arith.constant 0 : i32
        %lt3A_385 = vector.broadcast %lt3A_384 : i32 to vector<16xi32>
        %lt3A_386 = arith.cmpi slt, %broadcast_in_dim3A_383, %lt3A_385 : vector<16xi32>
        %add3A_387 = arith.constant 16 : i32
        %add3A_388 = vector.broadcast %add3A_387 : i32 to vector<16xi32>
        %add3A_389 = arith.addi %broadcast_in_dim3A_383, %add3A_388 : vector<16xi32>
        %select_n3A_390 = arith.select %lt3A_386, %add3A_389, %broadcast_in_dim3A_383 : vector<16xi1>, vector<16xi32>
        %broadcast_in_dim3A_391 = vector.shape_cast %select_n3A_390 : vector<16xi32> to vector<16x1xi32>
        %gather3A_392 = vector.shape_cast %broadcast_in_dim3A_391 : vector<16x1xi32> to vector<16xi32>
        %gather3A_393 = tpu.dynamic_gather %get3A_167[%gather3A_392] in [0] : vector<16xf32>, vector<16xi32> -> vector<16xf32>
        %mul3A_394 = arith.constant 16 : i32
        %mul3A_395 = arith.muli %scan3A_163, %mul3A_394 : i32
        %add3A_396 = arith.addi %mul3A_141, %mul3A_395 : i32
        %add3A_397 = arith.constant 3 : i32
        %add3A_398 = arith.addi %add3A_396, %add3A_397 : i32
        %get3A_399 = arith.index_cast %add3A_398 : i32 to index
        %get3A_400 = arith.constant 0 : index
        %get3A_401 = tpu.vector_load %arg9[%get3A_399, %get3A_400] {strides = array<i32>} : memref<240x128xf32, #tpu.memory_space<vmem>>, vector<16xf32>,
        %mul3A_402 = arith.mulf %get3A_401, %gather3A_393 : vector<16xf32>
        %swap3A_403 = arith.index_cast %add3A_398 : i32 to index
        %swap3A_404 = arith.constant 0 : index
        %swap3A_405 = tpu.vector_load %arg9[%swap3A_403, %swap3A_404] {strides = array<i32>} : memref<240x128xf32, #tpu.memory_space<vmem>>, vector<16xf32>,
        tpu.vector_store %arg9[%swap3A_403, %swap3A_404], %mul3A_402 {strides = array<i32>} : memref<240x128xf32, #tpu.memory_space<vmem>>, vector<16xf32>,
        %get3A_406 = arith.index_cast %add3A_398 : i32 to index
        %get3A_407 = arith.constant 16 : index
        %get3A_408 = tpu.vector_load %arg9[%get3A_406, %get3A_407] {strides = array<i32>} : memref<240x128xf32, #tpu.memory_space<vmem>>, vector<16xf32>,
        %mul3A_409 = arith.mulf %get3A_408, %gather3A_393 : vector<16xf32>
        %swap3A_410 = arith.index_cast %add3A_398 : i32 to index
        %swap3A_411 = arith.constant 16 : index
        %swap3A_412 = tpu.vector_load %arg9[%swap3A_410, %swap3A_411] {strides = array<i32>} : memref<240x128xf32, #tpu.memory_space<vmem>>, vector<16xf32>,
        tpu.vector_store %arg9[%swap3A_410, %swap3A_411], %mul3A_409 {strides = array<i32>} : memref<240x128xf32, #tpu.memory_space<vmem>>, vector<16xf32>,
        %get3A_413 = arith.index_cast %add3A_398 : i32 to index
        %get3A_414 = arith.constant 32 : index
        %get3A_415 = tpu.vector_load %arg9[%get3A_413, %get3A_414] {strides = array<i32>} : memref<240x128xf32, #tpu.memory_space<vmem>>, vector<16xf32>,
        %mul3A_416 = arith.mulf %get3A_415, %gather3A_393 : vector<16xf32>
        %swap3A_417 = arith.index_cast %add3A_398 : i32 to index
        %swap3A_418 = arith.constant 32 : index
        %swap3A_419 = tpu.vector_load %arg9[%swap3A_417, %swap3A_418] {strides = array<i32>} : memref<240x128xf32, #tpu.memory_space<vmem>>, vector<16xf32>,
        tpu.vector_store %arg9[%swap3A_417, %swap3A_418], %mul3A_416 {strides = array<i32>} : memref<240x128xf32, #tpu.memory_space<vmem>>, vector<16xf32>,
        %get3A_420 = arith.index_cast %add3A_398 : i32 to index
        %get3A_421 = arith.constant 48 : index
        %get3A_422 = tpu.vector_load %arg9[%get3A_420, %get3A_421] {strides = array<i32>} : memref<240x128xf32, #tpu.memory_space<vmem>>, vector<16xf32>,
        %mul3A_423 = arith.mulf %get3A_422, %gather3A_393 : vector<16xf32>
        %swap3A_424 = arith.index_cast %add3A_398 : i32 to index
        %swap3A_425 = arith.constant 48 : index
        %swap3A_426 = tpu.vector_load %arg9[%swap3A_424, %swap3A_425] {strides = array<i32>} : memref<240x128xf32, #tpu.memory_space<vmem>>, vector<16xf32>,
        tpu.vector_store %arg9[%swap3A_424, %swap3A_425], %mul3A_423 {strides = array<i32>} : memref<240x128xf32, #tpu.memory_space<vmem>>, vector<16xf32>,
        %get3A_427 = arith.index_cast %add3A_398 : i32 to index
        %get3A_428 = arith.constant 64 : index
        %get3A_429 = tpu.vector_load %arg9[%get3A_427, %get3A_428] {strides = array<i32>} : memref<240x128xf32, #tpu.memory_space<vmem>>, vector<16xf32>,
        %mul3A_430 = arith.mulf %get3A_429, %gather3A_393 : vector<16xf32>
        %swap3A_431 = arith.index_cast %add3A_398 : i32 to index
        %swap3A_432 = arith.constant 64 : index
        %swap3A_433 = tpu.vector_load %arg9[%swap3A_431, %swap3A_432] {strides = array<i32>} : memref<240x128xf32, #tpu.memory_space<vmem>>, vector<16xf32>,
        tpu.vector_store %arg9[%swap3A_431, %swap3A_432], %mul3A_430 {strides = array<i32>} : memref<240x128xf32, #tpu.memory_space<vmem>>, vector<16xf32>,
        %get3A_434 = arith.index_cast %add3A_398 : i32 to index
        %get3A_435 = arith.constant 80 : index
        %get3A_436 = tpu.vector_load %arg9[%get3A_434, %get3A_435] {strides = array<i32>} : memref<240x128xf32, #tpu.memory_space<vmem>>, vector<16xf32>,
        %mul3A_437 = arith.mulf %get3A_436, %gather3A_393 : vector<16xf32>
        %swap3A_438 = arith.index_cast %add3A_398 : i32 to index
        %swap3A_439 = arith.constant 80 : index
        %swap3A_440 = tpu.vector_load %arg9[%swap3A_438, %swap3A_439] {strides = array<i32>} : memref<240x128xf32, #tpu.memory_space<vmem>>, vector<16xf32>,
        tpu.vector_store %arg9[%swap3A_438, %swap3A_439], %mul3A_437 {strides = array<i32>} : memref<240x128xf32, #tpu.memory_space<vmem>>, vector<16xf32>,
        %get3A_441 = arith.index_cast %add3A_398 : i32 to index
        %get3A_442 = arith.constant 96 : index
        %get3A_443 = tpu.vector_load %arg9[%get3A_441, %get3A_442] {strides = array<i32>} : memref<240x128xf32, #tpu.memory_space<vmem>>, vector<16xf32>,
        %mul3A_444 = arith.mulf %get3A_443, %gather3A_393 : vector<16xf32>
        %swap3A_445 = arith.index_cast %add3A_398 : i32 to index
        %swap3A_446 = arith.constant 96 : index
        %swap3A_447 = tpu.vector_load %arg9[%swap3A_445, %swap3A_446] {strides = array<i32>} : memref<240x128xf32, #tpu.memory_space<vmem>>, vector<16xf32>,
        tpu.vector_store %arg9[%swap3A_445, %swap3A_446], %mul3A_444 {strides = array<i32>} : memref<240x128xf32, #tpu.memory_space<vmem>>, vector<16xf32>,
        %get3A_448 = arith.index_cast %add3A_398 : i32 to index
        %get3A_449 = arith.constant 112 : index
        %get3A_450 = tpu.vector_load %arg9[%get3A_448, %get3A_449] {strides = array<i32>} : memref<240x128xf32, #tpu.memory_space<vmem>>, vector<16xf32>,
        %mul3A_451 = arith.mulf %get3A_450, %gather3A_393 : vector<16xf32>
        %swap3A_452 = arith.index_cast %add3A_398 : i32 to index
        %swap3A_453 = arith.constant 112 : index
        %swap3A_454 = tpu.vector_load %arg9[%swap3A_452, %swap3A_453] {strides = array<i32>} : memref<240x128xf32, #tpu.memory_space<vmem>>, vector<16xf32>,
        tpu.vector_store %arg9[%swap3A_452, %swap3A_453], %mul3A_451 {strides = array<i32>} : memref<240x128xf32, #tpu.memory_space<vmem>>, vector<16xf32>,
        %broadcast_in_dim3A_455 = arith.constant 4 : i32
        %broadcast_in_dim3A_456 = vector.broadcast %broadcast_in_dim3A_455 : i32 to vector<16xi32>
        %lt3A_457 = arith.constant 0 : i32
        %lt3A_458 = vector.broadcast %lt3A_457 : i32 to vector<16xi32>
        %lt3A_459 = arith.cmpi slt, %broadcast_in_dim3A_456, %lt3A_458 : vector<16xi32>
        %add3A_460 = arith.constant 16 : i32
        %add3A_461 = vector.broadcast %add3A_460 : i32 to vector<16xi32>
        %add3A_462 = arith.addi %broadcast_in_dim3A_456, %add3A_461 : vector<16xi32>
        %select_n3A_463 = arith.select %lt3A_459, %add3A_462, %broadcast_in_dim3A_456 : vector<16xi1>, vector<16xi32>
        %broadcast_in_dim3A_464 = vector.shape_cast %select_n3A_463 : vector<16xi32> to vector<16x1xi32>
        %gather3A_465 = vector.shape_cast %broadcast_in_dim3A_464 : vector<16x1xi32> to vector<16xi32>
        %gather3A_466 = tpu.dynamic_gather %get3A_167[%gather3A_465] in [0] : vector<16xf32>, vector<16xi32> -> vector<16xf32>
        %mul3A_467 = arith.constant 16 : i32
        %mul3A_468 = arith.muli %scan3A_163, %mul3A_467 : i32
        %add3A_469 = arith.addi %mul3A_141, %mul3A_468 : i32
        %add3A_470 = arith.constant 4 : i32
        %add3A_471 = arith.addi %add3A_469, %add3A_470 : i32
        %get3A_472 = arith.index_cast %add3A_471 : i32 to index
        %get3A_473 = arith.constant 0 : index
        %get3A_474 = tpu.vector_load %arg9[%get3A_472, %get3A_473] {strides = array<i32>} : memref<240x128xf32, #tpu.memory_space<vmem>>, vector<16xf32>,
        %mul3A_475 = arith.mulf %get3A_474, %gather3A_466 : vector<16xf32>
        %swap3A_476 = arith.index_cast %add3A_471 : i32 to index
        %swap3A_477 = arith.constant 0 : index
        %swap3A_478 = tpu.vector_load %arg9[%swap3A_476, %swap3A_477] {strides = array<i32>} : memref<240x128xf32, #tpu.memory_space<vmem>>, vector<16xf32>,
        tpu.vector_store %arg9[%swap3A_476, %swap3A_477], %mul3A_475 {strides = array<i32>} : memref<240x128xf32, #tpu.memory_space<vmem>>, vector<16xf32>,
        %get3A_479 = arith.index_cast %add3A_471 : i32 to index
        %get3A_480 = arith.constant 16 : index
        %get3A_481 = tpu.vector_load %arg9[%get3A_479, %get3A_480] {strides = array<i32>} : memref<240x128xf32, #tpu.memory_space<vmem>>, vector<16xf32>,
        %mul3A_482 = arith.mulf %get3A_481, %gather3A_466 : vector<16xf32>
        %swap3A_483 = arith.index_cast %add3A_471 : i32 to index
        %swap3A_484 = arith.constant 16 : index
        %swap3A_485 = tpu.vector_load %arg9[%swap3A_483, %swap3A_484] {strides = array<i32>} : memref<240x128xf32, #tpu.memory_space<vmem>>, vector<16xf32>,
        tpu.vector_store %arg9[%swap3A_483, %swap3A_484], %mul3A_482 {strides = array<i32>} : memref<240x128xf32, #tpu.memory_space<vmem>>, vector<16xf32>,
        %get3A_486 = arith.index_cast %add3A_471 : i32 to index
        %get3A_487 = arith.constant 32 : index
        %get3A_488 = tpu.vector_load %arg9[%get3A_486, %get3A_487] {strides = array<i32>} : memref<240x128xf32, #tpu.memory_space<vmem>>, vector<16xf32>,
        %mul3A_489 = arith.mulf %get3A_488, %gather3A_466 : vector<16xf32>
        %swap3A_490 = arith.index_cast %add3A_471 : i32 to index
        %swap3A_491 = arith.constant 32 : index
        %swap3A_492 = tpu.vector_load %arg9[%swap3A_490, %swap3A_491] {strides = array<i32>} : memref<240x128xf32, #tpu.memory_space<vmem>>, vector<16xf32>,
        tpu.vector_store %arg9[%swap3A_490, %swap3A_491], %mul3A_489 {strides = array<i32>} : memref<240x128xf32, #tpu.memory_space<vmem>>, vector<16xf32>,
        %get3A_493 = arith.index_cast %add3A_471 : i32 to index
        %get3A_494 = arith.constant 48 : index
        %get3A_495 = tpu.vector_load %arg9[%get3A_493, %get3A_494] {strides = array<i32>} : memref<240x128xf32, #tpu.memory_space<vmem>>, vector<16xf32>,
        %mul3A_496 = arith.mulf %get3A_495, %gather3A_466 : vector<16xf32>
        %swap3A_497 = arith.index_cast %add3A_471 : i32 to index
        %swap3A_498 = arith.constant 48 : index
        %swap3A_499 = tpu.vector_load %arg9[%swap3A_497, %swap3A_498] {strides = array<i32>} : memref<240x128xf32, #tpu.memory_space<vmem>>, vector<16xf32>,
        tpu.vector_store %arg9[%swap3A_497, %swap3A_498], %mul3A_496 {strides = array<i32>} : memref<240x128xf32, #tpu.memory_space<vmem>>, vector<16xf32>,
        %get3A_500 = arith.index_cast %add3A_471 : i32 to index
        %get3A_501 = arith.constant 64 : index
        %get3A_502 = tpu.vector_load %arg9[%get3A_500, %get3A_501] {strides = array<i32>} : memref<240x128xf32, #tpu.memory_space<vmem>>, vector<16xf32>,
        %mul3A_503 = arith.mulf %get3A_502, %gather3A_466 : vector<16xf32>
        %swap3A_504 = arith.index_cast %add3A_471 : i32 to index
        %swap3A_505 = arith.constant 64 : index
        %swap3A_506 = tpu.vector_load %arg9[%swap3A_504, %swap3A_505] {strides = array<i32>} : memref<240x128xf32, #tpu.memory_space<vmem>>, vector<16xf32>,
        tpu.vector_store %arg9[%swap3A_504, %swap3A_505], %mul3A_503 {strides = array<i32>} : memref<240x128xf32, #tpu.memory_space<vmem>>, vector<16xf32>,
        %get3A_507 = arith.index_cast %add3A_471 : i32 to index
        %get3A_508 = arith.constant 80 : index
        %get3A_509 = tpu.vector_load %arg9[%get3A_507, %get3A_508] {strides = array<i32>} : memref<240x128xf32, #tpu.memory_space<vmem>>, vector<16xf32>,
        %mul3A_510 = arith.mulf %get3A_509, %gather3A_466 : vector<16xf32>
        %swap3A_511 = arith.index_cast %add3A_471 : i32 to index
        %swap3A_512 = arith.constant 80 : index
        %swap3A_513 = tpu.vector_load %arg9[%swap3A_511, %swap3A_512] {strides = array<i32>} : memref<240x128xf32, #tpu.memory_space<vmem>>, vector<16xf32>,
        tpu.vector_store %arg9[%swap3A_511, %swap3A_512], %mul3A_510 {strides = array<i32>} : memref<240x128xf32, #tpu.memory_space<vmem>>, vector<16xf32>,
        %get3A_514 = arith.index_cast %add3A_471 : i32 to index
        %get3A_515 = arith.constant 96 : index
        %get3A_516 = tpu.vector_load %arg9[%get3A_514, %get3A_515] {strides = array<i32>} : memref<240x128xf32, #tpu.memory_space<vmem>>, vector<16xf32>,
        %mul3A_517 = arith.mulf %get3A_516, %gather3A_466 : vector<16xf32>
        %swap3A_518 = arith.index_cast %add3A_471 : i32 to index
        %swap3A_519 = arith.constant 96 : index
        %swap3A_520 = tpu.vector_load %arg9[%swap3A_518, %swap3A_519] {strides = array<i32>} : memref<240x128xf32, #tpu.memory_space<vmem>>, vector<16xf32>,
        tpu.vector_store %arg9[%swap3A_518, %swap3A_519], %mul3A_517 {strides = array<i32>} : memref<240x128xf32, #tpu.memory_space<vmem>>, vector<16xf32>,
        %get3A_521 = arith.index_cast %add3A_471 : i32 to index
        %get3A_522 = arith.constant 112 : index
        %get3A_523 = tpu.vector_load %arg9[%get3A_521, %get3A_522] {strides = array<i32>} : memref<240x128xf32, #tpu.memory_space<vmem>>, vector<16xf32>,
        %mul3A_524 = arith.mulf %get3A_523, %gather3A_466 : vector<16xf32>
        %swap3A_525 = arith.index_cast %add3A_471 : i32 to index
        %swap3A_526 = arith.constant 112 : index
        %swap3A_527 = tpu.vector_load %arg9[%swap3A_525, %swap3A_526] {strides = array<i32>} : memref<240x128xf32, #tpu.memory_space<vmem>>, vector<16xf32>,
        tpu.vector_store %arg9[%swap3A_525, %swap3A_526], %mul3A_524 {strides = array<i32>} : memref<240x128xf32, #tpu.memory_space<vmem>>, vector<16xf32>,
        %broadcast_in_dim3A_528 = arith.constant 5 : i32
        %broadcast_in_dim3A_529 = vector.broadcast %broadcast_in_dim3A_528 : i32 to vector<16xi32>
        %lt3A_530 = arith.constant 0 : i32
        %lt3A_531 = vector.broadcast %lt3A_530 : i32 to vector<16xi32>
        %lt3A_532 = arith.cmpi slt, %broadcast_in_dim3A_529, %lt3A_531 : vector<16xi32>
        %add3A_533 = arith.constant 16 : i32
        %add3A_534 = vector.broadcast %add3A_533 : i32 to vector<16xi32>
        %add3A_535 = arith.addi %broadcast_in_dim3A_529, %add3A_534 : vector<16xi32>
        %select_n3A_536 = arith.select %lt3A_532, %add3A_535, %broadcast_in_dim3A_529 : vector<16xi1>, vector<16xi32>
        %broadcast_in_dim3A_537 = vector.shape_cast %select_n3A_536 : vector<16xi32> to vector<16x1xi32>
        %gather3A_538 = vector.shape_cast %broadcast_in_dim3A_537 : vector<16x1xi32> to vector<16xi32>
        %gather3A_539 = tpu.dynamic_gather %get3A_167[%gather3A_538] in [0] : vector<16xf32>, vector<16xi32> -> vector<16xf32>
        %mul3A_540 = arith.constant 16 : i32
        %mul3A_541 = arith.muli %scan3A_163, %mul3A_540 : i32
        %add3A_542 = arith.addi %mul3A_141, %mul3A_541 : i32
        %add3A_543 = arith.constant 5 : i32
        %add3A_544 = arith.addi %add3A_542, %add3A_543 : i32
        %get3A_545 = arith.index_cast %add3A_544 : i32 to index
        %get3A_546 = arith.constant 0 : index
        %get3A_547 = tpu.vector_load %arg9[%get3A_545, %get3A_546] {strides = array<i32>} : memref<240x128xf32, #tpu.memory_space<vmem>>, vector<16xf32>,
        %mul3A_548 = arith.mulf %get3A_547, %gather3A_539 : vector<16xf32>
        %swap3A_549 = arith.index_cast %add3A_544 : i32 to index
        %swap3A_550 = arith.constant 0 : index
        %swap3A_551 = tpu.vector_load %arg9[%swap3A_549, %swap3A_550] {strides = array<i32>} : memref<240x128xf32, #tpu.memory_space<vmem>>, vector<16xf32>,
        tpu.vector_store %arg9[%swap3A_549, %swap3A_550], %mul3A_548 {strides = array<i32>} : memref<240x128xf32, #tpu.memory_space<vmem>>, vector<16xf32>,
        %get3A_552 = arith.index_cast %add3A_544 : i32 to index
        %get3A_553 = arith.constant 16 : index
        %get3A_554 = tpu.vector_load %arg9[%get3A_552, %get3A_553] {strides = array<i32>} : memref<240x128xf32, #tpu.memory_space<vmem>>, vector<16xf32>,
        %mul3A_555 = arith.mulf %get3A_554, %gather3A_539 : vector<16xf32>
        %swap3A_556 = arith.index_cast %add3A_544 : i32 to index
        %swap3A_557 = arith.constant 16 : index
        %swap3A_558 = tpu.vector_load %arg9[%swap3A_556, %swap3A_557] {strides = array<i32>} : memref<240x128xf32, #tpu.memory_space<vmem>>, vector<16xf32>,
        tpu.vector_store %arg9[%swap3A_556, %swap3A_557], %mul3A_555 {strides = array<i32>} : memref<240x128xf32, #tpu.memory_space<vmem>>, vector<16xf32>,
        %get3A_559 = arith.index_cast %add3A_544 : i32 to index
        %get3A_560 = arith.constant 32 : index
        %get3A_561 = tpu.vector_load %arg9[%get3A_559, %get3A_560] {strides = array<i32>} : memref<240x128xf32, #tpu.memory_space<vmem>>, vector<16xf32>,
        %mul3A_562 = arith.mulf %get3A_561, %gather3A_539 : vector<16xf32>
        %swap3A_563 = arith.index_cast %add3A_544 : i32 to index
        %swap3A_564 = arith.constant 32 : index
        %swap3A_565 = tpu.vector_load %arg9[%swap3A_563, %swap3A_564] {strides = array<i32>} : memref<240x128xf32, #tpu.memory_space<vmem>>, vector<16xf32>,
        tpu.vector_store %arg9[%swap3A_563, %swap3A_564], %mul3A_562 {strides = array<i32>} : memref<240x128xf32, #tpu.memory_space<vmem>>, vector<16xf32>,
        %get3A_566 = arith.index_cast %add3A_544 : i32 to index
        %get3A_567 = arith.constant 48 : index
        %get3A_568 = tpu.vector_load %arg9[%get3A_566, %get3A_567] {strides = array<i32>} : memref<240x128xf32, #tpu.memory_space<vmem>>, vector<16xf32>,
        %mul3A_569 = arith.mulf %get3A_568, %gather3A_539 : vector<16xf32>
        %swap3A_570 = arith.index_cast %add3A_544 : i32 to index
        %swap3A_571 = arith.constant 48 : index
        %swap3A_572 = tpu.vector_load %arg9[%swap3A_570, %swap3A_571] {strides = array<i32>} : memref<240x128xf32, #tpu.memory_space<vmem>>, vector<16xf32>,
        tpu.vector_store %arg9[%swap3A_570, %swap3A_571], %mul3A_569 {strides = array<i32>} : memref<240x128xf32, #tpu.memory_space<vmem>>, vector<16xf32>,
        %get3A_573 = arith.index_cast %add3A_544 : i32 to index
        %get3A_574 = arith.constant 64 : index
        %get3A_575 = tpu.vector_load %arg9[%get3A_573, %get3A_574] {strides = array<i32>} : memref<240x128xf32, #tpu.memory_space<vmem>>, vector<16xf32>,
        %mul3A_576 = arith.mulf %get3A_575, %gather3A_539 : vector<16xf32>
        %swap3A_577 = arith.index_cast %add3A_544 : i32 to index
        %swap3A_578 = arith.constant 64 : index
        %swap3A_579 = tpu.vector_load %arg9[%swap3A_577, %swap3A_578] {strides = array<i32>} : memref<240x128xf32, #tpu.memory_space<vmem>>, vector<16xf32>,
        tpu.vector_store %arg9[%swap3A_577, %swap3A_578], %mul3A_576 {strides = array<i32>} : memref<240x128xf32, #tpu.memory_space<vmem>>, vector<16xf32>,
        %get3A_580 = arith.index_cast %add3A_544 : i32 to index
        %get3A_581 = arith.constant 80 : index
        %get3A_582 = tpu.vector_load %arg9[%get3A_580, %get3A_581] {strides = array<i32>} : memref<240x128xf32, #tpu.memory_space<vmem>>, vector<16xf32>,
        %mul3A_583 = arith.mulf %get3A_582, %gather3A_539 : vector<16xf32>
        %swap3A_584 = arith.index_cast %add3A_544 : i32 to index
        %swap3A_585 = arith.constant 80 : index
        %swap3A_586 = tpu.vector_load %arg9[%swap3A_584, %swap3A_585] {strides = array<i32>} : memref<240x128xf32, #tpu.memory_space<vmem>>, vector<16xf32>,
        tpu.vector_store %arg9[%swap3A_584, %swap3A_585], %mul3A_583 {strides = array<i32>} : memref<240x128xf32, #tpu.memory_space<vmem>>, vector<16xf32>,
        %get3A_587 = arith.index_cast %add3A_544 : i32 to index
        %get3A_588 = arith.constant 96 : index
        %get3A_589 = tpu.vector_load %arg9[%get3A_587, %get3A_588] {strides = array<i32>} : memref<240x128xf32, #tpu.memory_space<vmem>>, vector<16xf32>,
        %mul3A_590 = arith.mulf %get3A_589, %gather3A_539 : vector<16xf32>
        %swap3A_591 = arith.index_cast %add3A_544 : i32 to index
        %swap3A_592 = arith.constant 96 : index
        %swap3A_593 = tpu.vector_load %arg9[%swap3A_591, %swap3A_592] {strides = array<i32>} : memref<240x128xf32, #tpu.memory_space<vmem>>, vector<16xf32>,
        tpu.vector_store %arg9[%swap3A_591, %swap3A_592], %mul3A_590 {strides = array<i32>} : memref<240x128xf32, #tpu.memory_space<vmem>>, vector<16xf32>,
        %get3A_594 = arith.index_cast %add3A_544 : i32 to index
        %get3A_595 = arith.constant 112 : index
        %get3A_596 = tpu.vector_load %arg9[%get3A_594, %get3A_595] {strides = array<i32>} : memref<240x128xf32, #tpu.memory_space<vmem>>, vector<16xf32>,
        %mul3A_597 = arith.mulf %get3A_596, %gather3A_539 : vector<16xf32>
        %swap3A_598 = arith.index_cast %add3A_544 : i32 to index
        %swap3A_599 = arith.constant 112 : index
        %swap3A_600 = tpu.vector_load %arg9[%swap3A_598, %swap3A_599] {strides = array<i32>} : memref<240x128xf32, #tpu.memory_space<vmem>>, vector<16xf32>,
        tpu.vector_store %arg9[%swap3A_598, %swap3A_599], %mul3A_597 {strides = array<i32>} : memref<240x128xf32, #tpu.memory_space<vmem>>, vector<16xf32>,
        %broadcast_in_dim3A_601 = arith.constant 6 : i32
        %broadcast_in_dim3A_602 = vector.broadcast %broadcast_in_dim3A_601 : i32 to vector<16xi32>
        %lt3A_603 = arith.constant 0 : i32
        %lt3A_604 = vector.broadcast %lt3A_603 : i32 to vector<16xi32>
        %lt3A_605 = arith.cmpi slt, %broadcast_in_dim3A_602, %lt3A_604 : vector<16xi32>
        %add3A_606 = arith.constant 16 : i32
        %add3A_607 = vector.broadcast %add3A_606 : i32 to vector<16xi32>
        %add3A_608 = arith.addi %broadcast_in_dim3A_602, %add3A_607 : vector<16xi32>
        %select_n3A_609 = arith.select %lt3A_605, %add3A_608, %broadcast_in_dim3A_602 : vector<16xi1>, vector<16xi32>
        %broadcast_in_dim3A_610 = vector.shape_cast %select_n3A_609 : vector<16xi32> to vector<16x1xi32>
        %gather3A_611 = vector.shape_cast %broadcast_in_dim3A_610 : vector<16x1xi32> to vector<16xi32>
        %gather3A_612 = tpu.dynamic_gather %get3A_167[%gather3A_611] in [0] : vector<16xf32>, vector<16xi32> -> vector<16xf32>
        %mul3A_613 = arith.constant 16 : i32
        %mul3A_614 = arith.muli %scan3A_163, %mul3A_613 : i32
        %add3A_615 = arith.addi %mul3A_141, %mul3A_614 : i32
        %add3A_616 = arith.constant 6 : i32
        %add3A_617 = arith.addi %add3A_615, %add3A_616 : i32
        %get3A_618 = arith.index_cast %add3A_617 : i32 to index
        %get3A_619 = arith.constant 0 : index
        %get3A_620 = tpu.vector_load %arg9[%get3A_618, %get3A_619] {strides = array<i32>} : memref<240x128xf32, #tpu.memory_space<vmem>>, vector<16xf32>,
        %mul3A_621 = arith.mulf %get3A_620, %gather3A_612 : vector<16xf32>
        %swap3A_622 = arith.index_cast %add3A_617 : i32 to index
        %swap3A_623 = arith.constant 0 : index
        %swap3A_624 = tpu.vector_load %arg9[%swap3A_622, %swap3A_623] {strides = array<i32>} : memref<240x128xf32, #tpu.memory_space<vmem>>, vector<16xf32>,
        tpu.vector_store %arg9[%swap3A_622, %swap3A_623], %mul3A_621 {strides = array<i32>} : memref<240x128xf32, #tpu.memory_space<vmem>>, vector<16xf32>,
        %get3A_625 = arith.index_cast %add3A_617 : i32 to index
        %get3A_626 = arith.constant 16 : index
        %get3A_627 = tpu.vector_load %arg9[%get3A_625, %get3A_626] {strides = array<i32>} : memref<240x128xf32, #tpu.memory_space<vmem>>, vector<16xf32>,
        %mul3A_628 = arith.mulf %get3A_627, %gather3A_612 : vector<16xf32>
        %swap3A_629 = arith.index_cast %add3A_617 : i32 to index
        %swap3A_630 = arith.constant 16 : index
        %swap3A_631 = tpu.vector_load %arg9[%swap3A_629, %swap3A_630] {strides = array<i32>} : memref<240x128xf32, #tpu.memory_space<vmem>>, vector<16xf32>,
        tpu.vector_store %arg9[%swap3A_629, %swap3A_630], %mul3A_628 {strides = array<i32>} : memref<240x128xf32, #tpu.memory_space<vmem>>, vector<16xf32>,
        %get3A_632 = arith.index_cast %add3A_617 : i32 to index
        %get3A_633 = arith.constant 32 : index
        %get3A_634 = tpu.vector_load %arg9[%get3A_632, %get3A_633] {strides = array<i32>} : memref<240x128xf32, #tpu.memory_space<vmem>>, vector<16xf32>,
        %mul3A_635 = arith.mulf %get3A_634, %gather3A_612 : vector<16xf32>
        %swap3A_636 = arith.index_cast %add3A_617 : i32 to index
        %swap3A_637 = arith.constant 32 : index
        %swap3A_638 = tpu.vector_load %arg9[%swap3A_636, %swap3A_637] {strides = array<i32>} : memref<240x128xf32, #tpu.memory_space<vmem>>, vector<16xf32>,
        tpu.vector_store %arg9[%swap3A_636, %swap3A_637], %mul3A_635 {strides = array<i32>} : memref<240x128xf32, #tpu.memory_space<vmem>>, vector<16xf32>,
        %get3A_639 = arith.index_cast %add3A_617 : i32 to index
        %get3A_640 = arith.constant 48 : index
        %get3A_641 = tpu.vector_load %arg9[%get3A_639, %get3A_640] {strides = array<i32>} : memref<240x128xf32, #tpu.memory_space<vmem>>, vector<16xf32>,
        %mul3A_642 = arith.mulf %get3A_641, %gather3A_612 : vector<16xf32>
        %swap3A_643 = arith.index_cast %add3A_617 : i32 to index
        %swap3A_644 = arith.constant 48 : index
        %swap3A_645 = tpu.vector_load %arg9[%swap3A_643, %swap3A_644] {strides = array<i32>} : memref<240x128xf32, #tpu.memory_space<vmem>>, vector<16xf32>,
        tpu.vector_store %arg9[%swap3A_643, %swap3A_644], %mul3A_642 {strides = array<i32>} : memref<240x128xf32, #tpu.memory_space<vmem>>, vector<16xf32>,
        %get3A_646 = arith.index_cast %add3A_617 : i32 to index
        %get3A_647 = arith.constant 64 : index
        %get3A_648 = tpu.vector_load %arg9[%get3A_646, %get3A_647] {strides = array<i32>} : memref<240x128xf32, #tpu.memory_space<vmem>>, vector<16xf32>,
        %mul3A_649 = arith.mulf %get3A_648, %gather3A_612 : vector<16xf32>
        %swap3A_650 = arith.index_cast %add3A_617 : i32 to index
        %swap3A_651 = arith.constant 64 : index
        %swap3A_652 = tpu.vector_load %arg9[%swap3A_650, %swap3A_651] {strides = array<i32>} : memref<240x128xf32, #tpu.memory_space<vmem>>, vector<16xf32>,
        tpu.vector_store %arg9[%swap3A_650, %swap3A_651], %mul3A_649 {strides = array<i32>} : memref<240x128xf32, #tpu.memory_space<vmem>>, vector<16xf32>,
        %get3A_653 = arith.index_cast %add3A_617 : i32 to index
        %get3A_654 = arith.constant 80 : index
        %get3A_655 = tpu.vector_load %arg9[%get3A_653, %get3A_654] {strides = array<i32>} : memref<240x128xf32, #tpu.memory_space<vmem>>, vector<16xf32>,
        %mul3A_656 = arith.mulf %get3A_655, %gather3A_612 : vector<16xf32>
        %swap3A_657 = arith.index_cast %add3A_617 : i32 to index
        %swap3A_658 = arith.constant 80 : index
        %swap3A_659 = tpu.vector_load %arg9[%swap3A_657, %swap3A_658] {strides = array<i32>} : memref<240x128xf32, #tpu.memory_space<vmem>>, vector<16xf32>,
        tpu.vector_store %arg9[%swap3A_657, %swap3A_658], %mul3A_656 {strides = array<i32>} : memref<240x128xf32, #tpu.memory_space<vmem>>, vector<16xf32>,
        %get3A_660 = arith.index_cast %add3A_617 : i32 to index
        %get3A_661 = arith.constant 96 : index
        %get3A_662 = tpu.vector_load %arg9[%get3A_660, %get3A_661] {strides = array<i32>} : memref<240x128xf32, #tpu.memory_space<vmem>>, vector<16xf32>,
        %mul3A_663 = arith.mulf %get3A_662, %gather3A_612 : vector<16xf32>
        %swap3A_664 = arith.index_cast %add3A_617 : i32 to index
        %swap3A_665 = arith.constant 96 : index
        %swap3A_666 = tpu.vector_load %arg9[%swap3A_664, %swap3A_665] {strides = array<i32>} : memref<240x128xf32, #tpu.memory_space<vmem>>, vector<16xf32>,
        tpu.vector_store %arg9[%swap3A_664, %swap3A_665], %mul3A_663 {strides = array<i32>} : memref<240x128xf32, #tpu.memory_space<vmem>>, vector<16xf32>,
        %get3A_667 = arith.index_cast %add3A_617 : i32 to index
        %get3A_668 = arith.constant 112 : index
        %get3A_669 = tpu.vector_load %arg9[%get3A_667, %get3A_668] {strides = array<i32>} : memref<240x128xf32, #tpu.memory_space<vmem>>, vector<16xf32>,
        %mul3A_670 = arith.mulf %get3A_669, %gather3A_612 : vector<16xf32>
        %swap3A_671 = arith.index_cast %add3A_617 : i32 to index
        %swap3A_672 = arith.constant 112 : index
        %swap3A_673 = tpu.vector_load %arg9[%swap3A_671, %swap3A_672] {strides = array<i32>} : memref<240x128xf32, #tpu.memory_space<vmem>>, vector<16xf32>,
        tpu.vector_store %arg9[%swap3A_671, %swap3A_672], %mul3A_670 {strides = array<i32>} : memref<240x128xf32, #tpu.memory_space<vmem>>, vector<16xf32>,
        %broadcast_in_dim3A_674 = arith.constant 7 : i32
        %broadcast_in_dim3A_675 = vector.broadcast %broadcast_in_dim3A_674 : i32 to vector<16xi32>
        %lt3A_676 = arith.constant 0 : i32
        %lt3A_677 = vector.broadcast %lt3A_676 : i32 to vector<16xi32>
        %lt3A_678 = arith.cmpi slt, %broadcast_in_dim3A_675, %lt3A_677 : vector<16xi32>
        %add3A_679 = arith.constant 16 : i32
        %add3A_680 = vector.broadcast %add3A_679 : i32 to vector<16xi32>
        %add3A_681 = arith.addi %broadcast_in_dim3A_675, %add3A_680 : vector<16xi32>
        %select_n3A_682 = arith.select %lt3A_678, %add3A_681, %broadcast_in_dim3A_675 : vector<16xi1>, vector<16xi32>
        %broadcast_in_dim3A_683 = vector.shape_cast %select_n3A_682 : vector<16xi32> to vector<16x1xi32>
        %gather3A_684 = vector.shape_cast %broadcast_in_dim3A_683 : vector<16x1xi32> to vector<16xi32>
        %gather3A_685 = tpu.dynamic_gather %get3A_167[%gather3A_684] in [0] : vector<16xf32>, vector<16xi32> -> vector<16xf32>
        %mul3A_686 = arith.constant 16 : i32
        %mul3A_687 = arith.muli %scan3A_163, %mul3A_686 : i32
        %add3A_688 = arith.addi %mul3A_141, %mul3A_687 : i32
        %add3A_689 = arith.constant 7 : i32
        %add3A_690 = arith.addi %add3A_688, %add3A_689 : i32
        %get3A_691 = arith.index_cast %add3A_690 : i32 to index
        %get3A_692 = arith.constant 0 : index
        %get3A_693 = tpu.vector_load %arg9[%get3A_691, %get3A_692] {strides = array<i32>} : memref<240x128xf32, #tpu.memory_space<vmem>>, vector<16xf32>,
        %mul3A_694 = arith.mulf %get3A_693, %gather3A_685 : vector<16xf32>
        %swap3A_695 = arith.index_cast %add3A_690 : i32 to index
        %swap3A_696 = arith.constant 0 : index
        %swap3A_697 = tpu.vector_load %arg9[%swap3A_695, %swap3A_696] {strides = array<i32>} : memref<240x128xf32, #tpu.memory_space<vmem>>, vector<16xf32>,
        tpu.vector_store %arg9[%swap3A_695, %swap3A_696], %mul3A_694 {strides = array<i32>} : memref<240x128xf32, #tpu.memory_space<vmem>>, vector<16xf32>,
        %get3A_698 = arith.index_cast %add3A_690 : i32 to index
        %get3A_699 = arith.constant 16 : index
        %get3A_700 = tpu.vector_load %arg9[%get3A_698, %get3A_699] {strides = array<i32>} : memref<240x128xf32, #tpu.memory_space<vmem>>, vector<16xf32>,
        %mul3A_701 = arith.mulf %get3A_700, %gather3A_685 : vector<16xf32>
        %swap3A_702 = arith.index_cast %add3A_690 : i32 to index
        %swap3A_703 = arith.constant 16 : index
        %swap3A_704 = tpu.vector_load %arg9[%swap3A_702, %swap3A_703] {strides = array<i32>} : memref<240x128xf32, #tpu.memory_space<vmem>>, vector<16xf32>,
        tpu.vector_store %arg9[%swap3A_702, %swap3A_703], %mul3A_701 {strides = array<i32>} : memref<240x128xf32, #tpu.memory_space<vmem>>, vector<16xf32>,
        %get3A_705 = arith.index_cast %add3A_690 : i32 to index
        %get3A_706 = arith.constant 32 : index
        %get3A_707 = tpu.vector_load %arg9[%get3A_705, %get3A_706] {strides = array<i32>} : memref<240x128xf32, #tpu.memory_space<vmem>>, vector<16xf32>,
        %mul3A_708 = arith.mulf %get3A_707, %gather3A_685 : vector<16xf32>
        %swap3A_709 = arith.index_cast %add3A_690 : i32 to index
        %swap3A_710 = arith.constant 32 : index
        %swap3A_711 = tpu.vector_load %arg9[%swap3A_709, %swap3A_710] {strides = array<i32>} : memref<240x128xf32, #tpu.memory_space<vmem>>, vector<16xf32>,
        tpu.vector_store %arg9[%swap3A_709, %swap3A_710], %mul3A_708 {strides = array<i32>} : memref<240x128xf32, #tpu.memory_space<vmem>>, vector<16xf32>,
        %get3A_712 = arith.index_cast %add3A_690 : i32 to index
        %get3A_713 = arith.constant 48 : index
        %get3A_714 = tpu.vector_load %arg9[%get3A_712, %get3A_713] {strides = array<i32>} : memref<240x128xf32, #tpu.memory_space<vmem>>, vector<16xf32>,
        %mul3A_715 = arith.mulf %get3A_714, %gather3A_685 : vector<16xf32>
        %swap3A_716 = arith.index_cast %add3A_690 : i32 to index
        %swap3A_717 = arith.constant 48 : index
        %swap3A_718 = tpu.vector_load %arg9[%swap3A_716, %swap3A_717] {strides = array<i32>} : memref<240x128xf32, #tpu.memory_space<vmem>>, vector<16xf32>,
        tpu.vector_store %arg9[%swap3A_716, %swap3A_717], %mul3A_715 {strides = array<i32>} : memref<240x128xf32, #tpu.memory_space<vmem>>, vector<16xf32>,
        %get3A_719 = arith.index_cast %add3A_690 : i32 to index
        %get3A_720 = arith.constant 64 : index
        %get3A_721 = tpu.vector_load %arg9[%get3A_719, %get3A_720] {strides = array<i32>} : memref<240x128xf32, #tpu.memory_space<vmem>>, vector<16xf32>,
        %mul3A_722 = arith.mulf %get3A_721, %gather3A_685 : vector<16xf32>
        %swap3A_723 = arith.index_cast %add3A_690 : i32 to index
        %swap3A_724 = arith.constant 64 : index
        %swap3A_725 = tpu.vector_load %arg9[%swap3A_723, %swap3A_724] {strides = array<i32>} : memref<240x128xf32, #tpu.memory_space<vmem>>, vector<16xf32>,
        tpu.vector_store %arg9[%swap3A_723, %swap3A_724], %mul3A_722 {strides = array<i32>} : memref<240x128xf32, #tpu.memory_space<vmem>>, vector<16xf32>,
        %get3A_726 = arith.index_cast %add3A_690 : i32 to index
        %get3A_727 = arith.constant 80 : index
        %get3A_728 = tpu.vector_load %arg9[%get3A_726, %get3A_727] {strides = array<i32>} : memref<240x128xf32, #tpu.memory_space<vmem>>, vector<16xf32>,
        %mul3A_729 = arith.mulf %get3A_728, %gather3A_685 : vector<16xf32>
        %swap3A_730 = arith.index_cast %add3A_690 : i32 to index
        %swap3A_731 = arith.constant 80 : index
        %swap3A_732 = tpu.vector_load %arg9[%swap3A_730, %swap3A_731] {strides = array<i32>} : memref<240x128xf32, #tpu.memory_space<vmem>>, vector<16xf32>,
        tpu.vector_store %arg9[%swap3A_730, %swap3A_731], %mul3A_729 {strides = array<i32>} : memref<240x128xf32, #tpu.memory_space<vmem>>, vector<16xf32>,
        %get3A_733 = arith.index_cast %add3A_690 : i32 to index
        %get3A_734 = arith.constant 96 : index
        %get3A_735 = tpu.vector_load %arg9[%get3A_733, %get3A_734] {strides = array<i32>} : memref<240x128xf32, #tpu.memory_space<vmem>>, vector<16xf32>,
        %mul3A_736 = arith.mulf %get3A_735, %gather3A_685 : vector<16xf32>
        %swap3A_737 = arith.index_cast %add3A_690 : i32 to index
        %swap3A_738 = arith.constant 96 : index
        %swap3A_739 = tpu.vector_load %arg9[%swap3A_737, %swap3A_738] {strides = array<i32>} : memref<240x128xf32, #tpu.memory_space<vmem>>, vector<16xf32>,
        tpu.vector_store %arg9[%swap3A_737, %swap3A_738], %mul3A_736 {strides = array<i32>} : memref<240x128xf32, #tpu.memory_space<vmem>>, vector<16xf32>,
        %get3A_740 = arith.index_cast %add3A_690 : i32 to index
        %get3A_741 = arith.constant 112 : index
        %get3A_742 = tpu.vector_load %arg9[%get3A_740, %get3A_741] {strides = array<i32>} : memref<240x128xf32, #tpu.memory_space<vmem>>, vector<16xf32>,
        %mul3A_743 = arith.mulf %get3A_742, %gather3A_685 : vector<16xf32>
        %swap3A_744 = arith.index_cast %add3A_690 : i32 to index
        %swap3A_745 = arith.constant 112 : index
        %swap3A_746 = tpu.vector_load %arg9[%swap3A_744, %swap3A_745] {strides = array<i32>} : memref<240x128xf32, #tpu.memory_space<vmem>>, vector<16xf32>,
        tpu.vector_store %arg9[%swap3A_744, %swap3A_745], %mul3A_743 {strides = array<i32>} : memref<240x128xf32, #tpu.memory_space<vmem>>, vector<16xf32>,
        %broadcast_in_dim3A_747 = arith.constant 8 : i32
        %broadcast_in_dim3A_748 = vector.broadcast %broadcast_in_dim3A_747 : i32 to vector<16xi32>
        %lt3A_749 = arith.constant 0 : i32
        %lt3A_750 = vector.broadcast %lt3A_749 : i32 to vector<16xi32>
        %lt3A_751 = arith.cmpi slt, %broadcast_in_dim3A_748, %lt3A_750 : vector<16xi32>
        %add3A_752 = arith.constant 16 : i32
        %add3A_753 = vector.broadcast %add3A_752 : i32 to vector<16xi32>
        %add3A_754 = arith.addi %broadcast_in_dim3A_748, %add3A_753 : vector<16xi32>
        %select_n3A_755 = arith.select %lt3A_751, %add3A_754, %broadcast_in_dim3A_748 : vector<16xi1>, vector<16xi32>
        %broadcast_in_dim3A_756 = vector.shape_cast %select_n3A_755 : vector<16xi32> to vector<16x1xi32>
        %gather3A_757 = vector.shape_cast %broadcast_in_dim3A_756 : vector<16x1xi32> to vector<16xi32>
        %gather3A_758 = tpu.dynamic_gather %get3A_167[%gather3A_757] in [0] : vector<16xf32>, vector<16xi32> -> vector<16xf32>
        %mul3A_759 = arith.constant 16 : i32
        %mul3A_760 = arith.muli %scan3A_163, %mul3A_759 : i32
        %add3A_761 = arith.addi %mul3A_141, %mul3A_760 : i32
        %add3A_762 = arith.constant 8 : i32
        %add3A_763 = arith.addi %add3A_761, %add3A_762 : i32
        %get3A_764 = arith.index_cast %add3A_763 : i32 to index
        %get3A_765 = arith.constant 0 : index
        %get3A_766 = tpu.vector_load %arg9[%get3A_764, %get3A_765] {strides = array<i32>} : memref<240x128xf32, #tpu.memory_space<vmem>>, vector<16xf32>,
        %mul3A_767 = arith.mulf %get3A_766, %gather3A_758 : vector<16xf32>
        %swap3A_768 = arith.index_cast %add3A_763 : i32 to index
        %swap3A_769 = arith.constant 0 : index
        %swap3A_770 = tpu.vector_load %arg9[%swap3A_768, %swap3A_769] {strides = array<i32>} : memref<240x128xf32, #tpu.memory_space<vmem>>, vector<16xf32>,
        tpu.vector_store %arg9[%swap3A_768, %swap3A_769], %mul3A_767 {strides = array<i32>} : memref<240x128xf32, #tpu.memory_space<vmem>>, vector<16xf32>,
        %get3A_771 = arith.index_cast %add3A_763 : i32 to index
        %get3A_772 = arith.constant 16 : index
        %get3A_773 = tpu.vector_load %arg9[%get3A_771, %get3A_772] {strides = array<i32>} : memref<240x128xf32, #tpu.memory_space<vmem>>, vector<16xf32>,
        %mul3A_774 = arith.mulf %get3A_773, %gather3A_758 : vector<16xf32>
        %swap3A_775 = arith.index_cast %add3A_763 : i32 to index
        %swap3A_776 = arith.constant 16 : index
        %swap3A_777 = tpu.vector_load %arg9[%swap3A_775, %swap3A_776] {strides = array<i32>} : memref<240x128xf32, #tpu.memory_space<vmem>>, vector<16xf32>,
        tpu.vector_store %arg9[%swap3A_775, %swap3A_776], %mul3A_774 {strides = array<i32>} : memref<240x128xf32, #tpu.memory_space<vmem>>, vector<16xf32>,
        %get3A_778 = arith.index_cast %add3A_763 : i32 to index
        %get3A_779 = arith.constant 32 : index
        %get3A_780 = tpu.vector_load %arg9[%get3A_778, %get3A_779] {strides = array<i32>} : memref<240x128xf32, #tpu.memory_space<vmem>>, vector<16xf32>,
        %mul3A_781 = arith.mulf %get3A_780, %gather3A_758 : vector<16xf32>
        %swap3A_782 = arith.index_cast %add3A_763 : i32 to index
        %swap3A_783 = arith.constant 32 : index
        %swap3A_784 = tpu.vector_load %arg9[%swap3A_782, %swap3A_783] {strides = array<i32>} : memref<240x128xf32, #tpu.memory_space<vmem>>, vector<16xf32>,
        tpu.vector_store %arg9[%swap3A_782, %swap3A_783], %mul3A_781 {strides = array<i32>} : memref<240x128xf32, #tpu.memory_space<vmem>>, vector<16xf32>,
        %get3A_785 = arith.index_cast %add3A_763 : i32 to index
        %get3A_786 = arith.constant 48 : index
        %get3A_787 = tpu.vector_load %arg9[%get3A_785, %get3A_786] {strides = array<i32>} : memref<240x128xf32, #tpu.memory_space<vmem>>, vector<16xf32>,
        %mul3A_788 = arith.mulf %get3A_787, %gather3A_758 : vector<16xf32>
        %swap3A_789 = arith.index_cast %add3A_763 : i32 to index
        %swap3A_790 = arith.constant 48 : index
        %swap3A_791 = tpu.vector_load %arg9[%swap3A_789, %swap3A_790] {strides = array<i32>} : memref<240x128xf32, #tpu.memory_space<vmem>>, vector<16xf32>,
        tpu.vector_store %arg9[%swap3A_789, %swap3A_790], %mul3A_788 {strides = array<i32>} : memref<240x128xf32, #tpu.memory_space<vmem>>, vector<16xf32>,
        %get3A_792 = arith.index_cast %add3A_763 : i32 to index
        %get3A_793 = arith.constant 64 : index
        %get3A_794 = tpu.vector_load %arg9[%get3A_792, %get3A_793] {strides = array<i32>} : memref<240x128xf32, #tpu.memory_space<vmem>>, vector<16xf32>,
        %mul3A_795 = arith.mulf %get3A_794, %gather3A_758 : vector<16xf32>
        %swap3A_796 = arith.index_cast %add3A_763 : i32 to index
        %swap3A_797 = arith.constant 64 : index
        %swap3A_798 = tpu.vector_load %arg9[%swap3A_796, %swap3A_797] {strides = array<i32>} : memref<240x128xf32, #tpu.memory_space<vmem>>, vector<16xf32>,
        tpu.vector_store %arg9[%swap3A_796, %swap3A_797], %mul3A_795 {strides = array<i32>} : memref<240x128xf32, #tpu.memory_space<vmem>>, vector<16xf32>,
        %get3A_799 = arith.index_cast %add3A_763 : i32 to index
        %get3A_800 = arith.constant 80 : index
        %get3A_801 = tpu.vector_load %arg9[%get3A_799, %get3A_800] {strides = array<i32>} : memref<240x128xf32, #tpu.memory_space<vmem>>, vector<16xf32>,
        %mul3A_802 = arith.mulf %get3A_801, %gather3A_758 : vector<16xf32>
        %swap3A_803 = arith.index_cast %add3A_763 : i32 to index
        %swap3A_804 = arith.constant 80 : index
        %swap3A_805 = tpu.vector_load %arg9[%swap3A_803, %swap3A_804] {strides = array<i32>} : memref<240x128xf32, #tpu.memory_space<vmem>>, vector<16xf32>,
        tpu.vector_store %arg9[%swap3A_803, %swap3A_804], %mul3A_802 {strides = array<i32>} : memref<240x128xf32, #tpu.memory_space<vmem>>, vector<16xf32>,
        %get3A_806 = arith.index_cast %add3A_763 : i32 to index
        %get3A_807 = arith.constant 96 : index
        %get3A_808 = tpu.vector_load %arg9[%get3A_806, %get3A_807] {strides = array<i32>} : memref<240x128xf32, #tpu.memory_space<vmem>>, vector<16xf32>,
        %mul3A_809 = arith.mulf %get3A_808, %gather3A_758 : vector<16xf32>
        %swap3A_810 = arith.index_cast %add3A_763 : i32 to index
        %swap3A_811 = arith.constant 96 : index
        %swap3A_812 = tpu.vector_load %arg9[%swap3A_810, %swap3A_811] {strides = array<i32>} : memref<240x128xf32, #tpu.memory_space<vmem>>, vector<16xf32>,
        tpu.vector_store %arg9[%swap3A_810, %swap3A_811], %mul3A_809 {strides = array<i32>} : memref<240x128xf32, #tpu.memory_space<vmem>>, vector<16xf32>,
        %get3A_813 = arith.index_cast %add3A_763 : i32 to index
        %get3A_814 = arith.constant 112 : index
        %get3A_815 = tpu.vector_load %arg9[%get3A_813, %get3A_814] {strides = array<i32>} : memref<240x128xf32, #tpu.memory_space<vmem>>, vector<16xf32>,
        %mul3A_816 = arith.mulf %get3A_815, %gather3A_758 : vector<16xf32>
        %swap3A_817 = arith.index_cast %add3A_763 : i32 to index
        %swap3A_818 = arith.constant 112 : index
        %swap3A_819 = tpu.vector_load %arg9[%swap3A_817, %swap3A_818] {strides = array<i32>} : memref<240x128xf32, #tpu.memory_space<vmem>>, vector<16xf32>,
        tpu.vector_store %arg9[%swap3A_817, %swap3A_818], %mul3A_816 {strides = array<i32>} : memref<240x128xf32, #tpu.memory_space<vmem>>, vector<16xf32>,
        %broadcast_in_dim3A_820 = arith.constant 9 : i32
        %broadcast_in_dim3A_821 = vector.broadcast %broadcast_in_dim3A_820 : i32 to vector<16xi32>
        %lt3A_822 = arith.constant 0 : i32
        %lt3A_823 = vector.broadcast %lt3A_822 : i32 to vector<16xi32>
        %lt3A_824 = arith.cmpi slt, %broadcast_in_dim3A_821, %lt3A_823 : vector<16xi32>
        %add3A_825 = arith.constant 16 : i32
        %add3A_826 = vector.broadcast %add3A_825 : i32 to vector<16xi32>
        %add3A_827 = arith.addi %broadcast_in_dim3A_821, %add3A_826 : vector<16xi32>
        %select_n3A_828 = arith.select %lt3A_824, %add3A_827, %broadcast_in_dim3A_821 : vector<16xi1>, vector<16xi32>
        %broadcast_in_dim3A_829 = vector.shape_cast %select_n3A_828 : vector<16xi32> to vector<16x1xi32>
        %gather3A_830 = vector.shape_cast %broadcast_in_dim3A_829 : vector<16x1xi32> to vector<16xi32>
        %gather3A_831 = tpu.dynamic_gather %get3A_167[%gather3A_830] in [0] : vector<16xf32>, vector<16xi32> -> vector<16xf32>
        %mul3A_832 = arith.constant 16 : i32
        %mul3A_833 = arith.muli %scan3A_163, %mul3A_832 : i32
        %add3A_834 = arith.addi %mul3A_141, %mul3A_833 : i32
        %add3A_835 = arith.constant 9 : i32
        %add3A_836 = arith.addi %add3A_834, %add3A_835 : i32
        %get3A_837 = arith.index_cast %add3A_836 : i32 to index
        %get3A_838 = arith.constant 0 : index
        %get3A_839 = tpu.vector_load %arg9[%get3A_837, %get3A_838] {strides = array<i32>} : memref<240x128xf32, #tpu.memory_space<vmem>>, vector<16xf32>,
        %mul3A_840 = arith.mulf %get3A_839, %gather3A_831 : vector<16xf32>
        %swap3A_841 = arith.index_cast %add3A_836 : i32 to index
        %swap3A_842 = arith.constant 0 : index
        %swap3A_843 = tpu.vector_load %arg9[%swap3A_841, %swap3A_842] {strides = array<i32>} : memref<240x128xf32, #tpu.memory_space<vmem>>, vector<16xf32>,
        tpu.vector_store %arg9[%swap3A_841, %swap3A_842], %mul3A_840 {strides = array<i32>} : memref<240x128xf32, #tpu.memory_space<vmem>>, vector<16xf32>,
        %get3A_844 = arith.index_cast %add3A_836 : i32 to index
        %get3A_845 = arith.constant 16 : index
        %get3A_846 = tpu.vector_load %arg9[%get3A_844, %get3A_845] {strides = array<i32>} : memref<240x128xf32, #tpu.memory_space<vmem>>, vector<16xf32>,
        %mul3A_847 = arith.mulf %get3A_846, %gather3A_831 : vector<16xf32>
        %swap3A_848 = arith.index_cast %add3A_836 : i32 to index
        %swap3A_849 = arith.constant 16 : index
        %swap3A_850 = tpu.vector_load %arg9[%swap3A_848, %swap3A_849] {strides = array<i32>} : memref<240x128xf32, #tpu.memory_space<vmem>>, vector<16xf32>,
        tpu.vector_store %arg9[%swap3A_848, %swap3A_849], %mul3A_847 {strides = array<i32>} : memref<240x128xf32, #tpu.memory_space<vmem>>, vector<16xf32>,
        %get3A_851 = arith.index_cast %add3A_836 : i32 to index
        %get3A_852 = arith.constant 32 : index
        %get3A_853 = tpu.vector_load %arg9[%get3A_851, %get3A_852] {strides = array<i32>} : memref<240x128xf32, #tpu.memory_space<vmem>>, vector<16xf32>,
        %mul3A_854 = arith.mulf %get3A_853, %gather3A_831 : vector<16xf32>
        %swap3A_855 = arith.index_cast %add3A_836 : i32 to index
        %swap3A_856 = arith.constant 32 : index
        %swap3A_857 = tpu.vector_load %arg9[%swap3A_855, %swap3A_856] {strides = array<i32>} : memref<240x128xf32, #tpu.memory_space<vmem>>, vector<16xf32>,
        tpu.vector_store %arg9[%swap3A_855, %swap3A_856], %mul3A_854 {strides = array<i32>} : memref<240x128xf32, #tpu.memory_space<vmem>>, vector<16xf32>,
        %get3A_858 = arith.index_cast %add3A_836 : i32 to index
        %get3A_859 = arith.constant 48 : index
        %get3A_860 = tpu.vector_load %arg9[%get3A_858, %get3A_859] {strides = array<i32>} : memref<240x128xf32, #tpu.memory_space<vmem>>, vector<16xf32>,
        %mul3A_861 = arith.mulf %get3A_860, %gather3A_831 : vector<16xf32>
        %swap3A_862 = arith.index_cast %add3A_836 : i32 to index
        %swap3A_863 = arith.constant 48 : index
        %swap3A_864 = tpu.vector_load %arg9[%swap3A_862, %swap3A_863] {strides = array<i32>} : memref<240x128xf32, #tpu.memory_space<vmem>>, vector<16xf32>,
        tpu.vector_store %arg9[%swap3A_862, %swap3A_863], %mul3A_861 {strides = array<i32>} : memref<240x128xf32, #tpu.memory_space<vmem>>, vector<16xf32>,
        %get3A_865 = arith.index_cast %add3A_836 : i32 to index
        %get3A_866 = arith.constant 64 : index
        %get3A_867 = tpu.vector_load %arg9[%get3A_865, %get3A_866] {strides = array<i32>} : memref<240x128xf32, #tpu.memory_space<vmem>>, vector<16xf32>,
        %mul3A_868 = arith.mulf %get3A_867, %gather3A_831 : vector<16xf32>
        %swap3A_869 = arith.index_cast %add3A_836 : i32 to index
        %swap3A_870 = arith.constant 64 : index
        %swap3A_871 = tpu.vector_load %arg9[%swap3A_869, %swap3A_870] {strides = array<i32>} : memref<240x128xf32, #tpu.memory_space<vmem>>, vector<16xf32>,
        tpu.vector_store %arg9[%swap3A_869, %swap3A_870], %mul3A_868 {strides = array<i32>} : memref<240x128xf32, #tpu.memory_space<vmem>>, vector<16xf32>,
        %get3A_872 = arith.index_cast %add3A_836 : i32 to index
        %get3A_873 = arith.constant 80 : index
        %get3A_874 = tpu.vector_load %arg9[%get3A_872, %get3A_873] {strides = array<i32>} : memref<240x128xf32, #tpu.memory_space<vmem>>, vector<16xf32>,
        %mul3A_875 = arith.mulf %get3A_874, %gather3A_831 : vector<16xf32>
        %swap3A_876 = arith.index_cast %add3A_836 : i32 to index
        %swap3A_877 = arith.constant 80 : index
        %swap3A_878 = tpu.vector_load %arg9[%swap3A_876, %swap3A_877] {strides = array<i32>} : memref<240x128xf32, #tpu.memory_space<vmem>>, vector<16xf32>,
        tpu.vector_store %arg9[%swap3A_876, %swap3A_877], %mul3A_875 {strides = array<i32>} : memref<240x128xf32, #tpu.memory_space<vmem>>, vector<16xf32>,
        %get3A_879 = arith.index_cast %add3A_836 : i32 to index
        %get3A_880 = arith.constant 96 : index
        %get3A_881 = tpu.vector_load %arg9[%get3A_879, %get3A_880] {strides = array<i32>} : memref<240x128xf32, #tpu.memory_space<vmem>>, vector<16xf32>,
        %mul3A_882 = arith.mulf %get3A_881, %gather3A_831 : vector<16xf32>
        %swap3A_883 = arith.index_cast %add3A_836 : i32 to index
        %swap3A_884 = arith.constant 96 : index
        %swap3A_885 = tpu.vector_load %arg9[%swap3A_883, %swap3A_884] {strides = array<i32>} : memref<240x128xf32, #tpu.memory_space<vmem>>, vector<16xf32>,
        tpu.vector_store %arg9[%swap3A_883, %swap3A_884], %mul3A_882 {strides = array<i32>} : memref<240x128xf32, #tpu.memory_space<vmem>>, vector<16xf32>,
        %get3A_886 = arith.index_cast %add3A_836 : i32 to index
        %get3A_887 = arith.constant 112 : index
        %get3A_888 = tpu.vector_load %arg9[%get3A_886, %get3A_887] {strides = array<i32>} : memref<240x128xf32, #tpu.memory_space<vmem>>, vector<16xf32>,
        %mul3A_889 = arith.mulf %get3A_888, %gather3A_831 : vector<16xf32>
        %swap3A_890 = arith.index_cast %add3A_836 : i32 to index
        %swap3A_891 = arith.constant 112 : index
        %swap3A_892 = tpu.vector_load %arg9[%swap3A_890, %swap3A_891] {strides = array<i32>} : memref<240x128xf32, #tpu.memory_space<vmem>>, vector<16xf32>,
        tpu.vector_store %arg9[%swap3A_890, %swap3A_891], %mul3A_889 {strides = array<i32>} : memref<240x128xf32, #tpu.memory_space<vmem>>, vector<16xf32>,
        %broadcast_in_dim3A_893 = arith.constant 10 : i32
        %broadcast_in_dim3A_894 = vector.broadcast %broadcast_in_dim3A_893 : i32 to vector<16xi32>
        %lt3A_895 = arith.constant 0 : i32
        %lt3A_896 = vector.broadcast %lt3A_895 : i32 to vector<16xi32>
        %lt3A_897 = arith.cmpi slt, %broadcast_in_dim3A_894, %lt3A_896 : vector<16xi32>
        %add3A_898 = arith.constant 16 : i32
        %add3A_899 = vector.broadcast %add3A_898 : i32 to vector<16xi32>
        %add3A_900 = arith.addi %broadcast_in_dim3A_894, %add3A_899 : vector<16xi32>
        %select_n3A_901 = arith.select %lt3A_897, %add3A_900, %broadcast_in_dim3A_894 : vector<16xi1>, vector<16xi32>
        %broadcast_in_dim3A_902 = vector.shape_cast %select_n3A_901 : vector<16xi32> to vector<16x1xi32>
        %gather3A_903 = vector.shape_cast %broadcast_in_dim3A_902 : vector<16x1xi32> to vector<16xi32>
        %gather3A_904 = tpu.dynamic_gather %get3A_167[%gather3A_903] in [0] : vector<16xf32>, vector<16xi32> -> vector<16xf32>
        %mul3A_905 = arith.constant 16 : i32
        %mul3A_906 = arith.muli %scan3A_163, %mul3A_905 : i32
        %add3A_907 = arith.addi %mul3A_141, %mul3A_906 : i32
        %add3A_908 = arith.constant 10 : i32
        %add3A_909 = arith.addi %add3A_907, %add3A_908 : i32
        %get3A_910 = arith.index_cast %add3A_909 : i32 to index
        %get3A_911 = arith.constant 0 : index
        %get3A_912 = tpu.vector_load %arg9[%get3A_910, %get3A_911] {strides = array<i32>} : memref<240x128xf32, #tpu.memory_space<vmem>>, vector<16xf32>,
        %mul3A_913 = arith.mulf %get3A_912, %gather3A_904 : vector<16xf32>
        %swap3A_914 = arith.index_cast %add3A_909 : i32 to index
        %swap3A_915 = arith.constant 0 : index
        %swap3A_916 = tpu.vector_load %arg9[%swap3A_914, %swap3A_915] {strides = array<i32>} : memref<240x128xf32, #tpu.memory_space<vmem>>, vector<16xf32>,
        tpu.vector_store %arg9[%swap3A_914, %swap3A_915], %mul3A_913 {strides = array<i32>} : memref<240x128xf32, #tpu.memory_space<vmem>>, vector<16xf32>,
        %get3A_917 = arith.index_cast %add3A_909 : i32 to index
        %get3A_918 = arith.constant 16 : index
        %get3A_919 = tpu.vector_load %arg9[%get3A_917, %get3A_918] {strides = array<i32>} : memref<240x128xf32, #tpu.memory_space<vmem>>, vector<16xf32>,
        %mul3A_920 = arith.mulf %get3A_919, %gather3A_904 : vector<16xf32>
        %swap3A_921 = arith.index_cast %add3A_909 : i32 to index
        %swap3A_922 = arith.constant 16 : index
        %swap3A_923 = tpu.vector_load %arg9[%swap3A_921, %swap3A_922] {strides = array<i32>} : memref<240x128xf32, #tpu.memory_space<vmem>>, vector<16xf32>,
        tpu.vector_store %arg9[%swap3A_921, %swap3A_922], %mul3A_920 {strides = array<i32>} : memref<240x128xf32, #tpu.memory_space<vmem>>, vector<16xf32>,
        %get3A_924 = arith.index_cast %add3A_909 : i32 to index
        %get3A_925 = arith.constant 32 : index
        %get3A_926 = tpu.vector_load %arg9[%get3A_924, %get3A_925] {strides = array<i32>} : memref<240x128xf32, #tpu.memory_space<vmem>>, vector<16xf32>,
        %mul3A_927 = arith.mulf %get3A_926, %gather3A_904 : vector<16xf32>
        %swap3A_928 = arith.index_cast %add3A_909 : i32 to index
        %swap3A_929 = arith.constant 32 : index
        %swap3A_930 = tpu.vector_load %arg9[%swap3A_928, %swap3A_929] {strides = array<i32>} : memref<240x128xf32, #tpu.memory_space<vmem>>, vector<16xf32>,
        tpu.vector_store %arg9[%swap3A_928, %swap3A_929], %mul3A_927 {strides = array<i32>} : memref<240x128xf32, #tpu.memory_space<vmem>>, vector<16xf32>,
        %get3A_931 = arith.index_cast %add3A_909 : i32 to index
        %get3A_932 = arith.constant 48 : index
        %get3A_933 = tpu.vector_load %arg9[%get3A_931, %get3A_932] {strides = array<i32>} : memref<240x128xf32, #tpu.memory_space<vmem>>, vector<16xf32>,
        %mul3A_934 = arith.mulf %get3A_933, %gather3A_904 : vector<16xf32>
        %swap3A_935 = arith.index_cast %add3A_909 : i32 to index
        %swap3A_936 = arith.constant 48 : index
        %swap3A_937 = tpu.vector_load %arg9[%swap3A_935, %swap3A_936] {strides = array<i32>} : memref<240x128xf32, #tpu.memory_space<vmem>>, vector<16xf32>,
        tpu.vector_store %arg9[%swap3A_935, %swap3A_936], %mul3A_934 {strides = array<i32>} : memref<240x128xf32, #tpu.memory_space<vmem>>, vector<16xf32>,
        %get3A_938 = arith.index_cast %add3A_909 : i32 to index
        %get3A_939 = arith.constant 64 : index
        %get3A_940 = tpu.vector_load %arg9[%get3A_938, %get3A_939] {strides = array<i32>} : memref<240x128xf32, #tpu.memory_space<vmem>>, vector<16xf32>,
        %mul3A_941 = arith.mulf %get3A_940, %gather3A_904 : vector<16xf32>
        %swap3A_942 = arith.index_cast %add3A_909 : i32 to index
        %swap3A_943 = arith.constant 64 : index
        %swap3A_944 = tpu.vector_load %arg9[%swap3A_942, %swap3A_943] {strides = array<i32>} : memref<240x128xf32, #tpu.memory_space<vmem>>, vector<16xf32>,
        tpu.vector_store %arg9[%swap3A_942, %swap3A_943], %mul3A_941 {strides = array<i32>} : memref<240x128xf32, #tpu.memory_space<vmem>>, vector<16xf32>,
        %get3A_945 = arith.index_cast %add3A_909 : i32 to index
        %get3A_946 = arith.constant 80 : index
        %get3A_947 = tpu.vector_load %arg9[%get3A_945, %get3A_946] {strides = array<i32>} : memref<240x128xf32, #tpu.memory_space<vmem>>, vector<16xf32>,
        %mul3A_948 = arith.mulf %get3A_947, %gather3A_904 : vector<16xf32>
        %swap3A_949 = arith.index_cast %add3A_909 : i32 to index
        %swap3A_950 = arith.constant 80 : index
        %swap3A_951 = tpu.vector_load %arg9[%swap3A_949, %swap3A_950] {strides = array<i32>} : memref<240x128xf32, #tpu.memory_space<vmem>>, vector<16xf32>,
        tpu.vector_store %arg9[%swap3A_949, %swap3A_950], %mul3A_948 {strides = array<i32>} : memref<240x128xf32, #tpu.memory_space<vmem>>, vector<16xf32>,
        %get3A_952 = arith.index_cast %add3A_909 : i32 to index
        %get3A_953 = arith.constant 96 : index
        %get3A_954 = tpu.vector_load %arg9[%get3A_952, %get3A_953] {strides = array<i32>} : memref<240x128xf32, #tpu.memory_space<vmem>>, vector<16xf32>,
        %mul3A_955 = arith.mulf %get3A_954, %gather3A_904 : vector<16xf32>
        %swap3A_956 = arith.index_cast %add3A_909 : i32 to index
        %swap3A_957 = arith.constant 96 : index
        %swap3A_958 = tpu.vector_load %arg9[%swap3A_956, %swap3A_957] {strides = array<i32>} : memref<240x128xf32, #tpu.memory_space<vmem>>, vector<16xf32>,
        tpu.vector_store %arg9[%swap3A_956, %swap3A_957], %mul3A_955 {strides = array<i32>} : memref<240x128xf32, #tpu.memory_space<vmem>>, vector<16xf32>,
        %get3A_959 = arith.index_cast %add3A_909 : i32 to index
        %get3A_960 = arith.constant 112 : index
        %get3A_961 = tpu.vector_load %arg9[%get3A_959, %get3A_960] {strides = array<i32>} : memref<240x128xf32, #tpu.memory_space<vmem>>, vector<16xf32>,
        %mul3A_962 = arith.mulf %get3A_961, %gather3A_904 : vector<16xf32>
        %swap3A_963 = arith.index_cast %add3A_909 : i32 to index
        %swap3A_964 = arith.constant 112 : index
        %swap3A_965 = tpu.vector_load %arg9[%swap3A_963, %swap3A_964] {strides = array<i32>} : memref<240x128xf32, #tpu.memory_space<vmem>>, vector<16xf32>,
        tpu.vector_store %arg9[%swap3A_963, %swap3A_964], %mul3A_962 {strides = array<i32>} : memref<240x128xf32, #tpu.memory_space<vmem>>, vector<16xf32>,
        %broadcast_in_dim3A_966 = arith.constant 11 : i32
        %broadcast_in_dim3A_967 = vector.broadcast %broadcast_in_dim3A_966 : i32 to vector<16xi32>
        %lt3A_968 = arith.constant 0 : i32
        %lt3A_969 = vector.broadcast %lt3A_968 : i32 to vector<16xi32>
        %lt3A_970 = arith.cmpi slt, %broadcast_in_dim3A_967, %lt3A_969 : vector<16xi32>
        %add3A_971 = arith.constant 16 : i32
        %add3A_972 = vector.broadcast %add3A_971 : i32 to vector<16xi32>
        %add3A_973 = arith.addi %broadcast_in_dim3A_967, %add3A_972 : vector<16xi32>
        %select_n3A_974 = arith.select %lt3A_970, %add3A_973, %broadcast_in_dim3A_967 : vector<16xi1>, vector<16xi32>
        %broadcast_in_dim3A_975 = vector.shape_cast %select_n3A_974 : vector<16xi32> to vector<16x1xi32>
        %gather3A_976 = vector.shape_cast %broadcast_in_dim3A_975 : vector<16x1xi32> to vector<16xi32>
        %gather3A_977 = tpu.dynamic_gather %get3A_167[%gather3A_976] in [0] : vector<16xf32>, vector<16xi32> -> vector<16xf32>
        %mul3A_978 = arith.constant 16 : i32
        %mul3A_979 = arith.muli %scan3A_163, %mul3A_978 : i32
        %add3A_980 = arith.addi %mul3A_141, %mul3A_979 : i32
        %add3A_981 = arith.constant 11 : i32
        %add3A_982 = arith.addi %add3A_980, %add3A_981 : i32
        %get3A_983 = arith.index_cast %add3A_982 : i32 to index
        %get3A_984 = arith.constant 0 : index
        %get3A_985 = tpu.vector_load %arg9[%get3A_983, %get3A_984] {strides = array<i32>} : memref<240x128xf32, #tpu.memory_space<vmem>>, vector<16xf32>,
        %mul3A_986 = arith.mulf %get3A_985, %gather3A_977 : vector<16xf32>
        %swap3A_987 = arith.index_cast %add3A_982 : i32 to index
        %swap3A_988 = arith.constant 0 : index
        %swap3A_989 = tpu.vector_load %arg9[%swap3A_987, %swap3A_988] {strides = array<i32>} : memref<240x128xf32, #tpu.memory_space<vmem>>, vector<16xf32>,
        tpu.vector_store %arg9[%swap3A_987, %swap3A_988], %mul3A_986 {strides = array<i32>} : memref<240x128xf32, #tpu.memory_space<vmem>>, vector<16xf32>,
        %get3A_990 = arith.index_cast %add3A_982 : i32 to index
        %get3A_991 = arith.constant 16 : index
        %get3A_992 = tpu.vector_load %arg9[%get3A_990, %get3A_991] {strides = array<i32>} : memref<240x128xf32, #tpu.memory_space<vmem>>, vector<16xf32>,
        %mul3A_993 = arith.mulf %get3A_992, %gather3A_977 : vector<16xf32>
        %swap3A_994 = arith.index_cast %add3A_982 : i32 to index
        %swap3A_995 = arith.constant 16 : index
        %swap3A_996 = tpu.vector_load %arg9[%swap3A_994, %swap3A_995] {strides = array<i32>} : memref<240x128xf32, #tpu.memory_space<vmem>>, vector<16xf32>,
        tpu.vector_store %arg9[%swap3A_994, %swap3A_995], %mul3A_993 {strides = array<i32>} : memref<240x128xf32, #tpu.memory_space<vmem>>, vector<16xf32>,
        %get3A_997 = arith.index_cast %add3A_982 : i32 to index
        %get3A_998 = arith.constant 32 : index
        %get3A_999 = tpu.vector_load %arg9[%get3A_997, %get3A_998] {strides = array<i32>} : memref<240x128xf32, #tpu.memory_space<vmem>>, vector<16xf32>,
        %mul3A_1000 = arith.mulf %get3A_999, %gather3A_977 : vector<16xf32>
        %swap3A_1001 = arith.index_cast %add3A_982 : i32 to index
        %swap3A_1002 = arith.constant 32 : index
        %swap3A_1003 = tpu.vector_load %arg9[%swap3A_1001, %swap3A_1002] {strides = array<i32>} : memref<240x128xf32, #tpu.memory_space<vmem>>, vector<16xf32>,
        tpu.vector_store %arg9[%swap3A_1001, %swap3A_1002], %mul3A_1000 {strides = array<i32>} : memref<240x128xf32, #tpu.memory_space<vmem>>, vector<16xf32>,
        %get3A_1004 = arith.index_cast %add3A_982 : i32 to index
        %get3A_1005 = arith.constant 48 : index
        %get3A_1006 = tpu.vector_load %arg9[%get3A_1004, %get3A_1005] {strides = array<i32>} : memref<240x128xf32, #tpu.memory_space<vmem>>, vector<16xf32>,
        %mul3A_1007 = arith.mulf %get3A_1006, %gather3A_977 : vector<16xf32>
        %swap3A_1008 = arith.index_cast %add3A_982 : i32 to index
        %swap3A_1009 = arith.constant 48 : index
        %swap3A_1010 = tpu.vector_load %arg9[%swap3A_1008, %swap3A_1009] {strides = array<i32>} : memref<240x128xf32, #tpu.memory_space<vmem>>, vector<16xf32>,
        tpu.vector_store %arg9[%swap3A_1008, %swap3A_1009], %mul3A_1007 {strides = array<i32>} : memref<240x128xf32, #tpu.memory_space<vmem>>, vector<16xf32>,
        %get3A_1011 = arith.index_cast %add3A_982 : i32 to index
        %get3A_1012 = arith.constant 64 : index
        %get3A_1013 = tpu.vector_load %arg9[%get3A_1011, %get3A_1012] {strides = array<i32>} : memref<240x128xf32, #tpu.memory_space<vmem>>, vector<16xf32>,
        %mul3A_1014 = arith.mulf %get3A_1013, %gather3A_977 : vector<16xf32>
        %swap3A_1015 = arith.index_cast %add3A_982 : i32 to index
        %swap3A_1016 = arith.constant 64 : index
        %swap3A_1017 = tpu.vector_load %arg9[%swap3A_1015, %swap3A_1016] {strides = array<i32>} : memref<240x128xf32, #tpu.memory_space<vmem>>, vector<16xf32>,
        tpu.vector_store %arg9[%swap3A_1015, %swap3A_1016], %mul3A_1014 {strides = array<i32>} : memref<240x128xf32, #tpu.memory_space<vmem>>, vector<16xf32>,
        %get3A_1018 = arith.index_cast %add3A_982 : i32 to index
        %get3A_1019 = arith.constant 80 : index
        %get3A_1020 = tpu.vector_load %arg9[%get3A_1018, %get3A_1019] {strides = array<i32>} : memref<240x128xf32, #tpu.memory_space<vmem>>, vector<16xf32>,
        %mul3A_1021 = arith.mulf %get3A_1020, %gather3A_977 : vector<16xf32>
        %swap3A_1022 = arith.index_cast %add3A_982 : i32 to index
        %swap3A_1023 = arith.constant 80 : index
        %swap3A_1024 = tpu.vector_load %arg9[%swap3A_1022, %swap3A_1023] {strides = array<i32>} : memref<240x128xf32, #tpu.memory_space<vmem>>, vector<16xf32>,
        tpu.vector_store %arg9[%swap3A_1022, %swap3A_1023], %mul3A_1021 {strides = array<i32>} : memref<240x128xf32, #tpu.memory_space<vmem>>, vector<16xf32>,
        %get3A_1025 = arith.index_cast %add3A_982 : i32 to index
        %get3A_1026 = arith.constant 96 : index
        %get3A_1027 = tpu.vector_load %arg9[%get3A_1025, %get3A_1026] {strides = array<i32>} : memref<240x128xf32, #tpu.memory_space<vmem>>, vector<16xf32>,
        %mul3A_1028 = arith.mulf %get3A_1027, %gather3A_977 : vector<16xf32>
        %swap3A_1029 = arith.index_cast %add3A_982 : i32 to index
        %swap3A_1030 = arith.constant 96 : index
        %swap3A_1031 = tpu.vector_load %arg9[%swap3A_1029, %swap3A_1030] {strides = array<i32>} : memref<240x128xf32, #tpu.memory_space<vmem>>, vector<16xf32>,
        tpu.vector_store %arg9[%swap3A_1029, %swap3A_1030], %mul3A_1028 {strides = array<i32>} : memref<240x128xf32, #tpu.memory_space<vmem>>, vector<16xf32>,
        %get3A_1032 = arith.index_cast %add3A_982 : i32 to index
        %get3A_1033 = arith.constant 112 : index
        %get3A_1034 = tpu.vector_load %arg9[%get3A_1032, %get3A_1033] {strides = array<i32>} : memref<240x128xf32, #tpu.memory_space<vmem>>, vector<16xf32>,
        %mul3A_1035 = arith.mulf %get3A_1034, %gather3A_977 : vector<16xf32>
        %swap3A_1036 = arith.index_cast %add3A_982 : i32 to index
        %swap3A_1037 = arith.constant 112 : index
        %swap3A_1038 = tpu.vector_load %arg9[%swap3A_1036, %swap3A_1037] {strides = array<i32>} : memref<240x128xf32, #tpu.memory_space<vmem>>, vector<16xf32>,
        tpu.vector_store %arg9[%swap3A_1036, %swap3A_1037], %mul3A_1035 {strides = array<i32>} : memref<240x128xf32, #tpu.memory_space<vmem>>, vector<16xf32>,
        %broadcast_in_dim3A_1039 = arith.constant 12 : i32
        %broadcast_in_dim3A_1040 = vector.broadcast %broadcast_in_dim3A_1039 : i32 to vector<16xi32>
        %lt3A_1041 = arith.constant 0 : i32
        %lt3A_1042 = vector.broadcast %lt3A_1041 : i32 to vector<16xi32>
        %lt3A_1043 = arith.cmpi slt, %broadcast_in_dim3A_1040, %lt3A_1042 : vector<16xi32>
        %add3A_1044 = arith.constant 16 : i32
        %add3A_1045 = vector.broadcast %add3A_1044 : i32 to vector<16xi32>
        %add3A_1046 = arith.addi %broadcast_in_dim3A_1040, %add3A_1045 : vector<16xi32>
        %select_n3A_1047 = arith.select %lt3A_1043, %add3A_1046, %broadcast_in_dim3A_1040 : vector<16xi1>, vector<16xi32>
        %broadcast_in_dim3A_1048 = vector.shape_cast %select_n3A_1047 : vector<16xi32> to vector<16x1xi32>
        %gather3A_1049 = vector.shape_cast %broadcast_in_dim3A_1048 : vector<16x1xi32> to vector<16xi32>
        %gather3A_1050 = tpu.dynamic_gather %get3A_167[%gather3A_1049] in [0] : vector<16xf32>, vector<16xi32> -> vector<16xf32>
        %mul3A_1051 = arith.constant 16 : i32
        %mul3A_1052 = arith.muli %scan3A_163, %mul3A_1051 : i32
        %add3A_1053 = arith.addi %mul3A_141, %mul3A_1052 : i32
        %add3A_1054 = arith.constant 12 : i32
        %add3A_1055 = arith.addi %add3A_1053, %add3A_1054 : i32
        %get3A_1056 = arith.index_cast %add3A_1055 : i32 to index
        %get3A_1057 = arith.constant 0 : index
        %get3A_1058 = tpu.vector_load %arg9[%get3A_1056, %get3A_1057] {strides = array<i32>} : memref<240x128xf32, #tpu.memory_space<vmem>>, vector<16xf32>,
        %mul3A_1059 = arith.mulf %get3A_1058, %gather3A_1050 : vector<16xf32>
        %swap3A_1060 = arith.index_cast %add3A_1055 : i32 to index
        %swap3A_1061 = arith.constant 0 : index
        %swap3A_1062 = tpu.vector_load %arg9[%swap3A_1060, %swap3A_1061] {strides = array<i32>} : memref<240x128xf32, #tpu.memory_space<vmem>>, vector<16xf32>,
        tpu.vector_store %arg9[%swap3A_1060, %swap3A_1061], %mul3A_1059 {strides = array<i32>} : memref<240x128xf32, #tpu.memory_space<vmem>>, vector<16xf32>,
        %get3A_1063 = arith.index_cast %add3A_1055 : i32 to index
        %get3A_1064 = arith.constant 16 : index
        %get3A_1065 = tpu.vector_load %arg9[%get3A_1063, %get3A_1064] {strides = array<i32>} : memref<240x128xf32, #tpu.memory_space<vmem>>, vector<16xf32>,
        %mul3A_1066 = arith.mulf %get3A_1065, %gather3A_1050 : vector<16xf32>
        %swap3A_1067 = arith.index_cast %add3A_1055 : i32 to index
        %swap3A_1068 = arith.constant 16 : index
        %swap3A_1069 = tpu.vector_load %arg9[%swap3A_1067, %swap3A_1068] {strides = array<i32>} : memref<240x128xf32, #tpu.memory_space<vmem>>, vector<16xf32>,
        tpu.vector_store %arg9[%swap3A_1067, %swap3A_1068], %mul3A_1066 {strides = array<i32>} : memref<240x128xf32, #tpu.memory_space<vmem>>, vector<16xf32>,
        %get3A_1070 = arith.index_cast %add3A_1055 : i32 to index
        %get3A_1071 = arith.constant 32 : index
        %get3A_1072 = tpu.vector_load %arg9[%get3A_1070, %get3A_1071] {strides = array<i32>} : memref<240x128xf32, #tpu.memory_space<vmem>>, vector<16xf32>,
        %mul3A_1073 = arith.mulf %get3A_1072, %gather3A_1050 : vector<16xf32>
        %swap3A_1074 = arith.index_cast %add3A_1055 : i32 to index
        %swap3A_1075 = arith.constant 32 : index
        %swap3A_1076 = tpu.vector_load %arg9[%swap3A_1074, %swap3A_1075] {strides = array<i32>} : memref<240x128xf32, #tpu.memory_space<vmem>>, vector<16xf32>,
        tpu.vector_store %arg9[%swap3A_1074, %swap3A_1075], %mul3A_1073 {strides = array<i32>} : memref<240x128xf32, #tpu.memory_space<vmem>>, vector<16xf32>,
        %get3A_1077 = arith.index_cast %add3A_1055 : i32 to index
        %get3A_1078 = arith.constant 48 : index
        %get3A_1079 = tpu.vector_load %arg9[%get3A_1077, %get3A_1078] {strides = array<i32>} : memref<240x128xf32, #tpu.memory_space<vmem>>, vector<16xf32>,
        %mul3A_1080 = arith.mulf %get3A_1079, %gather3A_1050 : vector<16xf32>
        %swap3A_1081 = arith.index_cast %add3A_1055 : i32 to index
        %swap3A_1082 = arith.constant 48 : index
        %swap3A_1083 = tpu.vector_load %arg9[%swap3A_1081, %swap3A_1082] {strides = array<i32>} : memref<240x128xf32, #tpu.memory_space<vmem>>, vector<16xf32>,
        tpu.vector_store %arg9[%swap3A_1081, %swap3A_1082], %mul3A_1080 {strides = array<i32>} : memref<240x128xf32, #tpu.memory_space<vmem>>, vector<16xf32>,
        %get3A_1084 = arith.index_cast %add3A_1055 : i32 to index
        %get3A_1085 = arith.constant 64 : index
        %get3A_1086 = tpu.vector_load %arg9[%get3A_1084, %get3A_1085] {strides = array<i32>} : memref<240x128xf32, #tpu.memory_space<vmem>>, vector<16xf32>,
        %mul3A_1087 = arith.mulf %get3A_1086, %gather3A_1050 : vector<16xf32>
        %swap3A_1088 = arith.index_cast %add3A_1055 : i32 to index
        %swap3A_1089 = arith.constant 64 : index
        %swap3A_1090 = tpu.vector_load %arg9[%swap3A_1088, %swap3A_1089] {strides = array<i32>} : memref<240x128xf32, #tpu.memory_space<vmem>>, vector<16xf32>,
        tpu.vector_store %arg9[%swap3A_1088, %swap3A_1089], %mul3A_1087 {strides = array<i32>} : memref<240x128xf32, #tpu.memory_space<vmem>>, vector<16xf32>,
        %get3A_1091 = arith.index_cast %add3A_1055 : i32 to index
        %get3A_1092 = arith.constant 80 : index
        %get3A_1093 = tpu.vector_load %arg9[%get3A_1091, %get3A_1092] {strides = array<i32>} : memref<240x128xf32, #tpu.memory_space<vmem>>, vector<16xf32>,
        %mul3A_1094 = arith.mulf %get3A_1093, %gather3A_1050 : vector<16xf32>
        %swap3A_1095 = arith.index_cast %add3A_1055 : i32 to index
        %swap3A_1096 = arith.constant 80 : index
        %swap3A_1097 = tpu.vector_load %arg9[%swap3A_1095, %swap3A_1096] {strides = array<i32>} : memref<240x128xf32, #tpu.memory_space<vmem>>, vector<16xf32>,
        tpu.vector_store %arg9[%swap3A_1095, %swap3A_1096], %mul3A_1094 {strides = array<i32>} : memref<240x128xf32, #tpu.memory_space<vmem>>, vector<16xf32>,
        %get3A_1098 = arith.index_cast %add3A_1055 : i32 to index
        %get3A_1099 = arith.constant 96 : index
        %get3A_1100 = tpu.vector_load %arg9[%get3A_1098, %get3A_1099] {strides = array<i32>} : memref<240x128xf32, #tpu.memory_space<vmem>>, vector<16xf32>,
        %mul3A_1101 = arith.mulf %get3A_1100, %gather3A_1050 : vector<16xf32>
        %swap3A_1102 = arith.index_cast %add3A_1055 : i32 to index
        %swap3A_1103 = arith.constant 96 : index
        %swap3A_1104 = tpu.vector_load %arg9[%swap3A_1102, %swap3A_1103] {strides = array<i32>} : memref<240x128xf32, #tpu.memory_space<vmem>>, vector<16xf32>,
        tpu.vector_store %arg9[%swap3A_1102, %swap3A_1103], %mul3A_1101 {strides = array<i32>} : memref<240x128xf32, #tpu.memory_space<vmem>>, vector<16xf32>,
        %get3A_1105 = arith.index_cast %add3A_1055 : i32 to index
        %get3A_1106 = arith.constant 112 : index
        %get3A_1107 = tpu.vector_load %arg9[%get3A_1105, %get3A_1106] {strides = array<i32>} : memref<240x128xf32, #tpu.memory_space<vmem>>, vector<16xf32>,
        %mul3A_1108 = arith.mulf %get3A_1107, %gather3A_1050 : vector<16xf32>
        %swap3A_1109 = arith.index_cast %add3A_1055 : i32 to index
        %swap3A_1110 = arith.constant 112 : index
        %swap3A_1111 = tpu.vector_load %arg9[%swap3A_1109, %swap3A_1110] {strides = array<i32>} : memref<240x128xf32, #tpu.memory_space<vmem>>, vector<16xf32>,
        tpu.vector_store %arg9[%swap3A_1109, %swap3A_1110], %mul3A_1108 {strides = array<i32>} : memref<240x128xf32, #tpu.memory_space<vmem>>, vector<16xf32>,
        %broadcast_in_dim3A_1112 = arith.constant 13 : i32
        %broadcast_in_dim3A_1113 = vector.broadcast %broadcast_in_dim3A_1112 : i32 to vector<16xi32>
        %lt3A_1114 = arith.constant 0 : i32
        %lt3A_1115 = vector.broadcast %lt3A_1114 : i32 to vector<16xi32>
        %lt3A_1116 = arith.cmpi slt, %broadcast_in_dim3A_1113, %lt3A_1115 : vector<16xi32>
        %add3A_1117 = arith.constant 16 : i32
        %add3A_1118 = vector.broadcast %add3A_1117 : i32 to vector<16xi32>
        %add3A_1119 = arith.addi %broadcast_in_dim3A_1113, %add3A_1118 : vector<16xi32>
        %select_n3A_1120 = arith.select %lt3A_1116, %add3A_1119, %broadcast_in_dim3A_1113 : vector<16xi1>, vector<16xi32>
        %broadcast_in_dim3A_1121 = vector.shape_cast %select_n3A_1120 : vector<16xi32> to vector<16x1xi32>
        %gather3A_1122 = vector.shape_cast %broadcast_in_dim3A_1121 : vector<16x1xi32> to vector<16xi32>
        %gather3A_1123 = tpu.dynamic_gather %get3A_167[%gather3A_1122] in [0] : vector<16xf32>, vector<16xi32> -> vector<16xf32>
        %mul3A_1124 = arith.constant 16 : i32
        %mul3A_1125 = arith.muli %scan3A_163, %mul3A_1124 : i32
        %add3A_1126 = arith.addi %mul3A_141, %mul3A_1125 : i32
        %add3A_1127 = arith.constant 13 : i32
        %add3A_1128 = arith.addi %add3A_1126, %add3A_1127 : i32
        %get3A_1129 = arith.index_cast %add3A_1128 : i32 to index
        %get3A_1130 = arith.constant 0 : index
        %get3A_1131 = tpu.vector_load %arg9[%get3A_1129, %get3A_1130] {strides = array<i32>} : memref<240x128xf32, #tpu.memory_space<vmem>>, vector<16xf32>,
        %mul3A_1132 = arith.mulf %get3A_1131, %gather3A_1123 : vector<16xf32>
        %swap3A_1133 = arith.index_cast %add3A_1128 : i32 to index
        %swap3A_1134 = arith.constant 0 : index
        %swap3A_1135 = tpu.vector_load %arg9[%swap3A_1133, %swap3A_1134] {strides = array<i32>} : memref<240x128xf32, #tpu.memory_space<vmem>>, vector<16xf32>,
        tpu.vector_store %arg9[%swap3A_1133, %swap3A_1134], %mul3A_1132 {strides = array<i32>} : memref<240x128xf32, #tpu.memory_space<vmem>>, vector<16xf32>,
        %get3A_1136 = arith.index_cast %add3A_1128 : i32 to index
        %get3A_1137 = arith.constant 16 : index
        %get3A_1138 = tpu.vector_load %arg9[%get3A_1136, %get3A_1137] {strides = array<i32>} : memref<240x128xf32, #tpu.memory_space<vmem>>, vector<16xf32>,
        %mul3A_1139 = arith.mulf %get3A_1138, %gather3A_1123 : vector<16xf32>
        %swap3A_1140 = arith.index_cast %add3A_1128 : i32 to index
        %swap3A_1141 = arith.constant 16 : index
        %swap3A_1142 = tpu.vector_load %arg9[%swap3A_1140, %swap3A_1141] {strides = array<i32>} : memref<240x128xf32, #tpu.memory_space<vmem>>, vector<16xf32>,
        tpu.vector_store %arg9[%swap3A_1140, %swap3A_1141], %mul3A_1139 {strides = array<i32>} : memref<240x128xf32, #tpu.memory_space<vmem>>, vector<16xf32>,
        %get3A_1143 = arith.index_cast %add3A_1128 : i32 to index
        %get3A_1144 = arith.constant 32 : index
        %get3A_1145 = tpu.vector_load %arg9[%get3A_1143, %get3A_1144] {strides = array<i32>} : memref<240x128xf32, #tpu.memory_space<vmem>>, vector<16xf32>,
        %mul3A_1146 = arith.mulf %get3A_1145, %gather3A_1123 : vector<16xf32>
        %swap3A_1147 = arith.index_cast %add3A_1128 : i32 to index
        %swap3A_1148 = arith.constant 32 : index
        %swap3A_1149 = tpu.vector_load %arg9[%swap3A_1147, %swap3A_1148] {strides = array<i32>} : memref<240x128xf32, #tpu.memory_space<vmem>>, vector<16xf32>,
        tpu.vector_store %arg9[%swap3A_1147, %swap3A_1148], %mul3A_1146 {strides = array<i32>} : memref<240x128xf32, #tpu.memory_space<vmem>>, vector<16xf32>,
        %get3A_1150 = arith.index_cast %add3A_1128 : i32 to index
        %get3A_1151 = arith.constant 48 : index
        %get3A_1152 = tpu.vector_load %arg9[%get3A_1150, %get3A_1151] {strides = array<i32>} : memref<240x128xf32, #tpu.memory_space<vmem>>, vector<16xf32>,
        %mul3A_1153 = arith.mulf %get3A_1152, %gather3A_1123 : vector<16xf32>
        %swap3A_1154 = arith.index_cast %add3A_1128 : i32 to index
        %swap3A_1155 = arith.constant 48 : index
        %swap3A_1156 = tpu.vector_load %arg9[%swap3A_1154, %swap3A_1155] {strides = array<i32>} : memref<240x128xf32, #tpu.memory_space<vmem>>, vector<16xf32>,
        tpu.vector_store %arg9[%swap3A_1154, %swap3A_1155], %mul3A_1153 {strides = array<i32>} : memref<240x128xf32, #tpu.memory_space<vmem>>, vector<16xf32>,
        %get3A_1157 = arith.index_cast %add3A_1128 : i32 to index
        %get3A_1158 = arith.constant 64 : index
        %get3A_1159 = tpu.vector_load %arg9[%get3A_1157, %get3A_1158] {strides = array<i32>} : memref<240x128xf32, #tpu.memory_space<vmem>>, vector<16xf32>,
        %mul3A_1160 = arith.mulf %get3A_1159, %gather3A_1123 : vector<16xf32>
        %swap3A_1161 = arith.index_cast %add3A_1128 : i32 to index
        %swap3A_1162 = arith.constant 64 : index
        %swap3A_1163 = tpu.vector_load %arg9[%swap3A_1161, %swap3A_1162] {strides = array<i32>} : memref<240x128xf32, #tpu.memory_space<vmem>>, vector<16xf32>,
        tpu.vector_store %arg9[%swap3A_1161, %swap3A_1162], %mul3A_1160 {strides = array<i32>} : memref<240x128xf32, #tpu.memory_space<vmem>>, vector<16xf32>,
        %get3A_1164 = arith.index_cast %add3A_1128 : i32 to index
        %get3A_1165 = arith.constant 80 : index
        %get3A_1166 = tpu.vector_load %arg9[%get3A_1164, %get3A_1165] {strides = array<i32>} : memref<240x128xf32, #tpu.memory_space<vmem>>, vector<16xf32>,
        %mul3A_1167 = arith.mulf %get3A_1166, %gather3A_1123 : vector<16xf32>
        %swap3A_1168 = arith.index_cast %add3A_1128 : i32 to index
        %swap3A_1169 = arith.constant 80 : index
        %swap3A_1170 = tpu.vector_load %arg9[%swap3A_1168, %swap3A_1169] {strides = array<i32>} : memref<240x128xf32, #tpu.memory_space<vmem>>, vector<16xf32>,
        tpu.vector_store %arg9[%swap3A_1168, %swap3A_1169], %mul3A_1167 {strides = array<i32>} : memref<240x128xf32, #tpu.memory_space<vmem>>, vector<16xf32>,
        %get3A_1171 = arith.index_cast %add3A_1128 : i32 to index
        %get3A_1172 = arith.constant 96 : index
        %get3A_1173 = tpu.vector_load %arg9[%get3A_1171, %get3A_1172] {strides = array<i32>} : memref<240x128xf32, #tpu.memory_space<vmem>>, vector<16xf32>,
        %mul3A_1174 = arith.mulf %get3A_1173, %gather3A_1123 : vector<16xf32>
        %swap3A_1175 = arith.index_cast %add3A_1128 : i32 to index
        %swap3A_1176 = arith.constant 96 : index
        %swap3A_1177 = tpu.vector_load %arg9[%swap3A_1175, %swap3A_1176] {strides = array<i32>} : memref<240x128xf32, #tpu.memory_space<vmem>>, vector<16xf32>,
        tpu.vector_store %arg9[%swap3A_1175, %swap3A_1176], %mul3A_1174 {strides = array<i32>} : memref<240x128xf32, #tpu.memory_space<vmem>>, vector<16xf32>,
        %get3A_1178 = arith.index_cast %add3A_1128 : i32 to index
        %get3A_1179 = arith.constant 112 : index
        %get3A_1180 = tpu.vector_load %arg9[%get3A_1178, %get3A_1179] {strides = array<i32>} : memref<240x128xf32, #tpu.memory_space<vmem>>, vector<16xf32>,
        %mul3A_1181 = arith.mulf %get3A_1180, %gather3A_1123 : vector<16xf32>
        %swap3A_1182 = arith.index_cast %add3A_1128 : i32 to index
        %swap3A_1183 = arith.constant 112 : index
        %swap3A_1184 = tpu.vector_load %arg9[%swap3A_1182, %swap3A_1183] {strides = array<i32>} : memref<240x128xf32, #tpu.memory_space<vmem>>, vector<16xf32>,
        tpu.vector_store %arg9[%swap3A_1182, %swap3A_1183], %mul3A_1181 {strides = array<i32>} : memref<240x128xf32, #tpu.memory_space<vmem>>, vector<16xf32>,
        %broadcast_in_dim3A_1185 = arith.constant 14 : i32
        %broadcast_in_dim3A_1186 = vector.broadcast %broadcast_in_dim3A_1185 : i32 to vector<16xi32>
        %lt3A_1187 = arith.constant 0 : i32
        %lt3A_1188 = vector.broadcast %lt3A_1187 : i32 to vector<16xi32>
        %lt3A_1189 = arith.cmpi slt, %broadcast_in_dim3A_1186, %lt3A_1188 : vector<16xi32>
        %add3A_1190 = arith.constant 16 : i32
        %add3A_1191 = vector.broadcast %add3A_1190 : i32 to vector<16xi32>
        %add3A_1192 = arith.addi %broadcast_in_dim3A_1186, %add3A_1191 : vector<16xi32>
        %select_n3A_1193 = arith.select %lt3A_1189, %add3A_1192, %broadcast_in_dim3A_1186 : vector<16xi1>, vector<16xi32>
        %broadcast_in_dim3A_1194 = vector.shape_cast %select_n3A_1193 : vector<16xi32> to vector<16x1xi32>
        %gather3A_1195 = vector.shape_cast %broadcast_in_dim3A_1194 : vector<16x1xi32> to vector<16xi32>
        %gather3A_1196 = tpu.dynamic_gather %get3A_167[%gather3A_1195] in [0] : vector<16xf32>, vector<16xi32> -> vector<16xf32>
        %mul3A_1197 = arith.constant 16 : i32
        %mul3A_1198 = arith.muli %scan3A_163, %mul3A_1197 : i32
        %add3A_1199 = arith.addi %mul3A_141, %mul3A_1198 : i32
        %add3A_1200 = arith.constant 14 : i32
        %add3A_1201 = arith.addi %add3A_1199, %add3A_1200 : i32
        %get3A_1202 = arith.index_cast %add3A_1201 : i32 to index
        %get3A_1203 = arith.constant 0 : index
        %get3A_1204 = tpu.vector_load %arg9[%get3A_1202, %get3A_1203] {strides = array<i32>} : memref<240x128xf32, #tpu.memory_space<vmem>>, vector<16xf32>,
        %mul3A_1205 = arith.mulf %get3A_1204, %gather3A_1196 : vector<16xf32>
        %swap3A_1206 = arith.index_cast %add3A_1201 : i32 to index
        %swap3A_1207 = arith.constant 0 : index
        %swap3A_1208 = tpu.vector_load %arg9[%swap3A_1206, %swap3A_1207] {strides = array<i32>} : memref<240x128xf32, #tpu.memory_space<vmem>>, vector<16xf32>,
        tpu.vector_store %arg9[%swap3A_1206, %swap3A_1207], %mul3A_1205 {strides = array<i32>} : memref<240x128xf32, #tpu.memory_space<vmem>>, vector<16xf32>,
        %get3A_1209 = arith.index_cast %add3A_1201 : i32 to index
        %get3A_1210 = arith.constant 16 : index
        %get3A_1211 = tpu.vector_load %arg9[%get3A_1209, %get3A_1210] {strides = array<i32>} : memref<240x128xf32, #tpu.memory_space<vmem>>, vector<16xf32>,
        %mul3A_1212 = arith.mulf %get3A_1211, %gather3A_1196 : vector<16xf32>
        %swap3A_1213 = arith.index_cast %add3A_1201 : i32 to index
        %swap3A_1214 = arith.constant 16 : index
        %swap3A_1215 = tpu.vector_load %arg9[%swap3A_1213, %swap3A_1214] {strides = array<i32>} : memref<240x128xf32, #tpu.memory_space<vmem>>, vector<16xf32>,
        tpu.vector_store %arg9[%swap3A_1213, %swap3A_1214], %mul3A_1212 {strides = array<i32>} : memref<240x128xf32, #tpu.memory_space<vmem>>, vector<16xf32>,
        %get3A_1216 = arith.index_cast %add3A_1201 : i32 to index
        %get3A_1217 = arith.constant 32 : index
        %get3A_1218 = tpu.vector_load %arg9[%get3A_1216, %get3A_1217] {strides = array<i32>} : memref<240x128xf32, #tpu.memory_space<vmem>>, vector<16xf32>,
        %mul3A_1219 = arith.mulf %get3A_1218, %gather3A_1196 : vector<16xf32>
        %swap3A_1220 = arith.index_cast %add3A_1201 : i32 to index
        %swap3A_1221 = arith.constant 32 : index
        %swap3A_1222 = tpu.vector_load %arg9[%swap3A_1220, %swap3A_1221] {strides = array<i32>} : memref<240x128xf32, #tpu.memory_space<vmem>>, vector<16xf32>,
        tpu.vector_store %arg9[%swap3A_1220, %swap3A_1221], %mul3A_1219 {strides = array<i32>} : memref<240x128xf32, #tpu.memory_space<vmem>>, vector<16xf32>,
        %get3A_1223 = arith.index_cast %add3A_1201 : i32 to index
        %get3A_1224 = arith.constant 48 : index
        %get3A_1225 = tpu.vector_load %arg9[%get3A_1223, %get3A_1224] {strides = array<i32>} : memref<240x128xf32, #tpu.memory_space<vmem>>, vector<16xf32>,
        %mul3A_1226 = arith.mulf %get3A_1225, %gather3A_1196 : vector<16xf32>
        %swap3A_1227 = arith.index_cast %add3A_1201 : i32 to index
        %swap3A_1228 = arith.constant 48 : index
        %swap3A_1229 = tpu.vector_load %arg9[%swap3A_1227, %swap3A_1228] {strides = array<i32>} : memref<240x128xf32, #tpu.memory_space<vmem>>, vector<16xf32>,
        tpu.vector_store %arg9[%swap3A_1227, %swap3A_1228], %mul3A_1226 {strides = array<i32>} : memref<240x128xf32, #tpu.memory_space<vmem>>, vector<16xf32>,
        %get3A_1230 = arith.index_cast %add3A_1201 : i32 to index
        %get3A_1231 = arith.constant 64 : index
        %get3A_1232 = tpu.vector_load %arg9[%get3A_1230, %get3A_1231] {strides = array<i32>} : memref<240x128xf32, #tpu.memory_space<vmem>>, vector<16xf32>,
        %mul3A_1233 = arith.mulf %get3A_1232, %gather3A_1196 : vector<16xf32>
        %swap3A_1234 = arith.index_cast %add3A_1201 : i32 to index
        %swap3A_1235 = arith.constant 64 : index
        %swap3A_1236 = tpu.vector_load %arg9[%swap3A_1234, %swap3A_1235] {strides = array<i32>} : memref<240x128xf32, #tpu.memory_space<vmem>>, vector<16xf32>,
        tpu.vector_store %arg9[%swap3A_1234, %swap3A_1235], %mul3A_1233 {strides = array<i32>} : memref<240x128xf32, #tpu.memory_space<vmem>>, vector<16xf32>,
        %get3A_1237 = arith.index_cast %add3A_1201 : i32 to index
        %get3A_1238 = arith.constant 80 : index
        %get3A_1239 = tpu.vector_load %arg9[%get3A_1237, %get3A_1238] {strides = array<i32>} : memref<240x128xf32, #tpu.memory_space<vmem>>, vector<16xf32>,
        %mul3A_1240 = arith.mulf %get3A_1239, %gather3A_1196 : vector<16xf32>
        %swap3A_1241 = arith.index_cast %add3A_1201 : i32 to index
        %swap3A_1242 = arith.constant 80 : index
        %swap3A_1243 = tpu.vector_load %arg9[%swap3A_1241, %swap3A_1242] {strides = array<i32>} : memref<240x128xf32, #tpu.memory_space<vmem>>, vector<16xf32>,
        tpu.vector_store %arg9[%swap3A_1241, %swap3A_1242], %mul3A_1240 {strides = array<i32>} : memref<240x128xf32, #tpu.memory_space<vmem>>, vector<16xf32>,
        %get3A_1244 = arith.index_cast %add3A_1201 : i32 to index
        %get3A_1245 = arith.constant 96 : index
        %get3A_1246 = tpu.vector_load %arg9[%get3A_1244, %get3A_1245] {strides = array<i32>} : memref<240x128xf32, #tpu.memory_space<vmem>>, vector<16xf32>,
        %mul3A_1247 = arith.mulf %get3A_1246, %gather3A_1196 : vector<16xf32>
        %swap3A_1248 = arith.index_cast %add3A_1201 : i32 to index
        %swap3A_1249 = arith.constant 96 : index
        %swap3A_1250 = tpu.vector_load %arg9[%swap3A_1248, %swap3A_1249] {strides = array<i32>} : memref<240x128xf32, #tpu.memory_space<vmem>>, vector<16xf32>,
        tpu.vector_store %arg9[%swap3A_1248, %swap3A_1249], %mul3A_1247 {strides = array<i32>} : memref<240x128xf32, #tpu.memory_space<vmem>>, vector<16xf32>,
        %get3A_1251 = arith.index_cast %add3A_1201 : i32 to index
        %get3A_1252 = arith.constant 112 : index
        %get3A_1253 = tpu.vector_load %arg9[%get3A_1251, %get3A_1252] {strides = array<i32>} : memref<240x128xf32, #tpu.memory_space<vmem>>, vector<16xf32>,
        %mul3A_1254 = arith.mulf %get3A_1253, %gather3A_1196 : vector<16xf32>
        %swap3A_1255 = arith.index_cast %add3A_1201 : i32 to index
        %swap3A_1256 = arith.constant 112 : index
        %swap3A_1257 = tpu.vector_load %arg9[%swap3A_1255, %swap3A_1256] {strides = array<i32>} : memref<240x128xf32, #tpu.memory_space<vmem>>, vector<16xf32>,
        tpu.vector_store %arg9[%swap3A_1255, %swap3A_1256], %mul3A_1254 {strides = array<i32>} : memref<240x128xf32, #tpu.memory_space<vmem>>, vector<16xf32>,
        %broadcast_in_dim3A_1258 = arith.constant 15 : i32
        %broadcast_in_dim3A_1259 = vector.broadcast %broadcast_in_dim3A_1258 : i32 to vector<16xi32>
        %lt3A_1260 = arith.constant 0 : i32
        %lt3A_1261 = vector.broadcast %lt3A_1260 : i32 to vector<16xi32>
        %lt3A_1262 = arith.cmpi slt, %broadcast_in_dim3A_1259, %lt3A_1261 : vector<16xi32>
        %add3A_1263 = arith.constant 16 : i32
        %add3A_1264 = vector.broadcast %add3A_1263 : i32 to vector<16xi32>
        %add3A_1265 = arith.addi %broadcast_in_dim3A_1259, %add3A_1264 : vector<16xi32>
        %select_n3A_1266 = arith.select %lt3A_1262, %add3A_1265, %broadcast_in_dim3A_1259 : vector<16xi1>, vector<16xi32>
        %broadcast_in_dim3A_1267 = vector.shape_cast %select_n3A_1266 : vector<16xi32> to vector<16x1xi32>
        %gather3A_1268 = vector.shape_cast %broadcast_in_dim3A_1267 : vector<16x1xi32> to vector<16xi32>
        %gather3A_1269 = tpu.dynamic_gather %get3A_167[%gather3A_1268] in [0] : vector<16xf32>, vector<16xi32> -> vector<16xf32>
        %mul3A_1270 = arith.constant 16 : i32
        %mul3A_1271 = arith.muli %scan3A_163, %mul3A_1270 : i32
        %add3A_1272 = arith.addi %mul3A_141, %mul3A_1271 : i32
        %add3A_1273 = arith.constant 15 : i32
        %add3A_1274 = arith.addi %add3A_1272, %add3A_1273 : i32
        %get3A_1275 = arith.index_cast %add3A_1274 : i32 to index
        %get3A_1276 = arith.constant 0 : index
        %get3A_1277 = tpu.vector_load %arg9[%get3A_1275, %get3A_1276] {strides = array<i32>} : memref<240x128xf32, #tpu.memory_space<vmem>>, vector<16xf32>,
        %mul3A_1278 = arith.mulf %get3A_1277, %gather3A_1269 : vector<16xf32>
        %swap3A_1279 = arith.index_cast %add3A_1274 : i32 to index
        %swap3A_1280 = arith.constant 0 : index
        %swap3A_1281 = tpu.vector_load %arg9[%swap3A_1279, %swap3A_1280] {strides = array<i32>} : memref<240x128xf32, #tpu.memory_space<vmem>>, vector<16xf32>,
        tpu.vector_store %arg9[%swap3A_1279, %swap3A_1280], %mul3A_1278 {strides = array<i32>} : memref<240x128xf32, #tpu.memory_space<vmem>>, vector<16xf32>,
        %get3A_1282 = arith.index_cast %add3A_1274 : i32 to index
        %get3A_1283 = arith.constant 16 : index
        %get3A_1284 = tpu.vector_load %arg9[%get3A_1282, %get3A_1283] {strides = array<i32>} : memref<240x128xf32, #tpu.memory_space<vmem>>, vector<16xf32>,
        %mul3A_1285 = arith.mulf %get3A_1284, %gather3A_1269 : vector<16xf32>
        %swap3A_1286 = arith.index_cast %add3A_1274 : i32 to index
        %swap3A_1287 = arith.constant 16 : index
        %swap3A_1288 = tpu.vector_load %arg9[%swap3A_1286, %swap3A_1287] {strides = array<i32>} : memref<240x128xf32, #tpu.memory_space<vmem>>, vector<16xf32>,
        tpu.vector_store %arg9[%swap3A_1286, %swap3A_1287], %mul3A_1285 {strides = array<i32>} : memref<240x128xf32, #tpu.memory_space<vmem>>, vector<16xf32>,
        %get3A_1289 = arith.index_cast %add3A_1274 : i32 to index
        %get3A_1290 = arith.constant 32 : index
        %get3A_1291 = tpu.vector_load %arg9[%get3A_1289, %get3A_1290] {strides = array<i32>} : memref<240x128xf32, #tpu.memory_space<vmem>>, vector<16xf32>,
        %mul3A_1292 = arith.mulf %get3A_1291, %gather3A_1269 : vector<16xf32>
        %swap3A_1293 = arith.index_cast %add3A_1274 : i32 to index
        %swap3A_1294 = arith.constant 32 : index
        %swap3A_1295 = tpu.vector_load %arg9[%swap3A_1293, %swap3A_1294] {strides = array<i32>} : memref<240x128xf32, #tpu.memory_space<vmem>>, vector<16xf32>,
        tpu.vector_store %arg9[%swap3A_1293, %swap3A_1294], %mul3A_1292 {strides = array<i32>} : memref<240x128xf32, #tpu.memory_space<vmem>>, vector<16xf32>,
        %get3A_1296 = arith.index_cast %add3A_1274 : i32 to index
        %get3A_1297 = arith.constant 48 : index
        %get3A_1298 = tpu.vector_load %arg9[%get3A_1296, %get3A_1297] {strides = array<i32>} : memref<240x128xf32, #tpu.memory_space<vmem>>, vector<16xf32>,
        %mul3A_1299 = arith.mulf %get3A_1298, %gather3A_1269 : vector<16xf32>
        %swap3A_1300 = arith.index_cast %add3A_1274 : i32 to index
        %swap3A_1301 = arith.constant 48 : index
        %swap3A_1302 = tpu.vector_load %arg9[%swap3A_1300, %swap3A_1301] {strides = array<i32>} : memref<240x128xf32, #tpu.memory_space<vmem>>, vector<16xf32>,
        tpu.vector_store %arg9[%swap3A_1300, %swap3A_1301], %mul3A_1299 {strides = array<i32>} : memref<240x128xf32, #tpu.memory_space<vmem>>, vector<16xf32>,
        %get3A_1303 = arith.index_cast %add3A_1274 : i32 to index
        %get3A_1304 = arith.constant 64 : index
        %get3A_1305 = tpu.vector_load %arg9[%get3A_1303, %get3A_1304] {strides = array<i32>} : memref<240x128xf32, #tpu.memory_space<vmem>>, vector<16xf32>,
        %mul3A_1306 = arith.mulf %get3A_1305, %gather3A_1269 : vector<16xf32>
        %swap3A_1307 = arith.index_cast %add3A_1274 : i32 to index
        %swap3A_1308 = arith.constant 64 : index
        %swap3A_1309 = tpu.vector_load %arg9[%swap3A_1307, %swap3A_1308] {strides = array<i32>} : memref<240x128xf32, #tpu.memory_space<vmem>>, vector<16xf32>,
        tpu.vector_store %arg9[%swap3A_1307, %swap3A_1308], %mul3A_1306 {strides = array<i32>} : memref<240x128xf32, #tpu.memory_space<vmem>>, vector<16xf32>,
        %get3A_1310 = arith.index_cast %add3A_1274 : i32 to index
        %get3A_1311 = arith.constant 80 : index
        %get3A_1312 = tpu.vector_load %arg9[%get3A_1310, %get3A_1311] {strides = array<i32>} : memref<240x128xf32, #tpu.memory_space<vmem>>, vector<16xf32>,
        %mul3A_1313 = arith.mulf %get3A_1312, %gather3A_1269 : vector<16xf32>
        %swap3A_1314 = arith.index_cast %add3A_1274 : i32 to index
        %swap3A_1315 = arith.constant 80 : index
        %swap3A_1316 = tpu.vector_load %arg9[%swap3A_1314, %swap3A_1315] {strides = array<i32>} : memref<240x128xf32, #tpu.memory_space<vmem>>, vector<16xf32>,
        tpu.vector_store %arg9[%swap3A_1314, %swap3A_1315], %mul3A_1313 {strides = array<i32>} : memref<240x128xf32, #tpu.memory_space<vmem>>, vector<16xf32>,
        %get3A_1317 = arith.index_cast %add3A_1274 : i32 to index
        %get3A_1318 = arith.constant 96 : index
        %get3A_1319 = tpu.vector_load %arg9[%get3A_1317, %get3A_1318] {strides = array<i32>} : memref<240x128xf32, #tpu.memory_space<vmem>>, vector<16xf32>,
        %mul3A_1320 = arith.mulf %get3A_1319, %gather3A_1269 : vector<16xf32>
        %swap3A_1321 = arith.index_cast %add3A_1274 : i32 to index
        %swap3A_1322 = arith.constant 96 : index
        %swap3A_1323 = tpu.vector_load %arg9[%swap3A_1321, %swap3A_1322] {strides = array<i32>} : memref<240x128xf32, #tpu.memory_space<vmem>>, vector<16xf32>,
        tpu.vector_store %arg9[%swap3A_1321, %swap3A_1322], %mul3A_1320 {strides = array<i32>} : memref<240x128xf32, #tpu.memory_space<vmem>>, vector<16xf32>,
        %get3A_1324 = arith.index_cast %add3A_1274 : i32 to index
        %get3A_1325 = arith.constant 112 : index
        %get3A_1326 = tpu.vector_load %arg9[%get3A_1324, %get3A_1325] {strides = array<i32>} : memref<240x128xf32, #tpu.memory_space<vmem>>, vector<16xf32>,
        %mul3A_1327 = arith.mulf %get3A_1326, %gather3A_1269 : vector<16xf32>
        %swap3A_1328 = arith.index_cast %add3A_1274 : i32 to index
        %swap3A_1329 = arith.constant 112 : index
        %swap3A_1330 = tpu.vector_load %arg9[%swap3A_1328, %swap3A_1329] {strides = array<i32>} : memref<240x128xf32, #tpu.memory_space<vmem>>, vector<16xf32>,
        tpu.vector_store %arg9[%swap3A_1328, %swap3A_1329], %mul3A_1327 {strides = array<i32>} : memref<240x128xf32, #tpu.memory_space<vmem>>, vector<16xf32>,
      }
      %scan3A_147 = arith.constant 5 : i32
      %eq3A_148 = arith.constant 0 : i32
      %eq3A_149 = arith.cmpi eq, %rem3A_124, %eq3A_148 : i32
      %convert_element_type3A_150 = arith.extui %eq3A_149 : i1 to i32
      %cond3A_151 = arith.constant 0 : i32
      %cond3A_152 = arith.cmpi ne, %convert_element_type3A_150, %cond3A_151 : i32
      scf.if %cond3A_152 {
        %dma_start3A_163 = arith.constant 0 : i32
        %dma_start3A_164 = arith.constant 0 : i32
        %dma_start3A_165 = arith.constant 0 : i32
        %dma_start3A_166 = tpu.memref_slice %arg9[%dma_start3A_164, %dma_start3A_165] : memref<240x128xf32, #tpu.memory_space<vmem>> -> memref<80x128xf32, #tpu.memory_space<vmem>>
        %dma_start3A_167 = arith.constant 0 : i32
        %dma_start3A_168 = tpu.memref_slice %arg10[%dma_start3A_163, %dma_start3A_167] : memref<3x80xi32, #tpu.memory_space<vmem>> -> memref<1x80xi32, #tpu.memory_space<vmem>>
        %dma_start3A_169 = tpu.memref_squeeze %dma_start3A_168 : memref<1x80xi32, #tpu.memory_space<vmem>> -> memref<80xi32, #tpu.memory_space<vmem>>
        %dma_start3A_170 = arith.constant 0 : i32
        %dma_start3A_171 = arith.constant 0 : i32
        %dma_start3A_172 = tpu.memref_slice %arg12[%dma_start3A_170, %dma_start3A_171] : memref<10000x128xf32, #tpu.memory_space<vmem_shared>> -> memref<10000x128xf32, #tpu.memory_space<vmem_shared>>
        tpu.enqueue_indirect_dma source(%dma_start3A_166 : memref<80x128xf32, #tpu.memory_space<vmem>>) target(%dma_start3A_172 : memref<10000x128xf32, #tpu.memory_space<vmem_shared>>) offsets(%dma_start3A_169 : memref<80xi32, #tpu.memory_space<vmem>>) semaphore(%arg16 : memref<!tpu.dma_semaphore, #tpu.memory_space<semaphore_mem>>) {add = true}
        %add3A_173 = arith.constant 2 : i32
        %add3A_174 = arith.addi %scan3A_123, %add3A_173 : i32
        %lt3A = arith.constant 125 : i32
        %lt3A_175 = arith.cmpi slt, %add3A_174, %lt3A : i32
        %convert_element_type3A_176 = arith.extui %lt3A_175 : i1 to i32
        %cond3A_177 = arith.constant 0 : i32
        %cond3A_178 = arith.cmpi ne, %convert_element_type3A_176, %cond3A_177 : i32
        scf.if %cond3A_178 {
          %ge3A = arith.constant 1 : i32
          %ge3A_179 = arith.cmpi sge, %scan3A_123, %ge3A : i32
          %convert_element_type3A_180 = arith.extui %ge3A_179 : i1 to i32
          %cond3A_181 = arith.constant 0 : i32
          %cond3A_182 = arith.cmpi ne, %convert_element_type3A_180, %cond3A_181 : i32
          scf.if %cond3A_182 {
            %sub3A = arith.constant 1 : i32
            %sub3A_217 = arith.subi %scan3A_123, %sub3A : i32
            %dma_wait3A_218 = arith.constant 2 : i32
            %dma_wait3A_219 = arith.constant 160 : i32
            %dma_wait3A_220 = arith.constant 0 : i32
            %dma_wait3A_221 = tpu.memref_slice %arg9[%dma_wait3A_219, %dma_wait3A_220] : memref<240x128xf32, #tpu.memory_space<vmem>> -> memref<80x128xf32, #tpu.memory_space<vmem>>
            %dma_wait3A_222 = arith.constant 0 : i32
            %dma_wait3A_223 = tpu.memref_slice %arg10[%dma_wait3A_218, %dma_wait3A_222] : memref<3x80xi32, #tpu.memory_space<vmem>> -> memref<1x80xi32, #tpu.memory_space<vmem>>
            %dma_wait3A_224 = tpu.memref_squeeze %dma_wait3A_223 : memref<1x80xi32, #tpu.memory_space<vmem>> -> memref<80xi32, #tpu.memory_space<vmem>>
            %dma_wait3A_225 = arith.constant 0 : i32
            %dma_wait3A_226 = arith.constant 0 : i32
            %dma_wait3A_227 = tpu.memref_slice %arg12[%dma_wait3A_225, %dma_wait3A_226] : memref<10000x128xf32, #tpu.memory_space<vmem_shared>> -> memref<10000x128xf32, #tpu.memory_space<vmem_shared>>
            tpu.wait_indirect_dma semaphore(%arg18 : memref<!tpu.dma_semaphore, #tpu.memory_space<semaphore_mem>>) src(%dma_wait3A_221 : memref<80x128xf32, #tpu.memory_space<vmem>>) dst(%dma_wait3A_227 : memref<10000x128xf32, #tpu.memory_space<vmem_shared>>)
          } else {
          }
          %add3A_183 = arith.constant 2 : i32
          %add3A_184 = arith.addi %scan3A_123, %add3A_183 : i32
          %mul3A_185 = arith.constant 80 : i32
          %mul3A_186 = arith.muli %add3A_184, %mul3A_185 : i32
          %dma_start3A_187 = arith.constant 160 : i32
          %dma_start3A_188 = arith.constant 0 : i32
          %dma_start3A_189 = tpu.memref_slice %arg9[%dma_start3A_187, %dma_start3A_188] : memref<240x128xf32, #tpu.memory_space<vmem>> -> memref<80x128xf32, #tpu.memory_space<vmem>>
          %dma_start3A_190 = tpu.memref_slice %arg8[%mul3A_186] : memref<10000xi32, #tpu.memory_space<vmem>> -> memref<80xi32, #tpu.memory_space<vmem>>
          %dma_start3A_191 = arith.constant 0 : i32
          %dma_start3A_192 = arith.constant 0 : i32
          %dma_start3A_193 = tpu.memref_slice %arg2[%dma_start3A_191, %dma_start3A_192] : memref<10000x128xf32, #tpu.memory_space<hbm>> -> memref<10000x128xf32, #tpu.memory_space<hbm>>
          tpu.enqueue_indirect_dma source(%dma_start3A_193 : memref<10000x128xf32, #tpu.memory_space<hbm>>) target(%dma_start3A_189 : memref<80x128xf32, #tpu.memory_space<vmem>>) offsets(%dma_start3A_190 : memref<80xi32, #tpu.memory_space<vmem>>) semaphore(%arg15 : memref<!tpu.dma_semaphore, #tpu.memory_space<semaphore_mem>>)
          %add3A_194 = arith.constant 2 : i32
          %add3A_195 = arith.addi %scan3A_123, %add3A_194 : i32
          %mul3A_196 = arith.constant 80 : i32
          %mul3A_197 = arith.muli %add3A_195, %mul3A_196 : i32
          %add3A_198 = arith.addi %mul3A_2, %mul3A_197 : i32
          %dma_start3A_199 = arith.constant 2 : i32
          %dma_start3A_200 = arith.constant 0 : i32
          %dma_start3A_201 = tpu.memref_slice %arg10[%dma_start3A_199, %dma_start3A_200] : memref<3x80xi32, #tpu.memory_space<vmem>> -> memref<1x80xi32, #tpu.memory_space<vmem>>
          %dma_start3A_202 = tpu.memref_squeeze %dma_start3A_201 : memref<1x80xi32, #tpu.memory_space<vmem>> -> memref<80xi32, #tpu.memory_space<vmem>>
          %dma_start3A_203 = tpu.memref_slice %arg4[%add3A_198] : memref<320000xi32, #tpu.memory_space<hbm>> -> memref<80xi32, #tpu.memory_space<hbm>>
          %dma_start3A_204 = arith.constant 0 : i32
          %dma_start3A_205 = tpu.memref_slice %arg10[%dma_start3A_199, %dma_start3A_204] : memref<3x80xi32, #tpu.memory_space<vmem>> -> memref<1x80xi32, #tpu.memory_space<vmem>>
          %dma_start3A_206 = tpu.memref_squeeze %dma_start3A_205 : memref<1x80xi32, #tpu.memory_space<vmem>> -> memref<80xi32, #tpu.memory_space<vmem>>
          %dma_start3A_207 = tpu.memref_slice %arg4[%add3A_198] : memref<320000xi32, #tpu.memory_space<hbm>> -> memref<80xi32, #tpu.memory_space<hbm>>
          tpu.enqueue_dma source(%dma_start3A_207 : memref<80xi32, #tpu.memory_space<hbm>>) target(%dma_start3A_206 : memref<80xi32, #tpu.memory_space<vmem>>) target_semaphore(%arg21 : memref<!tpu.dma_semaphore, #tpu.memory_space<semaphore_mem>>)
          %mul3A_208 = arith.constant 80 : i32
          %mul3A_209 = arith.muli %add3A_195, %mul3A_208 : i32
          %add3A_210 = arith.addi %mul3A_2, %mul3A_209 : i32
          %dma_start3A_211 = arith.constant 160 : i32
          %dma_start3A_212 = tpu.memref_slice %arg11[%dma_start3A_211] : memref<240xf32, #tpu.memory_space<vmem>> -> memref<80xf32, #tpu.memory_space<vmem>>
          %dma_start3A_213 = tpu.memref_slice %arg5[%add3A_210] : memref<320000xf32, #tpu.memory_space<hbm>> -> memref<80xf32, #tpu.memory_space<hbm>>
          %dma_start3A_214 = arith.constant 160 : i32
          %dma_start3A_215 = tpu.memref_slice %arg11[%dma_start3A_214] : memref<240xf32, #tpu.memory_space<vmem>> -> memref<80xf32, #tpu.memory_space<vmem>>
          %dma_start3A_216 = tpu.memref_slice %arg5[%add3A_210] : memref<320000xf32, #tpu.memory_space<hbm>> -> memref<80xf32, #tpu.memory_space<hbm>>
          tpu.enqueue_dma source(%dma_start3A_216 : memref<80xf32, #tpu.memory_space<hbm>>) target(%dma_start3A_215 : memref<80xf32, #tpu.memory_space<vmem>>) target_semaphore(%arg21 : memref<!tpu.dma_semaphore, #tpu.memory_space<semaphore_mem>>)
        } else {
        }
      } else {
      }
      %eq3A_153 = arith.constant 1 : i32
      %eq3A_154 = arith.cmpi eq, %rem3A_124, %eq3A_153 : i32
      %convert_element_type3A_155 = arith.extui %eq3A_154 : i1 to i32
      %cond3A_156 = arith.constant 0 : i32
      %cond3A_157 = arith.cmpi ne, %convert_element_type3A_155, %cond3A_156 : i32
      scf.if %cond3A_157 {
        %dma_start3A_163 = arith.constant 1 : i32
        %dma_start3A_164 = arith.constant 80 : i32
        %dma_start3A_165 = arith.constant 0 : i32
        %dma_start3A_166 = tpu.memref_slice %arg9[%dma_start3A_164, %dma_start3A_165] : memref<240x128xf32, #tpu.memory_space<vmem>> -> memref<80x128xf32, #tpu.memory_space<vmem>>
        %dma_start3A_167 = arith.constant 0 : i32
        %dma_start3A_168 = tpu.memref_slice %arg10[%dma_start3A_163, %dma_start3A_167] : memref<3x80xi32, #tpu.memory_space<vmem>> -> memref<1x80xi32, #tpu.memory_space<vmem>>
        %dma_start3A_169 = tpu.memref_squeeze %dma_start3A_168 : memref<1x80xi32, #tpu.memory_space<vmem>> -> memref<80xi32, #tpu.memory_space<vmem>>
        %dma_start3A_170 = arith.constant 0 : i32
        %dma_start3A_171 = arith.constant 0 : i32
        %dma_start3A_172 = tpu.memref_slice %arg12[%dma_start3A_170, %dma_start3A_171] : memref<10000x128xf32, #tpu.memory_space<vmem_shared>> -> memref<10000x128xf32, #tpu.memory_space<vmem_shared>>
        tpu.enqueue_indirect_dma source(%dma_start3A_166 : memref<80x128xf32, #tpu.memory_space<vmem>>) target(%dma_start3A_172 : memref<10000x128xf32, #tpu.memory_space<vmem_shared>>) offsets(%dma_start3A_169 : memref<80xi32, #tpu.memory_space<vmem>>) semaphore(%arg17 : memref<!tpu.dma_semaphore, #tpu.memory_space<semaphore_mem>>) {add = true}
        %add3A_173 = arith.constant 2 : i32
        %add3A_174 = arith.addi %scan3A_123, %add3A_173 : i32
        %lt3A = arith.constant 125 : i32
        %lt3A_175 = arith.cmpi slt, %add3A_174, %lt3A : i32
        %convert_element_type3A_176 = arith.extui %lt3A_175 : i1 to i32
        %cond3A_177 = arith.constant 0 : i32
        %cond3A_178 = arith.cmpi ne, %convert_element_type3A_176, %cond3A_177 : i32
        scf.if %cond3A_178 {
          %ge3A = arith.constant 1 : i32
          %ge3A_179 = arith.cmpi sge, %scan3A_123, %ge3A : i32
          %convert_element_type3A_180 = arith.extui %ge3A_179 : i1 to i32
          %cond3A_181 = arith.constant 0 : i32
          %cond3A_182 = arith.cmpi ne, %convert_element_type3A_180, %cond3A_181 : i32
          scf.if %cond3A_182 {
            %sub3A = arith.constant 1 : i32
            %sub3A_217 = arith.subi %scan3A_123, %sub3A : i32
            %dma_wait3A_218 = arith.constant 0 : i32
            %dma_wait3A_219 = arith.constant 0 : i32
            %dma_wait3A_220 = arith.constant 0 : i32
            %dma_wait3A_221 = tpu.memref_slice %arg9[%dma_wait3A_219, %dma_wait3A_220] : memref<240x128xf32, #tpu.memory_space<vmem>> -> memref<80x128xf32, #tpu.memory_space<vmem>>
            %dma_wait3A_222 = arith.constant 0 : i32
            %dma_wait3A_223 = tpu.memref_slice %arg10[%dma_wait3A_218, %dma_wait3A_222] : memref<3x80xi32, #tpu.memory_space<vmem>> -> memref<1x80xi32, #tpu.memory_space<vmem>>
            %dma_wait3A_224 = tpu.memref_squeeze %dma_wait3A_223 : memref<1x80xi32, #tpu.memory_space<vmem>> -> memref<80xi32, #tpu.memory_space<vmem>>
            %dma_wait3A_225 = arith.constant 0 : i32
            %dma_wait3A_226 = arith.constant 0 : i32
            %dma_wait3A_227 = tpu.memref_slice %arg12[%dma_wait3A_225, %dma_wait3A_226] : memref<10000x128xf32, #tpu.memory_space<vmem_shared>> -> memref<10000x128xf32, #tpu.memory_space<vmem_shared>>
            tpu.wait_indirect_dma semaphore(%arg16 : memref<!tpu.dma_semaphore, #tpu.memory_space<semaphore_mem>>) src(%dma_wait3A_221 : memref<80x128xf32, #tpu.memory_space<vmem>>) dst(%dma_wait3A_227 : memref<10000x128xf32, #tpu.memory_space<vmem_shared>>)
          } else {
          }
          %add3A_183 = arith.constant 2 : i32
          %add3A_184 = arith.addi %scan3A_123, %add3A_183 : i32
          %mul3A_185 = arith.constant 80 : i32
          %mul3A_186 = arith.muli %add3A_184, %mul3A_185 : i32
          %dma_start3A_187 = arith.constant 0 : i32
          %dma_start3A_188 = arith.constant 0 : i32
          %dma_start3A_189 = tpu.memref_slice %arg9[%dma_start3A_187, %dma_start3A_188] : memref<240x128xf32, #tpu.memory_space<vmem>> -> memref<80x128xf32, #tpu.memory_space<vmem>>
          %dma_start3A_190 = tpu.memref_slice %arg8[%mul3A_186] : memref<10000xi32, #tpu.memory_space<vmem>> -> memref<80xi32, #tpu.memory_space<vmem>>
          %dma_start3A_191 = arith.constant 0 : i32
          %dma_start3A_192 = arith.constant 0 : i32
          %dma_start3A_193 = tpu.memref_slice %arg2[%dma_start3A_191, %dma_start3A_192] : memref<10000x128xf32, #tpu.memory_space<hbm>> -> memref<10000x128xf32, #tpu.memory_space<hbm>>
          tpu.enqueue_indirect_dma source(%dma_start3A_193 : memref<10000x128xf32, #tpu.memory_space<hbm>>) target(%dma_start3A_189 : memref<80x128xf32, #tpu.memory_space<vmem>>) offsets(%dma_start3A_190 : memref<80xi32, #tpu.memory_space<vmem>>) semaphore(%arg13 : memref<!tpu.dma_semaphore, #tpu.memory_space<semaphore_mem>>)
          %add3A_194 = arith.constant 2 : i32
          %add3A_195 = arith.addi %scan3A_123, %add3A_194 : i32
          %mul3A_196 = arith.constant 80 : i32
          %mul3A_197 = arith.muli %add3A_195, %mul3A_196 : i32
          %add3A_198 = arith.addi %mul3A_2, %mul3A_197 : i32
          %dma_start3A_199 = arith.constant 0 : i32
          %dma_start3A_200 = arith.constant 0 : i32
          %dma_start3A_201 = tpu.memref_slice %arg10[%dma_start3A_199, %dma_start3A_200] : memref<3x80xi32, #tpu.memory_space<vmem>> -> memref<1x80xi32, #tpu.memory_space<vmem>>
          %dma_start3A_202 = tpu.memref_squeeze %dma_start3A_201 : memref<1x80xi32, #tpu.memory_space<vmem>> -> memref<80xi32, #tpu.memory_space<vmem>>
          %dma_start3A_203 = tpu.memref_slice %arg4[%add3A_198] : memref<320000xi32, #tpu.memory_space<hbm>> -> memref<80xi32, #tpu.memory_space<hbm>>
          %dma_start3A_204 = arith.constant 0 : i32
          %dma_start3A_205 = tpu.memref_slice %arg10[%dma_start3A_199, %dma_start3A_204] : memref<3x80xi32, #tpu.memory_space<vmem>> -> memref<1x80xi32, #tpu.memory_space<vmem>>
          %dma_start3A_206 = tpu.memref_squeeze %dma_start3A_205 : memref<1x80xi32, #tpu.memory_space<vmem>> -> memref<80xi32, #tpu.memory_space<vmem>>
          %dma_start3A_207 = tpu.memref_slice %arg4[%add3A_198] : memref<320000xi32, #tpu.memory_space<hbm>> -> memref<80xi32, #tpu.memory_space<hbm>>
          tpu.enqueue_dma source(%dma_start3A_207 : memref<80xi32, #tpu.memory_space<hbm>>) target(%dma_start3A_206 : memref<80xi32, #tpu.memory_space<vmem>>) target_semaphore(%arg19 : memref<!tpu.dma_semaphore, #tpu.memory_space<semaphore_mem>>)
          %mul3A_208 = arith.constant 80 : i32
          %mul3A_209 = arith.muli %add3A_195, %mul3A_208 : i32
          %add3A_210 = arith.addi %mul3A_2, %mul3A_209 : i32
          %dma_start3A_211 = arith.constant 0 : i32
          %dma_start3A_212 = tpu.memref_slice %arg11[%dma_start3A_211] : memref<240xf32, #tpu.memory_space<vmem>> -> memref<80xf32, #tpu.memory_space<vmem>>
          %dma_start3A_213 = tpu.memref_slice %arg5[%add3A_210] : memref<320000xf32, #tpu.memory_space<hbm>> -> memref<80xf32, #tpu.memory_space<hbm>>
          %dma_start3A_214 = arith.constant 0 : i32
          %dma_start3A_215 = tpu.memref_slice %arg11[%dma_start3A_214] : memref<240xf32, #tpu.memory_space<vmem>> -> memref<80xf32, #tpu.memory_space<vmem>>
          %dma_start3A_216 = tpu.memref_slice %arg5[%add3A_210] : memref<320000xf32, #tpu.memory_space<hbm>> -> memref<80xf32, #tpu.memory_space<hbm>>
          tpu.enqueue_dma source(%dma_start3A_216 : memref<80xf32, #tpu.memory_space<hbm>>) target(%dma_start3A_215 : memref<80xf32, #tpu.memory_space<vmem>>) target_semaphore(%arg19 : memref<!tpu.dma_semaphore, #tpu.memory_space<semaphore_mem>>)
        } else {
        }
      } else {
      }
      %eq3A_158 = arith.constant 2 : i32
      %eq3A_159 = arith.cmpi eq, %rem3A_124, %eq3A_158 : i32
      %convert_element_type3A_160 = arith.extui %eq3A_159 : i1 to i32
      %cond3A_161 = arith.constant 0 : i32
      %cond3A_162 = arith.cmpi ne, %convert_element_type3A_160, %cond3A_161 : i32
      scf.if %cond3A_162 {
        %dma_start3A_163 = arith.constant 2 : i32
        %dma_start3A_164 = arith.constant 160 : i32
        %dma_start3A_165 = arith.constant 0 : i32
        %dma_start3A_166 = tpu.memref_slice %arg9[%dma_start3A_164, %dma_start3A_165] : memref<240x128xf32, #tpu.memory_space<vmem>> -> memref<80x128xf32, #tpu.memory_space<vmem>>
        %dma_start3A_167 = arith.constant 0 : i32
        %dma_start3A_168 = tpu.memref_slice %arg10[%dma_start3A_163, %dma_start3A_167] : memref<3x80xi32, #tpu.memory_space<vmem>> -> memref<1x80xi32, #tpu.memory_space<vmem>>
        %dma_start3A_169 = tpu.memref_squeeze %dma_start3A_168 : memref<1x80xi32, #tpu.memory_space<vmem>> -> memref<80xi32, #tpu.memory_space<vmem>>
        %dma_start3A_170 = arith.constant 0 : i32
        %dma_start3A_171 = arith.constant 0 : i32
        %dma_start3A_172 = tpu.memref_slice %arg12[%dma_start3A_170, %dma_start3A_171] : memref<10000x128xf32, #tpu.memory_space<vmem_shared>> -> memref<10000x128xf32, #tpu.memory_space<vmem_shared>>
        tpu.enqueue_indirect_dma source(%dma_start3A_166 : memref<80x128xf32, #tpu.memory_space<vmem>>) target(%dma_start3A_172 : memref<10000x128xf32, #tpu.memory_space<vmem_shared>>) offsets(%dma_start3A_169 : memref<80xi32, #tpu.memory_space<vmem>>) semaphore(%arg18 : memref<!tpu.dma_semaphore, #tpu.memory_space<semaphore_mem>>) {add = true}
        %add3A_173 = arith.constant 2 : i32
        %add3A_174 = arith.addi %scan3A_123, %add3A_173 : i32
        %lt3A = arith.constant 125 : i32
        %lt3A_175 = arith.cmpi slt, %add3A_174, %lt3A : i32
        %convert_element_type3A_176 = arith.extui %lt3A_175 : i1 to i32
        %cond3A_177 = arith.constant 0 : i32
        %cond3A_178 = arith.cmpi ne, %convert_element_type3A_176, %cond3A_177 : i32
        scf.if %cond3A_178 {
          %ge3A = arith.constant 1 : i32
          %ge3A_179 = arith.cmpi sge, %scan3A_123, %ge3A : i32
          %convert_element_type3A_180 = arith.extui %ge3A_179 : i1 to i32
          %cond3A_181 = arith.constant 0 : i32
          %cond3A_182 = arith.cmpi ne, %convert_element_type3A_180, %cond3A_181 : i32
          scf.if %cond3A_182 {
            %sub3A = arith.constant 1 : i32
            %sub3A_217 = arith.subi %scan3A_123, %sub3A : i32
            %dma_wait3A_218 = arith.constant 1 : i32
            %dma_wait3A_219 = arith.constant 80 : i32
            %dma_wait3A_220 = arith.constant 0 : i32
            %dma_wait3A_221 = tpu.memref_slice %arg9[%dma_wait3A_219, %dma_wait3A_220] : memref<240x128xf32, #tpu.memory_space<vmem>> -> memref<80x128xf32, #tpu.memory_space<vmem>>
            %dma_wait3A_222 = arith.constant 0 : i32
            %dma_wait3A_223 = tpu.memref_slice %arg10[%dma_wait3A_218, %dma_wait3A_222] : memref<3x80xi32, #tpu.memory_space<vmem>> -> memref<1x80xi32, #tpu.memory_space<vmem>>
            %dma_wait3A_224 = tpu.memref_squeeze %dma_wait3A_223 : memref<1x80xi32, #tpu.memory_space<vmem>> -> memref<80xi32, #tpu.memory_space<vmem>>
            %dma_wait3A_225 = arith.constant 0 : i32
            %dma_wait3A_226 = arith.constant 0 : i32
            %dma_wait3A_227 = tpu.memref_slice %arg12[%dma_wait3A_225, %dma_wait3A_226] : memref<10000x128xf32, #tpu.memory_space<vmem_shared>> -> memref<10000x128xf32, #tpu.memory_space<vmem_shared>>
            tpu.wait_indirect_dma semaphore(%arg17 : memref<!tpu.dma_semaphore, #tpu.memory_space<semaphore_mem>>) src(%dma_wait3A_221 : memref<80x128xf32, #tpu.memory_space<vmem>>) dst(%dma_wait3A_227 : memref<10000x128xf32, #tpu.memory_space<vmem_shared>>)
          } else {
          }
          %add3A_183 = arith.constant 2 : i32
          %add3A_184 = arith.addi %scan3A_123, %add3A_183 : i32
          %mul3A_185 = arith.constant 80 : i32
          %mul3A_186 = arith.muli %add3A_184, %mul3A_185 : i32
          %dma_start3A_187 = arith.constant 80 : i32
          %dma_start3A_188 = arith.constant 0 : i32
          %dma_start3A_189 = tpu.memref_slice %arg9[%dma_start3A_187, %dma_start3A_188] : memref<240x128xf32, #tpu.memory_space<vmem>> -> memref<80x128xf32, #tpu.memory_space<vmem>>
          %dma_start3A_190 = tpu.memref_slice %arg8[%mul3A_186] : memref<10000xi32, #tpu.memory_space<vmem>> -> memref<80xi32, #tpu.memory_space<vmem>>
          %dma_start3A_191 = arith.constant 0 : i32
          %dma_start3A_192 = arith.constant 0 : i32
          %dma_start3A_193 = tpu.memref_slice %arg2[%dma_start3A_191, %dma_start3A_192] : memref<10000x128xf32, #tpu.memory_space<hbm>> -> memref<10000x128xf32, #tpu.memory_space<hbm>>
          tpu.enqueue_indirect_dma source(%dma_start3A_193 : memref<10000x128xf32, #tpu.memory_space<hbm>>) target(%dma_start3A_189 : memref<80x128xf32, #tpu.memory_space<vmem>>) offsets(%dma_start3A_190 : memref<80xi32, #tpu.memory_space<vmem>>) semaphore(%arg14 : memref<!tpu.dma_semaphore, #tpu.memory_space<semaphore_mem>>)
          %add3A_194 = arith.constant 2 : i32
          %add3A_195 = arith.addi %scan3A_123, %add3A_194 : i32
          %mul3A_196 = arith.constant 80 : i32
          %mul3A_197 = arith.muli %add3A_195, %mul3A_196 : i32
          %add3A_198 = arith.addi %mul3A_2, %mul3A_197 : i32
          %dma_start3A_199 = arith.constant 1 : i32
          %dma_start3A_200 = arith.constant 0 : i32
          %dma_start3A_201 = tpu.memref_slice %arg10[%dma_start3A_199, %dma_start3A_200] : memref<3x80xi32, #tpu.memory_space<vmem>> -> memref<1x80xi32, #tpu.memory_space<vmem>>
          %dma_start3A_202 = tpu.memref_squeeze %dma_start3A_201 : memref<1x80xi32, #tpu.memory_space<vmem>> -> memref<80xi32, #tpu.memory_space<vmem>>
          %dma_start3A_203 = tpu.memref_slice %arg4[%add3A_198] : memref<320000xi32, #tpu.memory_space<hbm>> -> memref<80xi32, #tpu.memory_space<hbm>>
          %dma_start3A_204 = arith.constant 0 : i32
          %dma_start3A_205 = tpu.memref_slice %arg10[%dma_start3A_199, %dma_start3A_204] : memref<3x80xi32, #tpu.memory_space<vmem>> -> memref<1x80xi32, #tpu.memory_space<vmem>>
          %dma_start3A_206 = tpu.memref_squeeze %dma_start3A_205 : memref<1x80xi32, #tpu.memory_space<vmem>> -> memref<80xi32, #tpu.memory_space<vmem>>
          %dma_start3A_207 = tpu.memref_slice %arg4[%add3A_198] : memref<320000xi32, #tpu.memory_space<hbm>> -> memref<80xi32, #tpu.memory_space<hbm>>
          tpu.enqueue_dma source(%dma_start3A_207 : memref<80xi32, #tpu.memory_space<hbm>>) target(%dma_start3A_206 : memref<80xi32, #tpu.memory_space<vmem>>) target_semaphore(%arg20 : memref<!tpu.dma_semaphore, #tpu.memory_space<semaphore_mem>>)
          %mul3A_208 = arith.constant 80 : i32
          %mul3A_209 = arith.muli %add3A_195, %mul3A_208 : i32
          %add3A_210 = arith.addi %mul3A_2, %mul3A_209 : i32
          %dma_start3A_211 = arith.constant 80 : i32
          %dma_start3A_212 = tpu.memref_slice %arg11[%dma_start3A_211] : memref<240xf32, #tpu.memory_space<vmem>> -> memref<80xf32, #tpu.memory_space<vmem>>
          %dma_start3A_213 = tpu.memref_slice %arg5[%add3A_210] : memref<320000xf32, #tpu.memory_space<hbm>> -> memref<80xf32, #tpu.memory_space<hbm>>
          %dma_start3A_214 = arith.constant 80 : i32
          %dma_start3A_215 = tpu.memref_slice %arg11[%dma_start3A_214] : memref<240xf32, #tpu.memory_space<vmem>> -> memref<80xf32, #tpu.memory_space<vmem>>
          %dma_start3A_216 = tpu.memref_slice %arg5[%add3A_210] : memref<320000xf32, #tpu.memory_space<hbm>> -> memref<80xf32, #tpu.memory_space<hbm>>
          tpu.enqueue_dma source(%dma_start3A_216 : memref<80xf32, #tpu.memory_space<hbm>>) target(%dma_start3A_215 : memref<80xf32, #tpu.memory_space<vmem>>) target_semaphore(%arg20 : memref<!tpu.dma_semaphore, #tpu.memory_space<semaphore_mem>>)
        } else {
        }
      } else {
      }
    }
    %scan3A_82 = arith.constant 125 : i32
    %dma_wait3A_83 = arith.constant 2 : i32
    %dma_wait3A_84 = arith.constant 160 : i32
    %dma_wait3A_85 = arith.constant 0 : i32
    %dma_wait3A_86 = tpu.memref_slice %arg9[%dma_wait3A_84, %dma_wait3A_85] : memref<240x128xf32, #tpu.memory_space<vmem>> -> memref<80x128xf32, #tpu.memory_space<vmem>>
    %dma_wait3A_87 = arith.constant 0 : i32
    %dma_wait3A_88 = tpu.memref_slice %arg10[%dma_wait3A_83, %dma_wait3A_87] : memref<3x80xi32, #tpu.memory_space<vmem>> -> memref<1x80xi32, #tpu.memory_space<vmem>>
    %dma_wait3A_89 = tpu.memref_squeeze %dma_wait3A_88 : memref<1x80xi32, #tpu.memory_space<vmem>> -> memref<80xi32, #tpu.memory_space<vmem>>
    %dma_wait3A_90 = arith.constant 0 : i32
    %dma_wait3A_91 = arith.constant 0 : i32
    %dma_wait3A_92 = tpu.memref_slice %arg12[%dma_wait3A_90, %dma_wait3A_91] : memref<10000x128xf32, #tpu.memory_space<vmem_shared>> -> memref<10000x128xf32, #tpu.memory_space<vmem_shared>>
    tpu.wait_indirect_dma semaphore(%arg18 : memref<!tpu.dma_semaphore, #tpu.memory_space<semaphore_mem>>) src(%dma_wait3A_86 : memref<80x128xf32, #tpu.memory_space<vmem>>) dst(%dma_wait3A_92 : memref<10000x128xf32, #tpu.memory_space<vmem_shared>>)
    %dma_wait3A_93 = arith.constant 0 : i32
    %dma_wait3A_94 = arith.constant 0 : i32
    %dma_wait3A_95 = arith.constant 0 : i32
    %dma_wait3A_96 = tpu.memref_slice %arg9[%dma_wait3A_94, %dma_wait3A_95] : memref<240x128xf32, #tpu.memory_space<vmem>> -> memref<80x128xf32, #tpu.memory_space<vmem>>
    %dma_wait3A_97 = arith.constant 0 : i32
    %dma_wait3A_98 = tpu.memref_slice %arg10[%dma_wait3A_93, %dma_wait3A_97] : memref<3x80xi32, #tpu.memory_space<vmem>> -> memref<1x80xi32, #tpu.memory_space<vmem>>
    %dma_wait3A_99 = tpu.memref_squeeze %dma_wait3A_98 : memref<1x80xi32, #tpu.memory_space<vmem>> -> memref<80xi32, #tpu.memory_space<vmem>>
    %dma_wait3A_100 = arith.constant 0 : i32
    %dma_wait3A_101 = arith.constant 0 : i32
    %dma_wait3A_102 = tpu.memref_slice %arg12[%dma_wait3A_100, %dma_wait3A_101] : memref<10000x128xf32, #tpu.memory_space<vmem_shared>> -> memref<10000x128xf32, #tpu.memory_space<vmem_shared>>
    tpu.wait_indirect_dma semaphore(%arg16 : memref<!tpu.dma_semaphore, #tpu.memory_space<semaphore_mem>>) src(%dma_wait3A_96 : memref<80x128xf32, #tpu.memory_space<vmem>>) dst(%dma_wait3A_102 : memref<10000x128xf32, #tpu.memory_space<vmem_shared>>)
    %dma_wait3A_103 = arith.constant 1 : i32
    %dma_wait3A_104 = arith.constant 80 : i32
    %dma_wait3A_105 = arith.constant 0 : i32
    %dma_wait3A_106 = tpu.memref_slice %arg9[%dma_wait3A_104, %dma_wait3A_105] : memref<240x128xf32, #tpu.memory_space<vmem>> -> memref<80x128xf32, #tpu.memory_space<vmem>>
    %dma_wait3A_107 = arith.constant 0 : i32
    %dma_wait3A_108 = tpu.memref_slice %arg10[%dma_wait3A_103, %dma_wait3A_107] : memref<3x80xi32, #tpu.memory_space<vmem>> -> memref<1x80xi32, #tpu.memory_space<vmem>>
    %dma_wait3A_109 = tpu.memref_squeeze %dma_wait3A_108 : memref<1x80xi32, #tpu.memory_space<vmem>> -> memref<80xi32, #tpu.memory_space<vmem>>
    %dma_wait3A_110 = arith.constant 0 : i32
    %dma_wait3A_111 = arith.constant 0 : i32
    %dma_wait3A_112 = tpu.memref_slice %arg12[%dma_wait3A_110, %dma_wait3A_111] : memref<10000x128xf32, #tpu.memory_space<vmem_shared>> -> memref<10000x128xf32, #tpu.memory_space<vmem_shared>>
    tpu.wait_indirect_dma semaphore(%arg17 : memref<!tpu.dma_semaphore, #tpu.memory_space<semaphore_mem>>) src(%dma_wait3A_106 : memref<80x128xf32, #tpu.memory_space<vmem>>) dst(%dma_wait3A_112 : memref<10000x128xf32, #tpu.memory_space<vmem_shared>>)
    %barrier3A_113 = arith.constant 0 : index
    tpu.barrier barrier_id(%barrier3A_113)
    %mul3A_114 = arith.constant 624 : i32
    %mul3A_115 = arith.muli %arg1, %mul3A_114 : i32
    %mul3A_116 = arith.constant 624 : i32
    %mul3A_117 = arith.muli %arg1, %mul3A_116 : i32
    "tpu.region"() ({
      %run_scoped3A = tpu.sem_alloc : memref<!tpu.dma_semaphore, #tpu.memory_space<semaphore_mem>>
      %dma_start3A_123 = arith.constant 0 : i32
      %dma_start3A_124 = tpu.memref_slice %arg7[%arg0, %mul3A_117, %dma_start3A_123] : memref<2x10000x128xf32, #tpu.memory_space<hbm>> -> memref<1x624x128xf32, #tpu.memory_space<hbm>>
      %dma_start3A_125 = tpu.memref_squeeze %dma_start3A_124 : memref<1x624x128xf32, #tpu.memory_space<hbm>> -> memref<624x128xf32, #tpu.memory_space<hbm>>
      %dma_start3A_126 = arith.constant 0 : i32
      %dma_start3A_127 = tpu.memref_slice %arg12[%mul3A_115, %dma_start3A_126] : memref<10000x128xf32, #tpu.memory_space<vmem_shared>> -> memref<624x128xf32, #tpu.memory_space<vmem_shared>>
      tpu.enqueue_dma source(%dma_start3A_127 : memref<624x128xf32, #tpu.memory_space<vmem_shared>>) target(%dma_start3A_125 : memref<624x128xf32, #tpu.memory_space<hbm>>) target_semaphore(%run_scoped3A : memref<!tpu.dma_semaphore, #tpu.memory_space<semaphore_mem>>)
      %dma_wait3A_128 = arith.constant 0 : i32
      %dma_wait3A_129 = tpu.memref_slice %arg7[%arg0, %mul3A_117, %dma_wait3A_128] : memref<2x10000x128xf32, #tpu.memory_space<hbm>> -> memref<1x624x128xf32, #tpu.memory_space<hbm>>
      %dma_wait3A_130 = tpu.memref_squeeze %dma_wait3A_129 : memref<1x624x128xf32, #tpu.memory_space<hbm>> -> memref<624x128xf32, #tpu.memory_space<hbm>>
      %dma_wait3A_131 = arith.constant 0 : i32
      %dma_wait3A_132 = tpu.memref_slice %arg12[%mul3A_115, %dma_wait3A_131] : memref<10000x128xf32, #tpu.memory_space<vmem_shared>> -> memref<624x128xf32, #tpu.memory_space<vmem_shared>>
      tpu.wait_dma2 semaphore(%run_scoped3A : memref<!tpu.dma_semaphore, #tpu.memory_space<semaphore_mem>>) src(%dma_wait3A_132 : memref<624x128xf32, #tpu.memory_space<vmem_shared>>) dst(%dma_wait3A_130 : memref<624x128xf32, #tpu.memory_space<hbm>>)
      tpu.yield
    }) : () -> ()
    %eq3A_118 = arith.constant 15 : i32
    %eq3A_119 = arith.cmpi eq, %arg1, %eq3A_118 : i32
    %convert_element_type3A_120 = arith.extui %eq3A_119 : i1 to i32
    %cond3A_121 = arith.constant 0 : i32
    %cond3A_122 = arith.cmpi ne, %convert_element_type3A_120, %cond3A_121 : i32
    scf.if %cond3A_122 {
      "tpu.region"() ({
        %run_scoped3A = tpu.sem_alloc : memref<!tpu.dma_semaphore, #tpu.memory_space<semaphore_mem>>
        %dma_start3A_123 = arith.constant 9984 : i32
        %dma_start3A_124 = arith.constant 0 : i32
        %dma_start3A_125 = tpu.memref_slice %arg7[%arg0, %dma_start3A_123, %dma_start3A_124] : memref<2x10000x128xf32, #tpu.memory_space<hbm>> -> memref<1x16x128xf32, #tpu.memory_space<hbm>>
        %dma_start3A_126 = tpu.memref_squeeze %dma_start3A_125 : memref<1x16x128xf32, #tpu.memory_space<hbm>> -> memref<16x128xf32, #tpu.memory_space<hbm>>
        %dma_start3A_127 = arith.constant 9984 : i32
        %dma_start3A_128 = arith.constant 0 : i32
        %dma_start3A_129 = tpu.memref_slice %arg12[%dma_start3A_127, %dma_start3A_128] : memref<10000x128xf32, #tpu.memory_space<vmem_shared>> -> memref<16x128xf32, #tpu.memory_space<vmem_shared>>
        tpu.enqueue_dma source(%dma_start3A_129 : memref<16x128xf32, #tpu.memory_space<vmem_shared>>) target(%dma_start3A_126 : memref<16x128xf32, #tpu.memory_space<hbm>>) target_semaphore(%run_scoped3A : memref<!tpu.dma_semaphore, #tpu.memory_space<semaphore_mem>>)
        %dma_wait3A_130 = arith.constant 9984 : i32
        %dma_wait3A_131 = arith.constant 0 : i32
        %dma_wait3A_132 = tpu.memref_slice %arg7[%arg0, %dma_wait3A_130, %dma_wait3A_131] : memref<2x10000x128xf32, #tpu.memory_space<hbm>> -> memref<1x16x128xf32, #tpu.memory_space<hbm>>
        %dma_wait3A_133 = tpu.memref_squeeze %dma_wait3A_132 : memref<1x16x128xf32, #tpu.memory_space<hbm>> -> memref<16x128xf32, #tpu.memory_space<hbm>>
        %dma_wait3A_134 = arith.constant 9984 : i32
        %dma_wait3A_135 = arith.constant 0 : i32
        %dma_wait3A_136 = tpu.memref_slice %arg12[%dma_wait3A_134, %dma_wait3A_135] : memref<10000x128xf32, #tpu.memory_space<vmem_shared>> -> memref<16x128xf32, #tpu.memory_space<vmem_shared>>
        tpu.wait_dma2 semaphore(%run_scoped3A : memref<!tpu.dma_semaphore, #tpu.memory_space<semaphore_mem>>) src(%dma_wait3A_136 : memref<16x128xf32, #tpu.memory_space<vmem_shared>>) dst(%dma_wait3A_133 : memref<16x128xf32, #tpu.memory_space<hbm>>)
        tpu.yield
      }) : () -> ()
    } else {
    }
    return
  }
}

#map = affine_map<(d0, d1) -> (0)>
#map1 = affine_map<(d0, d1) -> (0, 0)>
module attributes {stable_mosaic.version = 14 : i64} {
  func.func @_deg_kernel(%arg0: i32, %arg1: i32, %arg2: memref<320000xi32, #tpu.memory_space<hbm>>, %arg3: memref<320000xf32, #tpu.memory_space<hbm>>, %arg4: memref<32x10000xf32, #tpu.memory_space<hbm>>, %arg5: memref<10000xi32, #tpu.memory_space<vmem>>, %arg6: memref<10000xf32, #tpu.memory_space<vmem>>, %arg7: memref<10000xf32, #tpu.memory_space<vmem>>) attributes {dimension_semantics = [#tpu.dimension_semantics<core_parallel>, #tpu.dimension_semantics<subcore_parallel>], iteration_bounds = array<i64: 2, 16>, scalar_prefetch = 0 : i64, scratch_operands = 3 : i64, tpu.core_type = #tpu.core_type<sc_vector_subcore>, window_params = [{transform_indices = #map}, {transform_indices = #map}, {transform_indices = #map1}]} {
    %mul3A = arith.constant 16 : i32
    %mul3A_0 = arith.muli %arg0, %mul3A : i32
    %add3A = arith.addi %mul3A_0, %arg1 : i32
    %mul3A_1 = arith.constant 10000 : i32
    %mul3A_2 = arith.muli %add3A, %mul3A_1 : i32
    %broadcast_in_dim3A = arith.constant 0.000000e+00 : f32
    %broadcast_in_dim3A_3 = vector.broadcast %broadcast_in_dim3A : f32 to vector<16xf32>
    %scan3A = arith.constant 0 : i32
    %scan3A_4 = arith.constant 0 : i32
    %scan3A_5 = arith.constant 625 : i32
    %scan3A_6 = arith.addi %scan3A_4, %scan3A_5 : i32
    %scan3A_7 = arith.constant 1 : i32
    scf.for %scan3A_15 = %scan3A_4 to %scan3A_6 step %scan3A_7  : i32 {
      %mul3A_16 = arith.constant 16 : i32
      %mul3A_17 = arith.muli %scan3A_15, %mul3A_16 : i32
      %swap3A = arith.index_cast %mul3A_17 : i32 to index
      %swap3A_18 = tpu.vector_load %arg7[%swap3A] {strides = array<i32>} : memref<10000xf32, #tpu.memory_space<vmem>>, vector<16xf32>,
      tpu.vector_store %arg7[%swap3A], %broadcast_in_dim3A_3 {strides = array<i32>} : memref<10000xf32, #tpu.memory_space<vmem>>, vector<16xf32>,
    }
    %scan3A_8 = arith.constant 625 : i32
    "tpu.region"() ({
      %run_scoped3A = tpu.sem_alloc : memref<!tpu.dma_semaphore, #tpu.memory_space<semaphore_mem>>
      %dma_start3A = tpu.memref_slice %arg2[%mul3A_2] : memref<320000xi32, #tpu.memory_space<hbm>> -> memref<10000xi32, #tpu.memory_space<hbm>>
      %dma_start3A_15 = tpu.memref_slice %arg2[%mul3A_2] : memref<320000xi32, #tpu.memory_space<hbm>> -> memref<10000xi32, #tpu.memory_space<hbm>>
      tpu.enqueue_dma source(%dma_start3A_15 : memref<10000xi32, #tpu.memory_space<hbm>>) target(%arg5 : memref<10000xi32, #tpu.memory_space<vmem>>) target_semaphore(%run_scoped3A : memref<!tpu.dma_semaphore, #tpu.memory_space<semaphore_mem>>)
      %dma_wait3A = tpu.memref_slice %arg2[%mul3A_2] : memref<320000xi32, #tpu.memory_space<hbm>> -> memref<10000xi32, #tpu.memory_space<hbm>>
      %dma_wait3A_16 = tpu.memref_slice %arg2[%mul3A_2] : memref<320000xi32, #tpu.memory_space<hbm>> -> memref<10000xi32, #tpu.memory_space<hbm>>
      tpu.wait_dma2 semaphore(%run_scoped3A : memref<!tpu.dma_semaphore, #tpu.memory_space<semaphore_mem>>) src(%dma_wait3A_16 : memref<10000xi32, #tpu.memory_space<hbm>>) dst(%arg5 : memref<10000xi32, #tpu.memory_space<vmem>>)
      tpu.yield
    }) : () -> ()
    "tpu.region"() ({
      %run_scoped3A = tpu.sem_alloc : memref<!tpu.dma_semaphore, #tpu.memory_space<semaphore_mem>>
      %dma_start3A = tpu.memref_slice %arg3[%mul3A_2] : memref<320000xf32, #tpu.memory_space<hbm>> -> memref<10000xf32, #tpu.memory_space<hbm>>
      %dma_start3A_15 = tpu.memref_slice %arg3[%mul3A_2] : memref<320000xf32, #tpu.memory_space<hbm>> -> memref<10000xf32, #tpu.memory_space<hbm>>
      tpu.enqueue_dma source(%dma_start3A_15 : memref<10000xf32, #tpu.memory_space<hbm>>) target(%arg6 : memref<10000xf32, #tpu.memory_space<vmem>>) target_semaphore(%run_scoped3A : memref<!tpu.dma_semaphore, #tpu.memory_space<semaphore_mem>>)
      %dma_wait3A = tpu.memref_slice %arg3[%mul3A_2] : memref<320000xf32, #tpu.memory_space<hbm>> -> memref<10000xf32, #tpu.memory_space<hbm>>
      %dma_wait3A_16 = tpu.memref_slice %arg3[%mul3A_2] : memref<320000xf32, #tpu.memory_space<hbm>> -> memref<10000xf32, #tpu.memory_space<hbm>>
      tpu.wait_dma2 semaphore(%run_scoped3A : memref<!tpu.dma_semaphore, #tpu.memory_space<semaphore_mem>>) src(%dma_wait3A_16 : memref<10000xf32, #tpu.memory_space<hbm>>) dst(%arg6 : memref<10000xf32, #tpu.memory_space<vmem>>)
      tpu.yield
    }) : () -> ()
    %scan3A_9 = arith.constant 0 : i32
    %scan3A_10 = arith.constant 0 : i32
    %scan3A_11 = arith.constant 625 : i32
    %scan3A_12 = arith.addi %scan3A_10, %scan3A_11 : i32
    %scan3A_13 = arith.constant 1 : i32
    scf.for %scan3A_15 = %scan3A_10 to %scan3A_12 step %scan3A_13  : i32 {
      %mul3A_16 = arith.constant 16 : i32
      %mul3A_17 = arith.muli %scan3A_15, %mul3A_16 : i32
      %get3A = arith.index_cast %mul3A_17 : i32 to index
      %get3A_18 = tpu.vector_load %arg5[%get3A] {strides = array<i32>} : memref<10000xi32, #tpu.memory_space<vmem>>, vector<16xi32>,
      %mul3A_19 = arith.constant 16 : i32
      %mul3A_20 = arith.muli %scan3A_15, %mul3A_19 : i32
      %get3A_21 = arith.index_cast %mul3A_20 : i32 to index
      %get3A_22 = tpu.vector_load %arg6[%get3A_21] {strides = array<i32>} : memref<10000xf32, #tpu.memory_space<vmem>>, vector<16xf32>,
      tpu.vector_store_idx %arg7[%get3A_18], %get3A_22 {add = true} : memref<10000xf32, #tpu.memory_space<vmem>>[vector<16xi32>], vector<16xf32>,
    }
    %scan3A_14 = arith.constant 625 : i32
    "tpu.region"() ({
      %run_scoped3A = tpu.sem_alloc : memref<!tpu.dma_semaphore, #tpu.memory_space<semaphore_mem>>
      %dma_start3A = arith.constant 0 : i32
      %dma_start3A_15 = tpu.memref_slice %arg4[%add3A, %dma_start3A] : memref<32x10000xf32, #tpu.memory_space<hbm>> -> memref<1x10000xf32, #tpu.memory_space<hbm>>
      %dma_start3A_16 = tpu.memref_squeeze %dma_start3A_15 : memref<1x10000xf32, #tpu.memory_space<hbm>> -> memref<10000xf32, #tpu.memory_space<hbm>>
      %dma_start3A_17 = arith.constant 0 : i32
      %dma_start3A_18 = tpu.memref_slice %arg4[%add3A, %dma_start3A_17] : memref<32x10000xf32, #tpu.memory_space<hbm>> -> memref<1x10000xf32, #tpu.memory_space<hbm>>
      %dma_start3A_19 = tpu.memref_squeeze %dma_start3A_18 : memref<1x10000xf32, #tpu.memory_space<hbm>> -> memref<10000xf32, #tpu.memory_space<hbm>>
      tpu.enqueue_dma source(%arg7 : memref<10000xf32, #tpu.memory_space<vmem>>) target(%dma_start3A_19 : memref<10000xf32, #tpu.memory_space<hbm>>) target_semaphore(%run_scoped3A : memref<!tpu.dma_semaphore, #tpu.memory_space<semaphore_mem>>)
      %dma_wait3A = arith.constant 0 : i32
      %dma_wait3A_20 = tpu.memref_slice %arg4[%add3A, %dma_wait3A] : memref<32x10000xf32, #tpu.memory_space<hbm>> -> memref<1x10000xf32, #tpu.memory_space<hbm>>
      %dma_wait3A_21 = tpu.memref_squeeze %dma_wait3A_20 : memref<1x10000xf32, #tpu.memory_space<hbm>> -> memref<10000xf32, #tpu.memory_space<hbm>>
      %dma_wait3A_22 = arith.constant 0 : i32
      %dma_wait3A_23 = tpu.memref_slice %arg4[%add3A, %dma_wait3A_22] : memref<32x10000xf32, #tpu.memory_space<hbm>> -> memref<1x10000xf32, #tpu.memory_space<hbm>>
      %dma_wait3A_24 = tpu.memref_squeeze %dma_wait3A_23 : memref<1x10000xf32, #tpu.memory_space<hbm>> -> memref<10000xf32, #tpu.memory_space<hbm>>
      tpu.wait_dma2 semaphore(%run_scoped3A : memref<!tpu.dma_semaphore, #tpu.memory_space<semaphore_mem>>) src(%arg7 : memref<10000xf32, #tpu.memory_space<vmem>>) dst(%dma_wait3A_24 : memref<10000xf32, #tpu.memory_space<hbm>>)
      tpu.yield
    }) : () -> ()
    return
  }
}

module attributes {stable_mosaic.version = 14 : i64} {
  func.func @_hprime_body(%arg0: i32, %arg1: memref<1000x128xf32, #tpu.memory_space<vmem>>, %arg2: memref<128x128xf32, #tpu.memory_space<vmem>>, %arg3: memref<1000x32xf32, #tpu.memory_space<vmem>>, %arg4: memref<1000x128xf32, #tpu.memory_space<vmem>>) attributes {dimension_semantics = [#tpu.dimension_semantics<arbitrary>], iteration_bounds = array<i64: 10>, scalar_prefetch = 0 : i64, scratch_operands = 0 : i64, tpu.core_type = #tpu.core_type<tc>, window_params = [{transform_indices = @transform_0, window_bounds = array<i64: 1000, 128>}, {pipeline_mode = #tpu.pipeline_mode<synchronous>, transform_indices = @transform_1, window_bounds = array<i64: 128, 128>}, {transform_indices = @transform_2, window_bounds = array<i64: 1000, 32>}, {transform_indices = @transform_3, window_bounds = array<i64: 1000, 128>}]} {
    %get3A = arith.constant 0 : index
    %get3A_0 = arith.constant 0 : index
    %get3A_1 = vector.load %arg3[%get3A, %get3A_0] : memref<1000x32xf32, #tpu.memory_space<vmem>>, vector<1000x32xf32>
    %reduce_sum3A = arith.constant dense<0.000000e+00> : vector<1000xf32>
    %reduce_sum3A_2 = vector.multi_reduction <add>, %get3A_1, %reduce_sum3A [1] : vector<1000x32xf32> to vector<1000xf32>
    %broadcast_in_dim3A = vector.shape_cast %reduce_sum3A_2 : vector<1000xf32> to vector<1000x1xf32>
    %add3A = arith.constant 1.000000e+00 : f32
    %add3A_3 = vector.broadcast %add3A : f32 to vector<1000x1xf32>
    %add3A_4 = arith.addf %add3A_3, %broadcast_in_dim3A : vector<1000x1xf32>
    %rsqrt3A = math.rsqrt %add3A_4 : vector<1000x1xf32>
    %get3A_5 = arith.constant 0 : index
    %get3A_6 = arith.constant 0 : index
    %get3A_7 = vector.load %arg1[%get3A_5, %get3A_6] : memref<1000x128xf32, #tpu.memory_space<vmem>>, vector<1000x128xf32>
    %get3A_8 = arith.constant 0 : index
    %get3A_9 = arith.constant 0 : index
    %get3A_10 = vector.load %arg2[%get3A_8, %get3A_9] : memref<128x128xf32, #tpu.memory_space<vmem>>, vector<128x128xf32>
    %dot_general3A = arith.constant dense<0.000000e+00> : vector<1000x128xf32>
    %dot_general3A_11 = tpu.matmul %get3A_7, %get3A_10, %dot_general3A {dimension_numbers = #tpu.dot_dimension_numbers<[1], [0], [0], [1], [0, 0, 1, 1], [], []>, transpose_lhs_hint = false} : vector<1000x128xf32>, vector<128x128xf32>, vector<1000x128xf32> -> vector<1000x128xf32>
    %mul3A = vector.broadcast %rsqrt3A : vector<1000x1xf32> to vector<1000x128xf32>
    %mul3A_12 = arith.mulf %dot_general3A_11, %mul3A : vector<1000x128xf32>
    %swap3A = arith.constant 0 : index
    %swap3A_13 = arith.constant 0 : index
    %swap3A_14 = vector.load %arg4[%swap3A, %swap3A_13] : memref<1000x128xf32, #tpu.memory_space<vmem>>, vector<1000x128xf32>
    tpu.vector_store %arg4[%swap3A, %swap3A_13], %mul3A_12 {strides = array<i32>} : memref<1000x128xf32, #tpu.memory_space<vmem>>, vector<1000x128xf32>,
    return
  }
  func.func @transform_0(%arg0: i32) -> (i32, i32) {
    %c0_i32 = arith.constant 0 : i32
    %c0_i32_0 = arith.constant 0 : i32
    return %arg0, %c0_i32 : i32, i32
  }
  func.func @transform_1(%arg0: i32) -> (i32, i32) {
    %c0_i32 = arith.constant 0 : i32
    %c0_i32_0 = arith.constant 0 : i32
    %c0_i32_1 = arith.constant 0 : i32
    return %c0_i32, %c0_i32_0 : i32, i32
  }
  func.func @transform_2(%arg0: i32) -> (i32, i32) {
    %c0_i32 = arith.constant 0 : i32
    %c0_i32_0 = arith.constant 0 : i32
    return %arg0, %c0_i32 : i32, i32
  }
  func.func @transform_3(%arg0: i32) -> (i32, i32) {
    %c0_i32 = arith.constant 0 : i32
    %c0_i32_0 = arith.constant 0 : i32
    return %arg0, %c0_i32 : i32, i32
  }
}

module attributes {stable_mosaic.version = 14 : i64} {
  func.func @_mid_body(%arg0: i32, %arg1: memref<2x1000x128xf32, #tpu.memory_space<vmem>>, %arg2: memref<1000x128xf32, #tpu.memory_space<vmem>>, %arg3: memref<1000x32xf32, #tpu.memory_space<vmem>>, %arg4: memref<1x128xf32, #tpu.memory_space<vmem>>, %arg5: memref<128x128xf32, #tpu.memory_space<vmem>>, %arg6: memref<1000x128xf32, #tpu.memory_space<vmem>>) attributes {dimension_semantics = [#tpu.dimension_semantics<arbitrary>], iteration_bounds = array<i64: 10>, scalar_prefetch = 0 : i64, scratch_operands = 0 : i64, tpu.core_type = #tpu.core_type<tc>, window_params = [{transform_indices = @transform_0, window_bounds = array<i64: 2, 1000, 128>}, {transform_indices = @transform_1, window_bounds = array<i64: 1000, 128>}, {transform_indices = @transform_2, window_bounds = array<i64: 1000, 32>}, {pipeline_mode = #tpu.pipeline_mode<synchronous>, transform_indices = @transform_3, window_bounds = array<i64: 1, 128>}, {pipeline_mode = #tpu.pipeline_mode<synchronous>, transform_indices = @transform_4, window_bounds = array<i64: 128, 128>}, {transform_indices = @transform_5, window_bounds = array<i64: 1000, 128>}]} {
    %get3A = arith.constant 0 : index
    %get3A_0 = arith.constant 0 : index
    %get3A_1 = vector.load %arg3[%get3A, %get3A_0] : memref<1000x32xf32, #tpu.memory_space<vmem>>, vector<1000x32xf32>
    %reduce_sum3A = arith.constant dense<0.000000e+00> : vector<1000xf32>
    %reduce_sum3A_2 = vector.multi_reduction <add>, %get3A_1, %reduce_sum3A [1] : vector<1000x32xf32> to vector<1000xf32>
    %broadcast_in_dim3A = vector.shape_cast %reduce_sum3A_2 : vector<1000xf32> to vector<1000x1xf32>
    %add3A = arith.constant 1.000000e+00 : f32
    %add3A_3 = vector.broadcast %add3A : f32 to vector<1000x1xf32>
    %add3A_4 = arith.addf %add3A_3, %broadcast_in_dim3A : vector<1000x1xf32>
    %rsqrt3A = math.rsqrt %add3A_4 : vector<1000x1xf32>
    %get3A_5 = arith.constant 0 : index
    %get3A_6 = arith.constant 0 : index
    %get3A_7 = arith.constant 0 : index
    %get3A_8 = vector.load %arg1[%get3A_5, %get3A_6, %get3A_7] : memref<2x1000x128xf32, #tpu.memory_space<vmem>>, vector<1x1000x128xf32>
    %get3A_9 = vector.shape_cast %get3A_8 : vector<1x1000x128xf32> to vector<1000x128xf32>
    %get3A_10 = arith.constant 1 : index
    %get3A_11 = arith.constant 0 : index
    %get3A_12 = arith.constant 0 : index
    %get3A_13 = vector.load %arg1[%get3A_10, %get3A_11, %get3A_12] : memref<2x1000x128xf32, #tpu.memory_space<vmem>>, vector<1x1000x128xf32>
    %get3A_14 = vector.shape_cast %get3A_13 : vector<1x1000x128xf32> to vector<1000x128xf32>
    %add3A_15 = arith.addf %get3A_9, %get3A_14 : vector<1000x128xf32>
    %get3A_16 = arith.constant 0 : index
    %get3A_17 = arith.constant 0 : index
    %get3A_18 = vector.load %arg2[%get3A_16, %get3A_17] : memref<1000x128xf32, #tpu.memory_space<vmem>>, vector<1000x128xf32>
    %add3A_19 = arith.addf %add3A_15, %get3A_18 : vector<1000x128xf32>
    %mul3A = vector.broadcast %rsqrt3A : vector<1000x1xf32> to vector<1000x128xf32>
    %mul3A_20 = arith.mulf %add3A_19, %mul3A : vector<1000x128xf32>
    %get3A_21 = arith.constant 0 : index
    %get3A_22 = arith.constant 0 : index
    %get3A_23 = vector.load %arg4[%get3A_21, %get3A_22] : memref<1x128xf32, #tpu.memory_space<vmem>>, vector<1x128xf32>
    %add3A_24 = vector.broadcast %get3A_23 : vector<1x128xf32> to vector<1000x128xf32>
    %add3A_25 = arith.addf %mul3A_20, %add3A_24 : vector<1000x128xf32>
    %max3A = arith.constant 0.000000e+00 : f32
    %max3A_26 = vector.broadcast %max3A : f32 to vector<1000x128xf32>
    %max3A_27 = arith.maximumf %add3A_25, %max3A_26 : vector<1000x128xf32>
    %get3A_28 = arith.constant 0 : index
    %get3A_29 = arith.constant 0 : index
    %get3A_30 = vector.load %arg5[%get3A_28, %get3A_29] : memref<128x128xf32, #tpu.memory_space<vmem>>, vector<128x128xf32>
    %dot_general3A = arith.constant dense<0.000000e+00> : vector<1000x128xf32>
    %dot_general3A_31 = tpu.matmul %max3A_27, %get3A_30, %dot_general3A {dimension_numbers = #tpu.dot_dimension_numbers<[1], [0], [0], [1], [0, 0, 1, 1], [], []>, transpose_lhs_hint = false} : vector<1000x128xf32>, vector<128x128xf32>, vector<1000x128xf32> -> vector<1000x128xf32>
    %mul3A_32 = vector.broadcast %rsqrt3A : vector<1000x1xf32> to vector<1000x128xf32>
    %mul3A_33 = arith.mulf %dot_general3A_31, %mul3A_32 : vector<1000x128xf32>
    %swap3A = arith.constant 0 : index
    %swap3A_34 = arith.constant 0 : index
    %swap3A_35 = vector.load %arg6[%swap3A, %swap3A_34] : memref<1000x128xf32, #tpu.memory_space<vmem>>, vector<1000x128xf32>
    tpu.vector_store %arg6[%swap3A, %swap3A_34], %mul3A_33 {strides = array<i32>} : memref<1000x128xf32, #tpu.memory_space<vmem>>, vector<1000x128xf32>,
    return
  }
  func.func @transform_0(%arg0: i32) -> (i32, i32, i32) {
    %c0_i32 = arith.constant 0 : i32
    %c0_i32_0 = arith.constant 0 : i32
    %c0_i32_1 = arith.constant 0 : i32
    return %c0_i32, %arg0, %c0_i32_0 : i32, i32, i32
  }
  func.func @transform_1(%arg0: i32) -> (i32, i32) {
    %c0_i32 = arith.constant 0 : i32
    %c0_i32_0 = arith.constant 0 : i32
    return %arg0, %c0_i32 : i32, i32
  }
  func.func @transform_2(%arg0: i32) -> (i32, i32) {
    %c0_i32 = arith.constant 0 : i32
    %c0_i32_0 = arith.constant 0 : i32
    return %arg0, %c0_i32 : i32, i32
  }
  func.func @transform_3(%arg0: i32) -> (i32, i32) {
    %c0_i32 = arith.constant 0 : i32
    %c0_i32_0 = arith.constant 0 : i32
    %c0_i32_1 = arith.constant 0 : i32
    return %c0_i32, %c0_i32_0 : i32, i32
  }
  func.func @transform_4(%arg0: i32) -> (i32, i32) {
    %c0_i32 = arith.constant 0 : i32
    %c0_i32_0 = arith.constant 0 : i32
    %c0_i32_1 = arith.constant 0 : i32
    return %c0_i32, %c0_i32_0 : i32, i32
  }
  func.func @transform_5(%arg0: i32) -> (i32, i32) {
    %c0_i32 = arith.constant 0 : i32
    %c0_i32_0 = arith.constant 0 : i32
    return %arg0, %c0_i32 : i32, i32
  }
}

module attributes {stable_mosaic.version = 14 : i64} {
  func.func @_final_body(%arg0: i32, %arg1: memref<2x1000x128xf32, #tpu.memory_space<vmem>>, %arg2: memref<1000x128xf32, #tpu.memory_space<vmem>>, %arg3: memref<1000x32xf32, #tpu.memory_space<vmem>>, %arg4: memref<1x128xf32, #tpu.memory_space<vmem>>, %arg5: memref<1000x128xf32, #tpu.memory_space<vmem>>) attributes {dimension_semantics = [#tpu.dimension_semantics<arbitrary>], iteration_bounds = array<i64: 10>, scalar_prefetch = 0 : i64, scratch_operands = 0 : i64, tpu.core_type = #tpu.core_type<tc>, window_params = [{transform_indices = @transform_0, window_bounds = array<i64: 2, 1000, 128>}, {transform_indices = @transform_1, window_bounds = array<i64: 1000, 128>}, {transform_indices = @transform_2, window_bounds = array<i64: 1000, 32>}, {pipeline_mode = #tpu.pipeline_mode<synchronous>, transform_indices = @transform_3, window_bounds = array<i64: 1, 128>}, {transform_indices = @transform_4, window_bounds = array<i64: 1000, 128>}]} {
    %get3A = arith.constant 0 : index
    %get3A_0 = arith.constant 0 : index
    %get3A_1 = vector.load %arg3[%get3A, %get3A_0] : memref<1000x32xf32, #tpu.memory_space<vmem>>, vector<1000x32xf32>
    %reduce_sum3A = arith.constant dense<0.000000e+00> : vector<1000xf32>
    %reduce_sum3A_2 = vector.multi_reduction <add>, %get3A_1, %reduce_sum3A [1] : vector<1000x32xf32> to vector<1000xf32>
    %broadcast_in_dim3A = vector.shape_cast %reduce_sum3A_2 : vector<1000xf32> to vector<1000x1xf32>
    %add3A = arith.constant 1.000000e+00 : f32
    %add3A_3 = vector.broadcast %add3A : f32 to vector<1000x1xf32>
    %add3A_4 = arith.addf %add3A_3, %broadcast_in_dim3A : vector<1000x1xf32>
    %rsqrt3A = math.rsqrt %add3A_4 : vector<1000x1xf32>
    %get3A_5 = arith.constant 0 : index
    %get3A_6 = arith.constant 0 : index
    %get3A_7 = arith.constant 0 : index
    %get3A_8 = vector.load %arg1[%get3A_5, %get3A_6, %get3A_7] : memref<2x1000x128xf32, #tpu.memory_space<vmem>>, vector<1x1000x128xf32>
    %get3A_9 = vector.shape_cast %get3A_8 : vector<1x1000x128xf32> to vector<1000x128xf32>
    %get3A_10 = arith.constant 1 : index
    %get3A_11 = arith.constant 0 : index
    %get3A_12 = arith.constant 0 : index
    %get3A_13 = vector.load %arg1[%get3A_10, %get3A_11, %get3A_12] : memref<2x1000x128xf32, #tpu.memory_space<vmem>>, vector<1x1000x128xf32>
    %get3A_14 = vector.shape_cast %get3A_13 : vector<1x1000x128xf32> to vector<1000x128xf32>
    %add3A_15 = arith.addf %get3A_9, %get3A_14 : vector<1000x128xf32>
    %get3A_16 = arith.constant 0 : index
    %get3A_17 = arith.constant 0 : index
    %get3A_18 = vector.load %arg2[%get3A_16, %get3A_17] : memref<1000x128xf32, #tpu.memory_space<vmem>>, vector<1000x128xf32>
    %add3A_19 = arith.addf %add3A_15, %get3A_18 : vector<1000x128xf32>
    %mul3A = vector.broadcast %rsqrt3A : vector<1000x1xf32> to vector<1000x128xf32>
    %mul3A_20 = arith.mulf %add3A_19, %mul3A : vector<1000x128xf32>
    %get3A_21 = arith.constant 0 : index
    %get3A_22 = arith.constant 0 : index
    %get3A_23 = vector.load %arg4[%get3A_21, %get3A_22] : memref<1x128xf32, #tpu.memory_space<vmem>>, vector<1x128xf32>
    %add3A_24 = vector.broadcast %get3A_23 : vector<1x128xf32> to vector<1000x128xf32>
    %add3A_25 = arith.addf %mul3A_20, %add3A_24 : vector<1000x128xf32>
    %swap3A = arith.constant 0 : index
    %swap3A_26 = arith.constant 0 : index
    %swap3A_27 = vector.load %arg5[%swap3A, %swap3A_26] : memref<1000x128xf32, #tpu.memory_space<vmem>>, vector<1000x128xf32>
    tpu.vector_store %arg5[%swap3A, %swap3A_26], %add3A_25 {strides = array<i32>} : memref<1000x128xf32, #tpu.memory_space<vmem>>, vector<1000x128xf32>,
    return
  }
  func.func @transform_0(%arg0: i32) -> (i32, i32, i32) {
    %c0_i32 = arith.constant 0 : i32
    %c0_i32_0 = arith.constant 0 : i32
    %c0_i32_1 = arith.constant 0 : i32
    return %c0_i32, %arg0, %c0_i32_0 : i32, i32, i32
  }
  func.func @transform_1(%arg0: i32) -> (i32, i32) {
    %c0_i32 = arith.constant 0 : i32
    %c0_i32_0 = arith.constant 0 : i32
    return %arg0, %c0_i32 : i32, i32
  }
  func.func @transform_2(%arg0: i32) -> (i32, i32) {
    %c0_i32 = arith.constant 0 : i32
    %c0_i32_0 = arith.constant 0 : i32
    return %arg0, %c0_i32 : i32, i32
  }
  func.func @transform_3(%arg0: i32) -> (i32, i32) {
    %c0_i32 = arith.constant 0 : i32
    %c0_i32_0 = arith.constant 0 : i32
    %c0_i32_1 = arith.constant 0 : i32
    return %c0_i32, %c0_i32_0 : i32, i32
  }
  func.func @transform_4(%arg0: i32) -> (i32, i32) {
    %c0_i32 = arith.constant 0 : i32
    %c0_i32_0 = arith.constant 0 : i32
    return %arg0, %c0_i32 : i32, i32
  }
}

</mosaic_0001>

<sc_bundles>
// kernel: kernel.11.cloned.1.call-start
scs
__scs_entry_jumppad:
0x0: {  	(pc) =	sbr.rel $0x88, $3  }
0x1: {  	(tag) =	ssettag $0x0;
	lr =	simm.s32 $0x1  }
0x2: {  	[smem:$0x3F9A] =	sst lr;
	_ =	strace $0xD0000000  }
0x3: {  	_ = 	snop  }
0x4: {  	_ = 	snop  }
0x5: {  	_ = 	snop  }
0x6: {  	_ = 	snop  }
0x7: {  	_ = 	snop  }
__scs_overlays_trampoline_lowered:
0x8: {  	[smem:$0x3FA9] =	sst s0  }
0x9: {  	[smem:$0x3FAA] =	sst s1  }
0xa: {  	[smem:$0x3FAB] =	sst s2  }
0xb: {  	[smem:$0x3FAC] =	sst s3  }
0xc: {  	[smem:$0x3FAD] =	sst s4  }
0xd: {  	[smem:$0x3FAE] =	sst s5  }
0xe: {  	[smem:$0x3FAF] =	sst s6  }
0xf: {  	[smem:$0x3FB0] =	sst s7  }
0x10: {  	[smem:$0x3FB1] =	sst s8  }
0x11: {  	[smem:$0x3FB2] =	sst s9;
	s0 =	simm.s32 @!p0 $0x0  }
0x12: {  	s1 =	sld [smem:$0x3F98];
	s0 =	simm.s32 @p0 $0x1  }
0x13: {  	[smem:$0x3FB3] =	sst s0;
	s0 =	simm.s32 @!p1 $0x0  }
0x14: {  	s2 =	sld [smem:$0x3F97];
	s0 =	simm.s32 @p1 $0x1  }
0x15: {  	[smem:$0x3FB4] =	sst s0;
	s0 =	simm.s32 @!p2 $0x0  }
0x16: {  	s3 =	sld [smem:$0x3FDB];
	s0 =	simm.s32 @p2 $0x1  }
0x17: {  	s4 =	simm.s32 $0x1BF5;
	[smem:$0x3FB6] =	sst s0  }
0x18: {  	s0 =	sld [smem:$0x3F99];
	_ =	swait.ge [sflag:s4], $0x0  }
0x19: {  	s7 =	sld [smem:$0x3F9A]  }
0x1a: {  	s8 =	sadd.s32 $0xFFFFE003, lr  }
0x1b: {  	s9 =	sadd.s32 $0xFFFFFEF7, lr;
	s5 =	simm.s32 $0xFFFFFFFF;
	p2 =	slt.u32 s8, $0xFFFFF086  }
0x1c: {  	p1 =	slt.u32 s9, $0xF7A;
	s5 =	simm.s32 @!p2 $0x0  }
0x1d: {  	s5 =	simm.s32 @p1 $0x1;
	p0 =	seq.s32 s7, s2  }
0x1e: {  	s7 =	smul.u32 @!p0 $0xF7A, s2;
	p2 =	seq.s32 @!p0 s5, $0x0  }
0x1f: {  	s9 =	smul.u32 $0xF7A, s1;
	s8 =	simm.s32 @!p0 $0x1BF5;
	p2 =	por !p2, p0  }
0x20: {  	[sflag:s8] =	ssyncset.s32 @!p0 $0xFFFFF086;
	s6 =	sadd.s32 @!p0 s3, s7;
	s7 =	simm.s32 @!p0 $0x108  }
0x21: {  	s3 =	sadd.s32 s3, s9;
	s6 =	sadd.s32 @!p0 $0x88, s6;
	s7 =	simm.s32 @p2 $0x1082  }
0x22: {  	[simem:s7], [sflag:s8] =	dma.local @!p0 [hbm:s6], $0xF7A  }
0x23: {  	s9 =	sor.u32 $0xD0000000, s2;
	s6 =	simm.s32 $0x108;
	_ =	swait.ge @!p0 [sflag:s8], $0x0  }
0x24: {  	s3 =	sadd.s32 $0x88, s3;
	s6 =	simm.s32 @!p1 $0x1082;
	[sflag:s4] =	ssyncset.s32 $0xFFFFF086  }
0x25: {  	[simem:s6], [sflag:s4] =	dma.local [hbm:s3], $0xF7A  }
0x26: {  	[smem:$0x3F9A] =	sst s1;
	(tag) =	ssettag s2;
	_ =	strace s9  }
0x27: {  	s1 =	sld [smem:$0x3FAA]  }
0x28: {  	s2 =	sld [smem:$0x3FAB]  }
0x29: {  	s4 =	sld [smem:$0x3FAD]  }
0x2a: {  	p0 =	seq.s32 s5, $0x0;
	s5 =	sld [smem:$0x3FAE]  }
0x2b: {  	s6 =	sld [smem:$0x3FAF]  }
0x2c: {  	s7 =	sld [smem:$0x3FB0]  }
0x2d: {  	s3 =	simm.s32 $0x108;
	s8 =	sld [smem:$0x3FB1]  }
0x2e: {  	s3 =	simm.s32 @!p0 $0x1082;
	s9 =	sld [smem:$0x3FB2]  }
0x2f: {  	lr =	sadd.s32 s0, s3;
	s0 =	sld [smem:$0x3FA9]  }
0x30: {  	s3 =	sld [smem:$0x3FAC]  }
0x31: {  	[smem:$0x3FB5] =	sst s10  }
0x32: {  	s10 =	sld [smem:$0x3FB3];
	_ =	sdelay $0x3  }
0x33: {  	p0 =	seq.s32 s10, $0x1;
	s10 =	sld [smem:$0x3FB5];
	_ =	sdelay $0x3  }
0x34: {  	[smem:$0x3FB5] =	sst s10  }
0x35: {  	s10 =	sld [smem:$0x3FB4];
	_ =	sdelay $0x3  }
0x36: {  	p1 =	seq.s32 s10, $0x1;
	s10 =	sld [smem:$0x3FB5];
	_ =	sdelay $0x3  }
0x37: {  	[smem:$0x3FB5] =	sst s10  }
0x38: {  	s10 =	sld [smem:$0x3FB6]  }
0x39: {  	_ = 	snop;
	(pc) =	sbr.ind lr, $3  }
0x3a: {  	_ = 	snop  }
0x3b: {  	_ = 	snop  }
0x3c: {  	p2 =	seq.s32 s10, $0x1;
	s10 =	sld [smem:$0x3FB5]  }
0x3d: {  	_ =	shalt  }
0x3e: {  	_ =	shalt  }
0x3f: {  	_ =	shalt  }
0x40: {  	_ =	shalt  }
0x41: {  	_ =	shalt  }
0x42: {  	_ =	shalt  }
0x43: {  	_ =	shalt  }
0x44: {  	_ =	shalt  }
0x45: {  	_ =	shalt  }
0x46: {  	_ =	shalt  }
0x47: {  	_ =	shalt  }
0x48: {  	_ =	shalt  }
0x49: {  	_ =	shalt  }
0x4a: {  	_ =	shalt  }
0x4b: {  	_ =	shalt  }
0x4c: {  	_ =	shalt  }
0x4d: {  	_ =	shalt  }
0x4e: {  	_ =	shalt  }
0x4f: {  	_ =	shalt  }
0x50: {  	_ =	shalt  }
0x51: {  	_ =	shalt  }
0x52: {  	_ =	shalt  }
0x53: {  	_ =	shalt  }
0x54: {  	_ =	shalt  }
0x55: {  	_ =	shalt  }
0x56: {  	_ =	shalt  }
0x57: {  	_ =	shalt  }
0x58: {  	_ =	shalt  }
0x59: {  	_ =	shalt  }
0x5a: {  	_ =	shalt  }
0x5b: {  	_ =	shalt  }
0x5c: {  	_ =	shalt  }
0x5d: {  	_ =	shalt  }
0x5e: {  	_ =	shalt  }
0x5f: {  	_ =	shalt  }
0x60: {  	_ =	shalt  }
0x61: {  	_ =	shalt  }
0x62: {  	_ =	shalt  }
0x63: {  	_ =	shalt  }
0x64: {  	_ =	shalt  }
0x65: {  	_ =	shalt  }
0x66: {  	_ =	shalt  }
0x67: {  	_ =	shalt  }
0x68: {  	_ =	shalt  }
0x69: {  	_ =	shalt  }
0x6a: {  	_ =	shalt  }
0x6b: {  	_ =	shalt  }
0x6c: {  	_ =	shalt  }
0x6d: {  	_ =	shalt  }
0x6e: {  	_ =	shalt  }
0x6f: {  	_ =	shalt  }
0x70: {  	_ =	shalt  }
0x71: {  	_ =	shalt  }
0x72: {  	_ =	shalt  }
0x73: {  	_ =	shalt  }
0x74: {  	_ =	shalt  }
0x75: {  	_ =	shalt  }
0x76: {  	_ =	shalt  }
0x77: {  	_ =	shalt  }
0x78: {  	_ =	shalt  }
0x79: {  	_ =	shalt  }
0x7a: {  	_ =	shalt  }
0x7b: {  	_ =	shalt  }
0x7c: {  	_ =	shalt  }
0x7d: {  	_ =	shalt  }
0x7e: {  	_ =	shalt  }
0x7f: {  	_ =	shalt  }
0x80: {  	_ =	shalt  }
0x81: {  	_ =	shalt  }
0x82: {  	_ =	shalt  }
0x83: {  	_ =	shalt  }
0x84: {  	_ =	shalt  }
0x85: {  	_ =	shalt  }
0x86: {  	_ =	shalt  }
0x87: {  	_ =	shalt  }
.Lfunc_end0:
.L_simem_size_0:
called_computation.1_lowered:
.L_overlay_start_0:
0x88: {  	s2 =	sld [smem:$0x3FD9]  }
0x89: {  	s3 =	sld [smem:$0x3FFE];
	_ =	sdelay $0x1  }
0x8a: {  	s1 =	srdreg.scid  }
0x8b: {  	s0 =	sand.u32 $0x1, s1  }
0x8c: {  	s17 =	sshll.u32 s0, $0xA;
	s2 =	sadd.s32 s3, s2  }
0x8d: {  	s2 =	sadd.s32 s2, s17  }
0x8e: {  	[smem:$0x3FC1] =	sst s2  }
0x8f: {  	_ = 	snop  }
0x90: {  	s2 =	sld [smem:$0x3FC7]  }
0x91: {  	s18 =	sld [smem:$0x3FD0];
	(tm) =	ssettm $0x1  }
0x92: {  	s4 =	sld [smem:$0x3FFB];
	_ =	sdelay $0x3  }
0x93: {  	_ =	strace s4  }
0x94: {  	s4 =	sld [smem:$0x3FFC];
	_ =	sdelay $0x3  }
0x95: {  	_ =	strace s4  }
0x96: {  	s4 =	sld [smem:$0x3FFD];
	_ =	sdelay $0x3  }
0x97: {  	_ =	strace s4  }
0x98: {  	_ =	strace $0x8FFFFFFF  }
0x99: {  	s19 =	sld [smem:$0x3FDB];
	_ =	sdelay $0x1  }
0x9a: {  	s5 =	simm.s32 $_scs_section_size  }
0x9b: {  	s6 =	simm.s32 $_size__tile_overlayer_lowered;
	s7 =	simm.s32 $_tile_overlayer_lowered  }
0x9c: {  	s22 =	simm.s32 $0x1BFF;
	s21 =	sshll.u32 s7, $0x1;
	s4 =	sadd.s32 s5, s19  }
0x9d: {  	s8 =	simm.s32 $0x0;
	s20 =	sshll.u32 s6, $0x1;
	s6 =	sadd.s32 s21, s4  }
0x9e: {  	[timem:s8], [sflag:s22] =	dma.local [hbm:s6], s20  }
0x9f: {  	_ =	swait.ge [sflag:s22], s20  }
0xa0: {  	s5 =	ssub.s32 $0x0, s20;
	[sflag:s22] =	ssyncset.done $0x0  }
0xa1: {  	[sflag:s22] =	ssyncadd.s32 s5;
	_ =	sdelay $0x1  }
0xa2: {  	s23 =	simm.s32 $0x1B8B  }
0xa3: {  	_ =	swait.ge [sflag:s23], $0x1  }
0xa4: {  	[sflag:s23] =	ssyncset.done $0x0  }
0xa5: {  	s25 =	simm.s32 $0x1B8E;
	s24 =	sld [smem:$0x3FFE];
	[sflag:s23] =	ssyncadd.s32 $0xFFFFFFFF  }
0xa6: {  	s26 =	simm.s32 $execute0_lowered;
	[smem:$0x3FD2] =	sst s25  }
0xa7: {  	s6 =	sshll.u32 s26, $0x1;
	_ =	strace $0x80000049;
	[dreg:$0x1] =	wrdreg $0xFFFFFFFF  }
0xa8: {  	s28 =	simm.s32 $_size_execute0_lowered;
	s4 =	sadd.s32 s4, s6;
	[dreg:$0x0] =	wrdreg $0x0  }
0xa9: {  	s6 =	sshll.u32 s28, $0x1;
	[dreg:$0x2] =	wrdreg s4  }
0xaa: {  	[dreg:$0x3] =	wrdreg s6  }
0xab: {  	[dreg:$0x4] =	wrdreg $0xC0  }
0xac: {  	_ =	task [dreg:s8], $0x5FFFF  }
0xad: {  	[dreg:$0x1] =	wrdreg $0xFFFFFFFF  }
0xae: {  	[dreg:$0x0] =	wrdreg $0x60  }
0xaf: {  	[dreg:$0x2] =	wrdreg s18  }
0xb0: {  	[dreg:$0x3] =	wrdreg s24  }
0xb1: {  	[dreg:$0x4] =	wrdreg s2  }
0xb2: {  	[dreg:$0x5] =	wrdreg $0xA2800  }
0xb3: {  	[dreg:$0x6] =	wrdreg $0x9  }
0xb4: {  	_ =	task.clear_ibuf [dreg:s8], $0x7FFFF;
	_ =	strace $0x90000049  }
0xb5: {  	s29 =	simm.s32 $0x9;
	_ =	strace $0x8000004B  }
0xb6: {  	_ =	swait.ge [sflag:s29], $0x1  }
0xb7: {  	[sflag:s29] =	ssyncadd.s32 $0xFFFFFFFF  }
0xb8: {  	_ =	strace $0x9000004B  }
0xb9: {  	_ =	sfence  }
0xba: {  	s30 =	sld [smem:$0x0];
	_ =	sdelay $0x2  }
0xbb: {  	s31 =	sshll.u32 s1, $0xD;
	s1 =	sshrl.u32 s1, $0x2  }
0xbc: {  	s3 =	sand.u32 $0x4000, s31;
	s1 =	sadd.s32 s1, s30  }
0xbd: {  	s0 =	sor.u32 s3, s0;
	s1 =	sshll.u32 s1, $0x11  }
0xbe: {  	s0 =	sor.u32 s1, s0  }
0xbf: {  	s0 =	sadd.s32 $0x8F2B, s0  }
0xc0: {  	[sflag:s0] =	ssyncadd.remote.s32 $0x1  }
0xc1: {  	_ =	sfence.sel $0xFFFF  }
0xc2: {  	[dreg:$0x0] =	wrdreg $0xFFFFFFFF;
	(pc) =	sbr.abs _section_cstart, $3  }
0xc3: {  	[dreg:$0x1] =	wrdreg $0xFFFFFFFF  }
0xc4: {  	_ =	task.clear_ibuf [dreg:s8], $0x2FFFF;
	_ =	strace $0x9FFFFFFF  }
0xc5: {  	(tm) =	ssettm $0x7FFFFFFF  }
tec
execute0_lowered:
.L_overlay_start_1:
0x0: {  	(tag) =	ssettag $0x1  }
0x1: {  	s1 =	rddreg [dreg:$0x0]  }
0x2: {  	s0 =	srdreg.scid;
	s2 =	rddreg [dreg:$0x1]  }
0x3: {  	s22 =	stileid.u32;
	s3 =	rddreg [dreg:$0x2];
	s6 =	simm.s32 $0x0  }
0x4: {  	s23 =	simm.s32 $0x50;
	s31 =	simm.s32 $0xA;
	s24 =	simm.s32 $0x5  }
0x5: {  	s25 =	simm.s32 $0x0;
	s0 =	sand.u32 $0x1, s0;
	s15 =	smul.u32 $0x13800, s22  }
0x6: {  	[smem:$0x7FF] =	sst s6;
	s11 =	smul.u32 $0x4E000, s22;
	s7 =	sadd.s32 $0xBC00, s2  }
0x7: {  	s18 =	sadd.s32 $0x3CC00, s2;
	p0 =	sne.s32 s22, $0xF;
	s4 =	sshll.u32 s0, $0x4  }
0x8: {  	s10 =	ssub.s32 $0x2, s0;
	s0 =	smul.u32 $0x138800, s0;
	s5 =	sor.u32 s22, s4  }
0x9: {  	s4 =	rddreg [dreg:$0x3];
	_ =	strace $0x8000004A;
	s9 =	sshrl.u32 s15, $0x3  }
0xa: {  	s13 =	sshrl.u32 s10, $0x1;
	s28 =	sshrl.u32 s11, $0x2;
	s5 =	smul.u32 $0x2710, s5  }
0xb: {  	s9 =	sadd.s32 s9, s2;
	s19 =	ssub.s32 s10, s13;
	s20 =	sadd.s32 s28, s4  }
0xc: {  	s21 =	sadd.s32 $0x138000, s4;
	s30 =	sadd.s32 s15, s0;
	s0 =	sshrl.u32 s0, $0x3  }
0xd: {  	s9 =	sadd.s32 $0x15A00, s9;
	s0 =	sadd.s32 s18, s0;
	s19 =	smax.u32 s19, $0x1  }
0xe: {  	s20 =	sshrl.u32 s20, $0x3;
	s21 =	sshrl.u32 @!p0 s21, $0x3;
	s8 =	sshrl.u32 s5, $0x3  }
0xf: {  	v0 =	vimm.s32 $0x0;
	[dreg:$0x5] =	wrdreg s9;
	s9 =	sshll.u32 s22, $0x6;
	s22 =	simm.s32 $0xB  }
0x10: {  	v1 =	vimm.s32 $0x1;
	v2 =	vimm.s32 $0x2;
	v3 =	vimm.s32 $0x3;
	s12 =	sadd.s32 s8, s2;
	s10 =	sor.u32 $0x1C0A, s9;
	s2 =	sadd.s32 $0x3CA00, s2  }
0x11: {  	v4 =	vimm.s32 $0x4;
	v5 =	vimm.s32 $0x5;
	v6 =	vimm.s32 $0x6;
	s13 =	sadd.s32 s7, s8;
	s14 =	sadd.s32 s3, s8;
	s29 =	sadd.s32 $0xA, s8  }
0x12: {  	v7 =	vimm.s32 $0x7;
	v8 =	vimm.s32 $0x8;
	v9 =	vimm.s32 $0x9;
	s8 =	sshrl.u32 s30, $0x3;
	[dreg:$0x6] =	wrdreg s2;
	s12 =	sadd.s32 $0x1E00, s12  }
0x13: {  	v10 =	vimm.s32 $0xA;
	v11 =	vimm.s32 $0xB;
	v12 =	vimm.s32 $0xC;
	s15 =	sadd.s32 s7, s29;
	s16 =	sadd.s32 s3, s29;
	s17 =	sadd.s32 s18, s8  }
0x14: {  	v13 =	vimm.s32 $0xD;
	v14 =	vimm.s32 $0xE;
	v15 =	vimm.s32 $0xF;
	s18 =	sadd.s32 $0x27000, s0;
	s2 =	simm.s32 $0x6;
	s0 =	simm.s32 $0x4  }
.LBB2_1:
0x15: {  	s8 =	rddreg [dreg:$0x5]  }
0x16: {  	[spmem:s20], [sflag:s10] =	dma.local [hbm:s8], $0x2700  }
0x17: {  	s8 =	rddreg [dreg:$0x6]  }
0x18: {  	[spmem:s21], [sflag:s10] =	dma.local @!p0 [hbm:s8], $0x100  }
0x19: {  	[tilespmem:s6], [sflag:$0xB] =	stream.linear.gather [hbm4b:s12+s6], $0x2710, $0x38;
	[tilespmem:$0x1DB00] =	vst v63  }
0x1a: {  	_ =	swait.ge [sflag:s22], $0x2710  }
0x1b: {  	[sflag:s22] =	ssyncset.done $0x0  }
0x1c: {  	s30 =	simm.s32 $0x2780;
	[sflag:s22] =	ssyncadd.s32 $0xFFFFD8F0  }
0x1d: {  	[tilespmem:s30], [sflag:$0x1] =	stream.indirect.gather [hbm4b:s1+s23], $0x80, s6, s23, $0xb8;
	[tilespmem:$0x1DB00] =	vst v63  }
0x1e: {  	s11 =	simm.s32 $0x9F80  }
0x1f: {  	[tilespmem:s11], [sflag:$0x7] =	stream.linear.gather [hbm4b:s13+s6], $0x50, $0x38;
	[tilespmem:$0x1DB00] =	vst v63  }
0x20: {  	s26 =	simm.s32 $0xA180  }
0x21: {  	[tilespmem:s26], [sflag:$0x7] =	stream.linear.gather [hbm4b:s14+s6], $0x50, $0x38;
	[tilespmem:$0x1DB00] =	vst v63  }
0x22: {  	s28 =	simm.s32 $0x4F80  }
0x23: {  	[tilespmem:s28], [sflag:$0x2] =	stream.indirect.gather [hbm4b:s1+s23], $0x80, s23, s23, $0xb8;
	[tilespmem:$0x1DB00] =	vst v63  }
0x24: {  	s29 =	simm.s32 $0xA000  }
0x25: {  	[tilespmem:s29], [sflag:$0x8] =	stream.linear.gather [hbm4b:s15+s6], $0x50, $0x38;
	[tilespmem:$0x1DB00] =	vst v63  }
0x26: {  	s30 =	simm.s32 $0xA1D0  }
0x27: {  	[tilespmem:s30], [sflag:$0x8] =	stream.linear.gather [hbm4b:s16+s6], $0x50, $0x38;
	[tilespmem:$0x1DB00] =	vst v63  }
0x28: {  	_ =	swait.ge [sflag:s31], $0x2700  }
0x29: {  	[sflag:s31] =	ssyncset.done $0x0  }
0x2a: {  	s8 =	simm.s32 @!p0 $0xA;
	[sflag:s31] =	ssyncadd.s32 $0xFFFFD900  }
0x2b: {  	_ =	swait.ge @!p0 [sflag:s8], $0x100  }
0x2c: {  	[sflag:s8] =	ssyncset.done @!p0 $0x0  }
0x2d: {  	[sflag:s8] =	ssyncadd.s32 @!p0 $0xFFFFFF00  }
0x2e: {  	s26 =	simm.s32 $0x0;
	[bflag:$0x0] =	sbarrier.arrive $0xFFFF  }
.LBB2_2:
0x2f: {  	s8 =	smul.u32 $0xAB, s26;
	_ =	sdelay $0x1  }
0x30: {  	s8 =	sshrl.u32 s8, $0x9  }
0x31: {  	s8 =	sand.u32 $0x7F, s8  }
0x32: {  	s8 =	smul.u32 $0x3, s8;
	_ =	sdelay $0x1  }
0x33: {  	s29 =	ssub.s32 s26, s8  }
0x34: {  	s28 =	sand.u32 $0xFF, s29  }
0x35: {  	p3 =	seq.s32 s28, $0x0  }
0x36: {  	s8 =	sand.u32 @!p3 $0xFF, s29  }
0x37: {  	p4 =	seq.s32 @!p3 s8, $0x1  }
0x38: {  	s30 =	simm.s32 @!p3 $0x2;
	p1 =	por !p4, p3  }
0x39: {  	s30 =	simm.s32 @p1 $0x3  }
0x3a: {  	s30 =	simm.s32 @p3 $0x1  }
0x3b: {  	s11 =	simm.s32 @!p3 $0x8;
	_ =	swait.ge [sflag:s30], $0x2800  }
0x3c: {  	s29 =	smul.u32 $0x50, s29;
	s11 =	simm.s32 @p1 $0x9;
	[sflag:s30] =	ssyncset.done $0x0  }
0x3d: {  	s11 =	simm.s32 @p3 $0x7;
	[sflag:s30] =	ssyncadd.s32 $0xFFFFD800  }
0x3e: {  	s29 =	sand.u32 $0xF0, s29;
	_ =	swait.ge [sflag:s11], $0x50  }
0x3f: {  	v16 =	vmov s29;
	[sflag:s11] =	ssyncset.done $0x0  }
0x40: {  	[sflag:s11] =	ssyncadd.s32 $0xFFFFFFB0  }
0x41: {  	_ =	swait.ge [sflag:s11], $0x50  }
0x42: {  	[sflag:s11] =	ssyncset.done $0x0  }
0x43: {  	s30 =	sadd.s32 $0x0, s29;
	[sflag:s11] =	ssyncadd.s32 $0xFFFFFFB0;
	s11 =	simm.s32 $0x0  }
0x44: {  	v17 =	vld.idx.msk [tilespmem:v16+s11+$0xA180 ss:$0x1], $0xffff;
	s11 =	sshll.u32 s30, $0x7  }
0x45: {  	s30 =	sand.u32 $0x3FFFFF80, s11  }
0x46: {  	v18 =	vld [tilespmem:s30+$0x2780]  }
0x47: {  	v19 =	vld [tilespmem:s30+$0x2790]  }
0x48: {  	v20 =	vld [tilespmem:s30+$0x27A0]  }
0x49: {  	v22 =	vld [tilespmem:s30+$0x27B0];
	v21 =	vperm.xlane v17, v0  }
0x4a: {  	v23 =	vld [tilespmem:s30+$0x27C0]  }
0x4b: {  	v24 =	vld [tilespmem:s30+$0x27D0];
	v18 =	vmul.f32 v18, v21  }
0x4c: {  	v25 =	vld [tilespmem:s30+$0x27E0];
	v19 =	vmul.f32 v19, v21  }
0x4d: {  	v35 =	vld [tilespmem:s30+$0x2810];
	v20 =	vmul.f32 v20, v21;
	[tilespmem:s30+$0x2780] =	vst v18  }
0x4e: {  	v22 =	vmul.f32 v22, v21;
	v18 =	vld [tilespmem:s30+$0x27F0];
	[tilespmem:s30+$0x2790] =	vst v19  }
0x4f: {  	v23 =	vmul.f32 v23, v21;
	v19 =	vld [tilespmem:s30+$0x2800];
	[tilespmem:s30+$0x27A0] =	vst v20  }
0x50: {  	v36 =	vld [tilespmem:s30+$0x2820];
	v26 =	vperm.xlane v17, v1;
	v24 =	vmul.f32 v24, v21;
	[tilespmem:s30+$0x27B0] =	vst v22  }
0x51: {  	v37 =	vld [tilespmem:s30+$0x2830];
	v25 =	vmul.f32 v25, v21;
	[tilespmem:s30+$0x27C0] =	vst v23  }
0x52: {  	v38 =	vld [tilespmem:s30+$0x2840];
	[tilespmem:s30+$0x27D0] =	vst v24;
	v20 =	vmul.f32 v35, v26  }
0x53: {  	v40 =	vld [tilespmem:s30+$0x2880];
	[tilespmem:s30+$0x27E0] =	vst v25;
	v18 =	vmul.f32 v18, v21  }
0x54: {  	v41 =	vld [tilespmem:s30+$0x2890];
	[tilespmem:s30+$0x2810] =	vst v20;
	v19 =	vmul.f32 v19, v26  }
0x55: {  	v22 =	vmul.f32 v36, v26;
	[tilespmem:s30+$0x27F0] =	vst v18;
	v18 =	vld [tilespmem:s30+$0x2860]  }
0x56: {  	v45 =	vperm.xlane v17, v2;
	v23 =	vmul.f32 v37, v26;
	[tilespmem:s30+$0x2800] =	vst v19;
	v19 =	vld [tilespmem:s30+$0x2870]  }
0x57: {  	v42 =	vld [tilespmem:s30+$0x28A0];
	v24 =	vmul.f32 v38, v26;
	[tilespmem:s30+$0x2820] =	vst v22  }
0x58: {  	v43 =	vld [tilespmem:s30+$0x28B0];
	[tilespmem:s30+$0x2830] =	vst v23;
	v20 =	vmul.f32 v40, v45  }
0x59: {  	v46 =	vld [tilespmem:s30+$0x28F0];
	[tilespmem:s30+$0x2840] =	vst v24;
	v22 =	vmul.f32 v41, v45  }
0x5a: {  	v47 =	vld [tilespmem:s30+$0x2900];
	[tilespmem:s30+$0x2880] =	vst v20;
	v18 =	vmul.f32 v18, v26  }
0x5b: {  	v48 =	vld [tilespmem:s30+$0x2910];
	[tilespmem:s30+$0x2890] =	vst v22;
	v19 =	vmul.f32 v19, v26  }
0x5c: {  	v23 =	vmul.f32 v42, v45;
	[tilespmem:s30+$0x2860] =	vst v18;
	v18 =	vld [tilespmem:s30+$0x28D0]  }
0x5d: {  	v51 =	vperm.xlane v17, v3;
	v24 =	vmul.f32 v43, v45;
	[tilespmem:s30+$0x2870] =	vst v19;
	v19 =	vld [tilespmem:s30+$0x28E0]  }
0x5e: {  	v49 =	vld [tilespmem:s30+$0x2920];
	[tilespmem:s30+$0x28A0] =	vst v23;
	v20 =	vmul.f32 v46, v45  }
0x5f: {  	v39 =	vld [tilespmem:s30+$0x2850];
	[tilespmem:s30+$0x28B0] =	vst v24;
	v22 =	vmul.f32 v47, v51  }
0x60: {  	v52 =	vld [tilespmem:s30+$0x2960];
	v23 =	vmul.f32 v48, v51;
	[tilespmem:s30+$0x28F0] =	vst v20  }
0x61: {  	v53 =	vld [tilespmem:s30+$0x2970];
	[tilespmem:s30+$0x2900] =	vst v22;
	v18 =	vmul.f32 v18, v45  }
0x62: {  	v54 =	vld [tilespmem:s30+$0x2980];
	[tilespmem:s30+$0x2910] =	vst v23;
	v19 =	vmul.f32 v19, v45  }
0x63: {  	v24 =	vmul.f32 v49, v51;
	[tilespmem:s30+$0x28D0] =	vst v18;
	v18 =	vld [tilespmem:s30+$0x2940]  }
0x64: {  	v21 =	vmul.f32 v39, v26;
	[tilespmem:s30+$0x28E0] =	vst v19;
	v19 =	vld [tilespmem:s30+$0x2950]  }
0x65: {  	v55 =	vld [tilespmem:s30+$0x2990];
	v57 =	vperm.xlane v17, v4;
	[tilespmem:s30+$0x2920] =	vst v24;
	v20 =	vmul.f32 v52, v51  }
0x66: {  	v44 =	vld [tilespmem:s30+$0x28C0];
	v22 =	vmul.f32 v53, v51;
	[tilespmem:s30+$0x2850] =	vst v21  }
0x67: {  	v58 =	vld [tilespmem:s30+$0x29D0];
	v23 =	vmul.f32 v54, v57;
	[tilespmem:s30+$0x2960] =	vst v20  }
0x68: {  	v59 =	vld [tilespmem:s30+$0x29E0];
	[tilespmem:s30+$0x2970] =	vst v22;
	v18 =	vmul.f32 v18, v51  }
0x69: {  	v60 =	vld [tilespmem:s30+$0x29F0];
	[tilespmem:s30+$0x2980] =	vst v23;
	v19 =	vmul.f32 v19, v51  }
0x6a: {  	v24 =	vmul.f32 v55, v57;
	[tilespmem:s30+$0x2940] =	vst v18;
	v18 =	vld [tilespmem:s30+$0x29B0]  }
0x6b: {  	v21 =	vmul.f32 v44, v45;
	[tilespmem:s30+$0x2950] =	vst v19;
	v19 =	vld [tilespmem:s30+$0x29C0]  }
0x6c: {  	v61 =	vld [tilespmem:s30+$0x2A00];
	[tilespmem:s30+$0x2990] =	vst v24;
	v20 =	vmul.f32 v58, v57  }
0x6d: {  	v50 =	vld [tilespmem:s30+$0x2930];
	v22 =	vmul.f32 v59, v57;
	[tilespmem:s30+$0x28C0] =	vst v21  }
0x6e: {  	v63 =	vld [tilespmem:s30+$0x2A40];
	v23 =	vmul.f32 v60, v57;
	[tilespmem:s30+$0x29D0] =	vst v20  }
0x6f: {  	v29 =	vld [tilespmem:s30+$0x2A50];
	v28 =	vperm.xlane v17, v5;
	[tilespmem:s30+$0x29E0] =	vst v22;
	v18 =	vmul.f32 v18, v57  }
0x70: {  	v30 =	vld [tilespmem:s30+$0x2A60];
	[tilespmem:s30+$0x29F0] =	vst v23;
	v19 =	vmul.f32 v19, v57  }
0x71: {  	v24 =	vmul.f32 v61, v28;
	[tilespmem:s30+$0x29B0] =	vst v18;
	v18 =	vld [tilespmem:s30+$0x2A20]  }
0x72: {  	v21 =	vmul.f32 v50, v51;
	[tilespmem:s30+$0x29C0] =	vst v19;
	v19 =	vld [tilespmem:s30+$0x2A30]  }
0x73: {  	v31 =	vld [tilespmem:s30+$0x2A70];
	[tilespmem:s30+$0x2A00] =	vst v24;
	v20 =	vmul.f32 v63, v28  }
0x74: {  	v56 =	vld [tilespmem:s30+$0x29A0];
	v22 =	vmul.f32 v29, v28;
	[tilespmem:s30+$0x2930] =	vst v21  }
0x75: {  	v33 =	vld [tilespmem:s30+$0x2AB0];
	v23 =	vmul.f32 v30, v28;
	[tilespmem:s30+$0x2A40] =	vst v20  }
0x76: {  	v34 =	vld [tilespmem:s30+$0x2AC0];
	[tilespmem:s30+$0x2A50] =	vst v22;
	v18 =	vmul.f32 v18, v28  }
0x77: {  	v36 =	vld [tilespmem:s30+$0x2AD0];
	[tilespmem:s30+$0x2A60] =	vst v23;
	v19 =	vmul.f32 v19, v28  }
0x78: {  	v35 =	vperm.xlane v17, v6;
	v24 =	vmul.f32 v31, v28;
	[tilespmem:s30+$0x2A20] =	vst v18;
	v18 =	vld [tilespmem:s30+$0x2A90]  }
0x79: {  	v21 =	vmul.f32 v56, v57;
	[tilespmem:s30+$0x2A30] =	vst v19;
	v19 =	vld [tilespmem:s30+$0x2AA0]  }
0x7a: {  	v37 =	vld [tilespmem:s30+$0x2AE0];
	[tilespmem:s30+$0x2A70] =	vst v24;
	v20 =	vmul.f32 v33, v35  }
0x7b: {  	v62 =	vld [tilespmem:s30+$0x2A10];
	v22 =	vmul.f32 v34, v35;
	[tilespmem:s30+$0x29A0] =	vst v21  }
0x7c: {  	v39 =	vld [tilespmem:s30+$0x2B20];
	v23 =	vmul.f32 v36, v35;
	[tilespmem:s30+$0x2AB0] =	vst v20  }
0x7d: {  	v40 =	vld [tilespmem:s30+$0x2B30];
	[tilespmem:s30+$0x2AC0] =	vst v22;
	v18 =	vmul.f32 v18, v35  }
0x7e: {  	v41 =	vld [tilespmem:s30+$0x2B40];
	[tilespmem:s30+$0x2AD0] =	vst v23;
	v19 =	vmul.f32 v19, v35  }
0x7f: {  	v42 =	vperm.xlane v17, v7;
	v24 =	vmul.f32 v37, v35;
	[tilespmem:s30+$0x2A90] =	vst v18;
	v18 =	vld [tilespmem:s30+$0x2B00]  }
0x80: {  	v21 =	vmul.f32 v62, v28;
	[tilespmem:s30+$0x2AA0] =	vst v19;
	v19 =	vld [tilespmem:s30+$0x2B10]  }
0x81: {  	v43 =	vld [tilespmem:s30+$0x2B50];
	[tilespmem:s30+$0x2AE0] =	vst v24;
	v20 =	vmul.f32 v39, v42  }
0x82: {  	v32 =	vld [tilespmem:s30+$0x2A80];
	v22 =	vmul.f32 v40, v42;
	[tilespmem:s30+$0x2A10] =	vst v21  }
0x83: {  	v46 =	vld [tilespmem:s30+$0x2BA0];
	v23 =	vmul.f32 v41, v42;
	[tilespmem:s30+$0x2B20] =	vst v20  }
0x84: {  	v47 =	vld [tilespmem:s30+$0x2BB0];
	[tilespmem:s30+$0x2B30] =	vst v22;
	v18 =	vmul.f32 v18, v42  }
0x85: {  	v48 =	vld [tilespmem:s30+$0x2BC0];
	[tilespmem:s30+$0x2B40] =	vst v23;
	v19 =	vmul.f32 v19, v42  }
0x86: {  	v49 =	vperm.xlane v17, v8;
	v24 =	vmul.f32 v43, v42;
	[tilespmem:s30+$0x2B00] =	vst v18;
	v18 =	vld [tilespmem:s30+$0x2B70]  }
0x87: {  	v21 =	vmul.f32 v32, v35;
	[tilespmem:s30+$0x2B10] =	vst v19;
	v19 =	vld [tilespmem:s30+$0x2B80]  }
0x88: {  	v38 =	vld [tilespmem:s30+$0x2AF0];
	[tilespmem:s30+$0x2B50] =	vst v24;
	v22 =	vmul.f32 v46, v49  }
0x89: {  	v52 =	vld [tilespmem:s30+$0x2C10];
	v23 =	vmul.f32 v47, v49;
	[tilespmem:s30+$0x2A80] =	vst v21  }
0x8a: {  	v53 =	vld [tilespmem:s30+$0x2C20];
	v24 =	vmul.f32 v48, v49;
	[tilespmem:s30+$0x2BA0] =	vst v22  }
0x8b: {  	v54 =	vld [tilespmem:s30+$0x2C30];
	[tilespmem:s30+$0x2BB0] =	vst v23;
	v18 =	vmul.f32 v18, v42  }
0x8c: {  	v44 =	vld [tilespmem:s30+$0x2B60];
	v56 =	vperm.xlane v17, v9;
	[tilespmem:s30+$0x2BC0] =	vst v24;
	v19 =	vmul.f32 v19, v49  }
0x8d: {  	v21 =	vmul.f32 v38, v35;
	[tilespmem:s30+$0x2B70] =	vst v18;
	v18 =	vld [tilespmem:s30+$0x2BE0]  }
0x8e: {  	v22 =	vmul.f32 v52, v56;
	[tilespmem:s30+$0x2B80] =	vst v19;
	v19 =	vld [tilespmem:s30+$0x2BF0]  }
0x8f: {  	v58 =	vld [tilespmem:s30+$0x2C80];
	v23 =	vmul.f32 v53, v56;
	[tilespmem:s30+$0x2AF0] =	vst v21  }
0x90: {  	v59 =	vld [tilespmem:s30+$0x2C90];
	v24 =	vmul.f32 v54, v56;
	[tilespmem:s30+$0x2C10] =	vst v22  }
0x91: {  	v60 =	vld [tilespmem:s30+$0x2CA0];
	v21 =	vmul.f32 v44, v42;
	[tilespmem:s30+$0x2C20] =	vst v23  }
0x92: {  	v50 =	vld [tilespmem:s30+$0x2BD0];
	v62 =	vperm.xlane v17, v10;
	[tilespmem:s30+$0x2C30] =	vst v24;
	v18 =	vmul.f32 v18, v49  }
0x93: {  	v29 =	vld [tilespmem:s30+$0x2D00];
	[tilespmem:s30+$0x2B60] =	vst v21;
	v19 =	vmul.f32 v19, v49  }
0x94: {  	v22 =	vmul.f32 v58, v62;
	[tilespmem:s30+$0x2BE0] =	vst v18;
	v18 =	vld [tilespmem:s30+$0x2C50]  }
0x95: {  	v23 =	vmul.f32 v59, v62;
	[tilespmem:s30+$0x2BF0] =	vst v19;
	v19 =	vld [tilespmem:s30+$0x2C60]  }
0x96: {  	v30 =	vld [tilespmem:s30+$0x2D10];
	v32 =	vperm.xlane v17, v11;
	v24 =	vmul.f32 v60, v62;
	[tilespmem:s30+$0x2C80] =	vst v22  }
0x97: {  	v55 =	vld [tilespmem:s30+$0x2C40];
	v21 =	vmul.f32 v50, v49;
	[tilespmem:s30+$0x2C90] =	vst v23  }
0x98: {  	v45 =	vld [tilespmem:s30+$0x2B90];
	[tilespmem:s30+$0x2CA0] =	vst v24;
	v23 =	vmul.f32 v29, v32  }
0x99: {  	v36 =	vld [tilespmem:s30+$0x2D80];
	[tilespmem:s30+$0x2BD0] =	vst v21;
	v18 =	vmul.f32 v18, v56  }
0x9a: {  	v61 =	vld [tilespmem:s30+$0x2CB0];
	[tilespmem:s30+$0x2D00] =	vst v23;
	v19 =	vmul.f32 v19, v56  }
0x9b: {  	v24 =	vmul.f32 v30, v32;
	[tilespmem:s30+$0x2C50] =	vst v18;
	v18 =	vld [tilespmem:s30+$0x2CC0]  }
0x9c: {  	v39 =	vperm.xlane v17, v12;
	v21 =	vmul.f32 v55, v56;
	[tilespmem:s30+$0x2C60] =	vst v19;
	v19 =	vld [tilespmem:s30+$0x2CD0]  }
0x9d: {  	v20 =	vmul.f32 v45, v49;
	[tilespmem:s30+$0x2D10] =	vst v24;
	v51 =	vld [tilespmem:s30+$0x2C00]  }
0x9e: {  	v31 =	vld [tilespmem:s30+$0x2D20];
	v24 =	vmul.f32 v36, v39;
	[tilespmem:s30+$0x2C40] =	vst v21  }
0x9f: {  	v21 =	vmul.f32 v61, v62;
	[tilespmem:s30+$0x2B90] =	vst v20;
	v57 =	vld [tilespmem:s30+$0x2C70]  }
0xa0: {  	v37 =	vld [tilespmem:s30+$0x2D90];
	[tilespmem:s30+$0x2D80] =	vst v24;
	v18 =	vmul.f32 v18, v62  }
0xa1: {  	v63 =	vld [tilespmem:s30+$0x2CE0];
	[tilespmem:s30+$0x2CB0] =	vst v21;
	v19 =	vmul.f32 v19, v62  }
0xa2: {  	v20 =	vmul.f32 v51, v56;
	[tilespmem:s30+$0x2CC0] =	vst v18;
	v18 =	vld [tilespmem:s30+$0x2D30]  }
0xa3: {  	v21 =	vmul.f32 v31, v32;
	[tilespmem:s30+$0x2CD0] =	vst v19;
	v19 =	vld [tilespmem:s30+$0x2D40]  }
0xa4: {  	v43 =	vld [tilespmem:s30+$0x2E00];
	[tilespmem:s30+$0x2C00] =	vst v20;
	v20 =	vmul.f32 v57, v56  }
0xa5: {  	v33 =	vld [tilespmem:s30+$0x2D50];
	[tilespmem:s30+$0x2D20] =	vst v21;
	v21 =	vmul.f32 v37, v39  }
0xa6: {  	v61 =	vld [tilespmem:s30+$0x2EE0];
	[tilespmem:s30+$0x2C70] =	vst v20;
	v20 =	vmul.f32 v63, v62  }
0xa7: {  	v46 =	vperm.xlane v17, v13;
	v38 =	vld [tilespmem:s30+$0x2DC0];
	[tilespmem:s30+$0x2D90] =	vst v21;
	v18 =	vmul.f32 v18, v32  }
0xa8: {  	v28 =	vld [tilespmem:s30+$0x2CF0];
	[tilespmem:s30+$0x2CE0] =	vst v20;
	v19 =	vmul.f32 v19, v32  }
0xa9: {  	v53 =	vperm.xlane v17, v14;
	v21 =	vmul.f32 v43, v46;
	[tilespmem:s30+$0x2D30] =	vst v18;
	v18 =	vld [tilespmem:s30+$0x2DA0]  }
0xaa: {  	v20 =	vmul.f32 v33, v32;
	[tilespmem:s30+$0x2D40] =	vst v19;
	v19 =	vld [tilespmem:s30+$0x2DB0]  }
0xab: {  	v44 =	vld [tilespmem:s30+$0x2E30];
	[tilespmem:s30+$0x2E00] =	vst v21;
	v63 =	vmul.f32 v61, v53  }
0xac: {  	v34 =	vld [tilespmem:s30+$0x2D60];
	[tilespmem:s30+$0x2D50] =	vst v20;
	v20 =	vmul.f32 v38, v39  }
0xad: {  	v50 =	vld [tilespmem:s30+$0x2EA0];
	[tilespmem:s30+$0x2EE0] =	vst v63;
	v22 =	vmul.f32 v28, v62  }
0xae: {  	v40 =	vld [tilespmem:s30+$0x2DD0];
	[tilespmem:s30+$0x2DC0] =	vst v20;
	v18 =	vmul.f32 v18, v39  }
0xaf: {  	[tilespmem:s30+$0x2CF0] =	vst v22;
	v35 =	vld [tilespmem:s30+$0x2D70];
	v19 =	vmul.f32 v19, v39  }
0xb0: {  	v20 =	vmul.f32 v44, v46;
	[tilespmem:s30+$0x2DA0] =	vst v18;
	v18 =	vld [tilespmem:s30+$0x2E10]  }
0xb1: {  	v22 =	vmul.f32 v34, v32;
	[tilespmem:s30+$0x2DB0] =	vst v19;
	v19 =	vld [tilespmem:s30+$0x2E20]  }
0xb2: {  	v45 =	vld [tilespmem:s30+$0x2E40];
	[tilespmem:s30+$0x2E30] =	vst v20;
	v20 =	vmul.f32 v50, v53  }
0xb3: {  	v41 =	vld [tilespmem:s30+$0x2DE0];
	[tilespmem:s30+$0x2D60] =	vst v22;
	v22 =	vmul.f32 v40, v39  }
0xb4: {  	v51 =	vld [tilespmem:s30+$0x2EB0];
	[tilespmem:s30+$0x2EA0] =	vst v20;
	v23 =	vmul.f32 v35, v32  }
0xb5: {  	v47 =	vld [tilespmem:s30+$0x2E50];
	[tilespmem:s30+$0x2DD0] =	vst v22;
	v18 =	vmul.f32 v18, v46  }
0xb6: {  	[tilespmem:s30+$0x2D70] =	vst v23;
	v42 =	vld [tilespmem:s30+$0x2DF0];
	v19 =	vmul.f32 v19, v46  }
0xb7: {  	v22 =	vmul.f32 v45, v46;
	[tilespmem:s30+$0x2E10] =	vst v18;
	v18 =	vld [tilespmem:s30+$0x2E80]  }
0xb8: {  	v23 =	vmul.f32 v41, v39;
	[tilespmem:s30+$0x2E20] =	vst v19;
	v19 =	vld [tilespmem:s30+$0x2E90]  }
0xb9: {  	v52 =	vld [tilespmem:s30+$0x2EC0];
	[tilespmem:s30+$0x2E40] =	vst v22;
	v22 =	vmul.f32 v51, v53  }
0xba: {  	v48 =	vld [tilespmem:s30+$0x2E60];
	[tilespmem:s30+$0x2DE0] =	vst v23;
	v23 =	vmul.f32 v47, v46  }
0xbb: {  	[tilespmem:s30+$0x2EB0] =	vst v22;
	v24 =	vmul.f32 v42, v39;
	v49 =	vld [tilespmem:s30+$0x2E70]  }
0xbc: {  	v54 =	vld [tilespmem:s30+$0x2ED0];
	[tilespmem:s30+$0x2E50] =	vst v23;
	v18 =	vmul.f32 v18, v53  }
0xbd: {  	v55 =	vld [tilespmem:s30+$0x2EF0];
	[tilespmem:s30+$0x2DF0] =	vst v24;
	v19 =	vmul.f32 v19, v53  }
0xbe: {  	v23 =	vmul.f32 v52, v53;
	[tilespmem:s30+$0x2E80] =	vst v18;
	v18 =	vld [tilespmem:s30+$0x2F00]  }
0xbf: {  	v24 =	vmul.f32 v48, v46;
	[tilespmem:s30+$0x2E90] =	vst v19;
	v19 =	vld [tilespmem:s30+$0x2F10]  }
0xc0: {  	[tilespmem:s30+$0x2EC0] =	vst v23;
	v21 =	vmul.f32 v49, v46;
	v56 =	vld [tilespmem:s30+$0x2F20]  }
0xc1: {  	v17 =	vperm.xlane v17, v15;
	v57 =	vld [tilespmem:s30+$0x2F30];
	[tilespmem:s30+$0x2E60] =	vst v24;
	v24 =	vmul.f32 v54, v53  }
0xc2: {  	v58 =	vld [tilespmem:s30+$0x2F40];
	[tilespmem:s30+$0x2E70] =	vst v21;
	v21 =	vmul.f32 v55, v53  }
0xc3: {  	v59 =	vld [tilespmem:s30+$0x2F50];
	[tilespmem:s30+$0x2ED0] =	vst v24;
	v18 =	vmul.f32 v18, v17  }
0xc4: {  	v60 =	vld [tilespmem:s30+$0x2F60];
	[tilespmem:s30+$0x2EF0] =	vst v21;
	v19 =	vmul.f32 v19, v17  }
0xc5: {  	v62 =	vld [tilespmem:s30+$0x2F70];
	[tilespmem:s30+$0x2F00] =	vst v18;
	v18 =	vmul.f32 v56, v17  }
0xc6: {  	[tilespmem:s30+$0x2F10] =	vst v19;
	v19 =	vmul.f32 v57, v17  }
0xc7: {  	[tilespmem:s30+$0x2F20] =	vst v18;
	v18 =	vmul.f32 v58, v17  }
0xc8: {  	[tilespmem:s30+$0x2F30] =	vst v19;
	v19 =	vmul.f32 v59, v17  }
0xc9: {  	[tilespmem:s30+$0x2F40] =	vst v18;
	v18 =	vmul.f32 v60, v17  }
0xca: {  	p2 =	por $0x0, $0x0;
	p5 =	sne.s32 @!p3 s8, $0x1;
	p1 =	por $0x0, $0x0;
	[tilespmem:s30+$0x2F50] =	vst v19;
	v17 =	vmul.f32 v62, v17  }
0xcb: {  	s8 =	simm.s32 $0x1;
	p2 =	por @!p3 p4, p4;
	p1 =	por @!p3 p5, p5;
	[tilespmem:s30+$0x2F60] =	vst v18  }
.LBB2_3:
0xcc: {  	s11 =	sshll.u32 s8, $0x4;
	p3 =	sne.s32 s8, $0x4;
	s8 =	sadd.s32 $0x1, s8;
	[tilespmem:s30+$0x2F70] =	vst v17  }
0xcd: {  	s30 =	sadd.s32 s29, s11;
	v17 =	vld.idx.msk [tilespmem:v16+s11+$0xA180 ss:$0x1], $0xffff  }
0xce: {  	s11 =	sshll.u32 s30, $0x7  }
0xcf: {  	s30 =	sand.u32 $0x3FFFFF80, s11  }
0xd0: {  	v19 =	vld [tilespmem:s30+$0x2780]  }
0xd1: {  	v20 =	vld [tilespmem:s30+$0x2790]  }
0xd2: {  	v21 =	vld [tilespmem:s30+$0x27A0]  }
0xd3: {  	v22 =	vperm.xlane v17, v0;
	v18 =	vperm.xlane v17, v3;
	v23 =	vld [tilespmem:s30+$0x27B0]  }
0xd4: {  	v25 =	vperm.xlane v17, v1;
	v24 =	vld [tilespmem:s30+$0x27C0]  }
0xd5: {  	v19 =	vmul.f32 v19, v22;
	v26 =	vld [tilespmem:s30+$0x27D0]  }
0xd6: {  	v20 =	vmul.f32 v20, v22;
	v27 =	vld [tilespmem:s30+$0x27E0]  }
0xd7: {  	[tilespmem:s30+$0x2780] =	vst v19;
	v19 =	vmul.f32 v21, v22;
	v21 =	vld [tilespmem:s30+$0x27F0]  }
0xd8: {  	[tilespmem:s30+$0x2790] =	vst v20;
	v20 =	vmul.f32 v23, v22;
	v23 =	vld [tilespmem:s30+$0x2800]  }
0xd9: {  	[tilespmem:s30+$0x27A0] =	vst v19;
	v19 =	vmul.f32 v24, v22;
	v24 =	vld [tilespmem:s30+$0x2810]  }
0xda: {  	[tilespmem:s30+$0x27B0] =	vst v20;
	v20 =	vmul.f32 v26, v22;
	v26 =	vld [tilespmem:s30+$0x2820]  }
0xdb: {  	[tilespmem:s30+$0x27C0] =	vst v19;
	v19 =	vmul.f32 v27, v22;
	v27 =	vld [tilespmem:s30+$0x2830]  }
0xdc: {  	[tilespmem:s30+$0x27D0] =	vst v20;
	v20 =	vmul.f32 v21, v22;
	v21 =	vld [tilespmem:s30+$0x2840]  }
0xdd: {  	[tilespmem:s30+$0x27E0] =	vst v19;
	v19 =	vmul.f32 v23, v25;
	v22 =	vld [tilespmem:s30+$0x2850]  }
0xde: {  	[tilespmem:s30+$0x27F0] =	vst v20;
	v20 =	vmul.f32 v24, v25;
	v23 =	vld [tilespmem:s30+$0x2860]  }
0xdf: {  	[tilespmem:s30+$0x2800] =	vst v19;
	v19 =	vmul.f32 v26, v25;
	v24 =	vld [tilespmem:s30+$0x2870]  }
0xe0: {  	[tilespmem:s30+$0x2810] =	vst v20;
	v20 =	vmul.f32 v27, v25;
	v26 =	vld [tilespmem:s30+$0x2880]  }
0xe1: {  	[tilespmem:s30+$0x2820] =	vst v19;
	v19 =	vmul.f32 v21, v25;
	v21 =	vld [tilespmem:s30+$0x2890]  }
0xe2: {  	[tilespmem:s30+$0x2830] =	vst v20;
	v20 =	vmul.f32 v22, v25;
	v22 =	vld [tilespmem:s30+$0x28A0]  }
0xe3: {  	[tilespmem:s30+$0x2840] =	vst v19;
	v19 =	vmul.f32 v23, v25;
	v23 =	vperm.xlane v17, v2;
	v27 =	vld [tilespmem:s30+$0x28B0]  }
0xe4: {  	[tilespmem:s30+$0x2850] =	vst v20;
	v20 =	vmul.f32 v24, v25;
	v24 =	vld [tilespmem:s30+$0x28C0]  }
0xe5: {  	[tilespmem:s30+$0x2860] =	vst v19;
	v19 =	vmul.f32 v26, v23;
	v25 =	vld [tilespmem:s30+$0x28D0]  }
0xe6: {  	[tilespmem:s30+$0x2870] =	vst v20;
	v20 =	vmul.f32 v21, v23;
	v21 =	vld [tilespmem:s30+$0x28E0]  }
0xe7: {  	[tilespmem:s30+$0x2880] =	vst v19;
	v19 =	vmul.f32 v22, v23;
	v22 =	vld [tilespmem:s30+$0x28F0]  }
0xe8: {  	[tilespmem:s30+$0x2890] =	vst v20;
	v20 =	vmul.f32 v27, v23;
	v26 =	vld [tilespmem:s30+$0x2900]  }
0xe9: {  	[tilespmem:s30+$0x28A0] =	vst v19;
	v19 =	vmul.f32 v24, v23;
	v24 =	vld [tilespmem:s30+$0x2910]  }
0xea: {  	[tilespmem:s30+$0x28B0] =	vst v20;
	v20 =	vmul.f32 v25, v23;
	v25 =	vld [tilespmem:s30+$0x2920]  }
0xeb: {  	[tilespmem:s30+$0x28C0] =	vst v19;
	v19 =	vmul.f32 v21, v23;
	v21 =	vld [tilespmem:s30+$0x2930]  }
0xec: {  	[tilespmem:s30+$0x28D0] =	vst v20;
	v20 =	vmul.f32 v22, v23;
	v22 =	vld [tilespmem:s30+$0x2940]  }
0xed: {  	[tilespmem:s30+$0x28E0] =	vst v19;
	v19 =	vmul.f32 v26, v18;
	v23 =	vld [tilespmem:s30+$0x2950]  }
0xee: {  	[tilespmem:s30+$0x28F0] =	vst v20;
	v20 =	vmul.f32 v24, v18;
	v24 =	vld [tilespmem:s30+$0x2960]  }
0xef: {  	[tilespmem:s30+$0x2900] =	vst v19;
	v19 =	vmul.f32 v25, v18;
	v25 =	vld [tilespmem:s30+$0x2970]  }
0xf0: {  	[tilespmem:s30+$0x2910] =	vst v20;
	v20 =	vmul.f32 v21, v18;
	v21 =	vld [tilespmem:s30+$0x2980]  }
0xf1: {  	[tilespmem:s30+$0x2920] =	vst v19;
	v19 =	vmul.f32 v22, v18;
	v22 =	vld [tilespmem:s30+$0x2990]  }
0xf2: {  	[tilespmem:s30+$0x2930] =	vst v20;
	v20 =	vmul.f32 v23, v18;
	v23 =	vld [tilespmem:s30+$0x29A0]  }
0xf3: {  	[tilespmem:s30+$0x2940] =	vst v19;
	v19 =	vmul.f32 v24, v18;
	v24 =	vperm.xlane v17, v4;
	v26 =	vld [tilespmem:s30+$0x29B0]  }
0xf4: {  	[tilespmem:s30+$0x2950] =	vst v20;
	v18 =	vmul.f32 v25, v18;
	v20 =	vld [tilespmem:s30+$0x29C0]  }
0xf5: {  	[tilespmem:s30+$0x2960] =	vst v19;
	v19 =	vmul.f32 v21, v24;
	v21 =	vld [tilespmem:s30+$0x29D0]  }
0xf6: {  	[tilespmem:s30+$0x2970] =	vst v18;
	v18 =	vmul.f32 v22, v24;
	v22 =	vld [tilespmem:s30+$0x29E0]  }
0xf7: {  	[tilespmem:s30+$0x2980] =	vst v19;
	v19 =	vmul.f32 v23, v24;
	v23 =	vld [tilespmem:s30+$0x29F0]  }
0xf8: {  	[tilespmem:s30+$0x2990] =	vst v18;
	v18 =	vmul.f32 v26, v24;
	v25 =	vld [tilespmem:s30+$0x2A00]  }
0xf9: {  	[tilespmem:s30+$0x29A0] =	vst v19;
	v19 =	vmul.f32 v20, v24;
	v20 =	vld [tilespmem:s30+$0x2A10]  }
0xfa: {  	[tilespmem:s30+$0x29B0] =	vst v18;
	v18 =	vmul.f32 v21, v24;
	v21 =	vld [tilespmem:s30+$0x2A20]  }
0xfb: {  	[tilespmem:s30+$0x29C0] =	vst v19;
	v19 =	vmul.f32 v22, v24;
	v22 =	vperm.xlane v17, v5;
	v26 =	vld [tilespmem:s30+$0x2A30]  }
0xfc: {  	[tilespmem:s30+$0x29D0] =	vst v18;
	v18 =	vmul.f32 v23, v24;
	v23 =	vld [tilespmem:s30+$0x2A40]  }
0xfd: {  	[tilespmem:s30+$0x29E0] =	vst v19;
	v19 =	vmul.f32 v25, v22;
	v24 =	vld [tilespmem:s30+$0x2A50]  }
0xfe: {  	[tilespmem:s30+$0x29F0] =	vst v18;
	v18 =	vmul.f32 v20, v22;
	v20 =	vld [tilespmem:s30+$0x2A60]  }
0xff: {  	[tilespmem:s30+$0x2A00] =	vst v19;
	v19 =	vmul.f32 v21, v22;
	v21 =	vld [tilespmem:s30+$0x2A70]  }
0x100: {  	[tilespmem:s30+$0x2A10] =	vst v18;
	v18 =	vmul.f32 v26, v22;
	v25 =	vld [tilespmem:s30+$0x2A80]  }
0x101: {  	[tilespmem:s30+$0x2A20] =	vst v19;
	v19 =	vmul.f32 v23, v22;
	v23 =	vld [tilespmem:s30+$0x2A90]  }
0x102: {  	[tilespmem:s30+$0x2A30] =	vst v18;
	v18 =	vmul.f32 v24, v22;
	v24 =	vld [tilespmem:s30+$0x2AA0]  }
0x103: {  	[tilespmem:s30+$0x2A40] =	vst v19;
	v19 =	vmul.f32 v20, v22;
	v20 =	vperm.xlane v17, v6;
	v26 =	vld [tilespmem:s30+$0x2AB0]  }
0x104: {  	[tilespmem:s30+$0x2A50] =	vst v18;
	v18 =	vmul.f32 v21, v22;
	v21 =	vld [tilespmem:s30+$0x2AC0]  }
0x105: {  	[tilespmem:s30+$0x2A60] =	vst v19;
	v19 =	vmul.f32 v25, v20;
	v22 =	vld [tilespmem:s30+$0x2AD0]  }
0x106: {  	[tilespmem:s30+$0x2A70] =	vst v18;
	v18 =	vmul.f32 v23, v20;
	v23 =	vld [tilespmem:s30+$0x2AE0]  }
0x107: {  	[tilespmem:s30+$0x2A80] =	vst v19;
	v19 =	vmul.f32 v24, v20;
	v24 =	vld [tilespmem:s30+$0x2AF0]  }
0x108: {  	[tilespmem:s30+$0x2A90] =	vst v18;
	v18 =	vmul.f32 v26, v20;
	v25 =	vld [tilespmem:s30+$0x2B00]  }
0x109: {  	[tilespmem:s30+$0x2AA0] =	vst v19;
	v19 =	vmul.f32 v21, v20;
	v21 =	vld [tilespmem:s30+$0x2B10]  }
0x10a: {  	[tilespmem:s30+$0x2AB0] =	vst v18;
	v18 =	vmul.f32 v22, v20;
	v22 =	vld [tilespmem:s30+$0x2B20]  }
0x10b: {  	[tilespmem:s30+$0x2AC0] =	vst v19;
	v19 =	vmul.f32 v23, v20;
	v23 =	vperm.xlane v17, v7;
	v26 =	vld [tilespmem:s30+$0x2B30]  }
0x10c: {  	[tilespmem:s30+$0x2AD0] =	vst v18;
	v18 =	vmul.f32 v24, v20;
	v20 =	vld [tilespmem:s30+$0x2B40]  }
0x10d: {  	[tilespmem:s30+$0x2AE0] =	vst v19;
	v19 =	vmul.f32 v25, v23;
	v24 =	vld [tilespmem:s30+$0x2B50]  }
0x10e: {  	[tilespmem:s30+$0x2AF0] =	vst v18;
	v18 =	vmul.f32 v21, v23;
	v21 =	vld [tilespmem:s30+$0x2B60]  }
0x10f: {  	[tilespmem:s30+$0x2B00] =	vst v19;
	v19 =	vmul.f32 v22, v23;
	v22 =	vld [tilespmem:s30+$0x2B70]  }
0x110: {  	[tilespmem:s30+$0x2B10] =	vst v18;
	v18 =	vmul.f32 v26, v23;
	v25 =	vld [tilespmem:s30+$0x2B80]  }
0x111: {  	[tilespmem:s30+$0x2B20] =	vst v19;
	v19 =	vmul.f32 v20, v23;
	v20 =	vld [tilespmem:s30+$0x2B90]  }
0x112: {  	[tilespmem:s30+$0x2B30] =	vst v18;
	v18 =	vmul.f32 v24, v23;
	v24 =	vld [tilespmem:s30+$0x2BA0]  }
0x113: {  	[tilespmem:s30+$0x2B40] =	vst v19;
	v19 =	vmul.f32 v21, v23;
	v21 =	vperm.xlane v17, v8;
	v26 =	vld [tilespmem:s30+$0x2BB0]  }
0x114: {  	[tilespmem:s30+$0x2B50] =	vst v18;
	v18 =	vmul.f32 v22, v23;
	v22 =	vld [tilespmem:s30+$0x2BC0]  }
0x115: {  	[tilespmem:s30+$0x2B60] =	vst v19;
	v19 =	vmul.f32 v25, v21;
	v23 =	vld [tilespmem:s30+$0x2BD0]  }
0x116: {  	[tilespmem:s30+$0x2B70] =	vst v18;
	v18 =	vmul.f32 v20, v21;
	v20 =	vld [tilespmem:s30+$0x2BE0]  }
0x117: {  	[tilespmem:s30+$0x2B80] =	vst v19;
	v19 =	vmul.f32 v24, v21;
	v24 =	vld [tilespmem:s30+$0x2BF0]  }
0x118: {  	[tilespmem:s30+$0x2B90] =	vst v18;
	v18 =	vmul.f32 v26, v21;
	v25 =	vld [tilespmem:s30+$0x2C00]  }
0x119: {  	[tilespmem:s30+$0x2BA0] =	vst v19;
	v19 =	vmul.f32 v22, v21;
	v22 =	vld [tilespmem:s30+$0x2C10]  }
0x11a: {  	[tilespmem:s30+$0x2BB0] =	vst v18;
	v18 =	vmul.f32 v23, v21;
	v23 =	vld [tilespmem:s30+$0x2C20]  }
0x11b: {  	[tilespmem:s30+$0x2BC0] =	vst v19;
	v19 =	vmul.f32 v20, v21;
	v20 =	vperm.xlane v17, v9;
	v26 =	vld [tilespmem:s30+$0x2C30]  }
0x11c: {  	[tilespmem:s30+$0x2BD0] =	vst v18;
	v18 =	vmul.f32 v24, v21;
	v21 =	vld [tilespmem:s30+$0x2C40]  }
0x11d: {  	[tilespmem:s30+$0x2BE0] =	vst v19;
	v19 =	vmul.f32 v25, v20;
	v24 =	vld [tilespmem:s30+$0x2C50]  }
0x11e: {  	[tilespmem:s30+$0x2BF0] =	vst v18;
	v18 =	vmul.f32 v22, v20;
	v22 =	vld [tilespmem:s30+$0x2C60]  }
0x11f: {  	[tilespmem:s30+$0x2C00] =	vst v19;
	v19 =	vmul.f32 v23, v20;
	v23 =	vld [tilespmem:s30+$0x2C70]  }
0x120: {  	[tilespmem:s30+$0x2C10] =	vst v18;
	v18 =	vmul.f32 v26, v20;
	v25 =	vld [tilespmem:s30+$0x2C80]  }
0x121: {  	[tilespmem:s30+$0x2C20] =	vst v19;
	v19 =	vmul.f32 v21, v20;
	v21 =	vld [tilespmem:s30+$0x2C90]  }
0x122: {  	[tilespmem:s30+$0x2C30] =	vst v18;
	v18 =	vmul.f32 v24, v20;
	v24 =	vld [tilespmem:s30+$0x2CA0]  }
0x123: {  	[tilespmem:s30+$0x2C40] =	vst v19;
	v19 =	vmul.f32 v22, v20;
	v22 =	vperm.xlane v17, v10;
	v26 =	vld [tilespmem:s30+$0x2CB0]  }
0x124: {  	[tilespmem:s30+$0x2C50] =	vst v18;
	v18 =	vmul.f32 v23, v20;
	v20 =	vld [tilespmem:s30+$0x2CC0]  }
0x125: {  	[tilespmem:s30+$0x2C60] =	vst v19;
	v19 =	vmul.f32 v25, v22;
	v23 =	vld [tilespmem:s30+$0x2CD0]  }
0x126: {  	[tilespmem:s30+$0x2C70] =	vst v18;
	v18 =	vmul.f32 v21, v22;
	v21 =	vld [tilespmem:s30+$0x2CE0]  }
0x127: {  	[tilespmem:s30+$0x2C80] =	vst v19;
	v19 =	vmul.f32 v24, v22;
	v24 =	vld [tilespmem:s30+$0x2CF0]  }
0x128: {  	[tilespmem:s30+$0x2C90] =	vst v18;
	v18 =	vmul.f32 v26, v22;
	v25 =	vld [tilespmem:s30+$0x2D00]  }
0x129: {  	[tilespmem:s30+$0x2CA0] =	vst v19;
	v19 =	vmul.f32 v20, v22;
	v20 =	vld [tilespmem:s30+$0x2D10]  }
0x12a: {  	[tilespmem:s30+$0x2CB0] =	vst v18;
	v18 =	vmul.f32 v23, v22;
	v23 =	vld [tilespmem:s30+$0x2D20]  }
0x12b: {  	[tilespmem:s30+$0x2CC0] =	vst v19;
	v19 =	vmul.f32 v21, v22;
	v21 =	vperm.xlane v17, v11;
	v26 =	vld [tilespmem:s30+$0x2D30]  }
0x12c: {  	[tilespmem:s30+$0x2CD0] =	vst v18;
	v18 =	vmul.f32 v24, v22;
	v22 =	vld [tilespmem:s30+$0x2D40]  }
0x12d: {  	[tilespmem:s30+$0x2CE0] =	vst v19;
	v19 =	vmul.f32 v25, v21;
	v24 =	vld [tilespmem:s30+$0x2D50]  }
0x12e: {  	[tilespmem:s30+$0x2CF0] =	vst v18;
	v18 =	vmul.f32 v20, v21;
	v20 =	vld [tilespmem:s30+$0x2D60]  }
0x12f: {  	[tilespmem:s30+$0x2D00] =	vst v19;
	v19 =	vmul.f32 v23, v21;
	v23 =	vld [tilespmem:s30+$0x2D70]  }
0x130: {  	[tilespmem:s30+$0x2D10] =	vst v18;
	v18 =	vmul.f32 v26, v21;
	v25 =	vld [tilespmem:s30+$0x2D80]  }
0x131: {  	[tilespmem:s30+$0x2D20] =	vst v19;
	v19 =	vmul.f32 v22, v21;
	v22 =	vld [tilespmem:s30+$0x2D90]  }
0x132: {  	[tilespmem:s30+$0x2D30] =	vst v18;
	v18 =	vmul.f32 v24, v21;
	v24 =	vld [tilespmem:s30+$0x2DA0]  }
0x133: {  	[tilespmem:s30+$0x2D40] =	vst v19;
	v19 =	vmul.f32 v20, v21;
	v20 =	vperm.xlane v17, v12;
	v26 =	vld [tilespmem:s30+$0x2DB0]  }
0x134: {  	[tilespmem:s30+$0x2D50] =	vst v18;
	v18 =	vmul.f32 v23, v21;
	v21 =	vld [tilespmem:s30+$0x2DC0]  }
0x135: {  	[tilespmem:s30+$0x2D60] =	vst v19;
	v19 =	vmul.f32 v25, v20;
	v23 =	vld [tilespmem:s30+$0x2DD0]  }
0x136: {  	[tilespmem:s30+$0x2D70] =	vst v18;
	v18 =	vmul.f32 v22, v20;
	v22 =	vld [tilespmem:s30+$0x2DE0]  }
0x137: {  	[tilespmem:s30+$0x2D80] =	vst v19;
	v19 =	vmul.f32 v24, v20;
	v24 =	vld [tilespmem:s30+$0x2DF0]  }
0x138: {  	[tilespmem:s30+$0x2D90] =	vst v18;
	v18 =	vmul.f32 v26, v20;
	v25 =	vld [tilespmem:s30+$0x2E00]  }
0x139: {  	[tilespmem:s30+$0x2DA0] =	vst v19;
	v19 =	vmul.f32 v21, v20;
	v21 =	vld [tilespmem:s30+$0x2E10]  }
0x13a: {  	[tilespmem:s30+$0x2DB0] =	vst v18;
	v18 =	vmul.f32 v23, v20;
	v23 =	vld [tilespmem:s30+$0x2E20]  }
0x13b: {  	[tilespmem:s30+$0x2DC0] =	vst v19;
	v19 =	vmul.f32 v22, v20;
	v22 =	vperm.xlane v17, v13;
	v26 =	vld [tilespmem:s30+$0x2E30]  }
0x13c: {  	[tilespmem:s30+$0x2DD0] =	vst v18;
	v18 =	vmul.f32 v24, v20;
	v20 =	vld [tilespmem:s30+$0x2E40]  }
0x13d: {  	[tilespmem:s30+$0x2DE0] =	vst v19;
	v19 =	vmul.f32 v25, v22;
	v24 =	vld [tilespmem:s30+$0x2E50]  }
0x13e: {  	[tilespmem:s30+$0x2DF0] =	vst v18;
	v18 =	vmul.f32 v21, v22;
	v21 =	vld [tilespmem:s30+$0x2E60]  }
0x13f: {  	[tilespmem:s30+$0x2E00] =	vst v19;
	v19 =	vmul.f32 v23, v22;
	v23 =	vld [tilespmem:s30+$0x2E70]  }
0x140: {  	[tilespmem:s30+$0x2E10] =	vst v18;
	v18 =	vmul.f32 v26, v22;
	v25 =	vld [tilespmem:s30+$0x2E80]  }
0x141: {  	[tilespmem:s30+$0x2E20] =	vst v19;
	v19 =	vmul.f32 v20, v22;
	v20 =	vld [tilespmem:s30+$0x2E90]  }
0x142: {  	[tilespmem:s30+$0x2E30] =	vst v18;
	v18 =	vmul.f32 v24, v22;
	v24 =	vld [tilespmem:s30+$0x2EA0]  }
0x143: {  	[tilespmem:s30+$0x2E40] =	vst v19;
	v19 =	vmul.f32 v21, v22;
	v21 =	vperm.xlane v17, v14;
	v26 =	vld [tilespmem:s30+$0x2EB0]  }
0x144: {  	[tilespmem:s30+$0x2E50] =	vst v18;
	v18 =	vmul.f32 v23, v22;
	v22 =	vld [tilespmem:s30+$0x2EC0]  }
0x145: {  	[tilespmem:s30+$0x2E60] =	vst v19;
	v19 =	vmul.f32 v25, v21;
	v23 =	vld [tilespmem:s30+$0x2ED0]  }
0x146: {  	[tilespmem:s30+$0x2E70] =	vst v18;
	v18 =	vmul.f32 v20, v21;
	v20 =	vld [tilespmem:s30+$0x2EF0]  }
0x147: {  	[tilespmem:s30+$0x2E80] =	vst v19;
	v19 =	vmul.f32 v24, v21;
	v24 =	vld [tilespmem:s30+$0x2F00]  }
0x148: {  	[tilespmem:s30+$0x2E90] =	vst v18;
	v18 =	vmul.f32 v26, v21;
	v25 =	vld [tilespmem:s30+$0x2F10]  }
0x149: {  	[tilespmem:s30+$0x2EA0] =	vst v19;
	v19 =	vmul.f32 v22, v21;
	v22 =	vld [tilespmem:s30+$0x2F20]  }
0x14a: {  	v17 =	vperm.xlane v17, v15;
	[tilespmem:s30+$0x2EB0] =	vst v18;
	v18 =	vmul.f32 v23, v21;
	v23 =	vld [tilespmem:s30+$0x2F30]  }
0x14b: {  	[tilespmem:s30+$0x2EC0] =	vst v19;
	v19 =	vmul.f32 v20, v21;
	v20 =	vld [tilespmem:s30+$0x2F40]  }
0x14c: {  	[tilespmem:s30+$0x2ED0] =	vst v18;
	v18 =	vmul.f32 v24, v17;
	v24 =	vld [tilespmem:s30+$0x2F50]  }
0x14d: {  	[tilespmem:s30+$0x2EF0] =	vst v19;
	v19 =	vmul.f32 v25, v17;
	v25 =	vld [tilespmem:s30+$0x2F60]  }
0x14e: {  	v26 =	vld [tilespmem:s30+$0x2EE0];
	[tilespmem:s30+$0x2F00] =	vst v18;
	v18 =	vmul.f32 v22, v17  }
0x14f: {  	[tilespmem:s30+$0x2F10] =	vst v19;
	v19 =	vmul.f32 v23, v17;
	v22 =	vld [tilespmem:s30+$0x2F70]  }
0x150: {  	[tilespmem:s30+$0x2F20] =	vst v18;
	v18 =	vmul.f32 v20, v17  }
.Ltmp0:
0x151: {  	[tilespmem:s30+$0x2F30] =	vst v19;
	v19 =	vmul.f32 v24, v17;
	(pc) =	sbr.rel @p3 .LBB2_3-.Ltmp0, $4  }
0x152: {  	[tilespmem:s30+$0x2F40] =	vst v18;
	v18 =	vmul.f32 v25, v17  }
0x153: {  	v20 =	vmul.f32 v26, v21;
	[tilespmem:s30+$0x2F50] =	vst v19  }
0x154: {  	[tilespmem:s30+$0x2F60] =	vst v18;
	v17 =	vmul.f32 v22, v17  }
0x155: {  	[tilespmem:s30+$0x2EE0] =	vst v20  }
0x156: {  	p4 =	sne.s32 s28, $0x0  }
0x157: {  	s8 =	simm.s32 @!p4 $0x50  }
0x158: {  	[tilespmem:s30+$0x2F70] =	vst v17;
	s11 =	simm.s32 @!p4 $0x9F80;
	s28 =	simm.s32 @!p4 $0x2780;
	p5 =	sgt.u32 @!p4 s26, $0x7A  }
0x159: {  	[spmem:s4] =	stream.indirect.scatter.add.f32 @!p4 [tilespmem:s28], [sflag:$0x4], $0x80, s11, s8, $0xb8;
	[tilespmem:$0x1DB00] =	vst v63  }
0x15a: {  	p3 =	por p5, p4  }
0x15b: {  	p6 =	seq.s32 @!p3 s26, $0x0  }
0x15c: {  	p5 =	por @!p4 p6, p5  }
0x15d: {  	p4 =	por p5, p4  }
0x15e: {  	s8 =	simm.s32 @!p4 $0x6  }
0x15f: {  	s11 =	smul.u32 @!p3 $0x50, s26;
	_ =	swait.ge @!p4 [sflag:s8], $0x2800  }
0x160: {  	s28 =	simm.s32 @!p3 $0x7780;
	[sflag:s8] =	ssyncset.done @!p4 $0x0  }
0x161: {  	[sflag:s8] =	ssyncadd.s32 @!p4 $0xFFFFD800;
	s8 =	sadd.s32 @!p3 $0xA0, s11;
	s11 =	simm.s32 @!p3 $0x50  }
0x162: {  	[tilespmem:s28], [sflag:$0x3] =	stream.indirect.gather @!p3 [hbm4b:s1+s11], $0x80, s8, s11, $0xb8;
	[tilespmem:$0x1DB00] =	vst v63  }
0x163: {  	s8 =	sadd.s32 @!p3 s5, s8  }
0x164: {  	s8 =	sshrl.u32 @!p3 s8, $0x3  }
0x165: {  	s29 =	simm.s32 @!p3 $0xA080;
	s28 =	simm.s32 @!p3 $0x0;
	s11 =	sadd.s32 @!p3 s7, s8  }
0x166: {  	[tilespmem:s29], [sflag:$0x9] =	stream.linear.gather @!p3 [hbm4b:s11+s28], $0x50, $0x38;
	[tilespmem:$0x1DB00] =	vst v63  }
0x167: {  	s8 =	sadd.s32 @!p3 s3, s8;
	s11 =	simm.s32 @!p3 $0xA220  }
0x168: {  	[tilespmem:s11], [sflag:$0x9] =	stream.linear.gather @!p3 [hbm4b:s8+s28], $0x50, $0x38;
	[tilespmem:$0x1DB00] =	vst v63  }
0x169: {  	s8 =	simm.s32 @p2 $0x50  }
0x16a: {  	s11 =	simm.s32 @p2 $0xA000;
	s28 =	simm.s32 @p2 $0x4F80;
	p3 =	sgt.u32 @p2 s26, $0x7A  }
0x16b: {  	[spmem:s4] =	stream.indirect.scatter.add.f32 @p2 [tilespmem:s28], [sflag:$0x5], $0x80, s11, s8, $0xb8;
	[tilespmem:$0x1DB00] =	vst v63  }
0x16c: {  	p2 =	por p3, !p2  }
0x16d: {  	s8 =	simm.s32 @!p2 $0x4  }
0x16e: {  	s11 =	smul.u32 @!p2 $0x50, s26;
	_ =	swait.ge @!p2 [sflag:s8], $0x2800  }
0x16f: {  	s28 =	simm.s32 @!p2 $0x2780;
	[sflag:s8] =	ssyncset.done @!p2 $0x0  }
0x170: {  	[sflag:s8] =	ssyncadd.s32 @!p2 $0xFFFFD800;
	s8 =	sadd.s32 @!p2 $0xA0, s11;
	s11 =	simm.s32 @!p2 $0x50  }
0x171: {  	[tilespmem:s28], [sflag:$0x1] =	stream.indirect.gather @!p2 [hbm4b:s1+s11], $0x80, s8, s11, $0xb8;
	[tilespmem:$0x1DB00] =	vst v63  }
0x172: {  	s8 =	sadd.s32 @!p2 s5, s8  }
0x173: {  	s8 =	sshrl.u32 @!p2 s8, $0x3  }
0x174: {  	s29 =	simm.s32 @!p2 $0x9F80;
	s28 =	simm.s32 @!p2 $0x0;
	s11 =	sadd.s32 @!p2 s7, s8  }
0x175: {  	[tilespmem:s29], [sflag:$0x7] =	stream.linear.gather @!p2 [hbm4b:s11+s28], $0x50, $0x38;
	[tilespmem:$0x1DB00] =	vst v63  }
0x176: {  	s8 =	sadd.s32 @!p2 s3, s8;
	s11 =	simm.s32 @!p2 $0xA180  }
0x177: {  	[tilespmem:s11], [sflag:$0x7] =	stream.linear.gather @!p2 [hbm4b:s8+s28], $0x50, $0x38;
	[tilespmem:$0x1DB00] =	vst v63  }
0x178: {  	s8 =	simm.s32 @p1 $0x50  }
0x179: {  	s11 =	simm.s32 @p1 $0xA080;
	s28 =	simm.s32 @p1 $0x7780;
	p2 =	sgt.u32 @p1 s26, $0x7A  }
0x17a: {  	[spmem:s4] =	stream.indirect.scatter.add.f32 @p1 [tilespmem:s28], [sflag:$0x6], $0x80, s11, s8, $0xb8;
	[tilespmem:$0x1DB00] =	vst v63  }
0x17b: {  	p1 =	por p2, !p1  }
0x17c: {  	s8 =	simm.s32 @!p1 $0x5  }
0x17d: {  	s11 =	smul.u32 @!p1 $0x50, s26;
	_ =	swait.ge @!p1 [sflag:s8], $0x2800  }
0x17e: {  	s28 =	simm.s32 @!p1 $0x4F80;
	[sflag:s8] =	ssyncset.done @!p1 $0x0  }
0x17f: {  	[sflag:s8] =	ssyncadd.s32 @!p1 $0xFFFFD800;
	s8 =	sadd.s32 @!p1 $0xA0, s11;
	s11 =	simm.s32 @!p1 $0x50  }
0x180: {  	[tilespmem:s28], [sflag:$0x2] =	stream.indirect.gather @!p1 [hbm4b:s1+s11], $0x80, s8, s11, $0xb8;
	[tilespmem:$0x1DB00] =	vst v63  }
0x181: {  	s8 =	sadd.s32 @!p1 s5, s8  }
0x182: {  	s8 =	sshrl.u32 @!p1 s8, $0x3  }
0x183: {  	s29 =	simm.s32 @!p1 $0xA000;
	s28 =	simm.s32 @!p1 $0x0;
	s11 =	sadd.s32 @!p1 s7, s8  }
0x184: {  	[tilespmem:s29], [sflag:$0x8] =	stream.linear.gather @!p1 [hbm4b:s11+s28], $0x50, $0x38;
	[tilespmem:$0x1DB00] =	vst v63  }
0x185: {  	s26 =	sadd.s32 $0x1, s26;
	s8 =	sadd.s32 @!p1 s3, s8;
	s11 =	simm.s32 @!p1 $0xA1D0  }
0x186: {  	[tilespmem:s11], [sflag:$0x8] =	stream.linear.gather @!p1 [hbm4b:s8+s28], $0x50, $0x38;
	[tilespmem:$0x1DB00] =	vst v63  }
0x187: {  	p1 =	sne.s32 s26, $0x7D  }
.Ltmp1:
0x188: {  	_ = 	snop;
	(pc) =	sbr.rel @p1 .LBB2_2-.Ltmp1, $1  }
0x189: {  	_ =	sdelay $0x3  }
0x18a: {  	_ =	swait.ge [sflag:s2], $0x2800  }
0x18b: {  	[sflag:s2] =	ssyncset.done $0x0  }
0x18c: {  	[sflag:s2] =	ssyncadd.s32 $0xFFFFD800  }
0x18d: {  	_ =	swait.ge [sflag:s0], $0x2800  }
0x18e: {  	[sflag:s0] =	ssyncset.done $0x0  }
0x18f: {  	[sflag:s0] =	ssyncadd.s32 $0xFFFFD800  }
0x190: {  	_ =	swait.ge [sflag:s24], $0x2800  }
0x191: {  	[sflag:s24] =	ssyncset.done $0x0  }
0x192: {  	[sflag:s24] =	ssyncadd.s32 $0xFFFFD800  }
0x193: {  	s8 =	sor.u32 $0x1C0B, s9;
	[bflag:$0x0] =	sbarrier.arrive $0xFFFF  }
0x194: {  	[hbm:s17], [sflag:s8] =	dma.local [spmem:s20], $0x2700  }
0x195: {  	_ =	swait.ge [sflag:s22], $0x2700  }
0x196: {  	s25 =	sadd.s32 $0x1, s25;
	[sflag:s22] =	ssyncset.done $0x0  }
0x197: {  	p1 =	sne.s32 s25, s19;
	[sflag:s22] =	ssyncadd.s32 $0xFFFFD900  }
0x198: {  	[hbm:s18], [sflag:s8] =	dma.local @!p0 [spmem:s21], $0x100  }
.Ltmp2:
0x199: {  	_ = 	snop;
	(pc) =	sbr.rel @p1 .LBB2_1-.Ltmp2, $4  }
0x19a: {  	s8 =	simm.s32 @!p0 $0xB  }
0x19b: {  	_ =	swait.ge @!p0 [sflag:s8], $0x100  }
0x19c: {  	[sflag:s8] =	ssyncset.done @!p0 $0x0  }
0x19d: {  	[sflag:s8] =	ssyncadd.s32 @!p0 $0xFFFFFF00  }
0x19e: {  	_ =	sfence.sel $0x180000  }
0x19f: {  	[bflag:$0x0] =	sbarrier.arrive $0xFFFF  }
0x1a0: {  	_ =	strace $0x9000004A  }
0x1a1: {  	s0 =	stileid.u32;
	[bflag:$0x2] =	sbarrier.arrive $0xFFFF  }
0x1a2: {  	p0 =	sne.s32 s0, $0x0;
	s0 =	rddreg [dreg:$0x4]  }
0x1a3: {  	s0 =	sadd.s32 @!p0 $0x100000, s0  }
0x1a4: {  	[sflag:s0] =	ssyncadd.tile.s32 @!p0 $0x1;
	_ =	shalt  }
.Lfunc_end2:
_tile_overlayer_lowered:
.L_overlay_start_2:
0x1a5: {  	(tag) =	ssettag $0x2  }
0x1a6: {  	s0 =	rddreg [dreg:$0x0];
	s2 =	stileid.u32  }
0x1a7: {  	s1 =	rddreg [dreg:$0x1];
	p0 =	sne.s32 s2, $0x0  }
0x1a8: {  	s3 =	rddreg [dreg:$0x2];
	[bflag:$0x3] =	sbarrier.arrive $0xFFFF;
	s2 =	simm.s32 @!p0 $0x1C0B  }
0x1a9: {  	[timem:s3], [sflag:s2] =	dma.local @!p0 [hbm:s0], s1  }
0x1aa: {  	s0 =	simm.s32 @!p0 $0xB  }
0x1ab: {  	_ =	swait.ge @!p0 [sflag:s0], s1  }
0x1ac: {  	s1 =	ssub.s32 @!p0 $0x0, s1;
	[sflag:s0] =	ssyncset.done @!p0 $0x0  }
0x1ad: {  	[sflag:s0] =	ssyncadd.s32 @!p0 s1  }
0x1ae: {  	[bflag:$0x3] =	sbarrier.arrive $0xFFFF  }
0x1af: {  	_ =	shalt  }

// kernel: kernel.14.cloned.1.call-start
scs
__scs_entry_jumppad:
0x0: {  	(pc) =	sbr.rel $0x88, $3  }
0x1: {  	(tag) =	ssettag $0x0;
	lr =	simm.s32 $0x1  }
0x2: {  	[smem:$0x3F9A] =	sst lr;
	_ =	strace $0xD0000000  }
0x3: {  	_ = 	snop  }
0x4: {  	_ = 	snop  }
0x5: {  	_ = 	snop  }
0x6: {  	_ = 	snop  }
0x7: {  	_ = 	snop  }
__scs_overlays_trampoline_lowered:
0x8: {  	[smem:$0x3FA9] =	sst s0  }
0x9: {  	[smem:$0x3FAA] =	sst s1  }
0xa: {  	[smem:$0x3FAB] =	sst s2  }
0xb: {  	[smem:$0x3FAC] =	sst s3  }
0xc: {  	[smem:$0x3FAD] =	sst s4  }
0xd: {  	[smem:$0x3FAE] =	sst s5  }
0xe: {  	[smem:$0x3FAF] =	sst s6  }
0xf: {  	[smem:$0x3FB0] =	sst s7  }
0x10: {  	[smem:$0x3FB1] =	sst s8  }
0x11: {  	[smem:$0x3FB2] =	sst s9;
	s0 =	simm.s32 @!p0 $0x0  }
0x12: {  	s1 =	sld [smem:$0x3F98];
	s0 =	simm.s32 @p0 $0x1  }
0x13: {  	[smem:$0x3FB3] =	sst s0;
	s0 =	simm.s32 @!p1 $0x0  }
0x14: {  	s2 =	sld [smem:$0x3F97];
	s0 =	simm.s32 @p1 $0x1  }
0x15: {  	[smem:$0x3FB4] =	sst s0;
	s0 =	simm.s32 @!p2 $0x0  }
0x16: {  	s3 =	sld [smem:$0x3FDB];
	s0 =	simm.s32 @p2 $0x1  }
0x17: {  	s4 =	simm.s32 $0x1BF5;
	[smem:$0x3FB6] =	sst s0  }
0x18: {  	s0 =	sld [smem:$0x3F99];
	_ =	swait.ge [sflag:s4], $0x0  }
0x19: {  	s7 =	sld [smem:$0x3F9A]  }
0x1a: {  	s8 =	sadd.s32 $0xFFFFE003, lr  }
0x1b: {  	s9 =	sadd.s32 $0xFFFFFEF7, lr;
	s5 =	simm.s32 $0xFFFFFFFF;
	p2 =	slt.u32 s8, $0xFFFFF086  }
0x1c: {  	p1 =	slt.u32 s9, $0xF7A;
	s5 =	simm.s32 @!p2 $0x0  }
0x1d: {  	s5 =	simm.s32 @p1 $0x1;
	p0 =	seq.s32 s7, s2  }
0x1e: {  	s7 =	smul.u32 @!p0 $0xF7A, s2;
	p2 =	seq.s32 @!p0 s5, $0x0  }
0x1f: {  	s9 =	smul.u32 $0xF7A, s1;
	s8 =	simm.s32 @!p0 $0x1BF5;
	p2 =	por !p2, p0  }
0x20: {  	[sflag:s8] =	ssyncset.s32 @!p0 $0xFFFFF086;
	s6 =	sadd.s32 @!p0 s3, s7;
	s7 =	simm.s32 @!p0 $0x108  }
0x21: {  	s3 =	sadd.s32 s3, s9;
	s6 =	sadd.s32 @!p0 $0x88, s6;
	s7 =	simm.s32 @p2 $0x1082  }
0x22: {  	[simem:s7], [sflag:s8] =	dma.local @!p0 [hbm:s6], $0xF7A  }
0x23: {  	s9 =	sor.u32 $0xD0000000, s2;
	s6 =	simm.s32 $0x108;
	_ =	swait.ge @!p0 [sflag:s8], $0x0  }
0x24: {  	s3 =	sadd.s32 $0x88, s3;
	s6 =	simm.s32 @!p1 $0x1082;
	[sflag:s4] =	ssyncset.s32 $0xFFFFF086  }
0x25: {  	[simem:s6], [sflag:s4] =	dma.local [hbm:s3], $0xF7A  }
0x26: {  	[smem:$0x3F9A] =	sst s1;
	(tag) =	ssettag s2;
	_ =	strace s9  }
0x27: {  	s1 =	sld [smem:$0x3FAA]  }
0x28: {  	s2 =	sld [smem:$0x3FAB]  }
0x29: {  	s4 =	sld [smem:$0x3FAD]  }
0x2a: {  	p0 =	seq.s32 s5, $0x0;
	s5 =	sld [smem:$0x3FAE]  }
0x2b: {  	s6 =	sld [smem:$0x3FAF]  }
0x2c: {  	s7 =	sld [smem:$0x3FB0]  }
0x2d: {  	s3 =	simm.s32 $0x108;
	s8 =	sld [smem:$0x3FB1]  }
0x2e: {  	s3 =	simm.s32 @!p0 $0x1082;
	s9 =	sld [smem:$0x3FB2]  }
0x2f: {  	lr =	sadd.s32 s0, s3;
	s0 =	sld [smem:$0x3FA9]  }
0x30: {  	s3 =	sld [smem:$0x3FAC]  }
0x31: {  	[smem:$0x3FB5] =	sst s10  }
0x32: {  	s10 =	sld [smem:$0x3FB3];
	_ =	sdelay $0x3  }
0x33: {  	p0 =	seq.s32 s10, $0x1;
	s10 =	sld [smem:$0x3FB5];
	_ =	sdelay $0x3  }
0x34: {  	[smem:$0x3FB5] =	sst s10  }
0x35: {  	s10 =	sld [smem:$0x3FB4];
	_ =	sdelay $0x3  }
0x36: {  	p1 =	seq.s32 s10, $0x1;
	s10 =	sld [smem:$0x3FB5];
	_ =	sdelay $0x3  }
0x37: {  	[smem:$0x3FB5] =	sst s10  }
0x38: {  	s10 =	sld [smem:$0x3FB6]  }
0x39: {  	_ = 	snop;
	(pc) =	sbr.ind lr, $3  }
0x3a: {  	_ = 	snop  }
0x3b: {  	_ = 	snop  }
0x3c: {  	p2 =	seq.s32 s10, $0x1;
	s10 =	sld [smem:$0x3FB5]  }
0x3d: {  	_ =	shalt  }
0x3e: {  	_ =	shalt  }
0x3f: {  	_ =	shalt  }
0x40: {  	_ =	shalt  }
0x41: {  	_ =	shalt  }
0x42: {  	_ =	shalt  }
0x43: {  	_ =	shalt  }
0x44: {  	_ =	shalt  }
0x45: {  	_ =	shalt  }
0x46: {  	_ =	shalt  }
0x47: {  	_ =	shalt  }
0x48: {  	_ =	shalt  }
0x49: {  	_ =	shalt  }
0x4a: {  	_ =	shalt  }
0x4b: {  	_ =	shalt  }
0x4c: {  	_ =	shalt  }
0x4d: {  	_ =	shalt  }
0x4e: {  	_ =	shalt  }
0x4f: {  	_ =	shalt  }
0x50: {  	_ =	shalt  }
0x51: {  	_ =	shalt  }
0x52: {  	_ =	shalt  }
0x53: {  	_ =	shalt  }
0x54: {  	_ =	shalt  }
0x55: {  	_ =	shalt  }
0x56: {  	_ =	shalt  }
0x57: {  	_ =	shalt  }
0x58: {  	_ =	shalt  }
0x59: {  	_ =	shalt  }
0x5a: {  	_ =	shalt  }
0x5b: {  	_ =	shalt  }
0x5c: {  	_ =	shalt  }
0x5d: {  	_ =	shalt  }
0x5e: {  	_ =	shalt  }
0x5f: {  	_ =	shalt  }
0x60: {  	_ =	shalt  }
0x61: {  	_ =	shalt  }
0x62: {  	_ =	shalt  }
0x63: {  	_ =	shalt  }
0x64: {  	_ =	shalt  }
0x65: {  	_ =	shalt  }
0x66: {  	_ =	shalt  }
0x67: {  	_ =	shalt  }
0x68: {  	_ =	shalt  }
0x69: {  	_ =	shalt  }
0x6a: {  	_ =	shalt  }
0x6b: {  	_ =	shalt  }
0x6c: {  	_ =	shalt  }
0x6d: {  	_ =	shalt  }
0x6e: {  	_ =	shalt  }
0x6f: {  	_ =	shalt  }
0x70: {  	_ =	shalt  }
0x71: {  	_ =	shalt  }
0x72: {  	_ =	shalt  }
0x73: {  	_ =	shalt  }
0x74: {  	_ =	shalt  }
0x75: {  	_ =	shalt  }
0x76: {  	_ =	shalt  }
0x77: {  	_ =	shalt  }
0x78: {  	_ =	shalt  }
0x79: {  	_ =	shalt  }
0x7a: {  	_ =	shalt  }
0x7b: {  	_ =	shalt  }
0x7c: {  	_ =	shalt  }
0x7d: {  	_ =	shalt  }
0x7e: {  	_ =	shalt  }
0x7f: {  	_ =	shalt  }
0x80: {  	_ =	shalt  }
0x81: {  	_ =	shalt  }
0x82: {  	_ =	shalt  }
0x83: {  	_ =	shalt  }
0x84: {  	_ =	shalt  }
0x85: {  	_ =	shalt  }
0x86: {  	_ =	shalt  }
0x87: {  	_ =	shalt  }
.Lfunc_end0:
.L_simem_size_0:
called_computation.2_lowered:
.L_overlay_start_0:
0x88: {  	s2 =	sld [smem:$0x3FD9]  }
0x89: {  	s3 =	sld [smem:$0x3FFE];
	_ =	sdelay $0x1  }
0x8a: {  	s1 =	srdreg.scid  }
0x8b: {  	s0 =	sand.u32 $0x1, s1  }
0x8c: {  	s17 =	sshll.u32 s0, $0xA;
	s2 =	sadd.s32 s3, s2  }
0x8d: {  	s2 =	sadd.s32 s2, s17  }
0x8e: {  	[smem:$0x3FC1] =	sst s2  }
0x8f: {  	_ = 	snop  }
0x90: {  	s2 =	sld [smem:$0x3FC7]  }
0x91: {  	s18 =	sld [smem:$0x3FD0];
	(tm) =	ssettm $0x1  }
0x92: {  	s4 =	sld [smem:$0x3FFB];
	_ =	sdelay $0x3  }
0x93: {  	_ =	strace s4  }
0x94: {  	s4 =	sld [smem:$0x3FFC];
	_ =	sdelay $0x3  }
0x95: {  	_ =	strace s4  }
0x96: {  	s4 =	sld [smem:$0x3FFD];
	_ =	sdelay $0x3  }
0x97: {  	_ =	strace s4  }
0x98: {  	_ =	strace $0x8FFFFFFF  }
0x99: {  	s19 =	sld [smem:$0x3FDB];
	_ =	sdelay $0x1  }
0x9a: {  	s5 =	simm.s32 $_scs_section_size  }
0x9b: {  	s6 =	simm.s32 $_size__tile_overlayer_lowered;
	s7 =	simm.s32 $_tile_overlayer_lowered  }
0x9c: {  	s22 =	simm.s32 $0x1BFF;
	s21 =	sshll.u32 s7, $0x1;
	s4 =	sadd.s32 s5, s19  }
0x9d: {  	s8 =	simm.s32 $0x0;
	s20 =	sshll.u32 s6, $0x1;
	s6 =	sadd.s32 s21, s4  }
0x9e: {  	[timem:s8], [sflag:s22] =	dma.local [hbm:s6], s20  }
0x9f: {  	_ =	swait.ge [sflag:s22], s20  }
0xa0: {  	s5 =	ssub.s32 $0x0, s20;
	[sflag:s22] =	ssyncset.done $0x0  }
0xa1: {  	[sflag:s22] =	ssyncadd.s32 s5;
	_ =	sdelay $0x1  }
0xa2: {  	s23 =	simm.s32 $0x1B8B  }
0xa3: {  	_ =	swait.ge [sflag:s23], $0x1  }
0xa4: {  	[sflag:s23] =	ssyncset.done $0x0  }
0xa5: {  	s25 =	simm.s32 $0x1B8E;
	s24 =	sld [smem:$0x3FFE];
	[sflag:s23] =	ssyncadd.s32 $0xFFFFFFFF  }
0xa6: {  	s26 =	simm.s32 $execute0_lowered;
	[smem:$0x3FD2] =	sst s25  }
0xa7: {  	s6 =	sshll.u32 s26, $0x1;
	_ =	strace $0x8000004C;
	[dreg:$0x1] =	wrdreg $0xFFFFFFFF  }
0xa8: {  	s28 =	simm.s32 $_size_execute0_lowered;
	s4 =	sadd.s32 s4, s6;
	[dreg:$0x0] =	wrdreg $0x0  }
0xa9: {  	s6 =	sshll.u32 s28, $0x1;
	[dreg:$0x2] =	wrdreg s4  }
0xaa: {  	[dreg:$0x3] =	wrdreg s6  }
0xab: {  	[dreg:$0x4] =	wrdreg $0xC0  }
0xac: {  	_ =	task [dreg:s8], $0x5FFFF  }
0xad: {  	[dreg:$0x1] =	wrdreg $0xFFFFFFFF  }
0xae: {  	[dreg:$0x0] =	wrdreg $0x60  }
0xaf: {  	[dreg:$0x2] =	wrdreg s18  }
0xb0: {  	[dreg:$0x3] =	wrdreg s24  }
0xb1: {  	[dreg:$0x4] =	wrdreg s2  }
0xb2: {  	[dreg:$0x5] =	wrdreg $0xA2800  }
0xb3: {  	[dreg:$0x6] =	wrdreg $0x9  }
0xb4: {  	_ =	task.clear_ibuf [dreg:s8], $0x7FFFF;
	_ =	strace $0x9000004C  }
0xb5: {  	s29 =	simm.s32 $0x9;
	_ =	strace $0x8000004E  }
0xb6: {  	_ =	swait.ge [sflag:s29], $0x1  }
0xb7: {  	[sflag:s29] =	ssyncadd.s32 $0xFFFFFFFF  }
0xb8: {  	_ =	strace $0x9000004E  }
0xb9: {  	_ =	sfence  }
0xba: {  	s30 =	sld [smem:$0x0];
	_ =	sdelay $0x2  }
0xbb: {  	s31 =	sshll.u32 s1, $0xD;
	s1 =	sshrl.u32 s1, $0x2  }
0xbc: {  	s3 =	sand.u32 $0x4000, s31;
	s1 =	sadd.s32 s1, s30  }
0xbd: {  	s0 =	sor.u32 s3, s0;
	s1 =	sshll.u32 s1, $0x11  }
0xbe: {  	s0 =	sor.u32 s1, s0  }
0xbf: {  	s0 =	sadd.s32 $0x8F2B, s0  }
0xc0: {  	[sflag:s0] =	ssyncadd.remote.s32 $0x1  }
0xc1: {  	_ =	sfence.sel $0xFFFF  }
0xc2: {  	[dreg:$0x0] =	wrdreg $0xFFFFFFFF;
	(pc) =	sbr.abs _section_cstart, $3  }
0xc3: {  	[dreg:$0x1] =	wrdreg $0xFFFFFFFF  }
0xc4: {  	_ =	task.clear_ibuf [dreg:s8], $0x2FFFF;
	_ =	strace $0x9FFFFFFF  }
0xc5: {  	(tm) =	ssettm $0x7FFFFFFF  }
tec
execute0_lowered:
.L_overlay_start_1:
0x0: {  	(tag) =	ssettag $0x1  }
0x1: {  	s1 =	rddreg [dreg:$0x0]  }
0x2: {  	s0 =	srdreg.scid;
	s2 =	rddreg [dreg:$0x1]  }
0x3: {  	s22 =	stileid.u32;
	s3 =	rddreg [dreg:$0x2];
	s6 =	simm.s32 $0x0  }
0x4: {  	s23 =	simm.s32 $0x50;
	s31 =	simm.s32 $0xA;
	s24 =	simm.s32 $0x5  }
0x5: {  	s25 =	simm.s32 $0x0;
	s0 =	sand.u32 $0x1, s0;
	s15 =	smul.u32 $0x13800, s22  }
0x6: {  	[smem:$0x7FF] =	sst s6;
	s11 =	smul.u32 $0x4E000, s22;
	s7 =	sadd.s32 $0xBC00, s2  }
0x7: {  	s18 =	sadd.s32 $0x3CC00, s2;
	p0 =	sne.s32 s22, $0xF;
	s4 =	sshll.u32 s0, $0x4  }
0x8: {  	s10 =	ssub.s32 $0x2, s0;
	s0 =	smul.u32 $0x138800, s0;
	s5 =	sor.u32 s22, s4  }
0x9: {  	s4 =	rddreg [dreg:$0x3];
	_ =	strace $0x8000004D;
	s9 =	sshrl.u32 s15, $0x3  }
0xa: {  	s13 =	sshrl.u32 s10, $0x1;
	s28 =	sshrl.u32 s11, $0x2;
	s5 =	smul.u32 $0x2710, s5  }
0xb: {  	s9 =	sadd.s32 s9, s2;
	s19 =	ssub.s32 s10, s13;
	s20 =	sadd.s32 s28, s4  }
0xc: {  	s21 =	sadd.s32 $0x138000, s4;
	s30 =	sadd.s32 s15, s0;
	s0 =	sshrl.u32 s0, $0x3  }
0xd: {  	s9 =	sadd.s32 $0x15A00, s9;
	s0 =	sadd.s32 s18, s0;
	s19 =	smax.u32 s19, $0x1  }
0xe: {  	s20 =	sshrl.u32 s20, $0x3;
	s21 =	sshrl.u32 @!p0 s21, $0x3;
	s8 =	sshrl.u32 s5, $0x3  }
0xf: {  	v0 =	vimm.s32 $0x0;
	[dreg:$0x5] =	wrdreg s9;
	s9 =	sshll.u32 s22, $0x6;
	s22 =	simm.s32 $0xB  }
0x10: {  	v1 =	vimm.s32 $0x1;
	v2 =	vimm.s32 $0x2;
	v3 =	vimm.s32 $0x3;
	s12 =	sadd.s32 s8, s2;
	s10 =	sor.u32 $0x1C0A, s9;
	s2 =	sadd.s32 $0x3CA00, s2  }
0x11: {  	v4 =	vimm.s32 $0x4;
	v5 =	vimm.s32 $0x5;
	v6 =	vimm.s32 $0x6;
	s13 =	sadd.s32 s7, s8;
	s14 =	sadd.s32 s3, s8;
	s29 =	sadd.s32 $0xA, s8  }
0x12: {  	v7 =	vimm.s32 $0x7;
	v8 =	vimm.s32 $0x8;
	v9 =	vimm.s32 $0x9;
	s8 =	sshrl.u32 s30, $0x3;
	[dreg:$0x6] =	wrdreg s2;
	s12 =	sadd.s32 $0x1E00, s12  }
0x13: {  	v10 =	vimm.s32 $0xA;
	v11 =	vimm.s32 $0xB;
	v12 =	vimm.s32 $0xC;
	s15 =	sadd.s32 s7, s29;
	s16 =	sadd.s32 s3, s29;
	s17 =	sadd.s32 s18, s8  }
0x14: {  	v13 =	vimm.s32 $0xD;
	v14 =	vimm.s32 $0xE;
	v15 =	vimm.s32 $0xF;
	s18 =	sadd.s32 $0x27000, s0;
	s2 =	simm.s32 $0x6;
	s0 =	simm.s32 $0x4  }
.LBB2_1:
0x15: {  	s8 =	rddreg [dreg:$0x5]  }
0x16: {  	[spmem:s20], [sflag:s10] =	dma.local [hbm:s8], $0x2700  }
0x17: {  	s8 =	rddreg [dreg:$0x6]  }
0x18: {  	[spmem:s21], [sflag:s10] =	dma.local @!p0 [hbm:s8], $0x100  }
0x19: {  	[tilespmem:s6], [sflag:$0xB] =	stream.linear.gather [hbm4b:s12+s6], $0x2710, $0x38;
	[tilespmem:$0x1DB00] =	vst v63  }
0x1a: {  	_ =	swait.ge [sflag:s22], $0x2710  }
0x1b: {  	[sflag:s22] =	ssyncset.done $0x0  }
0x1c: {  	s30 =	simm.s32 $0x2780;
	[sflag:s22] =	ssyncadd.s32 $0xFFFFD8F0  }
0x1d: {  	[tilespmem:s30], [sflag:$0x1] =	stream.indirect.gather [hbm4b:s1+s23], $0x80, s6, s23, $0xb8;
	[tilespmem:$0x1DB00] =	vst v63  }
0x1e: {  	s11 =	simm.s32 $0x9F80  }
0x1f: {  	[tilespmem:s11], [sflag:$0x7] =	stream.linear.gather [hbm4b:s13+s6], $0x50, $0x38;
	[tilespmem:$0x1DB00] =	vst v63  }
0x20: {  	s26 =	simm.s32 $0xA180  }
0x21: {  	[tilespmem:s26], [sflag:$0x7] =	stream.linear.gather [hbm4b:s14+s6], $0x50, $0x38;
	[tilespmem:$0x1DB00] =	vst v63  }
0x22: {  	s28 =	simm.s32 $0x4F80  }
0x23: {  	[tilespmem:s28], [sflag:$0x2] =	stream.indirect.gather [hbm4b:s1+s23], $0x80, s23, s23, $0xb8;
	[tilespmem:$0x1DB00] =	vst v63  }
0x24: {  	s29 =	simm.s32 $0xA000  }
0x25: {  	[tilespmem:s29], [sflag:$0x8] =	stream.linear.gather [hbm4b:s15+s6], $0x50, $0x38;
	[tilespmem:$0x1DB00] =	vst v63  }
0x26: {  	s30 =	simm.s32 $0xA1D0  }
0x27: {  	[tilespmem:s30], [sflag:$0x8] =	stream.linear.gather [hbm4b:s16+s6], $0x50, $0x38;
	[tilespmem:$0x1DB00] =	vst v63  }
0x28: {  	_ =	swait.ge [sflag:s31], $0x2700  }
0x29: {  	[sflag:s31] =	ssyncset.done $0x0  }
0x2a: {  	s8 =	simm.s32 @!p0 $0xA;
	[sflag:s31] =	ssyncadd.s32 $0xFFFFD900  }
0x2b: {  	_ =	swait.ge @!p0 [sflag:s8], $0x100  }
0x2c: {  	[sflag:s8] =	ssyncset.done @!p0 $0x0  }
0x2d: {  	[sflag:s8] =	ssyncadd.s32 @!p0 $0xFFFFFF00  }
0x2e: {  	s26 =	simm.s32 $0x0;
	[bflag:$0x0] =	sbarrier.arrive $0xFFFF  }
.LBB2_2:
0x2f: {  	s8 =	smul.u32 $0xAB, s26;
	_ =	sdelay $0x1  }
0x30: {  	s8 =	sshrl.u32 s8, $0x9  }
0x31: {  	s8 =	sand.u32 $0x7F, s8  }
0x32: {  	s8 =	smul.u32 $0x3, s8;
	_ =	sdelay $0x1  }
0x33: {  	s29 =	ssub.s32 s26, s8  }
0x34: {  	s28 =	sand.u32 $0xFF, s29  }
0x35: {  	p3 =	seq.s32 s28, $0x0  }
0x36: {  	s8 =	sand.u32 @!p3 $0xFF, s29  }
0x37: {  	p4 =	seq.s32 @!p3 s8, $0x1  }
0x38: {  	s30 =	simm.s32 @!p3 $0x2;
	p1 =	por !p4, p3  }
0x39: {  	s30 =	simm.s32 @p1 $0x3  }
0x3a: {  	s30 =	simm.s32 @p3 $0x1  }
0x3b: {  	s11 =	simm.s32 @!p3 $0x8;
	_ =	swait.ge [sflag:s30], $0x2800  }
0x3c: {  	s29 =	smul.u32 $0x50, s29;
	s11 =	simm.s32 @p1 $0x9;
	[sflag:s30] =	ssyncset.done $0x0  }
0x3d: {  	s11 =	simm.s32 @p3 $0x7;
	[sflag:s30] =	ssyncadd.s32 $0xFFFFD800  }
0x3e: {  	s29 =	sand.u32 $0xF0, s29;
	_ =	swait.ge [sflag:s11], $0x50  }
0x3f: {  	v16 =	vmov s29;
	[sflag:s11] =	ssyncset.done $0x0  }
0x40: {  	[sflag:s11] =	ssyncadd.s32 $0xFFFFFFB0  }
0x41: {  	_ =	swait.ge [sflag:s11], $0x50  }
0x42: {  	[sflag:s11] =	ssyncset.done $0x0  }
0x43: {  	s30 =	sadd.s32 $0x0, s29;
	[sflag:s11] =	ssyncadd.s32 $0xFFFFFFB0;
	s11 =	simm.s32 $0x0  }
0x44: {  	v17 =	vld.idx.msk [tilespmem:v16+s11+$0xA180 ss:$0x1], $0xffff;
	s11 =	sshll.u32 s30, $0x7  }
0x45: {  	s30 =	sand.u32 $0x3FFFFF80, s11  }
0x46: {  	v18 =	vld [tilespmem:s30+$0x2780]  }
0x47: {  	v19 =	vld [tilespmem:s30+$0x2790]  }
0x48: {  	v20 =	vld [tilespmem:s30+$0x27A0]  }
0x49: {  	v22 =	vld [tilespmem:s30+$0x27B0];
	v21 =	vperm.xlane v17, v0  }
0x4a: {  	v23 =	vld [tilespmem:s30+$0x27C0]  }
0x4b: {  	v24 =	vld [tilespmem:s30+$0x27D0];
	v18 =	vmul.f32 v18, v21  }
0x4c: {  	v25 =	vld [tilespmem:s30+$0x27E0];
	v19 =	vmul.f32 v19, v21  }
0x4d: {  	v35 =	vld [tilespmem:s30+$0x2810];
	v20 =	vmul.f32 v20, v21;
	[tilespmem:s30+$0x2780] =	vst v18  }
0x4e: {  	v22 =	vmul.f32 v22, v21;
	v18 =	vld [tilespmem:s30+$0x27F0];
	[tilespmem:s30+$0x2790] =	vst v19  }
0x4f: {  	v23 =	vmul.f32 v23, v21;
	v19 =	vld [tilespmem:s30+$0x2800];
	[tilespmem:s30+$0x27A0] =	vst v20  }
0x50: {  	v36 =	vld [tilespmem:s30+$0x2820];
	v26 =	vperm.xlane v17, v1;
	v24 =	vmul.f32 v24, v21;
	[tilespmem:s30+$0x27B0] =	vst v22  }
0x51: {  	v37 =	vld [tilespmem:s30+$0x2830];
	v25 =	vmul.f32 v25, v21;
	[tilespmem:s30+$0x27C0] =	vst v23  }
0x52: {  	v38 =	vld [tilespmem:s30+$0x2840];
	[tilespmem:s30+$0x27D0] =	vst v24;
	v20 =	vmul.f32 v35, v26  }
0x53: {  	v40 =	vld [tilespmem:s30+$0x2880];
	[tilespmem:s30+$0x27E0] =	vst v25;
	v18 =	vmul.f32 v18, v21  }
0x54: {  	v41 =	vld [tilespmem:s30+$0x2890];
	[tilespmem:s30+$0x2810] =	vst v20;
	v19 =	vmul.f32 v19, v26  }
0x55: {  	v22 =	vmul.f32 v36, v26;
	[tilespmem:s30+$0x27F0] =	vst v18;
	v18 =	vld [tilespmem:s30+$0x2860]  }
0x56: {  	v45 =	vperm.xlane v17, v2;
	v23 =	vmul.f32 v37, v26;
	[tilespmem:s30+$0x2800] =	vst v19;
	v19 =	vld [tilespmem:s30+$0x2870]  }
0x57: {  	v42 =	vld [tilespmem:s30+$0x28A0];
	v24 =	vmul.f32 v38, v26;
	[tilespmem:s30+$0x2820] =	vst v22  }
0x58: {  	v43 =	vld [tilespmem:s30+$0x28B0];
	[tilespmem:s30+$0x2830] =	vst v23;
	v20 =	vmul.f32 v40, v45  }
0x59: {  	v46 =	vld [tilespmem:s30+$0x28F0];
	[tilespmem:s30+$0x2840] =	vst v24;
	v22 =	vmul.f32 v41, v45  }
0x5a: {  	v47 =	vld [tilespmem:s30+$0x2900];
	[tilespmem:s30+$0x2880] =	vst v20;
	v18 =	vmul.f32 v18, v26  }
0x5b: {  	v48 =	vld [tilespmem:s30+$0x2910];
	[tilespmem:s30+$0x2890] =	vst v22;
	v19 =	vmul.f32 v19, v26  }
0x5c: {  	v23 =	vmul.f32 v42, v45;
	[tilespmem:s30+$0x2860] =	vst v18;
	v18 =	vld [tilespmem:s30+$0x28D0]  }
0x5d: {  	v51 =	vperm.xlane v17, v3;
	v24 =	vmul.f32 v43, v45;
	[tilespmem:s30+$0x2870] =	vst v19;
	v19 =	vld [tilespmem:s30+$0x28E0]  }
0x5e: {  	v49 =	vld [tilespmem:s30+$0x2920];
	[tilespmem:s30+$0x28A0] =	vst v23;
	v20 =	vmul.f32 v46, v45  }
0x5f: {  	v39 =	vld [tilespmem:s30+$0x2850];
	[tilespmem:s30+$0x28B0] =	vst v24;
	v22 =	vmul.f32 v47, v51  }
0x60: {  	v52 =	vld [tilespmem:s30+$0x2960];
	v23 =	vmul.f32 v48, v51;
	[tilespmem:s30+$0x28F0] =	vst v20  }
0x61: {  	v53 =	vld [tilespmem:s30+$0x2970];
	[tilespmem:s30+$0x2900] =	vst v22;
	v18 =	vmul.f32 v18, v45  }
0x62: {  	v54 =	vld [tilespmem:s30+$0x2980];
	[tilespmem:s30+$0x2910] =	vst v23;
	v19 =	vmul.f32 v19, v45  }
0x63: {  	v24 =	vmul.f32 v49, v51;
	[tilespmem:s30+$0x28D0] =	vst v18;
	v18 =	vld [tilespmem:s30+$0x2940]  }
0x64: {  	v21 =	vmul.f32 v39, v26;
	[tilespmem:s30+$0x28E0] =	vst v19;
	v19 =	vld [tilespmem:s30+$0x2950]  }
0x65: {  	v55 =	vld [tilespmem:s30+$0x2990];
	v57 =	vperm.xlane v17, v4;
	[tilespmem:s30+$0x2920] =	vst v24;
	v20 =	vmul.f32 v52, v51  }
0x66: {  	v44 =	vld [tilespmem:s30+$0x28C0];
	v22 =	vmul.f32 v53, v51;
	[tilespmem:s30+$0x2850] =	vst v21  }
0x67: {  	v58 =	vld [tilespmem:s30+$0x29D0];
	v23 =	vmul.f32 v54, v57;
	[tilespmem:s30+$0x2960] =	vst v20  }
0x68: {  	v59 =	vld [tilespmem:s30+$0x29E0];
	[tilespmem:s30+$0x2970] =	vst v22;
	v18 =	vmul.f32 v18, v51  }
0x69: {  	v60 =	vld [tilespmem:s30+$0x29F0];
	[tilespmem:s30+$0x2980] =	vst v23;
	v19 =	vmul.f32 v19, v51  }
0x6a: {  	v24 =	vmul.f32 v55, v57;
	[tilespmem:s30+$0x2940] =	vst v18;
	v18 =	vld [tilespmem:s30+$0x29B0]  }
0x6b: {  	v21 =	vmul.f32 v44, v45;
	[tilespmem:s30+$0x2950] =	vst v19;
	v19 =	vld [tilespmem:s30+$0x29C0]  }
0x6c: {  	v61 =	vld [tilespmem:s30+$0x2A00];
	[tilespmem:s30+$0x2990] =	vst v24;
	v20 =	vmul.f32 v58, v57  }
0x6d: {  	v50 =	vld [tilespmem:s30+$0x2930];
	v22 =	vmul.f32 v59, v57;
	[tilespmem:s30+$0x28C0] =	vst v21  }
0x6e: {  	v63 =	vld [tilespmem:s30+$0x2A40];
	v23 =	vmul.f32 v60, v57;
	[tilespmem:s30+$0x29D0] =	vst v20  }
0x6f: {  	v29 =	vld [tilespmem:s30+$0x2A50];
	v28 =	vperm.xlane v17, v5;
	[tilespmem:s30+$0x29E0] =	vst v22;
	v18 =	vmul.f32 v18, v57  }
0x70: {  	v30 =	vld [tilespmem:s30+$0x2A60];
	[tilespmem:s30+$0x29F0] =	vst v23;
	v19 =	vmul.f32 v19, v57  }
0x71: {  	v24 =	vmul.f32 v61, v28;
	[tilespmem:s30+$0x29B0] =	vst v18;
	v18 =	vld [tilespmem:s30+$0x2A20]  }
0x72: {  	v21 =	vmul.f32 v50, v51;
	[tilespmem:s30+$0x29C0] =	vst v19;
	v19 =	vld [tilespmem:s30+$0x2A30]  }
0x73: {  	v31 =	vld [tilespmem:s30+$0x2A70];
	[tilespmem:s30+$0x2A00] =	vst v24;
	v20 =	vmul.f32 v63, v28  }
0x74: {  	v56 =	vld [tilespmem:s30+$0x29A0];
	v22 =	vmul.f32 v29, v28;
	[tilespmem:s30+$0x2930] =	vst v21  }
0x75: {  	v33 =	vld [tilespmem:s30+$0x2AB0];
	v23 =	vmul.f32 v30, v28;
	[tilespmem:s30+$0x2A40] =	vst v20  }
0x76: {  	v34 =	vld [tilespmem:s30+$0x2AC0];
	[tilespmem:s30+$0x2A50] =	vst v22;
	v18 =	vmul.f32 v18, v28  }
0x77: {  	v36 =	vld [tilespmem:s30+$0x2AD0];
	[tilespmem:s30+$0x2A60] =	vst v23;
	v19 =	vmul.f32 v19, v28  }
0x78: {  	v35 =	vperm.xlane v17, v6;
	v24 =	vmul.f32 v31, v28;
	[tilespmem:s30+$0x2A20] =	vst v18;
	v18 =	vld [tilespmem:s30+$0x2A90]  }
0x79: {  	v21 =	vmul.f32 v56, v57;
	[tilespmem:s30+$0x2A30] =	vst v19;
	v19 =	vld [tilespmem:s30+$0x2AA0]  }
0x7a: {  	v37 =	vld [tilespmem:s30+$0x2AE0];
	[tilespmem:s30+$0x2A70] =	vst v24;
	v20 =	vmul.f32 v33, v35  }
0x7b: {  	v62 =	vld [tilespmem:s30+$0x2A10];
	v22 =	vmul.f32 v34, v35;
	[tilespmem:s30+$0x29A0] =	vst v21  }
0x7c: {  	v39 =	vld [tilespmem:s30+$0x2B20];
	v23 =	vmul.f32 v36, v35;
	[tilespmem:s30+$0x2AB0] =	vst v20  }
0x7d: {  	v40 =	vld [tilespmem:s30+$0x2B30];
	[tilespmem:s30+$0x2AC0] =	vst v22;
	v18 =	vmul.f32 v18, v35  }
0x7e: {  	v41 =	vld [tilespmem:s30+$0x2B40];
	[tilespmem:s30+$0x2AD0] =	vst v23;
	v19 =	vmul.f32 v19, v35  }
0x7f: {  	v42 =	vperm.xlane v17, v7;
	v24 =	vmul.f32 v37, v35;
	[tilespmem:s30+$0x2A90] =	vst v18;
	v18 =	vld [tilespmem:s30+$0x2B00]  }
0x80: {  	v21 =	vmul.f32 v62, v28;
	[tilespmem:s30+$0x2AA0] =	vst v19;
	v19 =	vld [tilespmem:s30+$0x2B10]  }
0x81: {  	v43 =	vld [tilespmem:s30+$0x2B50];
	[tilespmem:s30+$0x2AE0] =	vst v24;
	v20 =	vmul.f32 v39, v42  }
0x82: {  	v32 =	vld [tilespmem:s30+$0x2A80];
	v22 =	vmul.f32 v40, v42;
	[tilespmem:s30+$0x2A10] =	vst v21  }
0x83: {  	v46 =	vld [tilespmem:s30+$0x2BA0];
	v23 =	vmul.f32 v41, v42;
	[tilespmem:s30+$0x2B20] =	vst v20  }
0x84: {  	v47 =	vld [tilespmem:s30+$0x2BB0];
	[tilespmem:s30+$0x2B30] =	vst v22;
	v18 =	vmul.f32 v18, v42  }
0x85: {  	v48 =	vld [tilespmem:s30+$0x2BC0];
	[tilespmem:s30+$0x2B40] =	vst v23;
	v19 =	vmul.f32 v19, v42  }
0x86: {  	v49 =	vperm.xlane v17, v8;
	v24 =	vmul.f32 v43, v42;
	[tilespmem:s30+$0x2B00] =	vst v18;
	v18 =	vld [tilespmem:s30+$0x2B70]  }
0x87: {  	v21 =	vmul.f32 v32, v35;
	[tilespmem:s30+$0x2B10] =	vst v19;
	v19 =	vld [tilespmem:s30+$0x2B80]  }
0x88: {  	v38 =	vld [tilespmem:s30+$0x2AF0];
	[tilespmem:s30+$0x2B50] =	vst v24;
	v22 =	vmul.f32 v46, v49  }
0x89: {  	v52 =	vld [tilespmem:s30+$0x2C10];
	v23 =	vmul.f32 v47, v49;
	[tilespmem:s30+$0x2A80] =	vst v21  }
0x8a: {  	v53 =	vld [tilespmem:s30+$0x2C20];
	v24 =	vmul.f32 v48, v49;
	[tilespmem:s30+$0x2BA0] =	vst v22  }
0x8b: {  	v54 =	vld [tilespmem:s30+$0x2C30];
	[tilespmem:s30+$0x2BB0] =	vst v23;
	v18 =	vmul.f32 v18, v42  }
0x8c: {  	v44 =	vld [tilespmem:s30+$0x2B60];
	v56 =	vperm.xlane v17, v9;
	[tilespmem:s30+$0x2BC0] =	vst v24;
	v19 =	vmul.f32 v19, v49  }
0x8d: {  	v21 =	vmul.f32 v38, v35;
	[tilespmem:s30+$0x2B70] =	vst v18;
	v18 =	vld [tilespmem:s30+$0x2BE0]  }
0x8e: {  	v22 =	vmul.f32 v52, v56;
	[tilespmem:s30+$0x2B80] =	vst v19;
	v19 =	vld [tilespmem:s30+$0x2BF0]  }
0x8f: {  	v58 =	vld [tilespmem:s30+$0x2C80];
	v23 =	vmul.f32 v53, v56;
	[tilespmem:s30+$0x2AF0] =	vst v21  }
0x90: {  	v59 =	vld [tilespmem:s30+$0x2C90];
	v24 =	vmul.f32 v54, v56;
	[tilespmem:s30+$0x2C10] =	vst v22  }
0x91: {  	v60 =	vld [tilespmem:s30+$0x2CA0];
	v21 =	vmul.f32 v44, v42;
	[tilespmem:s30+$0x2C20] =	vst v23  }
0x92: {  	v50 =	vld [tilespmem:s30+$0x2BD0];
	v62 =	vperm.xlane v17, v10;
	[tilespmem:s30+$0x2C30] =	vst v24;
	v18 =	vmul.f32 v18, v49  }
0x93: {  	v29 =	vld [tilespmem:s30+$0x2D00];
	[tilespmem:s30+$0x2B60] =	vst v21;
	v19 =	vmul.f32 v19, v49  }
0x94: {  	v22 =	vmul.f32 v58, v62;
	[tilespmem:s30+$0x2BE0] =	vst v18;
	v18 =	vld [tilespmem:s30+$0x2C50]  }
0x95: {  	v23 =	vmul.f32 v59, v62;
	[tilespmem:s30+$0x2BF0] =	vst v19;
	v19 =	vld [tilespmem:s30+$0x2C60]  }
0x96: {  	v30 =	vld [tilespmem:s30+$0x2D10];
	v32 =	vperm.xlane v17, v11;
	v24 =	vmul.f32 v60, v62;
	[tilespmem:s30+$0x2C80] =	vst v22  }
0x97: {  	v55 =	vld [tilespmem:s30+$0x2C40];
	v21 =	vmul.f32 v50, v49;
	[tilespmem:s30+$0x2C90] =	vst v23  }
0x98: {  	v45 =	vld [tilespmem:s30+$0x2B90];
	[tilespmem:s30+$0x2CA0] =	vst v24;
	v23 =	vmul.f32 v29, v32  }
0x99: {  	v36 =	vld [tilespmem:s30+$0x2D80];
	[tilespmem:s30+$0x2BD0] =	vst v21;
	v18 =	vmul.f32 v18, v56  }
0x9a: {  	v61 =	vld [tilespmem:s30+$0x2CB0];
	[tilespmem:s30+$0x2D00] =	vst v23;
	v19 =	vmul.f32 v19, v56  }
0x9b: {  	v24 =	vmul.f32 v30, v32;
	[tilespmem:s30+$0x2C50] =	vst v18;
	v18 =	vld [tilespmem:s30+$0x2CC0]  }
0x9c: {  	v39 =	vperm.xlane v17, v12;
	v21 =	vmul.f32 v55, v56;
	[tilespmem:s30+$0x2C60] =	vst v19;
	v19 =	vld [tilespmem:s30+$0x2CD0]  }
0x9d: {  	v20 =	vmul.f32 v45, v49;
	[tilespmem:s30+$0x2D10] =	vst v24;
	v51 =	vld [tilespmem:s30+$0x2C00]  }
0x9e: {  	v31 =	vld [tilespmem:s30+$0x2D20];
	v24 =	vmul.f32 v36, v39;
	[tilespmem:s30+$0x2C40] =	vst v21  }
0x9f: {  	v21 =	vmul.f32 v61, v62;
	[tilespmem:s30+$0x2B90] =	vst v20;
	v57 =	vld [tilespmem:s30+$0x2C70]  }
0xa0: {  	v37 =	vld [tilespmem:s30+$0x2D90];
	[tilespmem:s30+$0x2D80] =	vst v24;
	v18 =	vmul.f32 v18, v62  }
0xa1: {  	v63 =	vld [tilespmem:s30+$0x2CE0];
	[tilespmem:s30+$0x2CB0] =	vst v21;
	v19 =	vmul.f32 v19, v62  }
0xa2: {  	v20 =	vmul.f32 v51, v56;
	[tilespmem:s30+$0x2CC0] =	vst v18;
	v18 =	vld [tilespmem:s30+$0x2D30]  }
0xa3: {  	v21 =	vmul.f32 v31, v32;
	[tilespmem:s30+$0x2CD0] =	vst v19;
	v19 =	vld [tilespmem:s30+$0x2D40]  }
0xa4: {  	v43 =	vld [tilespmem:s30+$0x2E00];
	[tilespmem:s30+$0x2C00] =	vst v20;
	v20 =	vmul.f32 v57, v56  }
0xa5: {  	v33 =	vld [tilespmem:s30+$0x2D50];
	[tilespmem:s30+$0x2D20] =	vst v21;
	v21 =	vmul.f32 v37, v39  }
0xa6: {  	v61 =	vld [tilespmem:s30+$0x2EE0];
	[tilespmem:s30+$0x2C70] =	vst v20;
	v20 =	vmul.f32 v63, v62  }
0xa7: {  	v46 =	vperm.xlane v17, v13;
	v38 =	vld [tilespmem:s30+$0x2DC0];
	[tilespmem:s30+$0x2D90] =	vst v21;
	v18 =	vmul.f32 v18, v32  }
0xa8: {  	v28 =	vld [tilespmem:s30+$0x2CF0];
	[tilespmem:s30+$0x2CE0] =	vst v20;
	v19 =	vmul.f32 v19, v32  }
0xa9: {  	v53 =	vperm.xlane v17, v14;
	v21 =	vmul.f32 v43, v46;
	[tilespmem:s30+$0x2D30] =	vst v18;
	v18 =	vld [tilespmem:s30+$0x2DA0]  }
0xaa: {  	v20 =	vmul.f32 v33, v32;
	[tilespmem:s30+$0x2D40] =	vst v19;
	v19 =	vld [tilespmem:s30+$0x2DB0]  }
0xab: {  	v44 =	vld [tilespmem:s30+$0x2E30];
	[tilespmem:s30+$0x2E00] =	vst v21;
	v63 =	vmul.f32 v61, v53  }
0xac: {  	v34 =	vld [tilespmem:s30+$0x2D60];
	[tilespmem:s30+$0x2D50] =	vst v20;
	v20 =	vmul.f32 v38, v39  }
0xad: {  	v50 =	vld [tilespmem:s30+$0x2EA0];
	[tilespmem:s30+$0x2EE0] =	vst v63;
	v22 =	vmul.f32 v28, v62  }
0xae: {  	v40 =	vld [tilespmem:s30+$0x2DD0];
	[tilespmem:s30+$0x2DC0] =	vst v20;
	v18 =	vmul.f32 v18, v39  }
0xaf: {  	[tilespmem:s30+$0x2CF0] =	vst v22;
	v35 =	vld [tilespmem:s30+$0x2D70];
	v19 =	vmul.f32 v19, v39  }
0xb0: {  	v20 =	vmul.f32 v44, v46;
	[tilespmem:s30+$0x2DA0] =	vst v18;
	v18 =	vld [tilespmem:s30+$0x2E10]  }
0xb1: {  	v22 =	vmul.f32 v34, v32;
	[tilespmem:s30+$0x2DB0] =	vst v19;
	v19 =	vld [tilespmem:s30+$0x2E20]  }
0xb2: {  	v45 =	vld [tilespmem:s30+$0x2E40];
	[tilespmem:s30+$0x2E30] =	vst v20;
	v20 =	vmul.f32 v50, v53  }
0xb3: {  	v41 =	vld [tilespmem:s30+$0x2DE0];
	[tilespmem:s30+$0x2D60] =	vst v22;
	v22 =	vmul.f32 v40, v39  }
0xb4: {  	v51 =	vld [tilespmem:s30+$0x2EB0];
	[tilespmem:s30+$0x2EA0] =	vst v20;
	v23 =	vmul.f32 v35, v32  }
0xb5: {  	v47 =	vld [tilespmem:s30+$0x2E50];
	[tilespmem:s30+$0x2DD0] =	vst v22;
	v18 =	vmul.f32 v18, v46  }
0xb6: {  	[tilespmem:s30+$0x2D70] =	vst v23;
	v42 =	vld [tilespmem:s30+$0x2DF0];
	v19 =	vmul.f32 v19, v46  }
0xb7: {  	v22 =	vmul.f32 v45, v46;
	[tilespmem:s30+$0x2E10] =	vst v18;
	v18 =	vld [tilespmem:s30+$0x2E80]  }
0xb8: {  	v23 =	vmul.f32 v41, v39;
	[tilespmem:s30+$0x2E20] =	vst v19;
	v19 =	vld [tilespmem:s30+$0x2E90]  }
0xb9: {  	v52 =	vld [tilespmem:s30+$0x2EC0];
	[tilespmem:s30+$0x2E40] =	vst v22;
	v22 =	vmul.f32 v51, v53  }
0xba: {  	v48 =	vld [tilespmem:s30+$0x2E60];
	[tilespmem:s30+$0x2DE0] =	vst v23;
	v23 =	vmul.f32 v47, v46  }
0xbb: {  	[tilespmem:s30+$0x2EB0] =	vst v22;
	v24 =	vmul.f32 v42, v39;
	v49 =	vld [tilespmem:s30+$0x2E70]  }
0xbc: {  	v54 =	vld [tilespmem:s30+$0x2ED0];
	[tilespmem:s30+$0x2E50] =	vst v23;
	v18 =	vmul.f32 v18, v53  }
0xbd: {  	v55 =	vld [tilespmem:s30+$0x2EF0];
	[tilespmem:s30+$0x2DF0] =	vst v24;
	v19 =	vmul.f32 v19, v53  }
0xbe: {  	v23 =	vmul.f32 v52, v53;
	[tilespmem:s30+$0x2E80] =	vst v18;
	v18 =	vld [tilespmem:s30+$0x2F00]  }
0xbf: {  	v24 =	vmul.f32 v48, v46;
	[tilespmem:s30+$0x2E90] =	vst v19;
	v19 =	vld [tilespmem:s30+$0x2F10]  }
0xc0: {  	[tilespmem:s30+$0x2EC0] =	vst v23;
	v21 =	vmul.f32 v49, v46;
	v56 =	vld [tilespmem:s30+$0x2F20]  }
0xc1: {  	v17 =	vperm.xlane v17, v15;
	v57 =	vld [tilespmem:s30+$0x2F30];
	[tilespmem:s30+$0x2E60] =	vst v24;
	v24 =	vmul.f32 v54, v53  }
0xc2: {  	v58 =	vld [tilespmem:s30+$0x2F40];
	[tilespmem:s30+$0x2E70] =	vst v21;
	v21 =	vmul.f32 v55, v53  }
0xc3: {  	v59 =	vld [tilespmem:s30+$0x2F50];
	[tilespmem:s30+$0x2ED0] =	vst v24;
	v18 =	vmul.f32 v18, v17  }
0xc4: {  	v60 =	vld [tilespmem:s30+$0x2F60];
	[tilespmem:s30+$0x2EF0] =	vst v21;
	v19 =	vmul.f32 v19, v17  }
0xc5: {  	v62 =	vld [tilespmem:s30+$0x2F70];
	[tilespmem:s30+$0x2F00] =	vst v18;
	v18 =	vmul.f32 v56, v17  }
0xc6: {  	[tilespmem:s30+$0x2F10] =	vst v19;
	v19 =	vmul.f32 v57, v17  }
0xc7: {  	[tilespmem:s30+$0x2F20] =	vst v18;
	v18 =	vmul.f32 v58, v17  }
0xc8: {  	[tilespmem:s30+$0x2F30] =	vst v19;
	v19 =	vmul.f32 v59, v17  }
0xc9: {  	[tilespmem:s30+$0x2F40] =	vst v18;
	v18 =	vmul.f32 v60, v17  }
0xca: {  	p2 =	por $0x0, $0x0;
	p5 =	sne.s32 @!p3 s8, $0x1;
	p1 =	por $0x0, $0x0;
	[tilespmem:s30+$0x2F50] =	vst v19;
	v17 =	vmul.f32 v62, v17  }
0xcb: {  	s8 =	simm.s32 $0x1;
	p2 =	por @!p3 p4, p4;
	p1 =	por @!p3 p5, p5;
	[tilespmem:s30+$0x2F60] =	vst v18  }
.LBB2_3:
0xcc: {  	s11 =	sshll.u32 s8, $0x4;
	p3 =	sne.s32 s8, $0x4;
	s8 =	sadd.s32 $0x1, s8;
	[tilespmem:s30+$0x2F70] =	vst v17  }
0xcd: {  	s30 =	sadd.s32 s29, s11;
	v17 =	vld.idx.msk [tilespmem:v16+s11+$0xA180 ss:$0x1], $0xffff  }
0xce: {  	s11 =	sshll.u32 s30, $0x7  }
0xcf: {  	s30 =	sand.u32 $0x3FFFFF80, s11  }
0xd0: {  	v19 =	vld [tilespmem:s30+$0x2780]  }
0xd1: {  	v20 =	vld [tilespmem:s30+$0x2790]  }
0xd2: {  	v21 =	vld [tilespmem:s30+$0x27A0]  }
0xd3: {  	v22 =	vperm.xlane v17, v0;
	v18 =	vperm.xlane v17, v3;
	v23 =	vld [tilespmem:s30+$0x27B0]  }
0xd4: {  	v25 =	vperm.xlane v17, v1;
	v24 =	vld [tilespmem:s30+$0x27C0]  }
0xd5: {  	v19 =	vmul.f32 v19, v22;
	v26 =	vld [tilespmem:s30+$0x27D0]  }
0xd6: {  	v20 =	vmul.f32 v20, v22;
	v27 =	vld [tilespmem:s30+$0x27E0]  }
0xd7: {  	[tilespmem:s30+$0x2780] =	vst v19;
	v19 =	vmul.f32 v21, v22;
	v21 =	vld [tilespmem:s30+$0x27F0]  }
0xd8: {  	[tilespmem:s30+$0x2790] =	vst v20;
	v20 =	vmul.f32 v23, v22;
	v23 =	vld [tilespmem:s30+$0x2800]  }
0xd9: {  	[tilespmem:s30+$0x27A0] =	vst v19;
	v19 =	vmul.f32 v24, v22;
	v24 =	vld [tilespmem:s30+$0x2810]  }
0xda: {  	[tilespmem:s30+$0x27B0] =	vst v20;
	v20 =	vmul.f32 v26, v22;
	v26 =	vld [tilespmem:s30+$0x2820]  }
0xdb: {  	[tilespmem:s30+$0x27C0] =	vst v19;
	v19 =	vmul.f32 v27, v22;
	v27 =	vld [tilespmem:s30+$0x2830]  }
0xdc: {  	[tilespmem:s30+$0x27D0] =	vst v20;
	v20 =	vmul.f32 v21, v22;
	v21 =	vld [tilespmem:s30+$0x2840]  }
0xdd: {  	[tilespmem:s30+$0x27E0] =	vst v19;
	v19 =	vmul.f32 v23, v25;
	v22 =	vld [tilespmem:s30+$0x2850]  }
0xde: {  	[tilespmem:s30+$0x27F0] =	vst v20;
	v20 =	vmul.f32 v24, v25;
	v23 =	vld [tilespmem:s30+$0x2860]  }
0xdf: {  	[tilespmem:s30+$0x2800] =	vst v19;
	v19 =	vmul.f32 v26, v25;
	v24 =	vld [tilespmem:s30+$0x2870]  }
0xe0: {  	[tilespmem:s30+$0x2810] =	vst v20;
	v20 =	vmul.f32 v27, v25;
	v26 =	vld [tilespmem:s30+$0x2880]  }
0xe1: {  	[tilespmem:s30+$0x2820] =	vst v19;
	v19 =	vmul.f32 v21, v25;
	v21 =	vld [tilespmem:s30+$0x2890]  }
0xe2: {  	[tilespmem:s30+$0x2830] =	vst v20;
	v20 =	vmul.f32 v22, v25;
	v22 =	vld [tilespmem:s30+$0x28A0]  }
0xe3: {  	[tilespmem:s30+$0x2840] =	vst v19;
	v19 =	vmul.f32 v23, v25;
	v23 =	vperm.xlane v17, v2;
	v27 =	vld [tilespmem:s30+$0x28B0]  }
0xe4: {  	[tilespmem:s30+$0x2850] =	vst v20;
	v20 =	vmul.f32 v24, v25;
	v24 =	vld [tilespmem:s30+$0x28C0]  }
0xe5: {  	[tilespmem:s30+$0x2860] =	vst v19;
	v19 =	vmul.f32 v26, v23;
	v25 =	vld [tilespmem:s30+$0x28D0]  }
0xe6: {  	[tilespmem:s30+$0x2870] =	vst v20;
	v20 =	vmul.f32 v21, v23;
	v21 =	vld [tilespmem:s30+$0x28E0]  }
0xe7: {  	[tilespmem:s30+$0x2880] =	vst v19;
	v19 =	vmul.f32 v22, v23;
	v22 =	vld [tilespmem:s30+$0x28F0]  }
0xe8: {  	[tilespmem:s30+$0x2890] =	vst v20;
	v20 =	vmul.f32 v27, v23;
	v26 =	vld [tilespmem:s30+$0x2900]  }
0xe9: {  	[tilespmem:s30+$0x28A0] =	vst v19;
	v19 =	vmul.f32 v24, v23;
	v24 =	vld [tilespmem:s30+$0x2910]  }
0xea: {  	[tilespmem:s30+$0x28B0] =	vst v20;
	v20 =	vmul.f32 v25, v23;
	v25 =	vld [tilespmem:s30+$0x2920]  }
0xeb: {  	[tilespmem:s30+$0x28C0] =	vst v19;
	v19 =	vmul.f32 v21, v23;
	v21 =	vld [tilespmem:s30+$0x2930]  }
0xec: {  	[tilespmem:s30+$0x28D0] =	vst v20;
	v20 =	vmul.f32 v22, v23;
	v22 =	vld [tilespmem:s30+$0x2940]  }
0xed: {  	[tilespmem:s30+$0x28E0] =	vst v19;
	v19 =	vmul.f32 v26, v18;
	v23 =	vld [tilespmem:s30+$0x2950]  }
0xee: {  	[tilespmem:s30+$0x28F0] =	vst v20;
	v20 =	vmul.f32 v24, v18;
	v24 =	vld [tilespmem:s30+$0x2960]  }
0xef: {  	[tilespmem:s30+$0x2900] =	vst v19;
	v19 =	vmul.f32 v25, v18;
	v25 =	vld [tilespmem:s30+$0x2970]  }
0xf0: {  	[tilespmem:s30+$0x2910] =	vst v20;
	v20 =	vmul.f32 v21, v18;
	v21 =	vld [tilespmem:s30+$0x2980]  }
0xf1: {  	[tilespmem:s30+$0x2920] =	vst v19;
	v19 =	vmul.f32 v22, v18;
	v22 =	vld [tilespmem:s30+$0x2990]  }
0xf2: {  	[tilespmem:s30+$0x2930] =	vst v20;
	v20 =	vmul.f32 v23, v18;
	v23 =	vld [tilespmem:s30+$0x29A0]  }
0xf3: {  	[tilespmem:s30+$0x2940] =	vst v19;
	v19 =	vmul.f32 v24, v18;
	v24 =	vperm.xlane v17, v4;
	v26 =	vld [tilespmem:s30+$0x29B0]  }
0xf4: {  	[tilespmem:s30+$0x2950] =	vst v20;
	v18 =	vmul.f32 v25, v18;
	v20 =	vld [tilespmem:s30+$0x29C0]  }
0xf5: {  	[tilespmem:s30+$0x2960] =	vst v19;
	v19 =	vmul.f32 v21, v24;
	v21 =	vld [tilespmem:s30+$0x29D0]  }
0xf6: {  	[tilespmem:s30+$0x2970] =	vst v18;
	v18 =	vmul.f32 v22, v24;
	v22 =	vld [tilespmem:s30+$0x29E0]  }
0xf7: {  	[tilespmem:s30+$0x2980] =	vst v19;
	v19 =	vmul.f32 v23, v24;
	v23 =	vld [tilespmem:s30+$0x29F0]  }
0xf8: {  	[tilespmem:s30+$0x2990] =	vst v18;
	v18 =	vmul.f32 v26, v24;
	v25 =	vld [tilespmem:s30+$0x2A00]  }
0xf9: {  	[tilespmem:s30+$0x29A0] =	vst v19;
	v19 =	vmul.f32 v20, v24;
	v20 =	vld [tilespmem:s30+$0x2A10]  }
0xfa: {  	[tilespmem:s30+$0x29B0] =	vst v18;
	v18 =	vmul.f32 v21, v24;
	v21 =	vld [tilespmem:s30+$0x2A20]  }
0xfb: {  	[tilespmem:s30+$0x29C0] =	vst v19;
	v19 =	vmul.f32 v22, v24;
	v22 =	vperm.xlane v17, v5;
	v26 =	vld [tilespmem:s30+$0x2A30]  }
0xfc: {  	[tilespmem:s30+$0x29D0] =	vst v18;
	v18 =	vmul.f32 v23, v24;
	v23 =	vld [tilespmem:s30+$0x2A40]  }
0xfd: {  	[tilespmem:s30+$0x29E0] =	vst v19;
	v19 =	vmul.f32 v25, v22;
	v24 =	vld [tilespmem:s30+$0x2A50]  }
0xfe: {  	[tilespmem:s30+$0x29F0] =	vst v18;
	v18 =	vmul.f32 v20, v22;
	v20 =	vld [tilespmem:s30+$0x2A60]  }
0xff: {  	[tilespmem:s30+$0x2A00] =	vst v19;
	v19 =	vmul.f32 v21, v22;
	v21 =	vld [tilespmem:s30+$0x2A70]  }
0x100: {  	[tilespmem:s30+$0x2A10] =	vst v18;
	v18 =	vmul.f32 v26, v22;
	v25 =	vld [tilespmem:s30+$0x2A80]  }
0x101: {  	[tilespmem:s30+$0x2A20] =	vst v19;
	v19 =	vmul.f32 v23, v22;
	v23 =	vld [tilespmem:s30+$0x2A90]  }
0x102: {  	[tilespmem:s30+$0x2A30] =	vst v18;
	v18 =	vmul.f32 v24, v22;
	v24 =	vld [tilespmem:s30+$0x2AA0]  }
0x103: {  	[tilespmem:s30+$0x2A40] =	vst v19;
	v19 =	vmul.f32 v20, v22;
	v20 =	vperm.xlane v17, v6;
	v26 =	vld [tilespmem:s30+$0x2AB0]  }
0x104: {  	[tilespmem:s30+$0x2A50] =	vst v18;
	v18 =	vmul.f32 v21, v22;
	v21 =	vld [tilespmem:s30+$0x2AC0]  }
0x105: {  	[tilespmem:s30+$0x2A60] =	vst v19;
	v19 =	vmul.f32 v25, v20;
	v22 =	vld [tilespmem:s30+$0x2AD0]  }
0x106: {  	[tilespmem:s30+$0x2A70] =	vst v18;
	v18 =	vmul.f32 v23, v20;
	v23 =	vld [tilespmem:s30+$0x2AE0]  }
0x107: {  	[tilespmem:s30+$0x2A80] =	vst v19;
	v19 =	vmul.f32 v24, v20;
	v24 =	vld [tilespmem:s30+$0x2AF0]  }
0x108: {  	[tilespmem:s30+$0x2A90] =	vst v18;
	v18 =	vmul.f32 v26, v20;
	v25 =	vld [tilespmem:s30+$0x2B00]  }
0x109: {  	[tilespmem:s30+$0x2AA0] =	vst v19;
	v19 =	vmul.f32 v21, v20;
	v21 =	vld [tilespmem:s30+$0x2B10]  }
0x10a: {  	[tilespmem:s30+$0x2AB0] =	vst v18;
	v18 =	vmul.f32 v22, v20;
	v22 =	vld [tilespmem:s30+$0x2B20]  }
0x10b: {  	[tilespmem:s30+$0x2AC0] =	vst v19;
	v19 =	vmul.f32 v23, v20;
	v23 =	vperm.xlane v17, v7;
	v26 =	vld [tilespmem:s30+$0x2B30]  }
0x10c: {  	[tilespmem:s30+$0x2AD0] =	vst v18;
	v18 =	vmul.f32 v24, v20;
	v20 =	vld [tilespmem:s30+$0x2B40]  }
0x10d: {  	[tilespmem:s30+$0x2AE0] =	vst v19;
	v19 =	vmul.f32 v25, v23;
	v24 =	vld [tilespmem:s30+$0x2B50]  }
0x10e: {  	[tilespmem:s30+$0x2AF0] =	vst v18;
	v18 =	vmul.f32 v21, v23;
	v21 =	vld [tilespmem:s30+$0x2B60]  }
0x10f: {  	[tilespmem:s30+$0x2B00] =	vst v19;
	v19 =	vmul.f32 v22, v23;
	v22 =	vld [tilespmem:s30+$0x2B70]  }
0x110: {  	[tilespmem:s30+$0x2B10] =	vst v18;
	v18 =	vmul.f32 v26, v23;
	v25 =	vld [tilespmem:s30+$0x2B80]  }
0x111: {  	[tilespmem:s30+$0x2B20] =	vst v19;
	v19 =	vmul.f32 v20, v23;
	v20 =	vld [tilespmem:s30+$0x2B90]  }
0x112: {  	[tilespmem:s30+$0x2B30] =	vst v18;
	v18 =	vmul.f32 v24, v23;
	v24 =	vld [tilespmem:s30+$0x2BA0]  }
0x113: {  	[tilespmem:s30+$0x2B40] =	vst v19;
	v19 =	vmul.f32 v21, v23;
	v21 =	vperm.xlane v17, v8;
	v26 =	vld [tilespmem:s30+$0x2BB0]  }
0x114: {  	[tilespmem:s30+$0x2B50] =	vst v18;
	v18 =	vmul.f32 v22, v23;
	v22 =	vld [tilespmem:s30+$0x2BC0]  }
0x115: {  	[tilespmem:s30+$0x2B60] =	vst v19;
	v19 =	vmul.f32 v25, v21;
	v23 =	vld [tilespmem:s30+$0x2BD0]  }
0x116: {  	[tilespmem:s30+$0x2B70] =	vst v18;
	v18 =	vmul.f32 v20, v21;
	v20 =	vld [tilespmem:s30+$0x2BE0]  }
0x117: {  	[tilespmem:s30+$0x2B80] =	vst v19;
	v19 =	vmul.f32 v24, v21;
	v24 =	vld [tilespmem:s30+$0x2BF0]  }
0x118: {  	[tilespmem:s30+$0x2B90] =	vst v18;
	v18 =	vmul.f32 v26, v21;
	v25 =	vld [tilespmem:s30+$0x2C00]  }
0x119: {  	[tilespmem:s30+$0x2BA0] =	vst v19;
	v19 =	vmul.f32 v22, v21;
	v22 =	vld [tilespmem:s30+$0x2C10]  }
0x11a: {  	[tilespmem:s30+$0x2BB0] =	vst v18;
	v18 =	vmul.f32 v23, v21;
	v23 =	vld [tilespmem:s30+$0x2C20]  }
0x11b: {  	[tilespmem:s30+$0x2BC0] =	vst v19;
	v19 =	vmul.f32 v20, v21;
	v20 =	vperm.xlane v17, v9;
	v26 =	vld [tilespmem:s30+$0x2C30]  }
0x11c: {  	[tilespmem:s30+$0x2BD0] =	vst v18;
	v18 =	vmul.f32 v24, v21;
	v21 =	vld [tilespmem:s30+$0x2C40]  }
0x11d: {  	[tilespmem:s30+$0x2BE0] =	vst v19;
	v19 =	vmul.f32 v25, v20;
	v24 =	vld [tilespmem:s30+$0x2C50]  }
0x11e: {  	[tilespmem:s30+$0x2BF0] =	vst v18;
	v18 =	vmul.f32 v22, v20;
	v22 =	vld [tilespmem:s30+$0x2C60]  }
0x11f: {  	[tilespmem:s30+$0x2C00] =	vst v19;
	v19 =	vmul.f32 v23, v20;
	v23 =	vld [tilespmem:s30+$0x2C70]  }
0x120: {  	[tilespmem:s30+$0x2C10] =	vst v18;
	v18 =	vmul.f32 v26, v20;
	v25 =	vld [tilespmem:s30+$0x2C80]  }
0x121: {  	[tilespmem:s30+$0x2C20] =	vst v19;
	v19 =	vmul.f32 v21, v20;
	v21 =	vld [tilespmem:s30+$0x2C90]  }
0x122: {  	[tilespmem:s30+$0x2C30] =	vst v18;
	v18 =	vmul.f32 v24, v20;
	v24 =	vld [tilespmem:s30+$0x2CA0]  }
0x123: {  	[tilespmem:s30+$0x2C40] =	vst v19;
	v19 =	vmul.f32 v22, v20;
	v22 =	vperm.xlane v17, v10;
	v26 =	vld [tilespmem:s30+$0x2CB0]  }
0x124: {  	[tilespmem:s30+$0x2C50] =	vst v18;
	v18 =	vmul.f32 v23, v20;
	v20 =	vld [tilespmem:s30+$0x2CC0]  }
0x125: {  	[tilespmem:s30+$0x2C60] =	vst v19;
	v19 =	vmul.f32 v25, v22;
	v23 =	vld [tilespmem:s30+$0x2CD0]  }
0x126: {  	[tilespmem:s30+$0x2C70] =	vst v18;
	v18 =	vmul.f32 v21, v22;
	v21 =	vld [tilespmem:s30+$0x2CE0]  }
0x127: {  	[tilespmem:s30+$0x2C80] =	vst v19;
	v19 =	vmul.f32 v24, v22;
	v24 =	vld [tilespmem:s30+$0x2CF0]  }
0x128: {  	[tilespmem:s30+$0x2C90] =	vst v18;
	v18 =	vmul.f32 v26, v22;
	v25 =	vld [tilespmem:s30+$0x2D00]  }
0x129: {  	[tilespmem:s30+$0x2CA0] =	vst v19;
	v19 =	vmul.f32 v20, v22;
	v20 =	vld [tilespmem:s30+$0x2D10]  }
0x12a: {  	[tilespmem:s30+$0x2CB0] =	vst v18;
	v18 =	vmul.f32 v23, v22;
	v23 =	vld [tilespmem:s30+$0x2D20]  }
0x12b: {  	[tilespmem:s30+$0x2CC0] =	vst v19;
	v19 =	vmul.f32 v21, v22;
	v21 =	vperm.xlane v17, v11;
	v26 =	vld [tilespmem:s30+$0x2D30]  }
0x12c: {  	[tilespmem:s30+$0x2CD0] =	vst v18;
	v18 =	vmul.f32 v24, v22;
	v22 =	vld [tilespmem:s30+$0x2D40]  }
0x12d: {  	[tilespmem:s30+$0x2CE0] =	vst v19;
	v19 =	vmul.f32 v25, v21;
	v24 =	vld [tilespmem:s30+$0x2D50]  }
0x12e: {  	[tilespmem:s30+$0x2CF0] =	vst v18;
	v18 =	vmul.f32 v20, v21;
	v20 =	vld [tilespmem:s30+$0x2D60]  }
0x12f: {  	[tilespmem:s30+$0x2D00] =	vst v19;
	v19 =	vmul.f32 v23, v21;
	v23 =	vld [tilespmem:s30+$0x2D70]  }
0x130: {  	[tilespmem:s30+$0x2D10] =	vst v18;
	v18 =	vmul.f32 v26, v21;
	v25 =	vld [tilespmem:s30+$0x2D80]  }
0x131: {  	[tilespmem:s30+$0x2D20] =	vst v19;
	v19 =	vmul.f32 v22, v21;
	v22 =	vld [tilespmem:s30+$0x2D90]  }
0x132: {  	[tilespmem:s30+$0x2D30] =	vst v18;
	v18 =	vmul.f32 v24, v21;
	v24 =	vld [tilespmem:s30+$0x2DA0]  }
0x133: {  	[tilespmem:s30+$0x2D40] =	vst v19;
	v19 =	vmul.f32 v20, v21;
	v20 =	vperm.xlane v17, v12;
	v26 =	vld [tilespmem:s30+$0x2DB0]  }
0x134: {  	[tilespmem:s30+$0x2D50] =	vst v18;
	v18 =	vmul.f32 v23, v21;
	v21 =	vld [tilespmem:s30+$0x2DC0]  }
0x135: {  	[tilespmem:s30+$0x2D60] =	vst v19;
	v19 =	vmul.f32 v25, v20;
	v23 =	vld [tilespmem:s30+$0x2DD0]  }
0x136: {  	[tilespmem:s30+$0x2D70] =	vst v18;
	v18 =	vmul.f32 v22, v20;
	v22 =	vld [tilespmem:s30+$0x2DE0]  }
0x137: {  	[tilespmem:s30+$0x2D80] =	vst v19;
	v19 =	vmul.f32 v24, v20;
	v24 =	vld [tilespmem:s30+$0x2DF0]  }
0x138: {  	[tilespmem:s30+$0x2D90] =	vst v18;
	v18 =	vmul.f32 v26, v20;
	v25 =	vld [tilespmem:s30+$0x2E00]  }
0x139: {  	[tilespmem:s30+$0x2DA0] =	vst v19;
	v19 =	vmul.f32 v21, v20;
	v21 =	vld [tilespmem:s30+$0x2E10]  }
0x13a: {  	[tilespmem:s30+$0x2DB0] =	vst v18;
	v18 =	vmul.f32 v23, v20;
	v23 =	vld [tilespmem:s30+$0x2E20]  }
0x13b: {  	[tilespmem:s30+$0x2DC0] =	vst v19;
	v19 =	vmul.f32 v22, v20;
	v22 =	vperm.xlane v17, v13;
	v26 =	vld [tilespmem:s30+$0x2E30]  }
0x13c: {  	[tilespmem:s30+$0x2DD0] =	vst v18;
	v18 =	vmul.f32 v24, v20;
	v20 =	vld [tilespmem:s30+$0x2E40]  }
0x13d: {  	[tilespmem:s30+$0x2DE0] =	vst v19;
	v19 =	vmul.f32 v25, v22;
	v24 =	vld [tilespmem:s30+$0x2E50]  }
0x13e: {  	[tilespmem:s30+$0x2DF0] =	vst v18;
	v18 =	vmul.f32 v21, v22;
	v21 =	vld [tilespmem:s30+$0x2E60]  }
0x13f: {  	[tilespmem:s30+$0x2E00] =	vst v19;
	v19 =	vmul.f32 v23, v22;
	v23 =	vld [tilespmem:s30+$0x2E70]  }
0x140: {  	[tilespmem:s30+$0x2E10] =	vst v18;
	v18 =	vmul.f32 v26, v22;
	v25 =	vld [tilespmem:s30+$0x2E80]  }
0x141: {  	[tilespmem:s30+$0x2E20] =	vst v19;
	v19 =	vmul.f32 v20, v22;
	v20 =	vld [tilespmem:s30+$0x2E90]  }
0x142: {  	[tilespmem:s30+$0x2E30] =	vst v18;
	v18 =	vmul.f32 v24, v22;
	v24 =	vld [tilespmem:s30+$0x2EA0]  }
0x143: {  	[tilespmem:s30+$0x2E40] =	vst v19;
	v19 =	vmul.f32 v21, v22;
	v21 =	vperm.xlane v17, v14;
	v26 =	vld [tilespmem:s30+$0x2EB0]  }
0x144: {  	[tilespmem:s30+$0x2E50] =	vst v18;
	v18 =	vmul.f32 v23, v22;
	v22 =	vld [tilespmem:s30+$0x2EC0]  }
0x145: {  	[tilespmem:s30+$0x2E60] =	vst v19;
	v19 =	vmul.f32 v25, v21;
	v23 =	vld [tilespmem:s30+$0x2ED0]  }
0x146: {  	[tilespmem:s30+$0x2E70] =	vst v18;
	v18 =	vmul.f32 v20, v21;
	v20 =	vld [tilespmem:s30+$0x2EF0]  }
0x147: {  	[tilespmem:s30+$0x2E80] =	vst v19;
	v19 =	vmul.f32 v24, v21;
	v24 =	vld [tilespmem:s30+$0x2F00]  }
0x148: {  	[tilespmem:s30+$0x2E90] =	vst v18;
	v18 =	vmul.f32 v26, v21;
	v25 =	vld [tilespmem:s30+$0x2F10]  }
0x149: {  	[tilespmem:s30+$0x2EA0] =	vst v19;
	v19 =	vmul.f32 v22, v21;
	v22 =	vld [tilespmem:s30+$0x2F20]  }
0x14a: {  	v17 =	vperm.xlane v17, v15;
	[tilespmem:s30+$0x2EB0] =	vst v18;
	v18 =	vmul.f32 v23, v21;
	v23 =	vld [tilespmem:s30+$0x2F30]  }
0x14b: {  	[tilespmem:s30+$0x2EC0] =	vst v19;
	v19 =	vmul.f32 v20, v21;
	v20 =	vld [tilespmem:s30+$0x2F40]  }
0x14c: {  	[tilespmem:s30+$0x2ED0] =	vst v18;
	v18 =	vmul.f32 v24, v17;
	v24 =	vld [tilespmem:s30+$0x2F50]  }
0x14d: {  	[tilespmem:s30+$0x2EF0] =	vst v19;
	v19 =	vmul.f32 v25, v17;
	v25 =	vld [tilespmem:s30+$0x2F60]  }
0x14e: {  	v26 =	vld [tilespmem:s30+$0x2EE0];
	[tilespmem:s30+$0x2F00] =	vst v18;
	v18 =	vmul.f32 v22, v17  }
0x14f: {  	[tilespmem:s30+$0x2F10] =	vst v19;
	v19 =	vmul.f32 v23, v17;
	v22 =	vld [tilespmem:s30+$0x2F70]  }
0x150: {  	[tilespmem:s30+$0x2F20] =	vst v18;
	v18 =	vmul.f32 v20, v17  }
.Ltmp0:
0x151: {  	[tilespmem:s30+$0x2F30] =	vst v19;
	v19 =	vmul.f32 v24, v17;
	(pc) =	sbr.rel @p3 .LBB2_3-.Ltmp0, $4  }
0x152: {  	[tilespmem:s30+$0x2F40] =	vst v18;
	v18 =	vmul.f32 v25, v17  }
0x153: {  	v20 =	vmul.f32 v26, v21;
	[tilespmem:s30+$0x2F50] =	vst v19  }
0x154: {  	[tilespmem:s30+$0x2F60] =	vst v18;
	v17 =	vmul.f32 v22, v17  }
0x155: {  	[tilespmem:s30+$0x2EE0] =	vst v20  }
0x156: {  	p4 =	sne.s32 s28, $0x0  }
0x157: {  	s8 =	simm.s32 @!p4 $0x50  }
0x158: {  	[tilespmem:s30+$0x2F70] =	vst v17;
	s11 =	simm.s32 @!p4 $0x9F80;
	s28 =	simm.s32 @!p4 $0x2780;
	p5 =	sgt.u32 @!p4 s26, $0x7A  }
0x159: {  	[spmem:s4] =	stream.indirect.scatter.add.f32 @!p4 [tilespmem:s28], [sflag:$0x4], $0x80, s11, s8, $0xb8;
	[tilespmem:$0x1DB00] =	vst v63  }
0x15a: {  	p3 =	por p5, p4  }
0x15b: {  	p6 =	seq.s32 @!p3 s26, $0x0  }
0x15c: {  	p5 =	por @!p4 p6, p5  }
0x15d: {  	p4 =	por p5, p4  }
0x15e: {  	s8 =	simm.s32 @!p4 $0x6  }
0x15f: {  	s11 =	smul.u32 @!p3 $0x50, s26;
	_ =	swait.ge @!p4 [sflag:s8], $0x2800  }
0x160: {  	s28 =	simm.s32 @!p3 $0x7780;
	[sflag:s8] =	ssyncset.done @!p4 $0x0  }
0x161: {  	[sflag:s8] =	ssyncadd.s32 @!p4 $0xFFFFD800;
	s8 =	sadd.s32 @!p3 $0xA0, s11;
	s11 =	simm.s32 @!p3 $0x50  }
0x162: {  	[tilespmem:s28], [sflag:$0x3] =	stream.indirect.gather @!p3 [hbm4b:s1+s11], $0x80, s8, s11, $0xb8;
	[tilespmem:$0x1DB00] =	vst v63  }
0x163: {  	s8 =	sadd.s32 @!p3 s5, s8  }
0x164: {  	s8 =	sshrl.u32 @!p3 s8, $0x3  }
0x165: {  	s29 =	simm.s32 @!p3 $0xA080;
	s28 =	simm.s32 @!p3 $0x0;
	s11 =	sadd.s32 @!p3 s7, s8  }
0x166: {  	[tilespmem:s29], [sflag:$0x9] =	stream.linear.gather @!p3 [hbm4b:s11+s28], $0x50, $0x38;
	[tilespmem:$0x1DB00] =	vst v63  }
0x167: {  	s8 =	sadd.s32 @!p3 s3, s8;
	s11 =	simm.s32 @!p3 $0xA220  }
0x168: {  	[tilespmem:s11], [sflag:$0x9] =	stream.linear.gather @!p3 [hbm4b:s8+s28], $0x50, $0x38;
	[tilespmem:$0x1DB00] =	vst v63  }
0x169: {  	s8 =	simm.s32 @p2 $0x50  }
0x16a: {  	s11 =	simm.s32 @p2 $0xA000;
	s28 =	simm.s32 @p2 $0x4F80;
	p3 =	sgt.u32 @p2 s26, $0x7A  }
0x16b: {  	[spmem:s4] =	stream.indirect.scatter.add.f32 @p2 [tilespmem:s28], [sflag:$0x5], $0x80, s11, s8, $0xb8;
	[tilespmem:$0x1DB00] =	vst v63  }
0x16c: {  	p2 =	por p3, !p2  }
0x16d: {  	s8 =	simm.s32 @!p2 $0x4  }
0x16e: {  	s11 =	smul.u32 @!p2 $0x50, s26;
	_ =	swait.ge @!p2 [sflag:s8], $0x2800  }
0x16f: {  	s28 =	simm.s32 @!p2 $0x2780;
	[sflag:s8] =	ssyncset.done @!p2 $0x0  }
0x170: {  	[sflag:s8] =	ssyncadd.s32 @!p2 $0xFFFFD800;
	s8 =	sadd.s32 @!p2 $0xA0, s11;
	s11 =	simm.s32 @!p2 $0x50  }
0x171: {  	[tilespmem:s28], [sflag:$0x1] =	stream.indirect.gather @!p2 [hbm4b:s1+s11], $0x80, s8, s11, $0xb8;
	[tilespmem:$0x1DB00] =	vst v63  }
0x172: {  	s8 =	sadd.s32 @!p2 s5, s8  }
0x173: {  	s8 =	sshrl.u32 @!p2 s8, $0x3  }
0x174: {  	s29 =	simm.s32 @!p2 $0x9F80;
	s28 =	simm.s32 @!p2 $0x0;
	s11 =	sadd.s32 @!p2 s7, s8  }
0x175: {  	[tilespmem:s29], [sflag:$0x7] =	stream.linear.gather @!p2 [hbm4b:s11+s28], $0x50, $0x38;
	[tilespmem:$0x1DB00] =	vst v63  }
0x176: {  	s8 =	sadd.s32 @!p2 s3, s8;
	s11 =	simm.s32 @!p2 $0xA180  }
0x177: {  	[tilespmem:s11], [sflag:$0x7] =	stream.linear.gather @!p2 [hbm4b:s8+s28], $0x50, $0x38;
	[tilespmem:$0x1DB00] =	vst v63  }
0x178: {  	s8 =	simm.s32 @p1 $0x50  }
0x179: {  	s11 =	simm.s32 @p1 $0xA080;
	s28 =	simm.s32 @p1 $0x7780;
	p2 =	sgt.u32 @p1 s26, $0x7A  }
0x17a: {  	[spmem:s4] =	stream.indirect.scatter.add.f32 @p1 [tilespmem:s28], [sflag:$0x6], $0x80, s11, s8, $0xb8;
	[tilespmem:$0x1DB00] =	vst v63  }
0x17b: {  	p1 =	por p2, !p1  }
0x17c: {  	s8 =	simm.s32 @!p1 $0x5  }
0x17d: {  	s11 =	smul.u32 @!p1 $0x50, s26;
	_ =	swait.ge @!p1 [sflag:s8], $0x2800  }
0x17e: {  	s28 =	simm.s32 @!p1 $0x4F80;
	[sflag:s8] =	ssyncset.done @!p1 $0x0  }
0x17f: {  	[sflag:s8] =	ssyncadd.s32 @!p1 $0xFFFFD800;
	s8 =	sadd.s32 @!p1 $0xA0, s11;
	s11 =	simm.s32 @!p1 $0x50  }
0x180: {  	[tilespmem:s28], [sflag:$0x2] =	stream.indirect.gather @!p1 [hbm4b:s1+s11], $0x80, s8, s11, $0xb8;
	[tilespmem:$0x1DB00] =	vst v63  }
0x181: {  	s8 =	sadd.s32 @!p1 s5, s8  }
0x182: {  	s8 =	sshrl.u32 @!p1 s8, $0x3  }
0x183: {  	s29 =	simm.s32 @!p1 $0xA000;
	s28 =	simm.s32 @!p1 $0x0;
	s11 =	sadd.s32 @!p1 s7, s8  }
0x184: {  	[tilespmem:s29], [sflag:$0x8] =	stream.linear.gather @!p1 [hbm4b:s11+s28], $0x50, $0x38;
	[tilespmem:$0x1DB00] =	vst v63  }
0x185: {  	s26 =	sadd.s32 $0x1, s26;
	s8 =	sadd.s32 @!p1 s3, s8;
	s11 =	simm.s32 @!p1 $0xA1D0  }
0x186: {  	[tilespmem:s11], [sflag:$0x8] =	stream.linear.gather @!p1 [hbm4b:s8+s28], $0x50, $0x38;
	[tilespmem:$0x1DB00] =	vst v63  }
0x187: {  	p1 =	sne.s32 s26, $0x7D  }
.Ltmp1:
0x188: {  	_ = 	snop;
	(pc) =	sbr.rel @p1 .LBB2_2-.Ltmp1, $1  }
0x189: {  	_ =	sdelay $0x3  }
0x18a: {  	_ =	swait.ge [sflag:s2], $0x2800  }
0x18b: {  	[sflag:s2] =	ssyncset.done $0x0  }
0x18c: {  	[sflag:s2] =	ssyncadd.s32 $0xFFFFD800  }
0x18d: {  	_ =	swait.ge [sflag:s0], $0x2800  }
0x18e: {  	[sflag:s0] =	ssyncset.done $0x0  }
0x18f: {  	[sflag:s0] =	ssyncadd.s32 $0xFFFFD800  }
0x190: {  	_ =	swait.ge [sflag:s24], $0x2800  }
0x191: {  	[sflag:s24] =	ssyncset.done $0x0  }
0x192: {  	[sflag:s24] =	ssyncadd.s32 $0xFFFFD800  }
0x193: {  	s8 =	sor.u32 $0x1C0B, s9;
	[bflag:$0x0] =	sbarrier.arrive $0xFFFF  }
0x194: {  	[hbm:s17], [sflag:s8] =	dma.local [spmem:s20], $0x2700  }
0x195: {  	_ =	swait.ge [sflag:s22], $0x2700  }
0x196: {  	s25 =	sadd.s32 $0x1, s25;
	[sflag:s22] =	ssyncset.done $0x0  }
0x197: {  	p1 =	sne.s32 s25, s19;
	[sflag:s22] =	ssyncadd.s32 $0xFFFFD900  }
0x198: {  	[hbm:s18], [sflag:s8] =	dma.local @!p0 [spmem:s21], $0x100  }
.Ltmp2:
0x199: {  	_ = 	snop;
	(pc) =	sbr.rel @p1 .LBB2_1-.Ltmp2, $4  }
0x19a: {  	s8 =	simm.s32 @!p0 $0xB  }
0x19b: {  	_ =	swait.ge @!p0 [sflag:s8], $0x100  }
0x19c: {  	[sflag:s8] =	ssyncset.done @!p0 $0x0  }
0x19d: {  	[sflag:s8] =	ssyncadd.s32 @!p0 $0xFFFFFF00  }
0x19e: {  	_ =	sfence.sel $0x180000  }
0x19f: {  	[bflag:$0x0] =	sbarrier.arrive $0xFFFF  }
0x1a0: {  	_ =	strace $0x9000004D  }
0x1a1: {  	s0 =	stileid.u32;
	[bflag:$0x2] =	sbarrier.arrive $0xFFFF  }
0x1a2: {  	p0 =	sne.s32 s0, $0x0;
	s0 =	rddreg [dreg:$0x4]  }
0x1a3: {  	s0 =	sadd.s32 @!p0 $0x100000, s0  }
0x1a4: {  	[sflag:s0] =	ssyncadd.tile.s32 @!p0 $0x1;
	_ =	shalt  }
.Lfunc_end2:
_tile_overlayer_lowered:
.L_overlay_start_2:
0x1a5: {  	(tag) =	ssettag $0x2  }
0x1a6: {  	s0 =	rddreg [dreg:$0x0];
	s2 =	stileid.u32  }
0x1a7: {  	s1 =	rddreg [dreg:$0x1];
	p0 =	sne.s32 s2, $0x0  }
0x1a8: {  	s3 =	rddreg [dreg:$0x2];
	[bflag:$0x3] =	sbarrier.arrive $0xFFFF;
	s2 =	simm.s32 @!p0 $0x1C0B  }
0x1a9: {  	[timem:s3], [sflag:s2] =	dma.local @!p0 [hbm:s0], s1  }
0x1aa: {  	s0 =	simm.s32 @!p0 $0xB  }
0x1ab: {  	_ =	swait.ge @!p0 [sflag:s0], s1  }
0x1ac: {  	s1 =	ssub.s32 @!p0 $0x0, s1;
	[sflag:s0] =	ssyncset.done @!p0 $0x0  }
0x1ad: {  	[sflag:s0] =	ssyncadd.s32 @!p0 s1  }
0x1ae: {  	[bflag:$0x3] =	sbarrier.arrive $0xFFFF  }
0x1af: {  	_ =	shalt  }

// kernel: kernel.8.cloned.1.call-start
scs
__scs_entry_jumppad:
0x0: {  	(pc) =	sbr.rel $0x88, $3  }
0x1: {  	(tag) =	ssettag $0x0;
	lr =	simm.s32 $0x1  }
0x2: {  	[smem:$0x3F9A] =	sst lr;
	_ =	strace $0xD0000000  }
0x3: {  	_ = 	snop  }
0x4: {  	_ = 	snop  }
0x5: {  	_ = 	snop  }
0x6: {  	_ = 	snop  }
0x7: {  	_ = 	snop  }
__scs_overlays_trampoline_lowered:
0x8: {  	[smem:$0x3FA9] =	sst s0  }
0x9: {  	[smem:$0x3FAA] =	sst s1  }
0xa: {  	[smem:$0x3FAB] =	sst s2  }
0xb: {  	[smem:$0x3FAC] =	sst s3  }
0xc: {  	[smem:$0x3FAD] =	sst s4  }
0xd: {  	[smem:$0x3FAE] =	sst s5  }
0xe: {  	[smem:$0x3FAF] =	sst s6  }
0xf: {  	[smem:$0x3FB0] =	sst s7  }
0x10: {  	[smem:$0x3FB1] =	sst s8  }
0x11: {  	[smem:$0x3FB2] =	sst s9;
	s0 =	simm.s32 @!p0 $0x0  }
0x12: {  	s1 =	sld [smem:$0x3F98];
	s0 =	simm.s32 @p0 $0x1  }
0x13: {  	[smem:$0x3FB3] =	sst s0;
	s0 =	simm.s32 @!p1 $0x0  }
0x14: {  	s2 =	sld [smem:$0x3F97];
	s0 =	simm.s32 @p1 $0x1  }
0x15: {  	[smem:$0x3FB4] =	sst s0;
	s0 =	simm.s32 @!p2 $0x0  }
0x16: {  	s3 =	sld [smem:$0x3FDB];
	s0 =	simm.s32 @p2 $0x1  }
0x17: {  	s4 =	simm.s32 $0x1BF5;
	[smem:$0x3FB6] =	sst s0  }
0x18: {  	s0 =	sld [smem:$0x3F99];
	_ =	swait.ge [sflag:s4], $0x0  }
0x19: {  	s7 =	sld [smem:$0x3F9A]  }
0x1a: {  	s8 =	sadd.s32 $0xFFFFE003, lr  }
0x1b: {  	s9 =	sadd.s32 $0xFFFFFEF7, lr;
	s5 =	simm.s32 $0xFFFFFFFF;
	p2 =	slt.u32 s8, $0xFFFFF086  }
0x1c: {  	p1 =	slt.u32 s9, $0xF7A;
	s5 =	simm.s32 @!p2 $0x0  }
0x1d: {  	s5 =	simm.s32 @p1 $0x1;
	p0 =	seq.s32 s7, s2  }
0x1e: {  	s7 =	smul.u32 @!p0 $0xF7A, s2;
	p2 =	seq.s32 @!p0 s5, $0x0  }
0x1f: {  	s9 =	smul.u32 $0xF7A, s1;
	s8 =	simm.s32 @!p0 $0x1BF5;
	p2 =	por !p2, p0  }
0x20: {  	[sflag:s8] =	ssyncset.s32 @!p0 $0xFFFFF086;
	s6 =	sadd.s32 @!p0 s3, s7;
	s7 =	simm.s32 @!p0 $0x108  }
0x21: {  	s3 =	sadd.s32 s3, s9;
	s6 =	sadd.s32 @!p0 $0x88, s6;
	s7 =	simm.s32 @p2 $0x1082  }
0x22: {  	[simem:s7], [sflag:s8] =	dma.local @!p0 [hbm:s6], $0xF7A  }
0x23: {  	s9 =	sor.u32 $0xD0000000, s2;
	s6 =	simm.s32 $0x108;
	_ =	swait.ge @!p0 [sflag:s8], $0x0  }
0x24: {  	s3 =	sadd.s32 $0x88, s3;
	s6 =	simm.s32 @!p1 $0x1082;
	[sflag:s4] =	ssyncset.s32 $0xFFFFF086  }
0x25: {  	[simem:s6], [sflag:s4] =	dma.local [hbm:s3], $0xF7A  }
0x26: {  	[smem:$0x3F9A] =	sst s1;
	(tag) =	ssettag s2;
	_ =	strace s9  }
0x27: {  	s1 =	sld [smem:$0x3FAA]  }
0x28: {  	s2 =	sld [smem:$0x3FAB]  }
0x29: {  	s4 =	sld [smem:$0x3FAD]  }
0x2a: {  	p0 =	seq.s32 s5, $0x0;
	s5 =	sld [smem:$0x3FAE]  }
0x2b: {  	s6 =	sld [smem:$0x3FAF]  }
0x2c: {  	s7 =	sld [smem:$0x3FB0]  }
0x2d: {  	s3 =	simm.s32 $0x108;
	s8 =	sld [smem:$0x3FB1]  }
0x2e: {  	s3 =	simm.s32 @!p0 $0x1082;
	s9 =	sld [smem:$0x3FB2]  }
0x2f: {  	lr =	sadd.s32 s0, s3;
	s0 =	sld [smem:$0x3FA9]  }
0x30: {  	s3 =	sld [smem:$0x3FAC]  }
0x31: {  	[smem:$0x3FB5] =	sst s10  }
0x32: {  	s10 =	sld [smem:$0x3FB3];
	_ =	sdelay $0x3  }
0x33: {  	p0 =	seq.s32 s10, $0x1;
	s10 =	sld [smem:$0x3FB5];
	_ =	sdelay $0x3  }
0x34: {  	[smem:$0x3FB5] =	sst s10  }
0x35: {  	s10 =	sld [smem:$0x3FB4];
	_ =	sdelay $0x3  }
0x36: {  	p1 =	seq.s32 s10, $0x1;
	s10 =	sld [smem:$0x3FB5];
	_ =	sdelay $0x3  }
0x37: {  	[smem:$0x3FB5] =	sst s10  }
0x38: {  	s10 =	sld [smem:$0x3FB6]  }
0x39: {  	_ = 	snop;
	(pc) =	sbr.ind lr, $3  }
0x3a: {  	_ = 	snop  }
0x3b: {  	_ = 	snop  }
0x3c: {  	p2 =	seq.s32 s10, $0x1;
	s10 =	sld [smem:$0x3FB5]  }
0x3d: {  	_ =	shalt  }
0x3e: {  	_ =	shalt  }
0x3f: {  	_ =	shalt  }
0x40: {  	_ =	shalt  }
0x41: {  	_ =	shalt  }
0x42: {  	_ =	shalt  }
0x43: {  	_ =	shalt  }
0x44: {  	_ =	shalt  }
0x45: {  	_ =	shalt  }
0x46: {  	_ =	shalt  }
0x47: {  	_ =	shalt  }
0x48: {  	_ =	shalt  }
0x49: {  	_ =	shalt  }
0x4a: {  	_ =	shalt  }
0x4b: {  	_ =	shalt  }
0x4c: {  	_ =	shalt  }
0x4d: {  	_ =	shalt  }
0x4e: {  	_ =	shalt  }
0x4f: {  	_ =	shalt  }
0x50: {  	_ =	shalt  }
0x51: {  	_ =	shalt  }
0x52: {  	_ =	shalt  }
0x53: {  	_ =	shalt  }
0x54: {  	_ =	shalt  }
0x55: {  	_ =	shalt  }
0x56: {  	_ =	shalt  }
0x57: {  	_ =	shalt  }
0x58: {  	_ =	shalt  }
0x59: {  	_ =	shalt  }
0x5a: {  	_ =	shalt  }
0x5b: {  	_ =	shalt  }
0x5c: {  	_ =	shalt  }
0x5d: {  	_ =	shalt  }
0x5e: {  	_ =	shalt  }
0x5f: {  	_ =	shalt  }
0x60: {  	_ =	shalt  }
0x61: {  	_ =	shalt  }
0x62: {  	_ =	shalt  }
0x63: {  	_ =	shalt  }
0x64: {  	_ =	shalt  }
0x65: {  	_ =	shalt  }
0x66: {  	_ =	shalt  }
0x67: {  	_ =	shalt  }
0x68: {  	_ =	shalt  }
0x69: {  	_ =	shalt  }
0x6a: {  	_ =	shalt  }
0x6b: {  	_ =	shalt  }
0x6c: {  	_ =	shalt  }
0x6d: {  	_ =	shalt  }
0x6e: {  	_ =	shalt  }
0x6f: {  	_ =	shalt  }
0x70: {  	_ =	shalt  }
0x71: {  	_ =	shalt  }
0x72: {  	_ =	shalt  }
0x73: {  	_ =	shalt  }
0x74: {  	_ =	shalt  }
0x75: {  	_ =	shalt  }
0x76: {  	_ =	shalt  }
0x77: {  	_ =	shalt  }
0x78: {  	_ =	shalt  }
0x79: {  	_ =	shalt  }
0x7a: {  	_ =	shalt  }
0x7b: {  	_ =	shalt  }
0x7c: {  	_ =	shalt  }
0x7d: {  	_ =	shalt  }
0x7e: {  	_ =	shalt  }
0x7f: {  	_ =	shalt  }
0x80: {  	_ =	shalt  }
0x81: {  	_ =	shalt  }
0x82: {  	_ =	shalt  }
0x83: {  	_ =	shalt  }
0x84: {  	_ =	shalt  }
0x85: {  	_ =	shalt  }
0x86: {  	_ =	shalt  }
0x87: {  	_ =	shalt  }
.Lfunc_end0:
.L_simem_size_0:
called_computation_lowered:
.L_overlay_start_0:
0x88: {  	s2 =	sld [smem:$0x3FD9]  }
0x89: {  	s3 =	sld [smem:$0x3FFE];
	_ =	sdelay $0x1  }
0x8a: {  	s1 =	srdreg.scid  }
0x8b: {  	s0 =	sand.u32 $0x1, s1  }
0x8c: {  	s17 =	sshll.u32 s0, $0xA;
	s2 =	sadd.s32 s3, s2  }
0x8d: {  	s2 =	sadd.s32 s2, s17  }
0x8e: {  	[smem:$0x3FC1] =	sst s2  }
0x8f: {  	_ = 	snop  }
0x90: {  	s2 =	sld [smem:$0x3FC7]  }
0x91: {  	s18 =	sld [smem:$0x3FD0];
	(tm) =	ssettm $0x1  }
0x92: {  	s4 =	sld [smem:$0x3FFB];
	_ =	sdelay $0x3  }
0x93: {  	_ =	strace s4  }
0x94: {  	s4 =	sld [smem:$0x3FFC];
	_ =	sdelay $0x3  }
0x95: {  	_ =	strace s4  }
0x96: {  	s4 =	sld [smem:$0x3FFD];
	_ =	sdelay $0x3  }
0x97: {  	_ =	strace s4  }
0x98: {  	_ =	strace $0x8FFFFFFF  }
0x99: {  	s19 =	sld [smem:$0x3FDB];
	_ =	sdelay $0x1  }
0x9a: {  	s5 =	simm.s32 $_scs_section_size  }
0x9b: {  	s6 =	simm.s32 $_size__tile_overlayer_lowered;
	s7 =	simm.s32 $_tile_overlayer_lowered  }
0x9c: {  	s22 =	simm.s32 $0x1BFF;
	s21 =	sshll.u32 s7, $0x1;
	s4 =	sadd.s32 s5, s19  }
0x9d: {  	s8 =	simm.s32 $0x0;
	s20 =	sshll.u32 s6, $0x1;
	s6 =	sadd.s32 s21, s4  }
0x9e: {  	[timem:s8], [sflag:s22] =	dma.local [hbm:s6], s20  }
0x9f: {  	_ =	swait.ge [sflag:s22], s20  }
0xa0: {  	s5 =	ssub.s32 $0x0, s20;
	[sflag:s22] =	ssyncset.done $0x0  }
0xa1: {  	[sflag:s22] =	ssyncadd.s32 s5;
	_ =	sdelay $0x1  }
0xa2: {  	s23 =	simm.s32 $0x1B8B  }
0xa3: {  	_ =	swait.ge [sflag:s23], $0x1  }
0xa4: {  	[sflag:s23] =	ssyncset.done $0x0  }
0xa5: {  	s25 =	simm.s32 $0x1B8E;
	s24 =	sld [smem:$0x3FFE];
	[sflag:s23] =	ssyncadd.s32 $0xFFFFFFFF  }
0xa6: {  	s26 =	simm.s32 $execute0_lowered;
	[smem:$0x3FD2] =	sst s25  }
0xa7: {  	s6 =	sshll.u32 s26, $0x1;
	_ =	strace $0x80000046;
	[dreg:$0x1] =	wrdreg $0xFFFFFFFF  }
0xa8: {  	s28 =	simm.s32 $_size_execute0_lowered;
	s4 =	sadd.s32 s4, s6;
	[dreg:$0x0] =	wrdreg $0x0  }
0xa9: {  	s6 =	sshll.u32 s28, $0x1;
	[dreg:$0x2] =	wrdreg s4  }
0xaa: {  	[dreg:$0x3] =	wrdreg s6  }
0xab: {  	[dreg:$0x4] =	wrdreg $0xC0  }
0xac: {  	_ =	task [dreg:s8], $0x5FFFF  }
0xad: {  	[dreg:$0x1] =	wrdreg $0xFFFFFFFF  }
0xae: {  	[dreg:$0x0] =	wrdreg $0x60  }
0xaf: {  	[dreg:$0x2] =	wrdreg s24  }
0xb0: {  	[dreg:$0x3] =	wrdreg s2  }
0xb1: {  	[dreg:$0x4] =	wrdreg s18  }
0xb2: {  	[dreg:$0x5] =	wrdreg $0x9  }
0xb3: {  	_ =	task.clear_ibuf [dreg:s8], $0x6FFFF;
	_ =	strace $0x90000046  }
0xb4: {  	s29 =	simm.s32 $0x9;
	_ =	strace $0x80000048  }
0xb5: {  	_ =	swait.ge [sflag:s29], $0x1  }
0xb6: {  	[sflag:s29] =	ssyncadd.s32 $0xFFFFFFFF  }
0xb7: {  	_ =	strace $0x90000048  }
0xb8: {  	_ =	sfence  }
0xb9: {  	s30 =	sld [smem:$0x0];
	_ =	sdelay $0x2  }
0xba: {  	s31 =	sshll.u32 s1, $0xD;
	s1 =	sshrl.u32 s1, $0x2  }
0xbb: {  	s3 =	sand.u32 $0x4000, s31;
	s1 =	sadd.s32 s1, s30  }
0xbc: {  	s0 =	sor.u32 s3, s0;
	s1 =	sshll.u32 s1, $0x11  }
0xbd: {  	s0 =	sor.u32 s1, s0  }
0xbe: {  	s0 =	sadd.s32 $0x8F2B, s0  }
0xbf: {  	[sflag:s0] =	ssyncadd.remote.s32 $0x1  }
0xc0: {  	_ =	sfence.sel $0xFFFF  }
0xc1: {  	[dreg:$0x0] =	wrdreg $0xFFFFFFFF;
	(pc) =	sbr.abs _section_cstart, $3  }
0xc2: {  	[dreg:$0x1] =	wrdreg $0xFFFFFFFF  }
0xc3: {  	_ =	task.clear_ibuf [dreg:s8], $0x2FFFF;
	_ =	strace $0x9FFFFFFF  }
0xc4: {  	(tm) =	ssettm $0x7FFFFFFF  }
0xc5: {  	_ =	shalt  }
tec
execute0_lowered:
.L_overlay_start_1:
0x0: {  	(tag) =	ssettag $0x1  }
0x1: {  	s3 =	rddreg [dreg:$0x0]  }
0x2: {  	s5 =	rddreg [dreg:$0x1]  }
0x3: {  	s0 =	srdreg.scid;
	s6 =	rddreg [dreg:$0x2];
	s2 =	simm.s32 $0x0  }
0x4: {  	s11 =	simm.s32 $0x400;
	s4 =	sand.u32 $0x1, s0;
	s0 =	stileid.u32  }
0x5: {  	[smem:$0x7FF] =	sst s2;
	s1 =	sshll.u32 s4, $0x4;
	s9 =	sshll.u32 s0, $0x7  }
0x6: {  	s4 =	ssub.s32 $0x2, s4;
	s7 =	sor.u32 s0, s1;
	s1 =	rddreg [dreg:$0x3]  }
0x7: {  	s9 =	sand.u32 $0x380, s9;
	s8 =	sshrl.u32 s7, $0x3;
	s7 =	smul.u32 $0x4E2, s7  }
0x8: {  	_ =	strace $0x80000047;
	s10 =	sshrl.u32 s4, $0x1;
	s8 =	smul.u32 $0x13C00, s8  }
0x9: {  	s31 =	ssub.s32 s4, s10;
	s10 =	simm.s32 $0x80;
	s3 =	sadd.s32 s7, s3  }
0xa: {  	s4 =	sadd.s32 s5, s7;
	s7 =	simm.s32 $0x1;
	s8 =	sor.u32 s9, s8  }
0xb: {  	s3 =	sadd.s32 $0xBC00, s3;
	s9 =	simm.s32 $0x4F00;
	s8 =	sshrl.u32 s8, $0x3  }
0xc: {  	v0 =	vimm.f32 $0.0e+00;
	s5 =	sadd.s32 s6, s8;
	s6 =	smax.u32 s31, $0x1;
	s8 =	simm.s32 $0x2780  }
.LBB2_1:
0xd: {  	s12 =	simm.s32 $0x40;
	s13 =	simm.s32 $0x0  }
.LBB2_2:
0xe: {  	p0 =	sne.s32 s12, $0x9C00;
	[tilespmem:s13+$0x4F00] =	vst v0;
	s13 =	smov.u32 s12;
	s12 =	sadd.s32 $0x40, s12  }
.Ltmp0:
0xf: {  	(pc) =	sbr.rel @p0 .LBB2_2-.Ltmp0, $2  }
0x10: {  	_ =	sdelay $0x2  }
0x11: {  	s13 =	sshra.s32 s13, $0x2  }
0x12: {  	[tilespmem:s13+$0x4F00] =	vst v0;
	s12 =	simm.s32 $0x0  }
0x13: {  	[tilespmem:s12], [sflag:$0x1] =	stream.linear.gather [hbm4b:s3+s12], $0x2710, $0x38;
	[tilespmem:$0x7680] =	vst v63  }
0x14: {  	_ =	swait.ge [sflag:s7], $0x2710  }
0x15: {  	[sflag:s7] =	ssyncset.done $0x0  }
0x16: {  	[sflag:s7] =	ssyncadd.s32 $0xFFFFD8F0  }
0x17: {  	[tilespmem:s8], [sflag:$0x1] =	stream.linear.gather [hbm4b:s4+s12], $0x2710, $0x38;
	[tilespmem:$0x7680] =	vst v63  }
0x18: {  	_ =	swait.ge [sflag:s7], $0x2710  }
0x19: {  	[sflag:s7] =	ssyncset.done $0x0  }
0x1a: {  	s13 =	simm.s32 $0x0;
	s12 =	simm.s32 $0x40;
	[sflag:s7] =	ssyncadd.s32 $0xFFFFD8F0  }
.LBB2_4:
0x1b: {  	p0 =	sne.s32 s12, $0x9C00;
	v1 =	vld [tilespmem:s13+$0x0];
	_ =	sdelay $0x2  }
0x1c: {  	v2 =	vld [tilespmem:s13+$0x2780]  }
.Ltmp1:
0x1d: {  	(pc) =	sbr.rel @p0 .LBB2_4-.Ltmp1, $2  }
0x1e: {  	_ =	sdelay $0x2  }
0x1f: {  	s13 =	sshra.s32 s12, $0x2;
	s12 =	sadd.s32 $0x40, s12;
	[tilespmem:v1+s9+$0x0] =	vst.idx.add.f32.msk $0xffff, v2  }
0x20: {  	v1 =	vld [tilespmem:s13+$0x0];
	_ =	sdelay $0x2  }
0x21: {  	v2 =	vld [tilespmem:s13+$0x2780];
	_ =	sdelay $0x2  }
0x22: {  	s2 =	sadd.s32 $0x1, s2  }
0x23: {  	p0 =	sne.s32 s2, s6  }
.Ltmp2:
0x24: {  	[tilespmem:v1+s9+$0x0] =	vst.idx.add.f32.msk $0xffff, v2;
	(pc) =	sbr.rel @p0 .LBB2_1-.Ltmp2, $4  }
0x25: {  	[hbm4b:s5+s10] =	stream.strided.scatter [tilespmem:s9], [sflag:$0x1], $0x2780, s11, s10, $0x38;
	[tilespmem:$0x7680] =	vst v63  }
0x26: {  	_ =	swait.ge [sflag:s7], $0x2780  }
0x27: {  	[sflag:s7] =	ssyncset.done $0x0  }
0x28: {  	[sflag:s7] =	ssyncadd.s32 $0xFFFFD880  }
0x29: {  	_ =	sfence.sel $0x180000  }
0x2a: {  	[bflag:$0x0] =	sbarrier.arrive $0xFFFF  }
0x2b: {  	p0 =	sne.s32 s0, $0x0;
	_ =	strace $0x90000047  }
0x2c: {  	s0 =	sadd.s32 @!p0 $0x100000, s1;
	[bflag:$0x2] =	sbarrier.arrive $0xFFFF  }
0x2d: {  	[sflag:s0] =	ssyncadd.tile.s32 @!p0 $0x1;
	_ =	shalt  }
.Lfunc_end2:
_tile_overlayer_lowered:
.L_overlay_start_2:
0x2e: {  	(tag) =	ssettag $0x2  }
0x2f: {  	s0 =	rddreg [dreg:$0x0];
	s2 =	stileid.u32  }
0x30: {  	s1 =	rddreg [dreg:$0x1];
	p0 =	sne.s32 s2, $0x0  }
0x31: {  	s3 =	rddreg [dreg:$0x2];
	[bflag:$0x3] =	sbarrier.arrive $0xFFFF;
	s2 =	simm.s32 @!p0 $0x1C01  }
0x32: {  	[timem:s3], [sflag:s2] =	dma.local @!p0 [hbm:s0], s1  }
0x33: {  	s0 =	simm.s32 @!p0 $0x1  }
0x34: {  	_ =	swait.ge @!p0 [sflag:s0], s1  }
0x35: {  	s1 =	ssub.s32 @!p0 $0x0, s1;
	[sflag:s0] =	ssyncset.done @!p0 $0x0  }
0x36: {  	[sflag:s0] =	ssyncadd.s32 @!p0 s1  }
0x37: {  	[bflag:$0x3] =	sbarrier.arrive $0xFFFF  }
0x38: {  	_ =	shalt  }

</sc_bundles>
